<compile_context>
chip_gen: v7x
topology: tpu7x:2x2x1
jax: 0.10.2.dev20260603
libtpu: 0.0.44.dev20260713+nightly
codegen_flags: <defaults>
</compile_context>

<pallas_src>
import functools

import jax
import jax.numpy as jnp
from jax import lax
from jax.experimental import pallas as pl
from jax.experimental.pallas import tpu as pltpu
from jax.experimental.pallas import tpu_sc as plsc

_info = plsc.get_sparse_core_info()
_NC, _NS = _info.num_cores, _info.num_subcores
_NW = _NC * _NS

_LANES = 128
_NBUF = 4


def _transpose_128x32(src, dst, iota):
    lvecs = [iota + 16 * lb for lb in range(8)]
    l32s = [lv * 32 for lv in lvecs]

    def body(c, carry):
        for cc in (2 * c, 2 * c + 1):
            for lb in range(8):
                lvec = lvecs[lb]
                dvec = (lvec + cc) & 31
                vals = plsc.load_gather(src, [dvec, lvec])
                plsc.store_scatter(dst, [l32s[lb] + dvec], vals)
        return carry

    lax.fori_loop(0, 16, body, 0)


def _tableprep_kernel(n_full, wt_hbm, wrm_hbm, b0, b1, t0, t1,
                      gs0, gs1, ws0, ws1):
    wid = lax.axis_index("s") * _NC + lax.axis_index("c")
    iota = lax.iota(jnp.int32, 16)
    bins = (b0, b1)
    touts = (t0, t1)
    gsems = (gs0, gs1)
    wsems = (ws0, ws1)

    def issue(k, q):
        off = pl.multiple_of(128 * k, 128)
        pltpu.async_copy(wt_hbm.at[:, pl.ds(off, 128)], bins[q], gsems[q])

    def drain_in(q):
        pltpu.make_async_copy(wt_hbm.at[:, pl.ds(0, 128)], bins[q],
                              gsems[q]).wait()

    def write(k, q):
        off = pl.multiple_of(4096 * k, 4096)
        pltpu.async_copy(touts[q], wrm_hbm.at[pl.ds(off, 4096)], wsems[q])

    def drain_write(q):
        pltpu.make_async_copy(touts[q], wrm_hbm.at[pl.ds(0, 4096)],
                              wsems[q]).wait()

    n_mine = (n_full - wid + _NW - 1) // _NW
    issue(wid, 0)
    issue(wid + _NW, 1)

    def body(i, carry):
        for q in range(2):
            j = 2 * i + q

            @pl.when(j < n_mine)
            def _():
                k = wid + _NW * j
                drain_in(q)

                @pl.when(j >= 2)
                def _():
                    drain_write(q)

                _transpose_128x32(bins[q], touts[q], iota)
                write(k, q)

                @pl.when(j + 2 < n_mine)
                def _():
                    issue(k + 2 * _NW, q)

        return carry

    lax.fori_loop(0, (n_mine + 1) // 2, body, 0)
    drain_write(0)
    drain_write(1)


def _embed_kernel(n_blocks, tail_base, idx_hbm, table_hbm, wtail_hbm, o5_hbm,
                  idx_v, wtail_v, g0, g1, g2, g3, ob0, ob1, ob2, ob3,
                  gs0, gs1, gs2, gs3, ws0, ws1, ws2, ws3):
    wid = lax.axis_index("s") * _NC + lax.axis_index("c")
    pltpu.sync_copy(idx_hbm.at[wid], idx_v)
    pltpu.sync_copy(wtail_hbm, wtail_v)
    gbufs = (g0, g1, g2, g3)
    obufs = (ob0, ob1, ob2, ob3)
    gsems = (gs0, gs1, gs2, gs3)
    wsems = (ws0, ws1, ws2, ws3)

    def issue(j, q):
        pltpu.async_copy(table_hbm.at[idx_v.at[j]], gbufs[q], gsems[q])

    def drain_gather(q):
        pltpu.make_async_copy(table_hbm.at[idx_v.at[0]], gbufs[q],
                              gsems[q]).wait()

    def transpose_block(gbuf, obuf):
        iota = lax.iota(jnp.int32, 16)
        lvecs = [iota + 16 * lb for lb in range(8)]

        def body(c, carry):
            for cc in (2 * c, 2 * c + 1):
                for lb in range(8):
                    lvec = lvecs[lb]
                    dvec = (lvec + cc) & 31
                    vals = plsc.load_gather(gbuf, [lvec, dvec])
                    plsc.store_scatter(obuf, [dvec * 128 + lvec], vals)
            return carry

        lax.fori_loop(0, 16, body, 0)

    def write_out(j, q):
        beta = wid * n_blocks + j
        s = beta // 128
        kk = beta % 128
        for tr in range(4):
            pltpu.async_copy(obufs[q].at[pl.ds(1024 * tr, 1024)],
                             o5_hbm.at[s, tr, kk], wsems[q])

    def drain_write(q):
        for tr in range(4):
            pltpu.make_async_copy(obufs[q].at[pl.ds(1024 * tr, 1024)],
                                  o5_hbm.at[0, tr, 0], wsems[q]).wait()

    for q in range(_NBUF):
        issue(q, q)

    def patch_tail(j, obuf):
        iota = lax.iota(jnp.int32, 16)

        def pbody(g, carry):
            iv = idx_v[j, pl.ds(16 * g, 16)]
            msk = iv >= tail_base
            tix = jnp.minimum(jnp.maximum(iv - tail_base, 0), 63)

            def dbody(d, carry2):
                tv = plsc.load_gather(wtail_v, [tix, (iota & 0) + d])
                off = d * 128 + 16 * g
                ov = obuf[pl.ds(off, 16)]
                obuf[pl.ds(off, 16)] = jnp.where(msk, tv, ov)
                return carry2

            lax.fori_loop(0, 32, dbody, 0)
            return carry

        lax.fori_loop(0, 8, pbody, 0)

    def block_max(j):
        m = idx_v[j, pl.ds(0, 16)]
        for g in range(1, 8):
            m = jnp.maximum(m, idx_v[j, pl.ds(16 * g, 16)])
        return lax.reduce_max(m, (0,))

    def body(i, carry):
        for q in range(_NBUF):
            j = _NBUF * i + q
            drain_gather(q)

            @pl.when(i > 0)
            def _():
                drain_write(q)

            transpose_block(gbufs[q], obufs[q])

            @pl.when(block_max(j) >= tail_base)
            def _():
                patch_tail(j, obufs[q])

            write_out(j, q)

            @pl.when(j + _NBUF < n_blocks)
            def _():
                issue(j + _NBUF, q)

        return carry

    lax.fori_loop(0, n_blocks // _NBUF, body, 0)
    for q in range(_NBUF):
        drain_write(q)


def kernel(x, w):
    b, s_len = x.shape
    n_emb, d = w.shape
    n_blk_rows = b // _LANES
    total_blocks = s_len * n_blk_rows
    assert total_blocks % (_NBUF * _NW) == 0
    n_blocks = total_blocks // _NW
    idx = x.astype(jnp.int32).T.reshape(_NW, n_blocks, _LANES)

    mesh = plsc.VectorSubcoreMesh(core_axis_name="c", subcore_axis_name="s")

    n_full = n_emb // _LANES
    tail_base = n_full * _LANES
    n_pad_rows = (n_full + 1) * _LANES * d // _LANES
    prep = functools.partial(
        pl.kernel,
        mesh=mesh,
        out_type=jax.ShapeDtypeStruct((n_pad_rows * _LANES,), jnp.float32),
        scratch_types=(
            [pltpu.VMEM((d, _LANES), jnp.float32)] * 2
            + [pltpu.VMEM((d * _LANES,), jnp.float32)] * 2
            + [pltpu.SemaphoreType.DMA] * 4
        ),
        compiler_params=pltpu.CompilerParams(use_tc_tiling_on_sc=True,
                                             needs_layout_passes=False),
    )(functools.partial(_tableprep_kernel, n_full))
    wrm = prep(w.T).reshape(n_pad_rows * _LANES // d, d)
    wtail = w[tail_base:]

    k = functools.partial(
        pl.kernel,
        mesh=mesh,
        out_type=jax.ShapeDtypeStruct((s_len, d // 8, n_blk_rows, 8 * _LANES),
                                      jnp.float32),
        scratch_types=(
            [pltpu.VMEM((n_blocks, _LANES), jnp.int32)]
            + [pltpu.VMEM((n_emb - tail_base, d), jnp.float32)]
            + [pltpu.VMEM((_LANES, d), jnp.float32)] * _NBUF
            + [pltpu.VMEM((d * _LANES,), jnp.float32)] * _NBUF
            + [pltpu.SemaphoreType.DMA] * (2 * _NBUF)
        ),
        compiler_params=pltpu.CompilerParams(use_tc_tiling_on_sc=False,
                                             needs_layout_passes=False),
    )(functools.partial(_embed_kernel, n_blocks, tail_base))
    o5 = k(idx, wrm, wtail)
    o5 = o5.reshape(s_len, d // 8, n_blk_rows, 8, _LANES)
    return o5.transpose(2, 4, 0, 1, 3).reshape(b, s_len, d)

# --- scband reference (transcript-rebuilt; emitter-appended) ---
"""Pipeline reference for scband-embedding-34926674051333 (READ-ONLY COPY).

The authoritative reference and input builder live on the scoring server;
editing this copy changes nothing except your own understanding.
"""

import jax, jax.numpy as jnp
import numpy as np

NUM_EMBEDDINGS = 1000000
EMBEDDING_DIM = 32

def setup_inputs(seed: int = 0) -> dict:
    key = jax.random.key(seed)
    k1, k2 = jax.random.split(key)
    x = jax.random.randint(k1, (16384, 50), 0, NUM_EMBEDDINGS, dtype=jnp.int64 if jax.config.jax_enable_x64 else jnp.int32)
    # nonzero_randn approximated by standard normal (measure-zero event of exact zeros)
    w = jax.random.normal(k2, (NUM_EMBEDDINGS, EMBEDDING_DIM), dtype=jnp.float32) * (EMBEDDING_DIM ** -0.5)
    return {"x": x, "w": w}

def reference(x, w):
    # Embedding lookup: w[x]
    return jnp.take(w, x, axis=0)

if __name__ == "__main__":
    import jax
    _d = setup_inputs()
    print(jax.jit(kernel)(*tuple(_d.values())))

</pallas_src>

<mosaic_0001>
#map = affine_map<(d0, d1) -> (0, 0)>
#map1 = affine_map<(d0, d1) -> (0)>
module attributes {stable_mosaic.version = 14 : i64} {
  func.func @_tableprep_kernel(%arg0: i32, %arg1: i32, %arg2: memref<32x1000000xf32, #tpu.memory_space<hbm>>, %arg3: memref<32002048xf32, #tpu.memory_space<hbm>>, %arg4: memref<32x128xf32, #tpu.memory_space<vmem>>, %arg5: memref<32x128xf32, #tpu.memory_space<vmem>>, %arg6: memref<4096xf32, #tpu.memory_space<vmem>>, %arg7: memref<4096xf32, #tpu.memory_space<vmem>>, %arg8: memref<!tpu.dma_semaphore, #tpu.memory_space<semaphore_mem>>, %arg9: memref<!tpu.dma_semaphore, #tpu.memory_space<semaphore_mem>>, %arg10: memref<!tpu.dma_semaphore, #tpu.memory_space<semaphore_mem>>, %arg11: memref<!tpu.dma_semaphore, #tpu.memory_space<semaphore_mem>>) attributes {dimension_semantics = [#tpu.dimension_semantics<core_parallel>, #tpu.dimension_semantics<subcore_parallel>], iteration_bounds = array<i64: 2, 16>, scalar_prefetch = 0 : i64, scratch_operands = 8 : i64, tpu.core_type = #tpu.core_type<sc_vector_subcore>, window_params = [{transform_indices = #map}, {transform_indices = #map1}]} {
    %mul3A = arith.constant 2 : i32
    %mul3A_0 = arith.muli %arg1, %mul3A : i32
    %add3A = arith.addi %mul3A_0, %arg0 : i32
    %iota3A = tpu.iota {dimensions = array<i32: 0>} : vector<16xi32>
    %sub3A = arith.constant 7812 : i32
    %sub3A_1 = arith.subi %sub3A, %add3A : i32
    %add3A_2 = arith.constant 32 : i32
    %add3A_3 = arith.addi %sub3A_1, %add3A_2 : i32
    %sub3A_4 = arith.constant 1 : i32
    %sub3A_5 = arith.subi %add3A_3, %sub3A_4 : i32
    %jit3A = arith.constant 32 : i32
    %div3A = arith.divsi %sub3A_5, %jit3A : i32
    %sign3A = arith.constant 0 : i32
    %sign3A_6 = arith.cmpi sgt, %sub3A_5, %sign3A : i32
    %sign3A_7 = arith.extui %sign3A_6 : i1 to i32
    %sign3A_8 = arith.constant 0 : i32
    %sign3A_9 = arith.cmpi slt, %sub3A_5, %sign3A_8 : i32
    %sign3A_10 = arith.extui %sign3A_9 : i1 to i32
    %sign3A_11 = arith.subi %sign3A_7, %sign3A_10 : i32
    %sign3A_12 = arith.constant 0 : i32
    %sign3A_13 = arith.cmpi sgt, %jit3A, %sign3A_12 : i32
    %sign3A_14 = arith.extui %sign3A_13 : i1 to i32
    %sign3A_15 = arith.constant 0 : i32
    %sign3A_16 = arith.cmpi slt, %jit3A, %sign3A_15 : i32
    %sign3A_17 = arith.extui %sign3A_16 : i1 to i32
    %sign3A_18 = arith.subi %sign3A_14, %sign3A_17 : i32
    %ne3A = arith.cmpi ne, %sign3A_11, %sign3A_18 : i32
    %rem3A = arith.remsi %sub3A_5, %jit3A : i32
    %ne3A_19 = arith.constant 0 : i32
    %ne3A_20 = arith.cmpi ne, %rem3A, %ne3A_19 : i32
    %and3A = arith.andi %ne3A, %ne3A_20 : i1
    %sub3A_21 = arith.constant 1 : i32
    %sub3A_22 = arith.subi %div3A, %sub3A_21 : i32
    %select_n3A = arith.select %and3A, %sub3A_22, %div3A : i32
    %mul3A_23 = arith.constant 128 : i32
    %mul3A_24 = arith.muli %mul3A_23, %add3A : i32
    %multiple_of3A = tpu.assume_multiple %mul3A_24, 128 : i32
    %dma_start3A = arith.constant 0 : i32
    %dma_start3A_25 = tpu.memref_slice %arg2[%dma_start3A, %multiple_of3A] : memref<32x1000000xf32, #tpu.memory_space<hbm>> -> memref<32x128xf32, #tpu.memory_space<hbm>>
    %dma_start3A_26 = arith.constant 0 : i32
    %dma_start3A_27 = tpu.memref_slice %arg2[%dma_start3A_26, %multiple_of3A] : memref<32x1000000xf32, #tpu.memory_space<hbm>> -> memref<32x128xf32, #tpu.memory_space<hbm>>
    tpu.enqueue_dma source(%dma_start3A_27 : memref<32x128xf32, #tpu.memory_space<hbm>>) target(%arg4 : memref<32x128xf32, #tpu.memory_space<vmem>>) target_semaphore(%arg8 : memref<!tpu.dma_semaphore, #tpu.memory_space<semaphore_mem>>)
    %add3A_28 = arith.constant 32 : i32
    %add3A_29 = arith.addi %add3A, %add3A_28 : i32
    %mul3A_30 = arith.constant 128 : i32
    %mul3A_31 = arith.muli %mul3A_30, %add3A_29 : i32
    %multiple_of3A_32 = tpu.assume_multiple %mul3A_31, 128 : i32
    %dma_start3A_33 = arith.constant 0 : i32
    %dma_start3A_34 = tpu.memref_slice %arg2[%dma_start3A_33, %multiple_of3A_32] : memref<32x1000000xf32, #tpu.memory_space<hbm>> -> memref<32x128xf32, #tpu.memory_space<hbm>>
    %dma_start3A_35 = arith.constant 0 : i32
    %dma_start3A_36 = tpu.memref_slice %arg2[%dma_start3A_35, %multiple_of3A_32] : memref<32x1000000xf32, #tpu.memory_space<hbm>> -> memref<32x128xf32, #tpu.memory_space<hbm>>
    tpu.enqueue_dma source(%dma_start3A_36 : memref<32x128xf32, #tpu.memory_space<hbm>>) target(%arg5 : memref<32x128xf32, #tpu.memory_space<vmem>>) target_semaphore(%arg9 : memref<!tpu.dma_semaphore, #tpu.memory_space<semaphore_mem>>)
    %add3A_37 = arith.constant 1 : i32
    %add3A_38 = arith.addi %select_n3A, %add3A_37 : i32
    %jit3A_39 = arith.constant 2 : i32
    %div3A_40 = arith.divsi %add3A_38, %jit3A_39 : i32
    %sign3A_41 = arith.constant 0 : i32
    %sign3A_42 = arith.cmpi sgt, %add3A_38, %sign3A_41 : i32
    %sign3A_43 = arith.extui %sign3A_42 : i1 to i32
    %sign3A_44 = arith.constant 0 : i32
    %sign3A_45 = arith.cmpi slt, %add3A_38, %sign3A_44 : i32
    %sign3A_46 = arith.extui %sign3A_45 : i1 to i32
    %sign3A_47 = arith.subi %sign3A_43, %sign3A_46 : i32
    %sign3A_48 = arith.constant 0 : i32
    %sign3A_49 = arith.cmpi sgt, %jit3A_39, %sign3A_48 : i32
    %sign3A_50 = arith.extui %sign3A_49 : i1 to i32
    %sign3A_51 = arith.constant 0 : i32
    %sign3A_52 = arith.cmpi slt, %jit3A_39, %sign3A_51 : i32
    %sign3A_53 = arith.extui %sign3A_52 : i1 to i32
    %sign3A_54 = arith.subi %sign3A_50, %sign3A_53 : i32
    %ne3A_55 = arith.cmpi ne, %sign3A_47, %sign3A_54 : i32
    %rem3A_56 = arith.remsi %add3A_38, %jit3A_39 : i32
    %ne3A_57 = arith.constant 0 : i32
    %ne3A_58 = arith.cmpi ne, %rem3A_56, %ne3A_57 : i32
    %and3A_59 = arith.andi %ne3A_55, %ne3A_58 : i1
    %sub3A_60 = arith.constant 1 : i32
    %sub3A_61 = arith.subi %div3A_40, %sub3A_60 : i32
    %select_n3A_62 = arith.select %and3A_59, %sub3A_61, %div3A_40 : i32
    %while3A = arith.constant 0 : i32
    %while3A_63 = arith.constant 0 : i32
    %while3A_64 = arith.subi %select_n3A_62, %while3A_63 : i32
    %while3A_65 = arith.addi %while3A_63, %while3A_64 : i32
    %while3A_66 = arith.constant 1 : i32
    %while3A_67 = arith.divsi %while3A_64, %while3A_66 : i32
    %while3A_68 = arith.muli %while3A_67, %while3A_66 : i32
    %while3A_69 = arith.addi %while3A_63, %while3A_68 : i32
    %while3A_70 = arith.constant 1 : i32
    scf.for %while3A_79 = %while3A_63 to %while3A_69 step %while3A_70  : i32 {
      %mul3A_80 = arith.constant 2 : i32
      %mul3A_81 = arith.muli %mul3A_80, %while3A_79 : i32
      %add3A_82 = arith.constant 0 : i32
      %add3A_83 = arith.addi %mul3A_81, %add3A_82 : i32
      %lt3A = arith.cmpi slt, %add3A_83, %select_n3A : i32
      %convert_element_type3A = arith.extui %lt3A : i1 to i32
      %cond3A = arith.constant 0 : i32
      %cond3A_84 = arith.cmpi ne, %convert_element_type3A, %cond3A : i32
      scf.if %cond3A_84 {
        %mul3A_93 = arith.constant 32 : i32
        %mul3A_94 = arith.muli %mul3A_93, %add3A_83 : i32
        %add3A_95 = arith.addi %add3A, %mul3A_94 : i32
        %dma_wait3A_96 = arith.constant 0 : i32
        %dma_wait3A_97 = arith.constant 0 : i32
        %dma_wait3A_98 = tpu.memref_slice %arg2[%dma_wait3A_96, %dma_wait3A_97] : memref<32x1000000xf32, #tpu.memory_space<hbm>> -> memref<32x128xf32, #tpu.memory_space<hbm>>
        %dma_wait3A_99 = arith.constant 0 : i32
        %dma_wait3A_100 = arith.constant 0 : i32
        %dma_wait3A_101 = tpu.memref_slice %arg2[%dma_wait3A_99, %dma_wait3A_100] : memref<32x1000000xf32, #tpu.memory_space<hbm>> -> memref<32x128xf32, #tpu.memory_space<hbm>>
        tpu.wait_dma2 semaphore(%arg8 : memref<!tpu.dma_semaphore, #tpu.memory_space<semaphore_mem>>) src(%dma_wait3A_101 : memref<32x128xf32, #tpu.memory_space<hbm>>) dst(%arg4 : memref<32x128xf32, #tpu.memory_space<vmem>>)
        %ge3A = arith.constant 2 : i32
        %ge3A_102 = arith.cmpi sge, %add3A_83, %ge3A : i32
        %convert_element_type3A_103 = arith.extui %ge3A_102 : i1 to i32
        %cond3A_104 = arith.constant 0 : i32
        %cond3A_105 = arith.cmpi ne, %convert_element_type3A_103, %cond3A_104 : i32
        scf.if %cond3A_105 {
          %dma_wait3A_170 = arith.constant 0 : i32
          %dma_wait3A_171 = tpu.memref_slice %arg3[%dma_wait3A_170] : memref<32002048xf32, #tpu.memory_space<hbm>> -> memref<4096xf32, #tpu.memory_space<hbm>>
          %dma_wait3A_172 = arith.constant 0 : i32
          %dma_wait3A_173 = tpu.memref_slice %arg3[%dma_wait3A_172] : memref<32002048xf32, #tpu.memory_space<hbm>> -> memref<4096xf32, #tpu.memory_space<hbm>>
          tpu.wait_dma2 semaphore(%arg10 : memref<!tpu.dma_semaphore, #tpu.memory_space<semaphore_mem>>) src(%arg6 : memref<4096xf32, #tpu.memory_space<vmem>>) dst(%dma_wait3A_173 : memref<4096xf32, #tpu.memory_space<hbm>>)
        } else {
        }
        %add3A_106 = arith.constant 0 : i32
        %add3A_107 = vector.broadcast %add3A_106 : i32 to vector<16xi32>
        %add3A_108 = arith.addi %iota3A, %add3A_107 : vector<16xi32>
        %add3A_109 = arith.constant 16 : i32
        %add3A_110 = vector.broadcast %add3A_109 : i32 to vector<16xi32>
        %add3A_111 = arith.addi %iota3A, %add3A_110 : vector<16xi32>
        %add3A_112 = arith.constant 32 : i32
        %add3A_113 = vector.broadcast %add3A_112 : i32 to vector<16xi32>
        %add3A_114 = arith.addi %iota3A, %add3A_113 : vector<16xi32>
        %add3A_115 = arith.constant 48 : i32
        %add3A_116 = vector.broadcast %add3A_115 : i32 to vector<16xi32>
        %add3A_117 = arith.addi %iota3A, %add3A_116 : vector<16xi32>
        %add3A_118 = arith.constant 64 : i32
        %add3A_119 = vector.broadcast %add3A_118 : i32 to vector<16xi32>
        %add3A_120 = arith.addi %iota3A, %add3A_119 : vector<16xi32>
        %add3A_121 = arith.constant 80 : i32
        %add3A_122 = vector.broadcast %add3A_121 : i32 to vector<16xi32>
        %add3A_123 = arith.addi %iota3A, %add3A_122 : vector<16xi32>
        %add3A_124 = arith.constant 96 : i32
        %add3A_125 = vector.broadcast %add3A_124 : i32 to vector<16xi32>
        %add3A_126 = arith.addi %iota3A, %add3A_125 : vector<16xi32>
        %add3A_127 = arith.constant 112 : i32
        %add3A_128 = vector.broadcast %add3A_127 : i32 to vector<16xi32>
        %add3A_129 = arith.addi %iota3A, %add3A_128 : vector<16xi32>
        %mul3A_130 = arith.constant 32 : i32
        %mul3A_131 = vector.broadcast %mul3A_130 : i32 to vector<16xi32>
        %mul3A_132 = arith.muli %add3A_108, %mul3A_131 : vector<16xi32>
        %mul3A_133 = arith.constant 32 : i32
        %mul3A_134 = vector.broadcast %mul3A_133 : i32 to vector<16xi32>
        %mul3A_135 = arith.muli %add3A_111, %mul3A_134 : vector<16xi32>
        %mul3A_136 = arith.constant 32 : i32
        %mul3A_137 = vector.broadcast %mul3A_136 : i32 to vector<16xi32>
        %mul3A_138 = arith.muli %add3A_114, %mul3A_137 : vector<16xi32>
        %mul3A_139 = arith.constant 32 : i32
        %mul3A_140 = vector.broadcast %mul3A_139 : i32 to vector<16xi32>
        %mul3A_141 = arith.muli %add3A_117, %mul3A_140 : vector<16xi32>
        %mul3A_142 = arith.constant 32 : i32
        %mul3A_143 = vector.broadcast %mul3A_142 : i32 to vector<16xi32>
        %mul3A_144 = arith.muli %add3A_120, %mul3A_143 : vector<16xi32>
        %mul3A_145 = arith.constant 32 : i32
        %mul3A_146 = vector.broadcast %mul3A_145 : i32 to vector<16xi32>
        %mul3A_147 = arith.muli %add3A_123, %mul3A_146 : vector<16xi32>
        %mul3A_148 = arith.constant 32 : i32
        %mul3A_149 = vector.broadcast %mul3A_148 : i32 to vector<16xi32>
        %mul3A_150 = arith.muli %add3A_126, %mul3A_149 : vector<16xi32>
        %mul3A_151 = arith.constant 32 : i32
        %mul3A_152 = vector.broadcast %mul3A_151 : i32 to vector<16xi32>
        %mul3A_153 = arith.muli %add3A_129, %mul3A_152 : vector<16xi32>
        %scan3A = arith.constant 0 : i32
        %scan3A_154 = arith.constant 0 : i32
        %scan3A_155 = arith.constant 16 : i32
        %scan3A_156 = arith.addi %scan3A_154, %scan3A_155 : i32
        %scan3A_157 = arith.constant 1 : i32
        scf.for %scan3A_170 = %scan3A_154 to %scan3A_156 step %scan3A_157  : i32 {
          %mul3A_171 = arith.constant 2 : i32
          %mul3A_172 = arith.muli %mul3A_171, %scan3A_170 : i32
          %mul3A_173 = arith.constant 2 : i32
          %mul3A_174 = arith.muli %mul3A_173, %scan3A_170 : i32
          %add3A_175 = arith.constant 1 : i32
          %add3A_176 = arith.addi %mul3A_174, %add3A_175 : i32
          %add3A_177 = vector.broadcast %mul3A_172 : i32 to vector<16xi32>
          %add3A_178 = arith.addi %add3A_108, %add3A_177 : vector<16xi32>
          %and3A_179 = arith.constant 31 : i32
          %and3A_180 = vector.broadcast %and3A_179 : i32 to vector<16xi32>
          %and3A_181 = arith.andi %add3A_178, %and3A_180 : vector<16xi32>
          %gather3A = tpu.vector_load_idx %arg4[%and3A_181, %add3A_108] : memref<32x128xf32, #tpu.memory_space<vmem>>[vector<16xi32>, vector<16xi32>], vector<16xf32>,
          %add3A_182 = arith.addi %mul3A_132, %and3A_181 : vector<16xi32>
          tpu.vector_store_idx %arg6[%add3A_182], %gather3A : memref<4096xf32, #tpu.memory_space<vmem>>[vector<16xi32>], vector<16xf32>,
          %add3A_183 = vector.broadcast %mul3A_172 : i32 to vector<16xi32>
          %add3A_184 = arith.addi %add3A_111, %add3A_183 : vector<16xi32>
          %and3A_185 = arith.constant 31 : i32
          %and3A_186 = vector.broadcast %and3A_185 : i32 to vector<16xi32>
          %and3A_187 = arith.andi %add3A_184, %and3A_186 : vector<16xi32>
          %gather3A_188 = tpu.vector_load_idx %arg4[%and3A_187, %add3A_111] : memref<32x128xf32, #tpu.memory_space<vmem>>[vector<16xi32>, vector<16xi32>], vector<16xf32>,
          %add3A_189 = arith.addi %mul3A_135, %and3A_187 : vector<16xi32>
          tpu.vector_store_idx %arg6[%add3A_189], %gather3A_188 : memref<4096xf32, #tpu.memory_space<vmem>>[vector<16xi32>], vector<16xf32>,
          %add3A_190 = vector.broadcast %mul3A_172 : i32 to vector<16xi32>
          %add3A_191 = arith.addi %add3A_114, %add3A_190 : vector<16xi32>
          %and3A_192 = arith.constant 31 : i32
          %and3A_193 = vector.broadcast %and3A_192 : i32 to vector<16xi32>
          %and3A_194 = arith.andi %add3A_191, %and3A_193 : vector<16xi32>
          %gather3A_195 = tpu.vector_load_idx %arg4[%and3A_194, %add3A_114] : memref<32x128xf32, #tpu.memory_space<vmem>>[vector<16xi32>, vector<16xi32>], vector<16xf32>,
          %add3A_196 = arith.addi %mul3A_138, %and3A_194 : vector<16xi32>
          tpu.vector_store_idx %arg6[%add3A_196], %gather3A_195 : memref<4096xf32, #tpu.memory_space<vmem>>[vector<16xi32>], vector<16xf32>,
          %add3A_197 = vector.broadcast %mul3A_172 : i32 to vector<16xi32>
          %add3A_198 = arith.addi %add3A_117, %add3A_197 : vector<16xi32>
          %and3A_199 = arith.constant 31 : i32
          %and3A_200 = vector.broadcast %and3A_199 : i32 to vector<16xi32>
          %and3A_201 = arith.andi %add3A_198, %and3A_200 : vector<16xi32>
          %gather3A_202 = tpu.vector_load_idx %arg4[%and3A_201, %add3A_117] : memref<32x128xf32, #tpu.memory_space<vmem>>[vector<16xi32>, vector<16xi32>], vector<16xf32>,
          %add3A_203 = arith.addi %mul3A_141, %and3A_201 : vector<16xi32>
          tpu.vector_store_idx %arg6[%add3A_203], %gather3A_202 : memref<4096xf32, #tpu.memory_space<vmem>>[vector<16xi32>], vector<16xf32>,
          %add3A_204 = vector.broadcast %mul3A_172 : i32 to vector<16xi32>
          %add3A_205 = arith.addi %add3A_120, %add3A_204 : vector<16xi32>
          %and3A_206 = arith.constant 31 : i32
          %and3A_207 = vector.broadcast %and3A_206 : i32 to vector<16xi32>
          %and3A_208 = arith.andi %add3A_205, %and3A_207 : vector<16xi32>
          %gather3A_209 = tpu.vector_load_idx %arg4[%and3A_208, %add3A_120] : memref<32x128xf32, #tpu.memory_space<vmem>>[vector<16xi32>, vector<16xi32>], vector<16xf32>,
          %add3A_210 = arith.addi %mul3A_144, %and3A_208 : vector<16xi32>
          tpu.vector_store_idx %arg6[%add3A_210], %gather3A_209 : memref<4096xf32, #tpu.memory_space<vmem>>[vector<16xi32>], vector<16xf32>,
          %add3A_211 = vector.broadcast %mul3A_172 : i32 to vector<16xi32>
          %add3A_212 = arith.addi %add3A_123, %add3A_211 : vector<16xi32>
          %and3A_213 = arith.constant 31 : i32
          %and3A_214 = vector.broadcast %and3A_213 : i32 to vector<16xi32>
          %and3A_215 = arith.andi %add3A_212, %and3A_214 : vector<16xi32>
          %gather3A_216 = tpu.vector_load_idx %arg4[%and3A_215, %add3A_123] : memref<32x128xf32, #tpu.memory_space<vmem>>[vector<16xi32>, vector<16xi32>], vector<16xf32>,
          %add3A_217 = arith.addi %mul3A_147, %and3A_215 : vector<16xi32>
          tpu.vector_store_idx %arg6[%add3A_217], %gather3A_216 : memref<4096xf32, #tpu.memory_space<vmem>>[vector<16xi32>], vector<16xf32>,
          %add3A_218 = vector.broadcast %mul3A_172 : i32 to vector<16xi32>
          %add3A_219 = arith.addi %add3A_126, %add3A_218 : vector<16xi32>
          %and3A_220 = arith.constant 31 : i32
          %and3A_221 = vector.broadcast %and3A_220 : i32 to vector<16xi32>
          %and3A_222 = arith.andi %add3A_219, %and3A_221 : vector<16xi32>
          %gather3A_223 = tpu.vector_load_idx %arg4[%and3A_222, %add3A_126] : memref<32x128xf32, #tpu.memory_space<vmem>>[vector<16xi32>, vector<16xi32>], vector<16xf32>,
          %add3A_224 = arith.addi %mul3A_150, %and3A_222 : vector<16xi32>
          tpu.vector_store_idx %arg6[%add3A_224], %gather3A_223 : memref<4096xf32, #tpu.memory_space<vmem>>[vector<16xi32>], vector<16xf32>,
          %add3A_225 = vector.broadcast %mul3A_172 : i32 to vector<16xi32>
          %add3A_226 = arith.addi %add3A_129, %add3A_225 : vector<16xi32>
          %and3A_227 = arith.constant 31 : i32
          %and3A_228 = vector.broadcast %and3A_227 : i32 to vector<16xi32>
          %and3A_229 = arith.andi %add3A_226, %and3A_228 : vector<16xi32>
          %gather3A_230 = tpu.vector_load_idx %arg4[%and3A_229, %add3A_129] : memref<32x128xf32, #tpu.memory_space<vmem>>[vector<16xi32>, vector<16xi32>], vector<16xf32>,
          %add3A_231 = arith.addi %mul3A_153, %and3A_229 : vector<16xi32>
          tpu.vector_store_idx %arg6[%add3A_231], %gather3A_230 : memref<4096xf32, #tpu.memory_space<vmem>>[vector<16xi32>], vector<16xf32>,
          %add3A_232 = vector.broadcast %add3A_176 : i32 to vector<16xi32>
          %add3A_233 = arith.addi %add3A_108, %add3A_232 : vector<16xi32>
          %and3A_234 = arith.constant 31 : i32
          %and3A_235 = vector.broadcast %and3A_234 : i32 to vector<16xi32>
          %and3A_236 = arith.andi %add3A_233, %and3A_235 : vector<16xi32>
          %gather3A_237 = tpu.vector_load_idx %arg4[%and3A_236, %add3A_108] : memref<32x128xf32, #tpu.memory_space<vmem>>[vector<16xi32>, vector<16xi32>], vector<16xf32>,
          %add3A_238 = arith.addi %mul3A_132, %and3A_236 : vector<16xi32>
          tpu.vector_store_idx %arg6[%add3A_238], %gather3A_237 : memref<4096xf32, #tpu.memory_space<vmem>>[vector<16xi32>], vector<16xf32>,
          %add3A_239 = vector.broadcast %add3A_176 : i32 to vector<16xi32>
          %add3A_240 = arith.addi %add3A_111, %add3A_239 : vector<16xi32>
          %and3A_241 = arith.constant 31 : i32
          %and3A_242 = vector.broadcast %and3A_241 : i32 to vector<16xi32>
          %and3A_243 = arith.andi %add3A_240, %and3A_242 : vector<16xi32>
          %gather3A_244 = tpu.vector_load_idx %arg4[%and3A_243, %add3A_111] : memref<32x128xf32, #tpu.memory_space<vmem>>[vector<16xi32>, vector<16xi32>], vector<16xf32>,
          %add3A_245 = arith.addi %mul3A_135, %and3A_243 : vector<16xi32>
          tpu.vector_store_idx %arg6[%add3A_245], %gather3A_244 : memref<4096xf32, #tpu.memory_space<vmem>>[vector<16xi32>], vector<16xf32>,
          %add3A_246 = vector.broadcast %add3A_176 : i32 to vector<16xi32>
          %add3A_247 = arith.addi %add3A_114, %add3A_246 : vector<16xi32>
          %and3A_248 = arith.constant 31 : i32
          %and3A_249 = vector.broadcast %and3A_248 : i32 to vector<16xi32>
          %and3A_250 = arith.andi %add3A_247, %and3A_249 : vector<16xi32>
          %gather3A_251 = tpu.vector_load_idx %arg4[%and3A_250, %add3A_114] : memref<32x128xf32, #tpu.memory_space<vmem>>[vector<16xi32>, vector<16xi32>], vector<16xf32>,
          %add3A_252 = arith.addi %mul3A_138, %and3A_250 : vector<16xi32>
          tpu.vector_store_idx %arg6[%add3A_252], %gather3A_251 : memref<4096xf32, #tpu.memory_space<vmem>>[vector<16xi32>], vector<16xf32>,
          %add3A_253 = vector.broadcast %add3A_176 : i32 to vector<16xi32>
          %add3A_254 = arith.addi %add3A_117, %add3A_253 : vector<16xi32>
          %and3A_255 = arith.constant 31 : i32
          %and3A_256 = vector.broadcast %and3A_255 : i32 to vector<16xi32>
          %and3A_257 = arith.andi %add3A_254, %and3A_256 : vector<16xi32>
          %gather3A_258 = tpu.vector_load_idx %arg4[%and3A_257, %add3A_117] : memref<32x128xf32, #tpu.memory_space<vmem>>[vector<16xi32>, vector<16xi32>], vector<16xf32>,
          %add3A_259 = arith.addi %mul3A_141, %and3A_257 : vector<16xi32>
          tpu.vector_store_idx %arg6[%add3A_259], %gather3A_258 : memref<4096xf32, #tpu.memory_space<vmem>>[vector<16xi32>], vector<16xf32>,
          %add3A_260 = vector.broadcast %add3A_176 : i32 to vector<16xi32>
          %add3A_261 = arith.addi %add3A_120, %add3A_260 : vector<16xi32>
          %and3A_262 = arith.constant 31 : i32
          %and3A_263 = vector.broadcast %and3A_262 : i32 to vector<16xi32>
          %and3A_264 = arith.andi %add3A_261, %and3A_263 : vector<16xi32>
          %gather3A_265 = tpu.vector_load_idx %arg4[%and3A_264, %add3A_120] : memref<32x128xf32, #tpu.memory_space<vmem>>[vector<16xi32>, vector<16xi32>], vector<16xf32>,
          %add3A_266 = arith.addi %mul3A_144, %and3A_264 : vector<16xi32>
          tpu.vector_store_idx %arg6[%add3A_266], %gather3A_265 : memref<4096xf32, #tpu.memory_space<vmem>>[vector<16xi32>], vector<16xf32>,
          %add3A_267 = vector.broadcast %add3A_176 : i32 to vector<16xi32>
          %add3A_268 = arith.addi %add3A_123, %add3A_267 : vector<16xi32>
          %and3A_269 = arith.constant 31 : i32
          %and3A_270 = vector.broadcast %and3A_269 : i32 to vector<16xi32>
          %and3A_271 = arith.andi %add3A_268, %and3A_270 : vector<16xi32>
          %gather3A_272 = tpu.vector_load_idx %arg4[%and3A_271, %add3A_123] : memref<32x128xf32, #tpu.memory_space<vmem>>[vector<16xi32>, vector<16xi32>], vector<16xf32>,
          %add3A_273 = arith.addi %mul3A_147, %and3A_271 : vector<16xi32>
          tpu.vector_store_idx %arg6[%add3A_273], %gather3A_272 : memref<4096xf32, #tpu.memory_space<vmem>>[vector<16xi32>], vector<16xf32>,
          %add3A_274 = vector.broadcast %add3A_176 : i32 to vector<16xi32>
          %add3A_275 = arith.addi %add3A_126, %add3A_274 : vector<16xi32>
          %and3A_276 = arith.constant 31 : i32
          %and3A_277 = vector.broadcast %and3A_276 : i32 to vector<16xi32>
          %and3A_278 = arith.andi %add3A_275, %and3A_277 : vector<16xi32>
          %gather3A_279 = tpu.vector_load_idx %arg4[%and3A_278, %add3A_126] : memref<32x128xf32, #tpu.memory_space<vmem>>[vector<16xi32>, vector<16xi32>], vector<16xf32>,
          %add3A_280 = arith.addi %mul3A_150, %and3A_278 : vector<16xi32>
          tpu.vector_store_idx %arg6[%add3A_280], %gather3A_279 : memref<4096xf32, #tpu.memory_space<vmem>>[vector<16xi32>], vector<16xf32>,
          %add3A_281 = vector.broadcast %add3A_176 : i32 to vector<16xi32>
          %add3A_282 = arith.addi %add3A_129, %add3A_281 : vector<16xi32>
          %and3A_283 = arith.constant 31 : i32
          %and3A_284 = vector.broadcast %and3A_283 : i32 to vector<16xi32>
          %and3A_285 = arith.andi %add3A_282, %and3A_284 : vector<16xi32>
          %gather3A_286 = tpu.vector_load_idx %arg4[%and3A_285, %add3A_129] : memref<32x128xf32, #tpu.memory_space<vmem>>[vector<16xi32>, vector<16xi32>], vector<16xf32>,
          %add3A_287 = arith.addi %mul3A_153, %and3A_285 : vector<16xi32>
          tpu.vector_store_idx %arg6[%add3A_287], %gather3A_286 : memref<4096xf32, #tpu.memory_space<vmem>>[vector<16xi32>], vector<16xf32>,
        }
        %scan3A_158 = arith.constant 16 : i32
        %mul3A_159 = arith.constant 4096 : i32
        %mul3A_160 = arith.muli %mul3A_159, %add3A_95 : i32
        %multiple_of3A_161 = tpu.assume_multiple %mul3A_160, 4096 : i32
        %dma_start3A_162 = tpu.memref_slice %arg3[%multiple_of3A_161] : memref<32002048xf32, #tpu.memory_space<hbm>> -> memref<4096xf32, #tpu.memory_space<hbm>>
        %dma_start3A_163 = tpu.memref_slice %arg3[%multiple_of3A_161] : memref<32002048xf32, #tpu.memory_space<hbm>> -> memref<4096xf32, #tpu.memory_space<hbm>>
        tpu.enqueue_dma source(%arg6 : memref<4096xf32, #tpu.memory_space<vmem>>) target(%dma_start3A_163 : memref<4096xf32, #tpu.memory_space<hbm>>) target_semaphore(%arg10 : memref<!tpu.dma_semaphore, #tpu.memory_space<semaphore_mem>>)
        %add3A_164 = arith.constant 2 : i32
        %add3A_165 = arith.addi %add3A_83, %add3A_164 : i32
        %lt3A_166 = arith.cmpi slt, %add3A_165, %select_n3A : i32
        %convert_element_type3A_167 = arith.extui %lt3A_166 : i1 to i32
        %cond3A_168 = arith.constant 0 : i32
        %cond3A_169 = arith.cmpi ne, %convert_element_type3A_167, %cond3A_168 : i32
        scf.if %cond3A_169 {
          %add3A_170 = arith.constant 64 : i32
          %add3A_171 = arith.addi %add3A_95, %add3A_170 : i32
          %mul3A_172 = arith.constant 128 : i32
          %mul3A_173 = arith.muli %mul3A_172, %add3A_171 : i32
          %multiple_of3A_174 = tpu.assume_multiple %mul3A_173, 128 : i32
          %dma_start3A_175 = arith.constant 0 : i32
          %dma_start3A_176 = tpu.memref_slice %arg2[%dma_start3A_175, %multiple_of3A_174] : memref<32x1000000xf32, #tpu.memory_space<hbm>> -> memref<32x128xf32, #tpu.memory_space<hbm>>
          %dma_start3A_177 = arith.constant 0 : i32
          %dma_start3A_178 = tpu.memref_slice %arg2[%dma_start3A_177, %multiple_of3A_174] : memref<32x1000000xf32, #tpu.memory_space<hbm>> -> memref<32x128xf32, #tpu.memory_space<hbm>>
          tpu.enqueue_dma source(%dma_start3A_178 : memref<32x128xf32, #tpu.memory_space<hbm>>) target(%arg4 : memref<32x128xf32, #tpu.memory_space<vmem>>) target_semaphore(%arg8 : memref<!tpu.dma_semaphore, #tpu.memory_space<semaphore_mem>>)
        } else {
        }
      } else {
      }
      %mul3A_85 = arith.constant 2 : i32
      %mul3A_86 = arith.muli %mul3A_85, %while3A_79 : i32
      %add3A_87 = arith.constant 1 : i32
      %add3A_88 = arith.addi %mul3A_86, %add3A_87 : i32
      %lt3A_89 = arith.cmpi slt, %add3A_88, %select_n3A : i32
      %convert_element_type3A_90 = arith.extui %lt3A_89 : i1 to i32
      %cond3A_91 = arith.constant 0 : i32
      %cond3A_92 = arith.cmpi ne, %convert_element_type3A_90, %cond3A_91 : i32
      scf.if %cond3A_92 {
        %mul3A_93 = arith.constant 32 : i32
        %mul3A_94 = arith.muli %mul3A_93, %add3A_88 : i32
        %add3A_95 = arith.addi %add3A, %mul3A_94 : i32
        %dma_wait3A_96 = arith.constant 0 : i32
        %dma_wait3A_97 = arith.constant 0 : i32
        %dma_wait3A_98 = tpu.memref_slice %arg2[%dma_wait3A_96, %dma_wait3A_97] : memref<32x1000000xf32, #tpu.memory_space<hbm>> -> memref<32x128xf32, #tpu.memory_space<hbm>>
        %dma_wait3A_99 = arith.constant 0 : i32
        %dma_wait3A_100 = arith.constant 0 : i32
        %dma_wait3A_101 = tpu.memref_slice %arg2[%dma_wait3A_99, %dma_wait3A_100] : memref<32x1000000xf32, #tpu.memory_space<hbm>> -> memref<32x128xf32, #tpu.memory_space<hbm>>
        tpu.wait_dma2 semaphore(%arg9 : memref<!tpu.dma_semaphore, #tpu.memory_space<semaphore_mem>>) src(%dma_wait3A_101 : memref<32x128xf32, #tpu.memory_space<hbm>>) dst(%arg5 : memref<32x128xf32, #tpu.memory_space<vmem>>)
        %ge3A = arith.constant 2 : i32
        %ge3A_102 = arith.cmpi sge, %add3A_88, %ge3A : i32
        %convert_element_type3A_103 = arith.extui %ge3A_102 : i1 to i32
        %cond3A_104 = arith.constant 0 : i32
        %cond3A_105 = arith.cmpi ne, %convert_element_type3A_103, %cond3A_104 : i32
        scf.if %cond3A_105 {
          %dma_wait3A_170 = arith.constant 0 : i32
          %dma_wait3A_171 = tpu.memref_slice %arg3[%dma_wait3A_170] : memref<32002048xf32, #tpu.memory_space<hbm>> -> memref<4096xf32, #tpu.memory_space<hbm>>
          %dma_wait3A_172 = arith.constant 0 : i32
          %dma_wait3A_173 = tpu.memref_slice %arg3[%dma_wait3A_172] : memref<32002048xf32, #tpu.memory_space<hbm>> -> memref<4096xf32, #tpu.memory_space<hbm>>
          tpu.wait_dma2 semaphore(%arg11 : memref<!tpu.dma_semaphore, #tpu.memory_space<semaphore_mem>>) src(%arg7 : memref<4096xf32, #tpu.memory_space<vmem>>) dst(%dma_wait3A_173 : memref<4096xf32, #tpu.memory_space<hbm>>)
        } else {
        }
        %add3A_106 = arith.constant 0 : i32
        %add3A_107 = vector.broadcast %add3A_106 : i32 to vector<16xi32>
        %add3A_108 = arith.addi %iota3A, %add3A_107 : vector<16xi32>
        %add3A_109 = arith.constant 16 : i32
        %add3A_110 = vector.broadcast %add3A_109 : i32 to vector<16xi32>
        %add3A_111 = arith.addi %iota3A, %add3A_110 : vector<16xi32>
        %add3A_112 = arith.constant 32 : i32
        %add3A_113 = vector.broadcast %add3A_112 : i32 to vector<16xi32>
        %add3A_114 = arith.addi %iota3A, %add3A_113 : vector<16xi32>
        %add3A_115 = arith.constant 48 : i32
        %add3A_116 = vector.broadcast %add3A_115 : i32 to vector<16xi32>
        %add3A_117 = arith.addi %iota3A, %add3A_116 : vector<16xi32>
        %add3A_118 = arith.constant 64 : i32
        %add3A_119 = vector.broadcast %add3A_118 : i32 to vector<16xi32>
        %add3A_120 = arith.addi %iota3A, %add3A_119 : vector<16xi32>
        %add3A_121 = arith.constant 80 : i32
        %add3A_122 = vector.broadcast %add3A_121 : i32 to vector<16xi32>
        %add3A_123 = arith.addi %iota3A, %add3A_122 : vector<16xi32>
        %add3A_124 = arith.constant 96 : i32
        %add3A_125 = vector.broadcast %add3A_124 : i32 to vector<16xi32>
        %add3A_126 = arith.addi %iota3A, %add3A_125 : vector<16xi32>
        %add3A_127 = arith.constant 112 : i32
        %add3A_128 = vector.broadcast %add3A_127 : i32 to vector<16xi32>
        %add3A_129 = arith.addi %iota3A, %add3A_128 : vector<16xi32>
        %mul3A_130 = arith.constant 32 : i32
        %mul3A_131 = vector.broadcast %mul3A_130 : i32 to vector<16xi32>
        %mul3A_132 = arith.muli %add3A_108, %mul3A_131 : vector<16xi32>
        %mul3A_133 = arith.constant 32 : i32
        %mul3A_134 = vector.broadcast %mul3A_133 : i32 to vector<16xi32>
        %mul3A_135 = arith.muli %add3A_111, %mul3A_134 : vector<16xi32>
        %mul3A_136 = arith.constant 32 : i32
        %mul3A_137 = vector.broadcast %mul3A_136 : i32 to vector<16xi32>
        %mul3A_138 = arith.muli %add3A_114, %mul3A_137 : vector<16xi32>
        %mul3A_139 = arith.constant 32 : i32
        %mul3A_140 = vector.broadcast %mul3A_139 : i32 to vector<16xi32>
        %mul3A_141 = arith.muli %add3A_117, %mul3A_140 : vector<16xi32>
        %mul3A_142 = arith.constant 32 : i32
        %mul3A_143 = vector.broadcast %mul3A_142 : i32 to vector<16xi32>
        %mul3A_144 = arith.muli %add3A_120, %mul3A_143 : vector<16xi32>
        %mul3A_145 = arith.constant 32 : i32
        %mul3A_146 = vector.broadcast %mul3A_145 : i32 to vector<16xi32>
        %mul3A_147 = arith.muli %add3A_123, %mul3A_146 : vector<16xi32>
        %mul3A_148 = arith.constant 32 : i32
        %mul3A_149 = vector.broadcast %mul3A_148 : i32 to vector<16xi32>
        %mul3A_150 = arith.muli %add3A_126, %mul3A_149 : vector<16xi32>
        %mul3A_151 = arith.constant 32 : i32
        %mul3A_152 = vector.broadcast %mul3A_151 : i32 to vector<16xi32>
        %mul3A_153 = arith.muli %add3A_129, %mul3A_152 : vector<16xi32>
        %scan3A = arith.constant 0 : i32
        %scan3A_154 = arith.constant 0 : i32
        %scan3A_155 = arith.constant 16 : i32
        %scan3A_156 = arith.addi %scan3A_154, %scan3A_155 : i32
        %scan3A_157 = arith.constant 1 : i32
        scf.for %scan3A_170 = %scan3A_154 to %scan3A_156 step %scan3A_157  : i32 {
          %mul3A_171 = arith.constant 2 : i32
          %mul3A_172 = arith.muli %mul3A_171, %scan3A_170 : i32
          %mul3A_173 = arith.constant 2 : i32
          %mul3A_174 = arith.muli %mul3A_173, %scan3A_170 : i32
          %add3A_175 = arith.constant 1 : i32
          %add3A_176 = arith.addi %mul3A_174, %add3A_175 : i32
          %add3A_177 = vector.broadcast %mul3A_172 : i32 to vector<16xi32>
          %add3A_178 = arith.addi %add3A_108, %add3A_177 : vector<16xi32>
          %and3A_179 = arith.constant 31 : i32
          %and3A_180 = vector.broadcast %and3A_179 : i32 to vector<16xi32>
          %and3A_181 = arith.andi %add3A_178, %and3A_180 : vector<16xi32>
          %gather3A = tpu.vector_load_idx %arg5[%and3A_181, %add3A_108] : memref<32x128xf32, #tpu.memory_space<vmem>>[vector<16xi32>, vector<16xi32>], vector<16xf32>,
          %add3A_182 = arith.addi %mul3A_132, %and3A_181 : vector<16xi32>
          tpu.vector_store_idx %arg7[%add3A_182], %gather3A : memref<4096xf32, #tpu.memory_space<vmem>>[vector<16xi32>], vector<16xf32>,
          %add3A_183 = vector.broadcast %mul3A_172 : i32 to vector<16xi32>
          %add3A_184 = arith.addi %add3A_111, %add3A_183 : vector<16xi32>
          %and3A_185 = arith.constant 31 : i32
          %and3A_186 = vector.broadcast %and3A_185 : i32 to vector<16xi32>
          %and3A_187 = arith.andi %add3A_184, %and3A_186 : vector<16xi32>
          %gather3A_188 = tpu.vector_load_idx %arg5[%and3A_187, %add3A_111] : memref<32x128xf32, #tpu.memory_space<vmem>>[vector<16xi32>, vector<16xi32>], vector<16xf32>,
          %add3A_189 = arith.addi %mul3A_135, %and3A_187 : vector<16xi32>
          tpu.vector_store_idx %arg7[%add3A_189], %gather3A_188 : memref<4096xf32, #tpu.memory_space<vmem>>[vector<16xi32>], vector<16xf32>,
          %add3A_190 = vector.broadcast %mul3A_172 : i32 to vector<16xi32>
          %add3A_191 = arith.addi %add3A_114, %add3A_190 : vector<16xi32>
          %and3A_192 = arith.constant 31 : i32
          %and3A_193 = vector.broadcast %and3A_192 : i32 to vector<16xi32>
          %and3A_194 = arith.andi %add3A_191, %and3A_193 : vector<16xi32>
          %gather3A_195 = tpu.vector_load_idx %arg5[%and3A_194, %add3A_114] : memref<32x128xf32, #tpu.memory_space<vmem>>[vector<16xi32>, vector<16xi32>], vector<16xf32>,
          %add3A_196 = arith.addi %mul3A_138, %and3A_194 : vector<16xi32>
          tpu.vector_store_idx %arg7[%add3A_196], %gather3A_195 : memref<4096xf32, #tpu.memory_space<vmem>>[vector<16xi32>], vector<16xf32>,
          %add3A_197 = vector.broadcast %mul3A_172 : i32 to vector<16xi32>
          %add3A_198 = arith.addi %add3A_117, %add3A_197 : vector<16xi32>
          %and3A_199 = arith.constant 31 : i32
          %and3A_200 = vector.broadcast %and3A_199 : i32 to vector<16xi32>
          %and3A_201 = arith.andi %add3A_198, %and3A_200 : vector<16xi32>
          %gather3A_202 = tpu.vector_load_idx %arg5[%and3A_201, %add3A_117] : memref<32x128xf32, #tpu.memory_space<vmem>>[vector<16xi32>, vector<16xi32>], vector<16xf32>,
          %add3A_203 = arith.addi %mul3A_141, %and3A_201 : vector<16xi32>
          tpu.vector_store_idx %arg7[%add3A_203], %gather3A_202 : memref<4096xf32, #tpu.memory_space<vmem>>[vector<16xi32>], vector<16xf32>,
          %add3A_204 = vector.broadcast %mul3A_172 : i32 to vector<16xi32>
          %add3A_205 = arith.addi %add3A_120, %add3A_204 : vector<16xi32>
          %and3A_206 = arith.constant 31 : i32
          %and3A_207 = vector.broadcast %and3A_206 : i32 to vector<16xi32>
          %and3A_208 = arith.andi %add3A_205, %and3A_207 : vector<16xi32>
          %gather3A_209 = tpu.vector_load_idx %arg5[%and3A_208, %add3A_120] : memref<32x128xf32, #tpu.memory_space<vmem>>[vector<16xi32>, vector<16xi32>], vector<16xf32>,
          %add3A_210 = arith.addi %mul3A_144, %and3A_208 : vector<16xi32>
          tpu.vector_store_idx %arg7[%add3A_210], %gather3A_209 : memref<4096xf32, #tpu.memory_space<vmem>>[vector<16xi32>], vector<16xf32>,
          %add3A_211 = vector.broadcast %mul3A_172 : i32 to vector<16xi32>
          %add3A_212 = arith.addi %add3A_123, %add3A_211 : vector<16xi32>
          %and3A_213 = arith.constant 31 : i32
          %and3A_214 = vector.broadcast %and3A_213 : i32 to vector<16xi32>
          %and3A_215 = arith.andi %add3A_212, %and3A_214 : vector<16xi32>
          %gather3A_216 = tpu.vector_load_idx %arg5[%and3A_215, %add3A_123] : memref<32x128xf32, #tpu.memory_space<vmem>>[vector<16xi32>, vector<16xi32>], vector<16xf32>,
          %add3A_217 = arith.addi %mul3A_147, %and3A_215 : vector<16xi32>
          tpu.vector_store_idx %arg7[%add3A_217], %gather3A_216 : memref<4096xf32, #tpu.memory_space<vmem>>[vector<16xi32>], vector<16xf32>,
          %add3A_218 = vector.broadcast %mul3A_172 : i32 to vector<16xi32>
          %add3A_219 = arith.addi %add3A_126, %add3A_218 : vector<16xi32>
          %and3A_220 = arith.constant 31 : i32
          %and3A_221 = vector.broadcast %and3A_220 : i32 to vector<16xi32>
          %and3A_222 = arith.andi %add3A_219, %and3A_221 : vector<16xi32>
          %gather3A_223 = tpu.vector_load_idx %arg5[%and3A_222, %add3A_126] : memref<32x128xf32, #tpu.memory_space<vmem>>[vector<16xi32>, vector<16xi32>], vector<16xf32>,
          %add3A_224 = arith.addi %mul3A_150, %and3A_222 : vector<16xi32>
          tpu.vector_store_idx %arg7[%add3A_224], %gather3A_223 : memref<4096xf32, #tpu.memory_space<vmem>>[vector<16xi32>], vector<16xf32>,
          %add3A_225 = vector.broadcast %mul3A_172 : i32 to vector<16xi32>
          %add3A_226 = arith.addi %add3A_129, %add3A_225 : vector<16xi32>
          %and3A_227 = arith.constant 31 : i32
          %and3A_228 = vector.broadcast %and3A_227 : i32 to vector<16xi32>
          %and3A_229 = arith.andi %add3A_226, %and3A_228 : vector<16xi32>
          %gather3A_230 = tpu.vector_load_idx %arg5[%and3A_229, %add3A_129] : memref<32x128xf32, #tpu.memory_space<vmem>>[vector<16xi32>, vector<16xi32>], vector<16xf32>,
          %add3A_231 = arith.addi %mul3A_153, %and3A_229 : vector<16xi32>
          tpu.vector_store_idx %arg7[%add3A_231], %gather3A_230 : memref<4096xf32, #tpu.memory_space<vmem>>[vector<16xi32>], vector<16xf32>,
          %add3A_232 = vector.broadcast %add3A_176 : i32 to vector<16xi32>
          %add3A_233 = arith.addi %add3A_108, %add3A_232 : vector<16xi32>
          %and3A_234 = arith.constant 31 : i32
          %and3A_235 = vector.broadcast %and3A_234 : i32 to vector<16xi32>
          %and3A_236 = arith.andi %add3A_233, %and3A_235 : vector<16xi32>
          %gather3A_237 = tpu.vector_load_idx %arg5[%and3A_236, %add3A_108] : memref<32x128xf32, #tpu.memory_space<vmem>>[vector<16xi32>, vector<16xi32>], vector<16xf32>,
          %add3A_238 = arith.addi %mul3A_132, %and3A_236 : vector<16xi32>
          tpu.vector_store_idx %arg7[%add3A_238], %gather3A_237 : memref<4096xf32, #tpu.memory_space<vmem>>[vector<16xi32>], vector<16xf32>,
          %add3A_239 = vector.broadcast %add3A_176 : i32 to vector<16xi32>
          %add3A_240 = arith.addi %add3A_111, %add3A_239 : vector<16xi32>
          %and3A_241 = arith.constant 31 : i32
          %and3A_242 = vector.broadcast %and3A_241 : i32 to vector<16xi32>
          %and3A_243 = arith.andi %add3A_240, %and3A_242 : vector<16xi32>
          %gather3A_244 = tpu.vector_load_idx %arg5[%and3A_243, %add3A_111] : memref<32x128xf32, #tpu.memory_space<vmem>>[vector<16xi32>, vector<16xi32>], vector<16xf32>,
          %add3A_245 = arith.addi %mul3A_135, %and3A_243 : vector<16xi32>
          tpu.vector_store_idx %arg7[%add3A_245], %gather3A_244 : memref<4096xf32, #tpu.memory_space<vmem>>[vector<16xi32>], vector<16xf32>,
          %add3A_246 = vector.broadcast %add3A_176 : i32 to vector<16xi32>
          %add3A_247 = arith.addi %add3A_114, %add3A_246 : vector<16xi32>
          %and3A_248 = arith.constant 31 : i32
          %and3A_249 = vector.broadcast %and3A_248 : i32 to vector<16xi32>
          %and3A_250 = arith.andi %add3A_247, %and3A_249 : vector<16xi32>
          %gather3A_251 = tpu.vector_load_idx %arg5[%and3A_250, %add3A_114] : memref<32x128xf32, #tpu.memory_space<vmem>>[vector<16xi32>, vector<16xi32>], vector<16xf32>,
          %add3A_252 = arith.addi %mul3A_138, %and3A_250 : vector<16xi32>
          tpu.vector_store_idx %arg7[%add3A_252], %gather3A_251 : memref<4096xf32, #tpu.memory_space<vmem>>[vector<16xi32>], vector<16xf32>,
          %add3A_253 = vector.broadcast %add3A_176 : i32 to vector<16xi32>
          %add3A_254 = arith.addi %add3A_117, %add3A_253 : vector<16xi32>
          %and3A_255 = arith.constant 31 : i32
          %and3A_256 = vector.broadcast %and3A_255 : i32 to vector<16xi32>
          %and3A_257 = arith.andi %add3A_254, %and3A_256 : vector<16xi32>
          %gather3A_258 = tpu.vector_load_idx %arg5[%and3A_257, %add3A_117] : memref<32x128xf32, #tpu.memory_space<vmem>>[vector<16xi32>, vector<16xi32>], vector<16xf32>,
          %add3A_259 = arith.addi %mul3A_141, %and3A_257 : vector<16xi32>
          tpu.vector_store_idx %arg7[%add3A_259], %gather3A_258 : memref<4096xf32, #tpu.memory_space<vmem>>[vector<16xi32>], vector<16xf32>,
          %add3A_260 = vector.broadcast %add3A_176 : i32 to vector<16xi32>
          %add3A_261 = arith.addi %add3A_120, %add3A_260 : vector<16xi32>
          %and3A_262 = arith.constant 31 : i32
          %and3A_263 = vector.broadcast %and3A_262 : i32 to vector<16xi32>
          %and3A_264 = arith.andi %add3A_261, %and3A_263 : vector<16xi32>
          %gather3A_265 = tpu.vector_load_idx %arg5[%and3A_264, %add3A_120] : memref<32x128xf32, #tpu.memory_space<vmem>>[vector<16xi32>, vector<16xi32>], vector<16xf32>,
          %add3A_266 = arith.addi %mul3A_144, %and3A_264 : vector<16xi32>
          tpu.vector_store_idx %arg7[%add3A_266], %gather3A_265 : memref<4096xf32, #tpu.memory_space<vmem>>[vector<16xi32>], vector<16xf32>,
          %add3A_267 = vector.broadcast %add3A_176 : i32 to vector<16xi32>
          %add3A_268 = arith.addi %add3A_123, %add3A_267 : vector<16xi32>
          %and3A_269 = arith.constant 31 : i32
          %and3A_270 = vector.broadcast %and3A_269 : i32 to vector<16xi32>
          %and3A_271 = arith.andi %add3A_268, %and3A_270 : vector<16xi32>
          %gather3A_272 = tpu.vector_load_idx %arg5[%and3A_271, %add3A_123] : memref<32x128xf32, #tpu.memory_space<vmem>>[vector<16xi32>, vector<16xi32>], vector<16xf32>,
          %add3A_273 = arith.addi %mul3A_147, %and3A_271 : vector<16xi32>
          tpu.vector_store_idx %arg7[%add3A_273], %gather3A_272 : memref<4096xf32, #tpu.memory_space<vmem>>[vector<16xi32>], vector<16xf32>,
          %add3A_274 = vector.broadcast %add3A_176 : i32 to vector<16xi32>
          %add3A_275 = arith.addi %add3A_126, %add3A_274 : vector<16xi32>
          %and3A_276 = arith.constant 31 : i32
          %and3A_277 = vector.broadcast %and3A_276 : i32 to vector<16xi32>
          %and3A_278 = arith.andi %add3A_275, %and3A_277 : vector<16xi32>
          %gather3A_279 = tpu.vector_load_idx %arg5[%and3A_278, %add3A_126] : memref<32x128xf32, #tpu.memory_space<vmem>>[vector<16xi32>, vector<16xi32>], vector<16xf32>,
          %add3A_280 = arith.addi %mul3A_150, %and3A_278 : vector<16xi32>
          tpu.vector_store_idx %arg7[%add3A_280], %gather3A_279 : memref<4096xf32, #tpu.memory_space<vmem>>[vector<16xi32>], vector<16xf32>,
          %add3A_281 = vector.broadcast %add3A_176 : i32 to vector<16xi32>
          %add3A_282 = arith.addi %add3A_129, %add3A_281 : vector<16xi32>
          %and3A_283 = arith.constant 31 : i32
          %and3A_284 = vector.broadcast %and3A_283 : i32 to vector<16xi32>
          %and3A_285 = arith.andi %add3A_282, %and3A_284 : vector<16xi32>
          %gather3A_286 = tpu.vector_load_idx %arg5[%and3A_285, %add3A_129] : memref<32x128xf32, #tpu.memory_space<vmem>>[vector<16xi32>, vector<16xi32>], vector<16xf32>,
          %add3A_287 = arith.addi %mul3A_153, %and3A_285 : vector<16xi32>
          tpu.vector_store_idx %arg7[%add3A_287], %gather3A_286 : memref<4096xf32, #tpu.memory_space<vmem>>[vector<16xi32>], vector<16xf32>,
        }
        %scan3A_158 = arith.constant 16 : i32
        %mul3A_159 = arith.constant 4096 : i32
        %mul3A_160 = arith.muli %mul3A_159, %add3A_95 : i32
        %multiple_of3A_161 = tpu.assume_multiple %mul3A_160, 4096 : i32
        %dma_start3A_162 = tpu.memref_slice %arg3[%multiple_of3A_161] : memref<32002048xf32, #tpu.memory_space<hbm>> -> memref<4096xf32, #tpu.memory_space<hbm>>
        %dma_start3A_163 = tpu.memref_slice %arg3[%multiple_of3A_161] : memref<32002048xf32, #tpu.memory_space<hbm>> -> memref<4096xf32, #tpu.memory_space<hbm>>
        tpu.enqueue_dma source(%arg7 : memref<4096xf32, #tpu.memory_space<vmem>>) target(%dma_start3A_163 : memref<4096xf32, #tpu.memory_space<hbm>>) target_semaphore(%arg11 : memref<!tpu.dma_semaphore, #tpu.memory_space<semaphore_mem>>)
        %add3A_164 = arith.constant 2 : i32
        %add3A_165 = arith.addi %add3A_88, %add3A_164 : i32
        %lt3A_166 = arith.cmpi slt, %add3A_165, %select_n3A : i32
        %convert_element_type3A_167 = arith.extui %lt3A_166 : i1 to i32
        %cond3A_168 = arith.constant 0 : i32
        %cond3A_169 = arith.cmpi ne, %convert_element_type3A_167, %cond3A_168 : i32
        scf.if %cond3A_169 {
          %add3A_170 = arith.constant 64 : i32
          %add3A_171 = arith.addi %add3A_95, %add3A_170 : i32
          %mul3A_172 = arith.constant 128 : i32
          %mul3A_173 = arith.muli %mul3A_172, %add3A_171 : i32
          %multiple_of3A_174 = tpu.assume_multiple %mul3A_173, 128 : i32
          %dma_start3A_175 = arith.constant 0 : i32
          %dma_start3A_176 = tpu.memref_slice %arg2[%dma_start3A_175, %multiple_of3A_174] : memref<32x1000000xf32, #tpu.memory_space<hbm>> -> memref<32x128xf32, #tpu.memory_space<hbm>>
          %dma_start3A_177 = arith.constant 0 : i32
          %dma_start3A_178 = tpu.memref_slice %arg2[%dma_start3A_177, %multiple_of3A_174] : memref<32x1000000xf32, #tpu.memory_space<hbm>> -> memref<32x128xf32, #tpu.memory_space<hbm>>
          tpu.enqueue_dma source(%dma_start3A_178 : memref<32x128xf32, #tpu.memory_space<hbm>>) target(%arg5 : memref<32x128xf32, #tpu.memory_space<vmem>>) target_semaphore(%arg9 : memref<!tpu.dma_semaphore, #tpu.memory_space<semaphore_mem>>)
        } else {
        }
      } else {
      }
    }
    %while3A_71 = arith.constant 1 : i32
    scf.for %while3A_79 = %while3A_69 to %while3A_65 step %while3A_71  : i32 {
      %mul3A_80 = arith.constant 2 : i32
      %mul3A_81 = arith.muli %mul3A_80, %while3A_79 : i32
      %add3A_82 = arith.constant 0 : i32
      %add3A_83 = arith.addi %mul3A_81, %add3A_82 : i32
      %lt3A = arith.cmpi slt, %add3A_83, %select_n3A : i32
      %convert_element_type3A = arith.extui %lt3A : i1 to i32
      %cond3A = arith.constant 0 : i32
      %cond3A_84 = arith.cmpi ne, %convert_element_type3A, %cond3A : i32
      scf.if %cond3A_84 {
        %mul3A_93 = arith.constant 32 : i32
        %mul3A_94 = arith.muli %mul3A_93, %add3A_83 : i32
        %add3A_95 = arith.addi %add3A, %mul3A_94 : i32
        %dma_wait3A_96 = arith.constant 0 : i32
        %dma_wait3A_97 = arith.constant 0 : i32
        %dma_wait3A_98 = tpu.memref_slice %arg2[%dma_wait3A_96, %dma_wait3A_97] : memref<32x1000000xf32, #tpu.memory_space<hbm>> -> memref<32x128xf32, #tpu.memory_space<hbm>>
        %dma_wait3A_99 = arith.constant 0 : i32
        %dma_wait3A_100 = arith.constant 0 : i32
        %dma_wait3A_101 = tpu.memref_slice %arg2[%dma_wait3A_99, %dma_wait3A_100] : memref<32x1000000xf32, #tpu.memory_space<hbm>> -> memref<32x128xf32, #tpu.memory_space<hbm>>
        tpu.wait_dma2 semaphore(%arg8 : memref<!tpu.dma_semaphore, #tpu.memory_space<semaphore_mem>>) src(%dma_wait3A_101 : memref<32x128xf32, #tpu.memory_space<hbm>>) dst(%arg4 : memref<32x128xf32, #tpu.memory_space<vmem>>)
        %ge3A = arith.constant 2 : i32
        %ge3A_102 = arith.cmpi sge, %add3A_83, %ge3A : i32
        %convert_element_type3A_103 = arith.extui %ge3A_102 : i1 to i32
        %cond3A_104 = arith.constant 0 : i32
        %cond3A_105 = arith.cmpi ne, %convert_element_type3A_103, %cond3A_104 : i32
        scf.if %cond3A_105 {
          %dma_wait3A_170 = arith.constant 0 : i32
          %dma_wait3A_171 = tpu.memref_slice %arg3[%dma_wait3A_170] : memref<32002048xf32, #tpu.memory_space<hbm>> -> memref<4096xf32, #tpu.memory_space<hbm>>
          %dma_wait3A_172 = arith.constant 0 : i32
          %dma_wait3A_173 = tpu.memref_slice %arg3[%dma_wait3A_172] : memref<32002048xf32, #tpu.memory_space<hbm>> -> memref<4096xf32, #tpu.memory_space<hbm>>
          tpu.wait_dma2 semaphore(%arg10 : memref<!tpu.dma_semaphore, #tpu.memory_space<semaphore_mem>>) src(%arg6 : memref<4096xf32, #tpu.memory_space<vmem>>) dst(%dma_wait3A_173 : memref<4096xf32, #tpu.memory_space<hbm>>)
        } else {
        }
        %add3A_106 = arith.constant 0 : i32
        %add3A_107 = vector.broadcast %add3A_106 : i32 to vector<16xi32>
        %add3A_108 = arith.addi %iota3A, %add3A_107 : vector<16xi32>
        %add3A_109 = arith.constant 16 : i32
        %add3A_110 = vector.broadcast %add3A_109 : i32 to vector<16xi32>
        %add3A_111 = arith.addi %iota3A, %add3A_110 : vector<16xi32>
        %add3A_112 = arith.constant 32 : i32
        %add3A_113 = vector.broadcast %add3A_112 : i32 to vector<16xi32>
        %add3A_114 = arith.addi %iota3A, %add3A_113 : vector<16xi32>
        %add3A_115 = arith.constant 48 : i32
        %add3A_116 = vector.broadcast %add3A_115 : i32 to vector<16xi32>
        %add3A_117 = arith.addi %iota3A, %add3A_116 : vector<16xi32>
        %add3A_118 = arith.constant 64 : i32
        %add3A_119 = vector.broadcast %add3A_118 : i32 to vector<16xi32>
        %add3A_120 = arith.addi %iota3A, %add3A_119 : vector<16xi32>
        %add3A_121 = arith.constant 80 : i32
        %add3A_122 = vector.broadcast %add3A_121 : i32 to vector<16xi32>
        %add3A_123 = arith.addi %iota3A, %add3A_122 : vector<16xi32>
        %add3A_124 = arith.constant 96 : i32
        %add3A_125 = vector.broadcast %add3A_124 : i32 to vector<16xi32>
        %add3A_126 = arith.addi %iota3A, %add3A_125 : vector<16xi32>
        %add3A_127 = arith.constant 112 : i32
        %add3A_128 = vector.broadcast %add3A_127 : i32 to vector<16xi32>
        %add3A_129 = arith.addi %iota3A, %add3A_128 : vector<16xi32>
        %mul3A_130 = arith.constant 32 : i32
        %mul3A_131 = vector.broadcast %mul3A_130 : i32 to vector<16xi32>
        %mul3A_132 = arith.muli %add3A_108, %mul3A_131 : vector<16xi32>
        %mul3A_133 = arith.constant 32 : i32
        %mul3A_134 = vector.broadcast %mul3A_133 : i32 to vector<16xi32>
        %mul3A_135 = arith.muli %add3A_111, %mul3A_134 : vector<16xi32>
        %mul3A_136 = arith.constant 32 : i32
        %mul3A_137 = vector.broadcast %mul3A_136 : i32 to vector<16xi32>
        %mul3A_138 = arith.muli %add3A_114, %mul3A_137 : vector<16xi32>
        %mul3A_139 = arith.constant 32 : i32
        %mul3A_140 = vector.broadcast %mul3A_139 : i32 to vector<16xi32>
        %mul3A_141 = arith.muli %add3A_117, %mul3A_140 : vector<16xi32>
        %mul3A_142 = arith.constant 32 : i32
        %mul3A_143 = vector.broadcast %mul3A_142 : i32 to vector<16xi32>
        %mul3A_144 = arith.muli %add3A_120, %mul3A_143 : vector<16xi32>
        %mul3A_145 = arith.constant 32 : i32
        %mul3A_146 = vector.broadcast %mul3A_145 : i32 to vector<16xi32>
        %mul3A_147 = arith.muli %add3A_123, %mul3A_146 : vector<16xi32>
        %mul3A_148 = arith.constant 32 : i32
        %mul3A_149 = vector.broadcast %mul3A_148 : i32 to vector<16xi32>
        %mul3A_150 = arith.muli %add3A_126, %mul3A_149 : vector<16xi32>
        %mul3A_151 = arith.constant 32 : i32
        %mul3A_152 = vector.broadcast %mul3A_151 : i32 to vector<16xi32>
        %mul3A_153 = arith.muli %add3A_129, %mul3A_152 : vector<16xi32>
        %scan3A = arith.constant 0 : i32
        %scan3A_154 = arith.constant 0 : i32
        %scan3A_155 = arith.constant 16 : i32
        %scan3A_156 = arith.addi %scan3A_154, %scan3A_155 : i32
        %scan3A_157 = arith.constant 1 : i32
        scf.for %scan3A_170 = %scan3A_154 to %scan3A_156 step %scan3A_157  : i32 {
          %mul3A_171 = arith.constant 2 : i32
          %mul3A_172 = arith.muli %mul3A_171, %scan3A_170 : i32
          %mul3A_173 = arith.constant 2 : i32
          %mul3A_174 = arith.muli %mul3A_173, %scan3A_170 : i32
          %add3A_175 = arith.constant 1 : i32
          %add3A_176 = arith.addi %mul3A_174, %add3A_175 : i32
          %add3A_177 = vector.broadcast %mul3A_172 : i32 to vector<16xi32>
          %add3A_178 = arith.addi %add3A_108, %add3A_177 : vector<16xi32>
          %and3A_179 = arith.constant 31 : i32
          %and3A_180 = vector.broadcast %and3A_179 : i32 to vector<16xi32>
          %and3A_181 = arith.andi %add3A_178, %and3A_180 : vector<16xi32>
          %gather3A = tpu.vector_load_idx %arg4[%and3A_181, %add3A_108] : memref<32x128xf32, #tpu.memory_space<vmem>>[vector<16xi32>, vector<16xi32>], vector<16xf32>,
          %add3A_182 = arith.addi %mul3A_132, %and3A_181 : vector<16xi32>
          tpu.vector_store_idx %arg6[%add3A_182], %gather3A : memref<4096xf32, #tpu.memory_space<vmem>>[vector<16xi32>], vector<16xf32>,
          %add3A_183 = vector.broadcast %mul3A_172 : i32 to vector<16xi32>
          %add3A_184 = arith.addi %add3A_111, %add3A_183 : vector<16xi32>
          %and3A_185 = arith.constant 31 : i32
          %and3A_186 = vector.broadcast %and3A_185 : i32 to vector<16xi32>
          %and3A_187 = arith.andi %add3A_184, %and3A_186 : vector<16xi32>
          %gather3A_188 = tpu.vector_load_idx %arg4[%and3A_187, %add3A_111] : memref<32x128xf32, #tpu.memory_space<vmem>>[vector<16xi32>, vector<16xi32>], vector<16xf32>,
          %add3A_189 = arith.addi %mul3A_135, %and3A_187 : vector<16xi32>
          tpu.vector_store_idx %arg6[%add3A_189], %gather3A_188 : memref<4096xf32, #tpu.memory_space<vmem>>[vector<16xi32>], vector<16xf32>,
          %add3A_190 = vector.broadcast %mul3A_172 : i32 to vector<16xi32>
          %add3A_191 = arith.addi %add3A_114, %add3A_190 : vector<16xi32>
          %and3A_192 = arith.constant 31 : i32
          %and3A_193 = vector.broadcast %and3A_192 : i32 to vector<16xi32>
          %and3A_194 = arith.andi %add3A_191, %and3A_193 : vector<16xi32>
          %gather3A_195 = tpu.vector_load_idx %arg4[%and3A_194, %add3A_114] : memref<32x128xf32, #tpu.memory_space<vmem>>[vector<16xi32>, vector<16xi32>], vector<16xf32>,
          %add3A_196 = arith.addi %mul3A_138, %and3A_194 : vector<16xi32>
          tpu.vector_store_idx %arg6[%add3A_196], %gather3A_195 : memref<4096xf32, #tpu.memory_space<vmem>>[vector<16xi32>], vector<16xf32>,
          %add3A_197 = vector.broadcast %mul3A_172 : i32 to vector<16xi32>
          %add3A_198 = arith.addi %add3A_117, %add3A_197 : vector<16xi32>
          %and3A_199 = arith.constant 31 : i32
          %and3A_200 = vector.broadcast %and3A_199 : i32 to vector<16xi32>
          %and3A_201 = arith.andi %add3A_198, %and3A_200 : vector<16xi32>
          %gather3A_202 = tpu.vector_load_idx %arg4[%and3A_201, %add3A_117] : memref<32x128xf32, #tpu.memory_space<vmem>>[vector<16xi32>, vector<16xi32>], vector<16xf32>,
          %add3A_203 = arith.addi %mul3A_141, %and3A_201 : vector<16xi32>
          tpu.vector_store_idx %arg6[%add3A_203], %gather3A_202 : memref<4096xf32, #tpu.memory_space<vmem>>[vector<16xi32>], vector<16xf32>,
          %add3A_204 = vector.broadcast %mul3A_172 : i32 to vector<16xi32>
          %add3A_205 = arith.addi %add3A_120, %add3A_204 : vector<16xi32>
          %and3A_206 = arith.constant 31 : i32
          %and3A_207 = vector.broadcast %and3A_206 : i32 to vector<16xi32>
          %and3A_208 = arith.andi %add3A_205, %and3A_207 : vector<16xi32>
          %gather3A_209 = tpu.vector_load_idx %arg4[%and3A_208, %add3A_120] : memref<32x128xf32, #tpu.memory_space<vmem>>[vector<16xi32>, vector<16xi32>], vector<16xf32>,
          %add3A_210 = arith.addi %mul3A_144, %and3A_208 : vector<16xi32>
          tpu.vector_store_idx %arg6[%add3A_210], %gather3A_209 : memref<4096xf32, #tpu.memory_space<vmem>>[vector<16xi32>], vector<16xf32>,
          %add3A_211 = vector.broadcast %mul3A_172 : i32 to vector<16xi32>
          %add3A_212 = arith.addi %add3A_123, %add3A_211 : vector<16xi32>
          %and3A_213 = arith.constant 31 : i32
          %and3A_214 = vector.broadcast %and3A_213 : i32 to vector<16xi32>
          %and3A_215 = arith.andi %add3A_212, %and3A_214 : vector<16xi32>
          %gather3A_216 = tpu.vector_load_idx %arg4[%and3A_215, %add3A_123] : memref<32x128xf32, #tpu.memory_space<vmem>>[vector<16xi32>, vector<16xi32>], vector<16xf32>,
          %add3A_217 = arith.addi %mul3A_147, %and3A_215 : vector<16xi32>
          tpu.vector_store_idx %arg6[%add3A_217], %gather3A_216 : memref<4096xf32, #tpu.memory_space<vmem>>[vector<16xi32>], vector<16xf32>,
          %add3A_218 = vector.broadcast %mul3A_172 : i32 to vector<16xi32>
          %add3A_219 = arith.addi %add3A_126, %add3A_218 : vector<16xi32>
          %and3A_220 = arith.constant 31 : i32
          %and3A_221 = vector.broadcast %and3A_220 : i32 to vector<16xi32>
          %and3A_222 = arith.andi %add3A_219, %and3A_221 : vector<16xi32>
          %gather3A_223 = tpu.vector_load_idx %arg4[%and3A_222, %add3A_126] : memref<32x128xf32, #tpu.memory_space<vmem>>[vector<16xi32>, vector<16xi32>], vector<16xf32>,
          %add3A_224 = arith.addi %mul3A_150, %and3A_222 : vector<16xi32>
          tpu.vector_store_idx %arg6[%add3A_224], %gather3A_223 : memref<4096xf32, #tpu.memory_space<vmem>>[vector<16xi32>], vector<16xf32>,
          %add3A_225 = vector.broadcast %mul3A_172 : i32 to vector<16xi32>
          %add3A_226 = arith.addi %add3A_129, %add3A_225 : vector<16xi32>
          %and3A_227 = arith.constant 31 : i32
          %and3A_228 = vector.broadcast %and3A_227 : i32 to vector<16xi32>
          %and3A_229 = arith.andi %add3A_226, %and3A_228 : vector<16xi32>
          %gather3A_230 = tpu.vector_load_idx %arg4[%and3A_229, %add3A_129] : memref<32x128xf32, #tpu.memory_space<vmem>>[vector<16xi32>, vector<16xi32>], vector<16xf32>,
          %add3A_231 = arith.addi %mul3A_153, %and3A_229 : vector<16xi32>
          tpu.vector_store_idx %arg6[%add3A_231], %gather3A_230 : memref<4096xf32, #tpu.memory_space<vmem>>[vector<16xi32>], vector<16xf32>,
          %add3A_232 = vector.broadcast %add3A_176 : i32 to vector<16xi32>
          %add3A_233 = arith.addi %add3A_108, %add3A_232 : vector<16xi32>
          %and3A_234 = arith.constant 31 : i32
          %and3A_235 = vector.broadcast %and3A_234 : i32 to vector<16xi32>
          %and3A_236 = arith.andi %add3A_233, %and3A_235 : vector<16xi32>
          %gather3A_237 = tpu.vector_load_idx %arg4[%and3A_236, %add3A_108] : memref<32x128xf32, #tpu.memory_space<vmem>>[vector<16xi32>, vector<16xi32>], vector<16xf32>,
          %add3A_238 = arith.addi %mul3A_132, %and3A_236 : vector<16xi32>
          tpu.vector_store_idx %arg6[%add3A_238], %gather3A_237 : memref<4096xf32, #tpu.memory_space<vmem>>[vector<16xi32>], vector<16xf32>,
          %add3A_239 = vector.broadcast %add3A_176 : i32 to vector<16xi32>
          %add3A_240 = arith.addi %add3A_111, %add3A_239 : vector<16xi32>
          %and3A_241 = arith.constant 31 : i32
          %and3A_242 = vector.broadcast %and3A_241 : i32 to vector<16xi32>
          %and3A_243 = arith.andi %add3A_240, %and3A_242 : vector<16xi32>
          %gather3A_244 = tpu.vector_load_idx %arg4[%and3A_243, %add3A_111] : memref<32x128xf32, #tpu.memory_space<vmem>>[vector<16xi32>, vector<16xi32>], vector<16xf32>,
          %add3A_245 = arith.addi %mul3A_135, %and3A_243 : vector<16xi32>
          tpu.vector_store_idx %arg6[%add3A_245], %gather3A_244 : memref<4096xf32, #tpu.memory_space<vmem>>[vector<16xi32>], vector<16xf32>,
          %add3A_246 = vector.broadcast %add3A_176 : i32 to vector<16xi32>
          %add3A_247 = arith.addi %add3A_114, %add3A_246 : vector<16xi32>
          %and3A_248 = arith.constant 31 : i32
          %and3A_249 = vector.broadcast %and3A_248 : i32 to vector<16xi32>
          %and3A_250 = arith.andi %add3A_247, %and3A_249 : vector<16xi32>
          %gather3A_251 = tpu.vector_load_idx %arg4[%and3A_250, %add3A_114] : memref<32x128xf32, #tpu.memory_space<vmem>>[vector<16xi32>, vector<16xi32>], vector<16xf32>,
          %add3A_252 = arith.addi %mul3A_138, %and3A_250 : vector<16xi32>
          tpu.vector_store_idx %arg6[%add3A_252], %gather3A_251 : memref<4096xf32, #tpu.memory_space<vmem>>[vector<16xi32>], vector<16xf32>,
          %add3A_253 = vector.broadcast %add3A_176 : i32 to vector<16xi32>
          %add3A_254 = arith.addi %add3A_117, %add3A_253 : vector<16xi32>
          %and3A_255 = arith.constant 31 : i32
          %and3A_256 = vector.broadcast %and3A_255 : i32 to vector<16xi32>
          %and3A_257 = arith.andi %add3A_254, %and3A_256 : vector<16xi32>
          %gather3A_258 = tpu.vector_load_idx %arg4[%and3A_257, %add3A_117] : memref<32x128xf32, #tpu.memory_space<vmem>>[vector<16xi32>, vector<16xi32>], vector<16xf32>,
          %add3A_259 = arith.addi %mul3A_141, %and3A_257 : vector<16xi32>
          tpu.vector_store_idx %arg6[%add3A_259], %gather3A_258 : memref<4096xf32, #tpu.memory_space<vmem>>[vector<16xi32>], vector<16xf32>,
          %add3A_260 = vector.broadcast %add3A_176 : i32 to vector<16xi32>
          %add3A_261 = arith.addi %add3A_120, %add3A_260 : vector<16xi32>
          %and3A_262 = arith.constant 31 : i32
          %and3A_263 = vector.broadcast %and3A_262 : i32 to vector<16xi32>
          %and3A_264 = arith.andi %add3A_261, %and3A_263 : vector<16xi32>
          %gather3A_265 = tpu.vector_load_idx %arg4[%and3A_264, %add3A_120] : memref<32x128xf32, #tpu.memory_space<vmem>>[vector<16xi32>, vector<16xi32>], vector<16xf32>,
          %add3A_266 = arith.addi %mul3A_144, %and3A_264 : vector<16xi32>
          tpu.vector_store_idx %arg6[%add3A_266], %gather3A_265 : memref<4096xf32, #tpu.memory_space<vmem>>[vector<16xi32>], vector<16xf32>,
          %add3A_267 = vector.broadcast %add3A_176 : i32 to vector<16xi32>
          %add3A_268 = arith.addi %add3A_123, %add3A_267 : vector<16xi32>
          %and3A_269 = arith.constant 31 : i32
          %and3A_270 = vector.broadcast %and3A_269 : i32 to vector<16xi32>
          %and3A_271 = arith.andi %add3A_268, %and3A_270 : vector<16xi32>
          %gather3A_272 = tpu.vector_load_idx %arg4[%and3A_271, %add3A_123] : memref<32x128xf32, #tpu.memory_space<vmem>>[vector<16xi32>, vector<16xi32>], vector<16xf32>,
          %add3A_273 = arith.addi %mul3A_147, %and3A_271 : vector<16xi32>
          tpu.vector_store_idx %arg6[%add3A_273], %gather3A_272 : memref<4096xf32, #tpu.memory_space<vmem>>[vector<16xi32>], vector<16xf32>,
          %add3A_274 = vector.broadcast %add3A_176 : i32 to vector<16xi32>
          %add3A_275 = arith.addi %add3A_126, %add3A_274 : vector<16xi32>
          %and3A_276 = arith.constant 31 : i32
          %and3A_277 = vector.broadcast %and3A_276 : i32 to vector<16xi32>
          %and3A_278 = arith.andi %add3A_275, %and3A_277 : vector<16xi32>
          %gather3A_279 = tpu.vector_load_idx %arg4[%and3A_278, %add3A_126] : memref<32x128xf32, #tpu.memory_space<vmem>>[vector<16xi32>, vector<16xi32>], vector<16xf32>,
          %add3A_280 = arith.addi %mul3A_150, %and3A_278 : vector<16xi32>
          tpu.vector_store_idx %arg6[%add3A_280], %gather3A_279 : memref<4096xf32, #tpu.memory_space<vmem>>[vector<16xi32>], vector<16xf32>,
          %add3A_281 = vector.broadcast %add3A_176 : i32 to vector<16xi32>
          %add3A_282 = arith.addi %add3A_129, %add3A_281 : vector<16xi32>
          %and3A_283 = arith.constant 31 : i32
          %and3A_284 = vector.broadcast %and3A_283 : i32 to vector<16xi32>
          %and3A_285 = arith.andi %add3A_282, %and3A_284 : vector<16xi32>
          %gather3A_286 = tpu.vector_load_idx %arg4[%and3A_285, %add3A_129] : memref<32x128xf32, #tpu.memory_space<vmem>>[vector<16xi32>, vector<16xi32>], vector<16xf32>,
          %add3A_287 = arith.addi %mul3A_153, %and3A_285 : vector<16xi32>
          tpu.vector_store_idx %arg6[%add3A_287], %gather3A_286 : memref<4096xf32, #tpu.memory_space<vmem>>[vector<16xi32>], vector<16xf32>,
        }
        %scan3A_158 = arith.constant 16 : i32
        %mul3A_159 = arith.constant 4096 : i32
        %mul3A_160 = arith.muli %mul3A_159, %add3A_95 : i32
        %multiple_of3A_161 = tpu.assume_multiple %mul3A_160, 4096 : i32
        %dma_start3A_162 = tpu.memref_slice %arg3[%multiple_of3A_161] : memref<32002048xf32, #tpu.memory_space<hbm>> -> memref<4096xf32, #tpu.memory_space<hbm>>
        %dma_start3A_163 = tpu.memref_slice %arg3[%multiple_of3A_161] : memref<32002048xf32, #tpu.memory_space<hbm>> -> memref<4096xf32, #tpu.memory_space<hbm>>
        tpu.enqueue_dma source(%arg6 : memref<4096xf32, #tpu.memory_space<vmem>>) target(%dma_start3A_163 : memref<4096xf32, #tpu.memory_space<hbm>>) target_semaphore(%arg10 : memref<!tpu.dma_semaphore, #tpu.memory_space<semaphore_mem>>)
        %add3A_164 = arith.constant 2 : i32
        %add3A_165 = arith.addi %add3A_83, %add3A_164 : i32
        %lt3A_166 = arith.cmpi slt, %add3A_165, %select_n3A : i32
        %convert_element_type3A_167 = arith.extui %lt3A_166 : i1 to i32
        %cond3A_168 = arith.constant 0 : i32
        %cond3A_169 = arith.cmpi ne, %convert_element_type3A_167, %cond3A_168 : i32
        scf.if %cond3A_169 {
          %add3A_170 = arith.constant 64 : i32
          %add3A_171 = arith.addi %add3A_95, %add3A_170 : i32
          %mul3A_172 = arith.constant 128 : i32
          %mul3A_173 = arith.muli %mul3A_172, %add3A_171 : i32
          %multiple_of3A_174 = tpu.assume_multiple %mul3A_173, 128 : i32
          %dma_start3A_175 = arith.constant 0 : i32
          %dma_start3A_176 = tpu.memref_slice %arg2[%dma_start3A_175, %multiple_of3A_174] : memref<32x1000000xf32, #tpu.memory_space<hbm>> -> memref<32x128xf32, #tpu.memory_space<hbm>>
          %dma_start3A_177 = arith.constant 0 : i32
          %dma_start3A_178 = tpu.memref_slice %arg2[%dma_start3A_177, %multiple_of3A_174] : memref<32x1000000xf32, #tpu.memory_space<hbm>> -> memref<32x128xf32, #tpu.memory_space<hbm>>
          tpu.enqueue_dma source(%dma_start3A_178 : memref<32x128xf32, #tpu.memory_space<hbm>>) target(%arg4 : memref<32x128xf32, #tpu.memory_space<vmem>>) target_semaphore(%arg8 : memref<!tpu.dma_semaphore, #tpu.memory_space<semaphore_mem>>)
        } else {
        }
      } else {
      }
      %mul3A_85 = arith.constant 2 : i32
      %mul3A_86 = arith.muli %mul3A_85, %while3A_79 : i32
      %add3A_87 = arith.constant 1 : i32
      %add3A_88 = arith.addi %mul3A_86, %add3A_87 : i32
      %lt3A_89 = arith.cmpi slt, %add3A_88, %select_n3A : i32
      %convert_element_type3A_90 = arith.extui %lt3A_89 : i1 to i32
      %cond3A_91 = arith.constant 0 : i32
      %cond3A_92 = arith.cmpi ne, %convert_element_type3A_90, %cond3A_91 : i32
      scf.if %cond3A_92 {
        %mul3A_93 = arith.constant 32 : i32
        %mul3A_94 = arith.muli %mul3A_93, %add3A_88 : i32
        %add3A_95 = arith.addi %add3A, %mul3A_94 : i32
        %dma_wait3A_96 = arith.constant 0 : i32
        %dma_wait3A_97 = arith.constant 0 : i32
        %dma_wait3A_98 = tpu.memref_slice %arg2[%dma_wait3A_96, %dma_wait3A_97] : memref<32x1000000xf32, #tpu.memory_space<hbm>> -> memref<32x128xf32, #tpu.memory_space<hbm>>
        %dma_wait3A_99 = arith.constant 0 : i32
        %dma_wait3A_100 = arith.constant 0 : i32
        %dma_wait3A_101 = tpu.memref_slice %arg2[%dma_wait3A_99, %dma_wait3A_100] : memref<32x1000000xf32, #tpu.memory_space<hbm>> -> memref<32x128xf32, #tpu.memory_space<hbm>>
        tpu.wait_dma2 semaphore(%arg9 : memref<!tpu.dma_semaphore, #tpu.memory_space<semaphore_mem>>) src(%dma_wait3A_101 : memref<32x128xf32, #tpu.memory_space<hbm>>) dst(%arg5 : memref<32x128xf32, #tpu.memory_space<vmem>>)
        %ge3A = arith.constant 2 : i32
        %ge3A_102 = arith.cmpi sge, %add3A_88, %ge3A : i32
        %convert_element_type3A_103 = arith.extui %ge3A_102 : i1 to i32
        %cond3A_104 = arith.constant 0 : i32
        %cond3A_105 = arith.cmpi ne, %convert_element_type3A_103, %cond3A_104 : i32
        scf.if %cond3A_105 {
          %dma_wait3A_170 = arith.constant 0 : i32
          %dma_wait3A_171 = tpu.memref_slice %arg3[%dma_wait3A_170] : memref<32002048xf32, #tpu.memory_space<hbm>> -> memref<4096xf32, #tpu.memory_space<hbm>>
          %dma_wait3A_172 = arith.constant 0 : i32
          %dma_wait3A_173 = tpu.memref_slice %arg3[%dma_wait3A_172] : memref<32002048xf32, #tpu.memory_space<hbm>> -> memref<4096xf32, #tpu.memory_space<hbm>>
          tpu.wait_dma2 semaphore(%arg11 : memref<!tpu.dma_semaphore, #tpu.memory_space<semaphore_mem>>) src(%arg7 : memref<4096xf32, #tpu.memory_space<vmem>>) dst(%dma_wait3A_173 : memref<4096xf32, #tpu.memory_space<hbm>>)
        } else {
        }
        %add3A_106 = arith.constant 0 : i32
        %add3A_107 = vector.broadcast %add3A_106 : i32 to vector<16xi32>
        %add3A_108 = arith.addi %iota3A, %add3A_107 : vector<16xi32>
        %add3A_109 = arith.constant 16 : i32
        %add3A_110 = vector.broadcast %add3A_109 : i32 to vector<16xi32>
        %add3A_111 = arith.addi %iota3A, %add3A_110 : vector<16xi32>
        %add3A_112 = arith.constant 32 : i32
        %add3A_113 = vector.broadcast %add3A_112 : i32 to vector<16xi32>
        %add3A_114 = arith.addi %iota3A, %add3A_113 : vector<16xi32>
        %add3A_115 = arith.constant 48 : i32
        %add3A_116 = vector.broadcast %add3A_115 : i32 to vector<16xi32>
        %add3A_117 = arith.addi %iota3A, %add3A_116 : vector<16xi32>
        %add3A_118 = arith.constant 64 : i32
        %add3A_119 = vector.broadcast %add3A_118 : i32 to vector<16xi32>
        %add3A_120 = arith.addi %iota3A, %add3A_119 : vector<16xi32>
        %add3A_121 = arith.constant 80 : i32
        %add3A_122 = vector.broadcast %add3A_121 : i32 to vector<16xi32>
        %add3A_123 = arith.addi %iota3A, %add3A_122 : vector<16xi32>
        %add3A_124 = arith.constant 96 : i32
        %add3A_125 = vector.broadcast %add3A_124 : i32 to vector<16xi32>
        %add3A_126 = arith.addi %iota3A, %add3A_125 : vector<16xi32>
        %add3A_127 = arith.constant 112 : i32
        %add3A_128 = vector.broadcast %add3A_127 : i32 to vector<16xi32>
        %add3A_129 = arith.addi %iota3A, %add3A_128 : vector<16xi32>
        %mul3A_130 = arith.constant 32 : i32
        %mul3A_131 = vector.broadcast %mul3A_130 : i32 to vector<16xi32>
        %mul3A_132 = arith.muli %add3A_108, %mul3A_131 : vector<16xi32>
        %mul3A_133 = arith.constant 32 : i32
        %mul3A_134 = vector.broadcast %mul3A_133 : i32 to vector<16xi32>
        %mul3A_135 = arith.muli %add3A_111, %mul3A_134 : vector<16xi32>
        %mul3A_136 = arith.constant 32 : i32
        %mul3A_137 = vector.broadcast %mul3A_136 : i32 to vector<16xi32>
        %mul3A_138 = arith.muli %add3A_114, %mul3A_137 : vector<16xi32>
        %mul3A_139 = arith.constant 32 : i32
        %mul3A_140 = vector.broadcast %mul3A_139 : i32 to vector<16xi32>
        %mul3A_141 = arith.muli %add3A_117, %mul3A_140 : vector<16xi32>
        %mul3A_142 = arith.constant 32 : i32
        %mul3A_143 = vector.broadcast %mul3A_142 : i32 to vector<16xi32>
        %mul3A_144 = arith.muli %add3A_120, %mul3A_143 : vector<16xi32>
        %mul3A_145 = arith.constant 32 : i32
        %mul3A_146 = vector.broadcast %mul3A_145 : i32 to vector<16xi32>
        %mul3A_147 = arith.muli %add3A_123, %mul3A_146 : vector<16xi32>
        %mul3A_148 = arith.constant 32 : i32
        %mul3A_149 = vector.broadcast %mul3A_148 : i32 to vector<16xi32>
        %mul3A_150 = arith.muli %add3A_126, %mul3A_149 : vector<16xi32>
        %mul3A_151 = arith.constant 32 : i32
        %mul3A_152 = vector.broadcast %mul3A_151 : i32 to vector<16xi32>
        %mul3A_153 = arith.muli %add3A_129, %mul3A_152 : vector<16xi32>
        %scan3A = arith.constant 0 : i32
        %scan3A_154 = arith.constant 0 : i32
        %scan3A_155 = arith.constant 16 : i32
        %scan3A_156 = arith.addi %scan3A_154, %scan3A_155 : i32
        %scan3A_157 = arith.constant 1 : i32
        scf.for %scan3A_170 = %scan3A_154 to %scan3A_156 step %scan3A_157  : i32 {
          %mul3A_171 = arith.constant 2 : i32
          %mul3A_172 = arith.muli %mul3A_171, %scan3A_170 : i32
          %mul3A_173 = arith.constant 2 : i32
          %mul3A_174 = arith.muli %mul3A_173, %scan3A_170 : i32
          %add3A_175 = arith.constant 1 : i32
          %add3A_176 = arith.addi %mul3A_174, %add3A_175 : i32
          %add3A_177 = vector.broadcast %mul3A_172 : i32 to vector<16xi32>
          %add3A_178 = arith.addi %add3A_108, %add3A_177 : vector<16xi32>
          %and3A_179 = arith.constant 31 : i32
          %and3A_180 = vector.broadcast %and3A_179 : i32 to vector<16xi32>
          %and3A_181 = arith.andi %add3A_178, %and3A_180 : vector<16xi32>
          %gather3A = tpu.vector_load_idx %arg5[%and3A_181, %add3A_108] : memref<32x128xf32, #tpu.memory_space<vmem>>[vector<16xi32>, vector<16xi32>], vector<16xf32>,
          %add3A_182 = arith.addi %mul3A_132, %and3A_181 : vector<16xi32>
          tpu.vector_store_idx %arg7[%add3A_182], %gather3A : memref<4096xf32, #tpu.memory_space<vmem>>[vector<16xi32>], vector<16xf32>,
          %add3A_183 = vector.broadcast %mul3A_172 : i32 to vector<16xi32>
          %add3A_184 = arith.addi %add3A_111, %add3A_183 : vector<16xi32>
          %and3A_185 = arith.constant 31 : i32
          %and3A_186 = vector.broadcast %and3A_185 : i32 to vector<16xi32>
          %and3A_187 = arith.andi %add3A_184, %and3A_186 : vector<16xi32>
          %gather3A_188 = tpu.vector_load_idx %arg5[%and3A_187, %add3A_111] : memref<32x128xf32, #tpu.memory_space<vmem>>[vector<16xi32>, vector<16xi32>], vector<16xf32>,
          %add3A_189 = arith.addi %mul3A_135, %and3A_187 : vector<16xi32>
          tpu.vector_store_idx %arg7[%add3A_189], %gather3A_188 : memref<4096xf32, #tpu.memory_space<vmem>>[vector<16xi32>], vector<16xf32>,
          %add3A_190 = vector.broadcast %mul3A_172 : i32 to vector<16xi32>
          %add3A_191 = arith.addi %add3A_114, %add3A_190 : vector<16xi32>
          %and3A_192 = arith.constant 31 : i32
          %and3A_193 = vector.broadcast %and3A_192 : i32 to vector<16xi32>
          %and3A_194 = arith.andi %add3A_191, %and3A_193 : vector<16xi32>
          %gather3A_195 = tpu.vector_load_idx %arg5[%and3A_194, %add3A_114] : memref<32x128xf32, #tpu.memory_space<vmem>>[vector<16xi32>, vector<16xi32>], vector<16xf32>,
          %add3A_196 = arith.addi %mul3A_138, %and3A_194 : vector<16xi32>
          tpu.vector_store_idx %arg7[%add3A_196], %gather3A_195 : memref<4096xf32, #tpu.memory_space<vmem>>[vector<16xi32>], vector<16xf32>,
          %add3A_197 = vector.broadcast %mul3A_172 : i32 to vector<16xi32>
          %add3A_198 = arith.addi %add3A_117, %add3A_197 : vector<16xi32>
          %and3A_199 = arith.constant 31 : i32
          %and3A_200 = vector.broadcast %and3A_199 : i32 to vector<16xi32>
          %and3A_201 = arith.andi %add3A_198, %and3A_200 : vector<16xi32>
          %gather3A_202 = tpu.vector_load_idx %arg5[%and3A_201, %add3A_117] : memref<32x128xf32, #tpu.memory_space<vmem>>[vector<16xi32>, vector<16xi32>], vector<16xf32>,
          %add3A_203 = arith.addi %mul3A_141, %and3A_201 : vector<16xi32>
          tpu.vector_store_idx %arg7[%add3A_203], %gather3A_202 : memref<4096xf32, #tpu.memory_space<vmem>>[vector<16xi32>], vector<16xf32>,
          %add3A_204 = vector.broadcast %mul3A_172 : i32 to vector<16xi32>
          %add3A_205 = arith.addi %add3A_120, %add3A_204 : vector<16xi32>
          %and3A_206 = arith.constant 31 : i32
          %and3A_207 = vector.broadcast %and3A_206 : i32 to vector<16xi32>
          %and3A_208 = arith.andi %add3A_205, %and3A_207 : vector<16xi32>
          %gather3A_209 = tpu.vector_load_idx %arg5[%and3A_208, %add3A_120] : memref<32x128xf32, #tpu.memory_space<vmem>>[vector<16xi32>, vector<16xi32>], vector<16xf32>,
          %add3A_210 = arith.addi %mul3A_144, %and3A_208 : vector<16xi32>
          tpu.vector_store_idx %arg7[%add3A_210], %gather3A_209 : memref<4096xf32, #tpu.memory_space<vmem>>[vector<16xi32>], vector<16xf32>,
          %add3A_211 = vector.broadcast %mul3A_172 : i32 to vector<16xi32>
          %add3A_212 = arith.addi %add3A_123, %add3A_211 : vector<16xi32>
          %and3A_213 = arith.constant 31 : i32
          %and3A_214 = vector.broadcast %and3A_213 : i32 to vector<16xi32>
          %and3A_215 = arith.andi %add3A_212, %and3A_214 : vector<16xi32>
          %gather3A_216 = tpu.vector_load_idx %arg5[%and3A_215, %add3A_123] : memref<32x128xf32, #tpu.memory_space<vmem>>[vector<16xi32>, vector<16xi32>], vector<16xf32>,
          %add3A_217 = arith.addi %mul3A_147, %and3A_215 : vector<16xi32>
          tpu.vector_store_idx %arg7[%add3A_217], %gather3A_216 : memref<4096xf32, #tpu.memory_space<vmem>>[vector<16xi32>], vector<16xf32>,
          %add3A_218 = vector.broadcast %mul3A_172 : i32 to vector<16xi32>
          %add3A_219 = arith.addi %add3A_126, %add3A_218 : vector<16xi32>
          %and3A_220 = arith.constant 31 : i32
          %and3A_221 = vector.broadcast %and3A_220 : i32 to vector<16xi32>
          %and3A_222 = arith.andi %add3A_219, %and3A_221 : vector<16xi32>
          %gather3A_223 = tpu.vector_load_idx %arg5[%and3A_222, %add3A_126] : memref<32x128xf32, #tpu.memory_space<vmem>>[vector<16xi32>, vector<16xi32>], vector<16xf32>,
          %add3A_224 = arith.addi %mul3A_150, %and3A_222 : vector<16xi32>
          tpu.vector_store_idx %arg7[%add3A_224], %gather3A_223 : memref<4096xf32, #tpu.memory_space<vmem>>[vector<16xi32>], vector<16xf32>,
          %add3A_225 = vector.broadcast %mul3A_172 : i32 to vector<16xi32>
          %add3A_226 = arith.addi %add3A_129, %add3A_225 : vector<16xi32>
          %and3A_227 = arith.constant 31 : i32
          %and3A_228 = vector.broadcast %and3A_227 : i32 to vector<16xi32>
          %and3A_229 = arith.andi %add3A_226, %and3A_228 : vector<16xi32>
          %gather3A_230 = tpu.vector_load_idx %arg5[%and3A_229, %add3A_129] : memref<32x128xf32, #tpu.memory_space<vmem>>[vector<16xi32>, vector<16xi32>], vector<16xf32>,
          %add3A_231 = arith.addi %mul3A_153, %and3A_229 : vector<16xi32>
          tpu.vector_store_idx %arg7[%add3A_231], %gather3A_230 : memref<4096xf32, #tpu.memory_space<vmem>>[vector<16xi32>], vector<16xf32>,
          %add3A_232 = vector.broadcast %add3A_176 : i32 to vector<16xi32>
          %add3A_233 = arith.addi %add3A_108, %add3A_232 : vector<16xi32>
          %and3A_234 = arith.constant 31 : i32
          %and3A_235 = vector.broadcast %and3A_234 : i32 to vector<16xi32>
          %and3A_236 = arith.andi %add3A_233, %and3A_235 : vector<16xi32>
          %gather3A_237 = tpu.vector_load_idx %arg5[%and3A_236, %add3A_108] : memref<32x128xf32, #tpu.memory_space<vmem>>[vector<16xi32>, vector<16xi32>], vector<16xf32>,
          %add3A_238 = arith.addi %mul3A_132, %and3A_236 : vector<16xi32>
          tpu.vector_store_idx %arg7[%add3A_238], %gather3A_237 : memref<4096xf32, #tpu.memory_space<vmem>>[vector<16xi32>], vector<16xf32>,
          %add3A_239 = vector.broadcast %add3A_176 : i32 to vector<16xi32>
          %add3A_240 = arith.addi %add3A_111, %add3A_239 : vector<16xi32>
          %and3A_241 = arith.constant 31 : i32
          %and3A_242 = vector.broadcast %and3A_241 : i32 to vector<16xi32>
          %and3A_243 = arith.andi %add3A_240, %and3A_242 : vector<16xi32>
          %gather3A_244 = tpu.vector_load_idx %arg5[%and3A_243, %add3A_111] : memref<32x128xf32, #tpu.memory_space<vmem>>[vector<16xi32>, vector<16xi32>], vector<16xf32>,
          %add3A_245 = arith.addi %mul3A_135, %and3A_243 : vector<16xi32>
          tpu.vector_store_idx %arg7[%add3A_245], %gather3A_244 : memref<4096xf32, #tpu.memory_space<vmem>>[vector<16xi32>], vector<16xf32>,
          %add3A_246 = vector.broadcast %add3A_176 : i32 to vector<16xi32>
          %add3A_247 = arith.addi %add3A_114, %add3A_246 : vector<16xi32>
          %and3A_248 = arith.constant 31 : i32
          %and3A_249 = vector.broadcast %and3A_248 : i32 to vector<16xi32>
          %and3A_250 = arith.andi %add3A_247, %and3A_249 : vector<16xi32>
          %gather3A_251 = tpu.vector_load_idx %arg5[%and3A_250, %add3A_114] : memref<32x128xf32, #tpu.memory_space<vmem>>[vector<16xi32>, vector<16xi32>], vector<16xf32>,
          %add3A_252 = arith.addi %mul3A_138, %and3A_250 : vector<16xi32>
          tpu.vector_store_idx %arg7[%add3A_252], %gather3A_251 : memref<4096xf32, #tpu.memory_space<vmem>>[vector<16xi32>], vector<16xf32>,
          %add3A_253 = vector.broadcast %add3A_176 : i32 to vector<16xi32>
          %add3A_254 = arith.addi %add3A_117, %add3A_253 : vector<16xi32>
          %and3A_255 = arith.constant 31 : i32
          %and3A_256 = vector.broadcast %and3A_255 : i32 to vector<16xi32>
          %and3A_257 = arith.andi %add3A_254, %and3A_256 : vector<16xi32>
          %gather3A_258 = tpu.vector_load_idx %arg5[%and3A_257, %add3A_117] : memref<32x128xf32, #tpu.memory_space<vmem>>[vector<16xi32>, vector<16xi32>], vector<16xf32>,
          %add3A_259 = arith.addi %mul3A_141, %and3A_257 : vector<16xi32>
          tpu.vector_store_idx %arg7[%add3A_259], %gather3A_258 : memref<4096xf32, #tpu.memory_space<vmem>>[vector<16xi32>], vector<16xf32>,
          %add3A_260 = vector.broadcast %add3A_176 : i32 to vector<16xi32>
          %add3A_261 = arith.addi %add3A_120, %add3A_260 : vector<16xi32>
          %and3A_262 = arith.constant 31 : i32
          %and3A_263 = vector.broadcast %and3A_262 : i32 to vector<16xi32>
          %and3A_264 = arith.andi %add3A_261, %and3A_263 : vector<16xi32>
          %gather3A_265 = tpu.vector_load_idx %arg5[%and3A_264, %add3A_120] : memref<32x128xf32, #tpu.memory_space<vmem>>[vector<16xi32>, vector<16xi32>], vector<16xf32>,
          %add3A_266 = arith.addi %mul3A_144, %and3A_264 : vector<16xi32>
          tpu.vector_store_idx %arg7[%add3A_266], %gather3A_265 : memref<4096xf32, #tpu.memory_space<vmem>>[vector<16xi32>], vector<16xf32>,
          %add3A_267 = vector.broadcast %add3A_176 : i32 to vector<16xi32>
          %add3A_268 = arith.addi %add3A_123, %add3A_267 : vector<16xi32>
          %and3A_269 = arith.constant 31 : i32
          %and3A_270 = vector.broadcast %and3A_269 : i32 to vector<16xi32>
          %and3A_271 = arith.andi %add3A_268, %and3A_270 : vector<16xi32>
          %gather3A_272 = tpu.vector_load_idx %arg5[%and3A_271, %add3A_123] : memref<32x128xf32, #tpu.memory_space<vmem>>[vector<16xi32>, vector<16xi32>], vector<16xf32>,
          %add3A_273 = arith.addi %mul3A_147, %and3A_271 : vector<16xi32>
          tpu.vector_store_idx %arg7[%add3A_273], %gather3A_272 : memref<4096xf32, #tpu.memory_space<vmem>>[vector<16xi32>], vector<16xf32>,
          %add3A_274 = vector.broadcast %add3A_176 : i32 to vector<16xi32>
          %add3A_275 = arith.addi %add3A_126, %add3A_274 : vector<16xi32>
          %and3A_276 = arith.constant 31 : i32
          %and3A_277 = vector.broadcast %and3A_276 : i32 to vector<16xi32>
          %and3A_278 = arith.andi %add3A_275, %and3A_277 : vector<16xi32>
          %gather3A_279 = tpu.vector_load_idx %arg5[%and3A_278, %add3A_126] : memref<32x128xf32, #tpu.memory_space<vmem>>[vector<16xi32>, vector<16xi32>], vector<16xf32>,
          %add3A_280 = arith.addi %mul3A_150, %and3A_278 : vector<16xi32>
          tpu.vector_store_idx %arg7[%add3A_280], %gather3A_279 : memref<4096xf32, #tpu.memory_space<vmem>>[vector<16xi32>], vector<16xf32>,
          %add3A_281 = vector.broadcast %add3A_176 : i32 to vector<16xi32>
          %add3A_282 = arith.addi %add3A_129, %add3A_281 : vector<16xi32>
          %and3A_283 = arith.constant 31 : i32
          %and3A_284 = vector.broadcast %and3A_283 : i32 to vector<16xi32>
          %and3A_285 = arith.andi %add3A_282, %and3A_284 : vector<16xi32>
          %gather3A_286 = tpu.vector_load_idx %arg5[%and3A_285, %add3A_129] : memref<32x128xf32, #tpu.memory_space<vmem>>[vector<16xi32>, vector<16xi32>], vector<16xf32>,
          %add3A_287 = arith.addi %mul3A_153, %and3A_285 : vector<16xi32>
          tpu.vector_store_idx %arg7[%add3A_287], %gather3A_286 : memref<4096xf32, #tpu.memory_space<vmem>>[vector<16xi32>], vector<16xf32>,
        }
        %scan3A_158 = arith.constant 16 : i32
        %mul3A_159 = arith.constant 4096 : i32
        %mul3A_160 = arith.muli %mul3A_159, %add3A_95 : i32
        %multiple_of3A_161 = tpu.assume_multiple %mul3A_160, 4096 : i32
        %dma_start3A_162 = tpu.memref_slice %arg3[%multiple_of3A_161] : memref<32002048xf32, #tpu.memory_space<hbm>> -> memref<4096xf32, #tpu.memory_space<hbm>>
        %dma_start3A_163 = tpu.memref_slice %arg3[%multiple_of3A_161] : memref<32002048xf32, #tpu.memory_space<hbm>> -> memref<4096xf32, #tpu.memory_space<hbm>>
        tpu.enqueue_dma source(%arg7 : memref<4096xf32, #tpu.memory_space<vmem>>) target(%dma_start3A_163 : memref<4096xf32, #tpu.memory_space<hbm>>) target_semaphore(%arg11 : memref<!tpu.dma_semaphore, #tpu.memory_space<semaphore_mem>>)
        %add3A_164 = arith.constant 2 : i32
        %add3A_165 = arith.addi %add3A_88, %add3A_164 : i32
        %lt3A_166 = arith.cmpi slt, %add3A_165, %select_n3A : i32
        %convert_element_type3A_167 = arith.extui %lt3A_166 : i1 to i32
        %cond3A_168 = arith.constant 0 : i32
        %cond3A_169 = arith.cmpi ne, %convert_element_type3A_167, %cond3A_168 : i32
        scf.if %cond3A_169 {
          %add3A_170 = arith.constant 64 : i32
          %add3A_171 = arith.addi %add3A_95, %add3A_170 : i32
          %mul3A_172 = arith.constant 128 : i32
          %mul3A_173 = arith.muli %mul3A_172, %add3A_171 : i32
          %multiple_of3A_174 = tpu.assume_multiple %mul3A_173, 128 : i32
          %dma_start3A_175 = arith.constant 0 : i32
          %dma_start3A_176 = tpu.memref_slice %arg2[%dma_start3A_175, %multiple_of3A_174] : memref<32x1000000xf32, #tpu.memory_space<hbm>> -> memref<32x128xf32, #tpu.memory_space<hbm>>
          %dma_start3A_177 = arith.constant 0 : i32
          %dma_start3A_178 = tpu.memref_slice %arg2[%dma_start3A_177, %multiple_of3A_174] : memref<32x1000000xf32, #tpu.memory_space<hbm>> -> memref<32x128xf32, #tpu.memory_space<hbm>>
          tpu.enqueue_dma source(%dma_start3A_178 : memref<32x128xf32, #tpu.memory_space<hbm>>) target(%arg5 : memref<32x128xf32, #tpu.memory_space<vmem>>) target_semaphore(%arg9 : memref<!tpu.dma_semaphore, #tpu.memory_space<semaphore_mem>>)
        } else {
        }
      } else {
      }
    }
    %dma_wait3A = arith.constant 0 : i32
    %dma_wait3A_72 = tpu.memref_slice %arg3[%dma_wait3A] : memref<32002048xf32, #tpu.memory_space<hbm>> -> memref<4096xf32, #tpu.memory_space<hbm>>
    %dma_wait3A_73 = arith.constant 0 : i32
    %dma_wait3A_74 = tpu.memref_slice %arg3[%dma_wait3A_73] : memref<32002048xf32, #tpu.memory_space<hbm>> -> memref<4096xf32, #tpu.memory_space<hbm>>
    tpu.wait_dma2 semaphore(%arg10 : memref<!tpu.dma_semaphore, #tpu.memory_space<semaphore_mem>>) src(%arg6 : memref<4096xf32, #tpu.memory_space<vmem>>) dst(%dma_wait3A_74 : memref<4096xf32, #tpu.memory_space<hbm>>)
    %dma_wait3A_75 = arith.constant 0 : i32
    %dma_wait3A_76 = tpu.memref_slice %arg3[%dma_wait3A_75] : memref<32002048xf32, #tpu.memory_space<hbm>> -> memref<4096xf32, #tpu.memory_space<hbm>>
    %dma_wait3A_77 = arith.constant 0 : i32
    %dma_wait3A_78 = tpu.memref_slice %arg3[%dma_wait3A_77] : memref<32002048xf32, #tpu.memory_space<hbm>> -> memref<4096xf32, #tpu.memory_space<hbm>>
    tpu.wait_dma2 semaphore(%arg11 : memref<!tpu.dma_semaphore, #tpu.memory_space<semaphore_mem>>) src(%arg7 : memref<4096xf32, #tpu.memory_space<vmem>>) dst(%dma_wait3A_78 : memref<4096xf32, #tpu.memory_space<hbm>>)
    return
  }
}

#map = affine_map<(d0, d1) -> (0, 0, 0)>
#map1 = affine_map<(d0, d1) -> (0, 0)>
#map2 = affine_map<(d0, d1) -> (0, 0, 0, 0)>
module attributes {stable_mosaic.version = 14 : i64} {
  func.func @_embed_kernel(%arg0: i32, %arg1: i32, %arg2: memref<32x200x128xi32, #tpu.memory_space<hbm>>, %arg3: memref<1000064x32xf32, #tpu.memory_space<hbm>>, %arg4: memref<64x32xf32, #tpu.memory_space<hbm>>, %arg5: memref<50x4x128x1024xf32, #tpu.memory_space<hbm>>, %arg6: memref<200x128xi32, #tpu.memory_space<vmem>>, %arg7: memref<64x32xf32, #tpu.memory_space<vmem>>, %arg8: memref<128x32xf32, #tpu.memory_space<vmem>>, %arg9: memref<128x32xf32, #tpu.memory_space<vmem>>, %arg10: memref<128x32xf32, #tpu.memory_space<vmem>>, %arg11: memref<128x32xf32, #tpu.memory_space<vmem>>, %arg12: memref<4096xf32, #tpu.memory_space<vmem>>, %arg13: memref<4096xf32, #tpu.memory_space<vmem>>, %arg14: memref<4096xf32, #tpu.memory_space<vmem>>, %arg15: memref<4096xf32, #tpu.memory_space<vmem>>, %arg16: memref<!tpu.dma_semaphore, #tpu.memory_space<semaphore_mem>>, %arg17: memref<!tpu.dma_semaphore, #tpu.memory_space<semaphore_mem>>, %arg18: memref<!tpu.dma_semaphore, #tpu.memory_space<semaphore_mem>>, %arg19: memref<!tpu.dma_semaphore, #tpu.memory_space<semaphore_mem>>, %arg20: memref<!tpu.dma_semaphore, #tpu.memory_space<semaphore_mem>>, %arg21: memref<!tpu.dma_semaphore, #tpu.memory_space<semaphore_mem>>, %arg22: memref<!tpu.dma_semaphore, #tpu.memory_space<semaphore_mem>>, %arg23: memref<!tpu.dma_semaphore, #tpu.memory_space<semaphore_mem>>) attributes {dimension_semantics = [#tpu.dimension_semantics<core_parallel>, #tpu.dimension_semantics<subcore_parallel>], iteration_bounds = array<i64: 2, 16>, scalar_prefetch = 0 : i64, scratch_operands = 18 : i64, tpu.core_type = #tpu.core_type<sc_vector_subcore>, window_params = [{transform_indices = #map}, {transform_indices = #map1}, {transform_indices = #map1}, {transform_indices = #map2}]} {
    %mul3A = arith.constant 2 : i32
    %mul3A_0 = arith.muli %arg1, %mul3A : i32
    %add3A = arith.addi %mul3A_0, %arg0 : i32
    "tpu.region"() ({
      %run_scoped3A = tpu.sem_alloc : memref<!tpu.dma_semaphore, #tpu.memory_space<semaphore_mem>>
      %dma_start3A_240 = arith.constant 0 : i32
      %dma_start3A_241 = arith.constant 0 : i32
      %dma_start3A_242 = tpu.memref_slice %arg2[%add3A, %dma_start3A_240, %dma_start3A_241] : memref<32x200x128xi32, #tpu.memory_space<hbm>> -> memref<1x200x128xi32, #tpu.memory_space<hbm>>
      %dma_start3A_243 = tpu.memref_squeeze %dma_start3A_242 : memref<1x200x128xi32, #tpu.memory_space<hbm>> -> memref<200x128xi32, #tpu.memory_space<hbm>>
      %dma_start3A_244 = arith.constant 0 : i32
      %dma_start3A_245 = arith.constant 0 : i32
      %dma_start3A_246 = tpu.memref_slice %arg2[%add3A, %dma_start3A_244, %dma_start3A_245] : memref<32x200x128xi32, #tpu.memory_space<hbm>> -> memref<1x200x128xi32, #tpu.memory_space<hbm>>
      %dma_start3A_247 = tpu.memref_squeeze %dma_start3A_246 : memref<1x200x128xi32, #tpu.memory_space<hbm>> -> memref<200x128xi32, #tpu.memory_space<hbm>>
      tpu.enqueue_dma source(%dma_start3A_247 : memref<200x128xi32, #tpu.memory_space<hbm>>) target(%arg6 : memref<200x128xi32, #tpu.memory_space<vmem>>) target_semaphore(%run_scoped3A : memref<!tpu.dma_semaphore, #tpu.memory_space<semaphore_mem>>)
      %dma_wait3A_248 = arith.constant 0 : i32
      %dma_wait3A_249 = arith.constant 0 : i32
      %dma_wait3A_250 = tpu.memref_slice %arg2[%add3A, %dma_wait3A_248, %dma_wait3A_249] : memref<32x200x128xi32, #tpu.memory_space<hbm>> -> memref<1x200x128xi32, #tpu.memory_space<hbm>>
      %dma_wait3A_251 = tpu.memref_squeeze %dma_wait3A_250 : memref<1x200x128xi32, #tpu.memory_space<hbm>> -> memref<200x128xi32, #tpu.memory_space<hbm>>
      %dma_wait3A_252 = arith.constant 0 : i32
      %dma_wait3A_253 = arith.constant 0 : i32
      %dma_wait3A_254 = tpu.memref_slice %arg2[%add3A, %dma_wait3A_252, %dma_wait3A_253] : memref<32x200x128xi32, #tpu.memory_space<hbm>> -> memref<1x200x128xi32, #tpu.memory_space<hbm>>
      %dma_wait3A_255 = tpu.memref_squeeze %dma_wait3A_254 : memref<1x200x128xi32, #tpu.memory_space<hbm>> -> memref<200x128xi32, #tpu.memory_space<hbm>>
      tpu.wait_dma2 semaphore(%run_scoped3A : memref<!tpu.dma_semaphore, #tpu.memory_space<semaphore_mem>>) src(%dma_wait3A_255 : memref<200x128xi32, #tpu.memory_space<hbm>>) dst(%arg6 : memref<200x128xi32, #tpu.memory_space<vmem>>)
      tpu.yield
    }) : () -> ()
    "tpu.region"() ({
      %run_scoped3A = tpu.sem_alloc : memref<!tpu.dma_semaphore, #tpu.memory_space<semaphore_mem>>
      tpu.enqueue_dma source(%arg4 : memref<64x32xf32, #tpu.memory_space<hbm>>) target(%arg7 : memref<64x32xf32, #tpu.memory_space<vmem>>) target_semaphore(%run_scoped3A : memref<!tpu.dma_semaphore, #tpu.memory_space<semaphore_mem>>)
      tpu.wait_dma2 semaphore(%run_scoped3A : memref<!tpu.dma_semaphore, #tpu.memory_space<semaphore_mem>>) src(%arg4 : memref<64x32xf32, #tpu.memory_space<hbm>>) dst(%arg7 : memref<64x32xf32, #tpu.memory_space<vmem>>)
      tpu.yield
    }) : () -> ()
    %dma_start3A = arith.constant 0 : i32
    %dma_start3A_1 = arith.constant 0 : i32
    %dma_start3A_2 = tpu.memref_slice %arg6[%dma_start3A, %dma_start3A_1] : memref<200x128xi32, #tpu.memory_space<vmem>> -> memref<1x128xi32, #tpu.memory_space<vmem>>
    %dma_start3A_3 = tpu.memref_squeeze %dma_start3A_2 : memref<1x128xi32, #tpu.memory_space<vmem>> -> memref<128xi32, #tpu.memory_space<vmem>>
    %dma_start3A_4 = arith.constant 0 : i32
    %dma_start3A_5 = arith.constant 0 : i32
    %dma_start3A_6 = tpu.memref_slice %arg3[%dma_start3A_4, %dma_start3A_5] : memref<1000064x32xf32, #tpu.memory_space<hbm>> -> memref<1000064x32xf32, #tpu.memory_space<hbm>>
    tpu.enqueue_indirect_dma source(%dma_start3A_6 : memref<1000064x32xf32, #tpu.memory_space<hbm>>) target(%arg8 : memref<128x32xf32, #tpu.memory_space<vmem>>) offsets(%dma_start3A_3 : memref<128xi32, #tpu.memory_space<vmem>>) semaphore(%arg16 : memref<!tpu.dma_semaphore, #tpu.memory_space<semaphore_mem>>)
    %dma_start3A_7 = arith.constant 1 : i32
    %dma_start3A_8 = arith.constant 0 : i32
    %dma_start3A_9 = tpu.memref_slice %arg6[%dma_start3A_7, %dma_start3A_8] : memref<200x128xi32, #tpu.memory_space<vmem>> -> memref<1x128xi32, #tpu.memory_space<vmem>>
    %dma_start3A_10 = tpu.memref_squeeze %dma_start3A_9 : memref<1x128xi32, #tpu.memory_space<vmem>> -> memref<128xi32, #tpu.memory_space<vmem>>
    %dma_start3A_11 = arith.constant 0 : i32
    %dma_start3A_12 = arith.constant 0 : i32
    %dma_start3A_13 = tpu.memref_slice %arg3[%dma_start3A_11, %dma_start3A_12] : memref<1000064x32xf32, #tpu.memory_space<hbm>> -> memref<1000064x32xf32, #tpu.memory_space<hbm>>
    tpu.enqueue_indirect_dma source(%dma_start3A_13 : memref<1000064x32xf32, #tpu.memory_space<hbm>>) target(%arg9 : memref<128x32xf32, #tpu.memory_space<vmem>>) offsets(%dma_start3A_10 : memref<128xi32, #tpu.memory_space<vmem>>) semaphore(%arg17 : memref<!tpu.dma_semaphore, #tpu.memory_space<semaphore_mem>>)
    %dma_start3A_14 = arith.constant 2 : i32
    %dma_start3A_15 = arith.constant 0 : i32
    %dma_start3A_16 = tpu.memref_slice %arg6[%dma_start3A_14, %dma_start3A_15] : memref<200x128xi32, #tpu.memory_space<vmem>> -> memref<1x128xi32, #tpu.memory_space<vmem>>
    %dma_start3A_17 = tpu.memref_squeeze %dma_start3A_16 : memref<1x128xi32, #tpu.memory_space<vmem>> -> memref<128xi32, #tpu.memory_space<vmem>>
    %dma_start3A_18 = arith.constant 0 : i32
    %dma_start3A_19 = arith.constant 0 : i32
    %dma_start3A_20 = tpu.memref_slice %arg3[%dma_start3A_18, %dma_start3A_19] : memref<1000064x32xf32, #tpu.memory_space<hbm>> -> memref<1000064x32xf32, #tpu.memory_space<hbm>>
    tpu.enqueue_indirect_dma source(%dma_start3A_20 : memref<1000064x32xf32, #tpu.memory_space<hbm>>) target(%arg10 : memref<128x32xf32, #tpu.memory_space<vmem>>) offsets(%dma_start3A_17 : memref<128xi32, #tpu.memory_space<vmem>>) semaphore(%arg18 : memref<!tpu.dma_semaphore, #tpu.memory_space<semaphore_mem>>)
    %dma_start3A_21 = arith.constant 3 : i32
    %dma_start3A_22 = arith.constant 0 : i32
    %dma_start3A_23 = tpu.memref_slice %arg6[%dma_start3A_21, %dma_start3A_22] : memref<200x128xi32, #tpu.memory_space<vmem>> -> memref<1x128xi32, #tpu.memory_space<vmem>>
    %dma_start3A_24 = tpu.memref_squeeze %dma_start3A_23 : memref<1x128xi32, #tpu.memory_space<vmem>> -> memref<128xi32, #tpu.memory_space<vmem>>
    %dma_start3A_25 = arith.constant 0 : i32
    %dma_start3A_26 = arith.constant 0 : i32
    %dma_start3A_27 = tpu.memref_slice %arg3[%dma_start3A_25, %dma_start3A_26] : memref<1000064x32xf32, #tpu.memory_space<hbm>> -> memref<1000064x32xf32, #tpu.memory_space<hbm>>
    tpu.enqueue_indirect_dma source(%dma_start3A_27 : memref<1000064x32xf32, #tpu.memory_space<hbm>>) target(%arg11 : memref<128x32xf32, #tpu.memory_space<vmem>>) offsets(%dma_start3A_24 : memref<128xi32, #tpu.memory_space<vmem>>) semaphore(%arg19 : memref<!tpu.dma_semaphore, #tpu.memory_space<semaphore_mem>>)
    %scan3A = arith.constant 0 : i32
    %scan3A_28 = arith.constant 0 : i32
    %scan3A_29 = arith.constant 50 : i32
    %scan3A_30 = arith.addi %scan3A_28, %scan3A_29 : i32
    %scan3A_31 = arith.constant 1 : i32
    scf.for %scan3A_240 = %scan3A_28 to %scan3A_30 step %scan3A_31  : i32 {
      %mul3A_241 = arith.constant 4 : i32
      %mul3A_242 = arith.muli %mul3A_241, %scan3A_240 : i32
      %add3A_243 = arith.constant 0 : i32
      %add3A_244 = arith.addi %mul3A_242, %add3A_243 : i32
      %dma_wait3A_245 = arith.constant 0 : i32
      %dma_wait3A_246 = arith.constant 0 : i32
      %dma_wait3A_247 = tpu.memref_slice %arg6[%dma_wait3A_245, %dma_wait3A_246] : memref<200x128xi32, #tpu.memory_space<vmem>> -> memref<1x128xi32, #tpu.memory_space<vmem>>
      %dma_wait3A_248 = tpu.memref_squeeze %dma_wait3A_247 : memref<1x128xi32, #tpu.memory_space<vmem>> -> memref<128xi32, #tpu.memory_space<vmem>>
      %dma_wait3A_249 = arith.constant 0 : i32
      %dma_wait3A_250 = arith.constant 0 : i32
      %dma_wait3A_251 = tpu.memref_slice %arg3[%dma_wait3A_249, %dma_wait3A_250] : memref<1000064x32xf32, #tpu.memory_space<hbm>> -> memref<1000064x32xf32, #tpu.memory_space<hbm>>
      tpu.wait_indirect_dma semaphore(%arg16 : memref<!tpu.dma_semaphore, #tpu.memory_space<semaphore_mem>>) src(%dma_wait3A_251 : memref<1000064x32xf32, #tpu.memory_space<hbm>>) dst(%arg8 : memref<128x32xf32, #tpu.memory_space<vmem>>)
      %gt3A = arith.constant 0 : i32
      %gt3A_252 = arith.cmpi sgt, %scan3A_240, %gt3A : i32
      %convert_element_type3A = arith.extui %gt3A_252 : i1 to i32
      %cond3A = arith.constant 0 : i32
      %cond3A_253 = arith.cmpi ne, %convert_element_type3A, %cond3A : i32
      scf.if %cond3A_253 {
        %dma_wait3A_963 = arith.constant 0 : i32
        %dma_wait3A_964 = arith.constant 0 : i32
        %dma_wait3A_965 = arith.constant 0 : i32
        %dma_wait3A_966 = arith.constant 0 : i32
        %dma_wait3A_967 = tpu.memref_slice %arg12[%dma_wait3A_966] : memref<4096xf32, #tpu.memory_space<vmem>> -> memref<1024xf32, #tpu.memory_space<vmem>>
        %dma_wait3A_968 = arith.constant 0 : i32
        %dma_wait3A_969 = tpu.memref_slice %arg5[%dma_wait3A_963, %dma_wait3A_964, %dma_wait3A_965, %dma_wait3A_968] : memref<50x4x128x1024xf32, #tpu.memory_space<hbm>> -> memref<1x1x1x1024xf32, #tpu.memory_space<hbm>>
        %dma_wait3A_970 = tpu.memref_squeeze %dma_wait3A_969 : memref<1x1x1x1024xf32, #tpu.memory_space<hbm>> -> memref<1024xf32, #tpu.memory_space<hbm>>
        %dma_wait3A_971 = arith.constant 0 : i32
        %dma_wait3A_972 = tpu.memref_slice %arg5[%dma_wait3A_963, %dma_wait3A_964, %dma_wait3A_965, %dma_wait3A_971] : memref<50x4x128x1024xf32, #tpu.memory_space<hbm>> -> memref<1x1x1x1024xf32, #tpu.memory_space<hbm>>
        %dma_wait3A_973 = tpu.memref_squeeze %dma_wait3A_972 : memref<1x1x1x1024xf32, #tpu.memory_space<hbm>> -> memref<1024xf32, #tpu.memory_space<hbm>>
        %dma_wait3A_974 = arith.constant 0 : i32
        %dma_wait3A_975 = tpu.memref_slice %arg12[%dma_wait3A_974] : memref<4096xf32, #tpu.memory_space<vmem>> -> memref<1024xf32, #tpu.memory_space<vmem>>
        tpu.wait_dma2 semaphore(%arg20 : memref<!tpu.dma_semaphore, #tpu.memory_space<semaphore_mem>>) src(%dma_wait3A_975 : memref<1024xf32, #tpu.memory_space<vmem>>) dst(%dma_wait3A_973 : memref<1024xf32, #tpu.memory_space<hbm>>)
        %dma_wait3A_976 = arith.constant 0 : i32
        %dma_wait3A_977 = arith.constant 1 : i32
        %dma_wait3A_978 = arith.constant 0 : i32
        %dma_wait3A_979 = arith.constant 1024 : i32
        %dma_wait3A_980 = tpu.memref_slice %arg12[%dma_wait3A_979] : memref<4096xf32, #tpu.memory_space<vmem>> -> memref<1024xf32, #tpu.memory_space<vmem>>
        %dma_wait3A_981 = arith.constant 0 : i32
        %dma_wait3A_982 = tpu.memref_slice %arg5[%dma_wait3A_976, %dma_wait3A_977, %dma_wait3A_978, %dma_wait3A_981] : memref<50x4x128x1024xf32, #tpu.memory_space<hbm>> -> memref<1x1x1x1024xf32, #tpu.memory_space<hbm>>
        %dma_wait3A_983 = tpu.memref_squeeze %dma_wait3A_982 : memref<1x1x1x1024xf32, #tpu.memory_space<hbm>> -> memref<1024xf32, #tpu.memory_space<hbm>>
        %dma_wait3A_984 = arith.constant 0 : i32
        %dma_wait3A_985 = tpu.memref_slice %arg5[%dma_wait3A_976, %dma_wait3A_977, %dma_wait3A_978, %dma_wait3A_984] : memref<50x4x128x1024xf32, #tpu.memory_space<hbm>> -> memref<1x1x1x1024xf32, #tpu.memory_space<hbm>>
        %dma_wait3A_986 = tpu.memref_squeeze %dma_wait3A_985 : memref<1x1x1x1024xf32, #tpu.memory_space<hbm>> -> memref<1024xf32, #tpu.memory_space<hbm>>
        %dma_wait3A_987 = arith.constant 1024 : i32
        %dma_wait3A_988 = tpu.memref_slice %arg12[%dma_wait3A_987] : memref<4096xf32, #tpu.memory_space<vmem>> -> memref<1024xf32, #tpu.memory_space<vmem>>
        tpu.wait_dma2 semaphore(%arg20 : memref<!tpu.dma_semaphore, #tpu.memory_space<semaphore_mem>>) src(%dma_wait3A_988 : memref<1024xf32, #tpu.memory_space<vmem>>) dst(%dma_wait3A_986 : memref<1024xf32, #tpu.memory_space<hbm>>)
        %dma_wait3A_989 = arith.constant 0 : i32
        %dma_wait3A_990 = arith.constant 2 : i32
        %dma_wait3A_991 = arith.constant 0 : i32
        %dma_wait3A_992 = arith.constant 2048 : i32
        %dma_wait3A_993 = tpu.memref_slice %arg12[%dma_wait3A_992] : memref<4096xf32, #tpu.memory_space<vmem>> -> memref<1024xf32, #tpu.memory_space<vmem>>
        %dma_wait3A_994 = arith.constant 0 : i32
        %dma_wait3A_995 = tpu.memref_slice %arg5[%dma_wait3A_989, %dma_wait3A_990, %dma_wait3A_991, %dma_wait3A_994] : memref<50x4x128x1024xf32, #tpu.memory_space<hbm>> -> memref<1x1x1x1024xf32, #tpu.memory_space<hbm>>
        %dma_wait3A_996 = tpu.memref_squeeze %dma_wait3A_995 : memref<1x1x1x1024xf32, #tpu.memory_space<hbm>> -> memref<1024xf32, #tpu.memory_space<hbm>>
        %dma_wait3A_997 = arith.constant 0 : i32
        %dma_wait3A_998 = tpu.memref_slice %arg5[%dma_wait3A_989, %dma_wait3A_990, %dma_wait3A_991, %dma_wait3A_997] : memref<50x4x128x1024xf32, #tpu.memory_space<hbm>> -> memref<1x1x1x1024xf32, #tpu.memory_space<hbm>>
        %dma_wait3A_999 = tpu.memref_squeeze %dma_wait3A_998 : memref<1x1x1x1024xf32, #tpu.memory_space<hbm>> -> memref<1024xf32, #tpu.memory_space<hbm>>
        %dma_wait3A_1000 = arith.constant 2048 : i32
        %dma_wait3A_1001 = tpu.memref_slice %arg12[%dma_wait3A_1000] : memref<4096xf32, #tpu.memory_space<vmem>> -> memref<1024xf32, #tpu.memory_space<vmem>>
        tpu.wait_dma2 semaphore(%arg20 : memref<!tpu.dma_semaphore, #tpu.memory_space<semaphore_mem>>) src(%dma_wait3A_1001 : memref<1024xf32, #tpu.memory_space<vmem>>) dst(%dma_wait3A_999 : memref<1024xf32, #tpu.memory_space<hbm>>)
        %dma_wait3A_1002 = arith.constant 0 : i32
        %dma_wait3A_1003 = arith.constant 3 : i32
        %dma_wait3A_1004 = arith.constant 0 : i32
        %dma_wait3A_1005 = arith.constant 3072 : i32
        %dma_wait3A_1006 = tpu.memref_slice %arg12[%dma_wait3A_1005] : memref<4096xf32, #tpu.memory_space<vmem>> -> memref<1024xf32, #tpu.memory_space<vmem>>
        %dma_wait3A_1007 = arith.constant 0 : i32
        %dma_wait3A_1008 = tpu.memref_slice %arg5[%dma_wait3A_1002, %dma_wait3A_1003, %dma_wait3A_1004, %dma_wait3A_1007] : memref<50x4x128x1024xf32, #tpu.memory_space<hbm>> -> memref<1x1x1x1024xf32, #tpu.memory_space<hbm>>
        %dma_wait3A_1009 = tpu.memref_squeeze %dma_wait3A_1008 : memref<1x1x1x1024xf32, #tpu.memory_space<hbm>> -> memref<1024xf32, #tpu.memory_space<hbm>>
        %dma_wait3A_1010 = arith.constant 0 : i32
        %dma_wait3A_1011 = tpu.memref_slice %arg5[%dma_wait3A_1002, %dma_wait3A_1003, %dma_wait3A_1004, %dma_wait3A_1010] : memref<50x4x128x1024xf32, #tpu.memory_space<hbm>> -> memref<1x1x1x1024xf32, #tpu.memory_space<hbm>>
        %dma_wait3A_1012 = tpu.memref_squeeze %dma_wait3A_1011 : memref<1x1x1x1024xf32, #tpu.memory_space<hbm>> -> memref<1024xf32, #tpu.memory_space<hbm>>
        %dma_wait3A_1013 = arith.constant 3072 : i32
        %dma_wait3A_1014 = tpu.memref_slice %arg12[%dma_wait3A_1013] : memref<4096xf32, #tpu.memory_space<vmem>> -> memref<1024xf32, #tpu.memory_space<vmem>>
        tpu.wait_dma2 semaphore(%arg20 : memref<!tpu.dma_semaphore, #tpu.memory_space<semaphore_mem>>) src(%dma_wait3A_1014 : memref<1024xf32, #tpu.memory_space<vmem>>) dst(%dma_wait3A_1012 : memref<1024xf32, #tpu.memory_space<hbm>>)
      } else {
      }
      %iota3A = tpu.iota {dimensions = array<i32: 0>} : vector<16xi32>
      %add3A_254 = arith.constant 0 : i32
      %add3A_255 = vector.broadcast %add3A_254 : i32 to vector<16xi32>
      %add3A_256 = arith.addi %iota3A, %add3A_255 : vector<16xi32>
      %add3A_257 = arith.constant 16 : i32
      %add3A_258 = vector.broadcast %add3A_257 : i32 to vector<16xi32>
      %add3A_259 = arith.addi %iota3A, %add3A_258 : vector<16xi32>
      %add3A_260 = arith.constant 32 : i32
      %add3A_261 = vector.broadcast %add3A_260 : i32 to vector<16xi32>
      %add3A_262 = arith.addi %iota3A, %add3A_261 : vector<16xi32>
      %add3A_263 = arith.constant 48 : i32
      %add3A_264 = vector.broadcast %add3A_263 : i32 to vector<16xi32>
      %add3A_265 = arith.addi %iota3A, %add3A_264 : vector<16xi32>
      %add3A_266 = arith.constant 64 : i32
      %add3A_267 = vector.broadcast %add3A_266 : i32 to vector<16xi32>
      %add3A_268 = arith.addi %iota3A, %add3A_267 : vector<16xi32>
      %add3A_269 = arith.constant 80 : i32
      %add3A_270 = vector.broadcast %add3A_269 : i32 to vector<16xi32>
      %add3A_271 = arith.addi %iota3A, %add3A_270 : vector<16xi32>
      %add3A_272 = arith.constant 96 : i32
      %add3A_273 = vector.broadcast %add3A_272 : i32 to vector<16xi32>
      %add3A_274 = arith.addi %iota3A, %add3A_273 : vector<16xi32>
      %add3A_275 = arith.constant 112 : i32
      %add3A_276 = vector.broadcast %add3A_275 : i32 to vector<16xi32>
      %add3A_277 = arith.addi %iota3A, %add3A_276 : vector<16xi32>
      %scan3A_278 = arith.constant 0 : i32
      %scan3A_279 = arith.constant 0 : i32
      %scan3A_280 = arith.constant 16 : i32
      %scan3A_281 = arith.addi %scan3A_279, %scan3A_280 : i32
      %scan3A_282 = arith.constant 1 : i32
      scf.for %scan3A_963 = %scan3A_279 to %scan3A_281 step %scan3A_282  : i32 {
        %mul3A_964 = arith.constant 2 : i32
        %mul3A_965 = arith.muli %mul3A_964, %scan3A_963 : i32
        %mul3A_966 = arith.constant 2 : i32
        %mul3A_967 = arith.muli %mul3A_966, %scan3A_963 : i32
        %add3A_968 = arith.constant 1 : i32
        %add3A_969 = arith.addi %mul3A_967, %add3A_968 : i32
        %add3A_970 = vector.broadcast %mul3A_965 : i32 to vector<16xi32>
        %add3A_971 = arith.addi %add3A_256, %add3A_970 : vector<16xi32>
        %and3A_972 = arith.constant 31 : i32
        %and3A_973 = vector.broadcast %and3A_972 : i32 to vector<16xi32>
        %and3A_974 = arith.andi %add3A_971, %and3A_973 : vector<16xi32>
        %gather3A = tpu.vector_load_idx %arg8[%add3A_256, %and3A_974] : memref<128x32xf32, #tpu.memory_space<vmem>>[vector<16xi32>, vector<16xi32>], vector<16xf32>,
        %mul3A_975 = arith.constant 128 : i32
        %mul3A_976 = vector.broadcast %mul3A_975 : i32 to vector<16xi32>
        %mul3A_977 = arith.muli %and3A_974, %mul3A_976 : vector<16xi32>
        %add3A_978 = arith.addi %mul3A_977, %add3A_256 : vector<16xi32>
        tpu.vector_store_idx %arg12[%add3A_978], %gather3A : memref<4096xf32, #tpu.memory_space<vmem>>[vector<16xi32>], vector<16xf32>,
        %add3A_979 = vector.broadcast %mul3A_965 : i32 to vector<16xi32>
        %add3A_980 = arith.addi %add3A_259, %add3A_979 : vector<16xi32>
        %and3A_981 = arith.constant 31 : i32
        %and3A_982 = vector.broadcast %and3A_981 : i32 to vector<16xi32>
        %and3A_983 = arith.andi %add3A_980, %and3A_982 : vector<16xi32>
        %gather3A_984 = tpu.vector_load_idx %arg8[%add3A_259, %and3A_983] : memref<128x32xf32, #tpu.memory_space<vmem>>[vector<16xi32>, vector<16xi32>], vector<16xf32>,
        %mul3A_985 = arith.constant 128 : i32
        %mul3A_986 = vector.broadcast %mul3A_985 : i32 to vector<16xi32>
        %mul3A_987 = arith.muli %and3A_983, %mul3A_986 : vector<16xi32>
        %add3A_988 = arith.addi %mul3A_987, %add3A_259 : vector<16xi32>
        tpu.vector_store_idx %arg12[%add3A_988], %gather3A_984 : memref<4096xf32, #tpu.memory_space<vmem>>[vector<16xi32>], vector<16xf32>,
        %add3A_989 = vector.broadcast %mul3A_965 : i32 to vector<16xi32>
        %add3A_990 = arith.addi %add3A_262, %add3A_989 : vector<16xi32>
        %and3A_991 = arith.constant 31 : i32
        %and3A_992 = vector.broadcast %and3A_991 : i32 to vector<16xi32>
        %and3A_993 = arith.andi %add3A_990, %and3A_992 : vector<16xi32>
        %gather3A_994 = tpu.vector_load_idx %arg8[%add3A_262, %and3A_993] : memref<128x32xf32, #tpu.memory_space<vmem>>[vector<16xi32>, vector<16xi32>], vector<16xf32>,
        %mul3A_995 = arith.constant 128 : i32
        %mul3A_996 = vector.broadcast %mul3A_995 : i32 to vector<16xi32>
        %mul3A_997 = arith.muli %and3A_993, %mul3A_996 : vector<16xi32>
        %add3A_998 = arith.addi %mul3A_997, %add3A_262 : vector<16xi32>
        tpu.vector_store_idx %arg12[%add3A_998], %gather3A_994 : memref<4096xf32, #tpu.memory_space<vmem>>[vector<16xi32>], vector<16xf32>,
        %add3A_999 = vector.broadcast %mul3A_965 : i32 to vector<16xi32>
        %add3A_1000 = arith.addi %add3A_265, %add3A_999 : vector<16xi32>
        %and3A_1001 = arith.constant 31 : i32
        %and3A_1002 = vector.broadcast %and3A_1001 : i32 to vector<16xi32>
        %and3A_1003 = arith.andi %add3A_1000, %and3A_1002 : vector<16xi32>
        %gather3A_1004 = tpu.vector_load_idx %arg8[%add3A_265, %and3A_1003] : memref<128x32xf32, #tpu.memory_space<vmem>>[vector<16xi32>, vector<16xi32>], vector<16xf32>,
        %mul3A_1005 = arith.constant 128 : i32
        %mul3A_1006 = vector.broadcast %mul3A_1005 : i32 to vector<16xi32>
        %mul3A_1007 = arith.muli %and3A_1003, %mul3A_1006 : vector<16xi32>
        %add3A_1008 = arith.addi %mul3A_1007, %add3A_265 : vector<16xi32>
        tpu.vector_store_idx %arg12[%add3A_1008], %gather3A_1004 : memref<4096xf32, #tpu.memory_space<vmem>>[vector<16xi32>], vector<16xf32>,
        %add3A_1009 = vector.broadcast %mul3A_965 : i32 to vector<16xi32>
        %add3A_1010 = arith.addi %add3A_268, %add3A_1009 : vector<16xi32>
        %and3A_1011 = arith.constant 31 : i32
        %and3A_1012 = vector.broadcast %and3A_1011 : i32 to vector<16xi32>
        %and3A_1013 = arith.andi %add3A_1010, %and3A_1012 : vector<16xi32>
        %gather3A_1014 = tpu.vector_load_idx %arg8[%add3A_268, %and3A_1013] : memref<128x32xf32, #tpu.memory_space<vmem>>[vector<16xi32>, vector<16xi32>], vector<16xf32>,
        %mul3A_1015 = arith.constant 128 : i32
        %mul3A_1016 = vector.broadcast %mul3A_1015 : i32 to vector<16xi32>
        %mul3A_1017 = arith.muli %and3A_1013, %mul3A_1016 : vector<16xi32>
        %add3A_1018 = arith.addi %mul3A_1017, %add3A_268 : vector<16xi32>
        tpu.vector_store_idx %arg12[%add3A_1018], %gather3A_1014 : memref<4096xf32, #tpu.memory_space<vmem>>[vector<16xi32>], vector<16xf32>,
        %add3A_1019 = vector.broadcast %mul3A_965 : i32 to vector<16xi32>
        %add3A_1020 = arith.addi %add3A_271, %add3A_1019 : vector<16xi32>
        %and3A_1021 = arith.constant 31 : i32
        %and3A_1022 = vector.broadcast %and3A_1021 : i32 to vector<16xi32>
        %and3A_1023 = arith.andi %add3A_1020, %and3A_1022 : vector<16xi32>
        %gather3A_1024 = tpu.vector_load_idx %arg8[%add3A_271, %and3A_1023] : memref<128x32xf32, #tpu.memory_space<vmem>>[vector<16xi32>, vector<16xi32>], vector<16xf32>,
        %mul3A_1025 = arith.constant 128 : i32
        %mul3A_1026 = vector.broadcast %mul3A_1025 : i32 to vector<16xi32>
        %mul3A_1027 = arith.muli %and3A_1023, %mul3A_1026 : vector<16xi32>
        %add3A_1028 = arith.addi %mul3A_1027, %add3A_271 : vector<16xi32>
        tpu.vector_store_idx %arg12[%add3A_1028], %gather3A_1024 : memref<4096xf32, #tpu.memory_space<vmem>>[vector<16xi32>], vector<16xf32>,
        %add3A_1029 = vector.broadcast %mul3A_965 : i32 to vector<16xi32>
        %add3A_1030 = arith.addi %add3A_274, %add3A_1029 : vector<16xi32>
        %and3A_1031 = arith.constant 31 : i32
        %and3A_1032 = vector.broadcast %and3A_1031 : i32 to vector<16xi32>
        %and3A_1033 = arith.andi %add3A_1030, %and3A_1032 : vector<16xi32>
        %gather3A_1034 = tpu.vector_load_idx %arg8[%add3A_274, %and3A_1033] : memref<128x32xf32, #tpu.memory_space<vmem>>[vector<16xi32>, vector<16xi32>], vector<16xf32>,
        %mul3A_1035 = arith.constant 128 : i32
        %mul3A_1036 = vector.broadcast %mul3A_1035 : i32 to vector<16xi32>
        %mul3A_1037 = arith.muli %and3A_1033, %mul3A_1036 : vector<16xi32>
        %add3A_1038 = arith.addi %mul3A_1037, %add3A_274 : vector<16xi32>
        tpu.vector_store_idx %arg12[%add3A_1038], %gather3A_1034 : memref<4096xf32, #tpu.memory_space<vmem>>[vector<16xi32>], vector<16xf32>,
        %add3A_1039 = vector.broadcast %mul3A_965 : i32 to vector<16xi32>
        %add3A_1040 = arith.addi %add3A_277, %add3A_1039 : vector<16xi32>
        %and3A_1041 = arith.constant 31 : i32
        %and3A_1042 = vector.broadcast %and3A_1041 : i32 to vector<16xi32>
        %and3A_1043 = arith.andi %add3A_1040, %and3A_1042 : vector<16xi32>
        %gather3A_1044 = tpu.vector_load_idx %arg8[%add3A_277, %and3A_1043] : memref<128x32xf32, #tpu.memory_space<vmem>>[vector<16xi32>, vector<16xi32>], vector<16xf32>,
        %mul3A_1045 = arith.constant 128 : i32
        %mul3A_1046 = vector.broadcast %mul3A_1045 : i32 to vector<16xi32>
        %mul3A_1047 = arith.muli %and3A_1043, %mul3A_1046 : vector<16xi32>
        %add3A_1048 = arith.addi %mul3A_1047, %add3A_277 : vector<16xi32>
        tpu.vector_store_idx %arg12[%add3A_1048], %gather3A_1044 : memref<4096xf32, #tpu.memory_space<vmem>>[vector<16xi32>], vector<16xf32>,
        %add3A_1049 = vector.broadcast %add3A_969 : i32 to vector<16xi32>
        %add3A_1050 = arith.addi %add3A_256, %add3A_1049 : vector<16xi32>
        %and3A_1051 = arith.constant 31 : i32
        %and3A_1052 = vector.broadcast %and3A_1051 : i32 to vector<16xi32>
        %and3A_1053 = arith.andi %add3A_1050, %and3A_1052 : vector<16xi32>
        %gather3A_1054 = tpu.vector_load_idx %arg8[%add3A_256, %and3A_1053] : memref<128x32xf32, #tpu.memory_space<vmem>>[vector<16xi32>, vector<16xi32>], vector<16xf32>,
        %mul3A_1055 = arith.constant 128 : i32
        %mul3A_1056 = vector.broadcast %mul3A_1055 : i32 to vector<16xi32>
        %mul3A_1057 = arith.muli %and3A_1053, %mul3A_1056 : vector<16xi32>
        %add3A_1058 = arith.addi %mul3A_1057, %add3A_256 : vector<16xi32>
        tpu.vector_store_idx %arg12[%add3A_1058], %gather3A_1054 : memref<4096xf32, #tpu.memory_space<vmem>>[vector<16xi32>], vector<16xf32>,
        %add3A_1059 = vector.broadcast %add3A_969 : i32 to vector<16xi32>
        %add3A_1060 = arith.addi %add3A_259, %add3A_1059 : vector<16xi32>
        %and3A_1061 = arith.constant 31 : i32
        %and3A_1062 = vector.broadcast %and3A_1061 : i32 to vector<16xi32>
        %and3A_1063 = arith.andi %add3A_1060, %and3A_1062 : vector<16xi32>
        %gather3A_1064 = tpu.vector_load_idx %arg8[%add3A_259, %and3A_1063] : memref<128x32xf32, #tpu.memory_space<vmem>>[vector<16xi32>, vector<16xi32>], vector<16xf32>,
        %mul3A_1065 = arith.constant 128 : i32
        %mul3A_1066 = vector.broadcast %mul3A_1065 : i32 to vector<16xi32>
        %mul3A_1067 = arith.muli %and3A_1063, %mul3A_1066 : vector<16xi32>
        %add3A_1068 = arith.addi %mul3A_1067, %add3A_259 : vector<16xi32>
        tpu.vector_store_idx %arg12[%add3A_1068], %gather3A_1064 : memref<4096xf32, #tpu.memory_space<vmem>>[vector<16xi32>], vector<16xf32>,
        %add3A_1069 = vector.broadcast %add3A_969 : i32 to vector<16xi32>
        %add3A_1070 = arith.addi %add3A_262, %add3A_1069 : vector<16xi32>
        %and3A_1071 = arith.constant 31 : i32
        %and3A_1072 = vector.broadcast %and3A_1071 : i32 to vector<16xi32>
        %and3A_1073 = arith.andi %add3A_1070, %and3A_1072 : vector<16xi32>
        %gather3A_1074 = tpu.vector_load_idx %arg8[%add3A_262, %and3A_1073] : memref<128x32xf32, #tpu.memory_space<vmem>>[vector<16xi32>, vector<16xi32>], vector<16xf32>,
        %mul3A_1075 = arith.constant 128 : i32
        %mul3A_1076 = vector.broadcast %mul3A_1075 : i32 to vector<16xi32>
        %mul3A_1077 = arith.muli %and3A_1073, %mul3A_1076 : vector<16xi32>
        %add3A_1078 = arith.addi %mul3A_1077, %add3A_262 : vector<16xi32>
        tpu.vector_store_idx %arg12[%add3A_1078], %gather3A_1074 : memref<4096xf32, #tpu.memory_space<vmem>>[vector<16xi32>], vector<16xf32>,
        %add3A_1079 = vector.broadcast %add3A_969 : i32 to vector<16xi32>
        %add3A_1080 = arith.addi %add3A_265, %add3A_1079 : vector<16xi32>
        %and3A_1081 = arith.constant 31 : i32
        %and3A_1082 = vector.broadcast %and3A_1081 : i32 to vector<16xi32>
        %and3A_1083 = arith.andi %add3A_1080, %and3A_1082 : vector<16xi32>
        %gather3A_1084 = tpu.vector_load_idx %arg8[%add3A_265, %and3A_1083] : memref<128x32xf32, #tpu.memory_space<vmem>>[vector<16xi32>, vector<16xi32>], vector<16xf32>,
        %mul3A_1085 = arith.constant 128 : i32
        %mul3A_1086 = vector.broadcast %mul3A_1085 : i32 to vector<16xi32>
        %mul3A_1087 = arith.muli %and3A_1083, %mul3A_1086 : vector<16xi32>
        %add3A_1088 = arith.addi %mul3A_1087, %add3A_265 : vector<16xi32>
        tpu.vector_store_idx %arg12[%add3A_1088], %gather3A_1084 : memref<4096xf32, #tpu.memory_space<vmem>>[vector<16xi32>], vector<16xf32>,
        %add3A_1089 = vector.broadcast %add3A_969 : i32 to vector<16xi32>
        %add3A_1090 = arith.addi %add3A_268, %add3A_1089 : vector<16xi32>
        %and3A_1091 = arith.constant 31 : i32
        %and3A_1092 = vector.broadcast %and3A_1091 : i32 to vector<16xi32>
        %and3A_1093 = arith.andi %add3A_1090, %and3A_1092 : vector<16xi32>
        %gather3A_1094 = tpu.vector_load_idx %arg8[%add3A_268, %and3A_1093] : memref<128x32xf32, #tpu.memory_space<vmem>>[vector<16xi32>, vector<16xi32>], vector<16xf32>,
        %mul3A_1095 = arith.constant 128 : i32
        %mul3A_1096 = vector.broadcast %mul3A_1095 : i32 to vector<16xi32>
        %mul3A_1097 = arith.muli %and3A_1093, %mul3A_1096 : vector<16xi32>
        %add3A_1098 = arith.addi %mul3A_1097, %add3A_268 : vector<16xi32>
        tpu.vector_store_idx %arg12[%add3A_1098], %gather3A_1094 : memref<4096xf32, #tpu.memory_space<vmem>>[vector<16xi32>], vector<16xf32>,
        %add3A_1099 = vector.broadcast %add3A_969 : i32 to vector<16xi32>
        %add3A_1100 = arith.addi %add3A_271, %add3A_1099 : vector<16xi32>
        %and3A_1101 = arith.constant 31 : i32
        %and3A_1102 = vector.broadcast %and3A_1101 : i32 to vector<16xi32>
        %and3A_1103 = arith.andi %add3A_1100, %and3A_1102 : vector<16xi32>
        %gather3A_1104 = tpu.vector_load_idx %arg8[%add3A_271, %and3A_1103] : memref<128x32xf32, #tpu.memory_space<vmem>>[vector<16xi32>, vector<16xi32>], vector<16xf32>,
        %mul3A_1105 = arith.constant 128 : i32
        %mul3A_1106 = vector.broadcast %mul3A_1105 : i32 to vector<16xi32>
        %mul3A_1107 = arith.muli %and3A_1103, %mul3A_1106 : vector<16xi32>
        %add3A_1108 = arith.addi %mul3A_1107, %add3A_271 : vector<16xi32>
        tpu.vector_store_idx %arg12[%add3A_1108], %gather3A_1104 : memref<4096xf32, #tpu.memory_space<vmem>>[vector<16xi32>], vector<16xf32>,
        %add3A_1109 = vector.broadcast %add3A_969 : i32 to vector<16xi32>
        %add3A_1110 = arith.addi %add3A_274, %add3A_1109 : vector<16xi32>
        %and3A_1111 = arith.constant 31 : i32
        %and3A_1112 = vector.broadcast %and3A_1111 : i32 to vector<16xi32>
        %and3A_1113 = arith.andi %add3A_1110, %and3A_1112 : vector<16xi32>
        %gather3A_1114 = tpu.vector_load_idx %arg8[%add3A_274, %and3A_1113] : memref<128x32xf32, #tpu.memory_space<vmem>>[vector<16xi32>, vector<16xi32>], vector<16xf32>,
        %mul3A_1115 = arith.constant 128 : i32
        %mul3A_1116 = vector.broadcast %mul3A_1115 : i32 to vector<16xi32>
        %mul3A_1117 = arith.muli %and3A_1113, %mul3A_1116 : vector<16xi32>
        %add3A_1118 = arith.addi %mul3A_1117, %add3A_274 : vector<16xi32>
        tpu.vector_store_idx %arg12[%add3A_1118], %gather3A_1114 : memref<4096xf32, #tpu.memory_space<vmem>>[vector<16xi32>], vector<16xf32>,
        %add3A_1119 = vector.broadcast %add3A_969 : i32 to vector<16xi32>
        %add3A_1120 = arith.addi %add3A_277, %add3A_1119 : vector<16xi32>
        %and3A_1121 = arith.constant 31 : i32
        %and3A_1122 = vector.broadcast %and3A_1121 : i32 to vector<16xi32>
        %and3A_1123 = arith.andi %add3A_1120, %and3A_1122 : vector<16xi32>
        %gather3A_1124 = tpu.vector_load_idx %arg8[%add3A_277, %and3A_1123] : memref<128x32xf32, #tpu.memory_space<vmem>>[vector<16xi32>, vector<16xi32>], vector<16xf32>,
        %mul3A_1125 = arith.constant 128 : i32
        %mul3A_1126 = vector.broadcast %mul3A_1125 : i32 to vector<16xi32>
        %mul3A_1127 = arith.muli %and3A_1123, %mul3A_1126 : vector<16xi32>
        %add3A_1128 = arith.addi %mul3A_1127, %add3A_277 : vector<16xi32>
        tpu.vector_store_idx %arg12[%add3A_1128], %gather3A_1124 : memref<4096xf32, #tpu.memory_space<vmem>>[vector<16xi32>], vector<16xf32>,
      }
      %scan3A_283 = arith.constant 16 : i32
      %get3A = arith.index_cast %add3A_244 : i32 to index
      %get3A_284 = arith.constant 0 : index
      %get3A_285 = tpu.vector_load %arg6[%get3A, %get3A_284] {strides = array<i32>} : memref<200x128xi32, #tpu.memory_space<vmem>>, vector<16xi32>,
      %get3A_286 = arith.index_cast %add3A_244 : i32 to index
      %get3A_287 = arith.constant 16 : index
      %get3A_288 = tpu.vector_load %arg6[%get3A_286, %get3A_287] {strides = array<i32>} : memref<200x128xi32, #tpu.memory_space<vmem>>, vector<16xi32>,
      %max3A = arith.maxsi %get3A_285, %get3A_288 : vector<16xi32>
      %get3A_289 = arith.index_cast %add3A_244 : i32 to index
      %get3A_290 = arith.constant 32 : index
      %get3A_291 = tpu.vector_load %arg6[%get3A_289, %get3A_290] {strides = array<i32>} : memref<200x128xi32, #tpu.memory_space<vmem>>, vector<16xi32>,
      %max3A_292 = arith.maxsi %max3A, %get3A_291 : vector<16xi32>
      %get3A_293 = arith.index_cast %add3A_244 : i32 to index
      %get3A_294 = arith.constant 48 : index
      %get3A_295 = tpu.vector_load %arg6[%get3A_293, %get3A_294] {strides = array<i32>} : memref<200x128xi32, #tpu.memory_space<vmem>>, vector<16xi32>,
      %max3A_296 = arith.maxsi %max3A_292, %get3A_295 : vector<16xi32>
      %get3A_297 = arith.index_cast %add3A_244 : i32 to index
      %get3A_298 = arith.constant 64 : index
      %get3A_299 = tpu.vector_load %arg6[%get3A_297, %get3A_298] {strides = array<i32>} : memref<200x128xi32, #tpu.memory_space<vmem>>, vector<16xi32>,
      %max3A_300 = arith.maxsi %max3A_296, %get3A_299 : vector<16xi32>
      %get3A_301 = arith.index_cast %add3A_244 : i32 to index
      %get3A_302 = arith.constant 80 : index
      %get3A_303 = tpu.vector_load %arg6[%get3A_301, %get3A_302] {strides = array<i32>} : memref<200x128xi32, #tpu.memory_space<vmem>>, vector<16xi32>,
      %max3A_304 = arith.maxsi %max3A_300, %get3A_303 : vector<16xi32>
      %get3A_305 = arith.index_cast %add3A_244 : i32 to index
      %get3A_306 = arith.constant 96 : index
      %get3A_307 = tpu.vector_load %arg6[%get3A_305, %get3A_306] {strides = array<i32>} : memref<200x128xi32, #tpu.memory_space<vmem>>, vector<16xi32>,
      %max3A_308 = arith.maxsi %max3A_304, %get3A_307 : vector<16xi32>
      %get3A_309 = arith.index_cast %add3A_244 : i32 to index
      %get3A_310 = arith.constant 112 : index
      %get3A_311 = tpu.vector_load %arg6[%get3A_309, %get3A_310] {strides = array<i32>} : memref<200x128xi32, #tpu.memory_space<vmem>>, vector<16xi32>,
      %max3A_312 = arith.maxsi %max3A_308, %get3A_311 : vector<16xi32>
      %reduce_max3A = arith.constant true
      %reduce_max3A_313 = vector.broadcast %reduce_max3A : i1 to vector<16xi1>
      %reduce_max3A_314 = arith.constant -2147483648 : i32
      %reduce_max3A_315 = vector.broadcast %reduce_max3A_314 : i32 to vector<16xi32>
      %reduce_max3A_316 = arith.xori %max3A_312, %reduce_max3A_315 : vector<16xi32>
      %reduce_max3A_317 = tpu.scan <max>, %reduce_max3A_316 masked %reduce_max3A_313 : vector<16xi32>, vector<16xi1> -> vector<16xi32>
      %reduce_max3A_318 = arith.xori %reduce_max3A_317, %reduce_max3A_315 : vector<16xi32>
      %reduce_max3A_319 = vector.extract %reduce_max3A_318[15] : i32 from vector<16xi32>
      %ge3A = arith.constant 999936 : i32
      %ge3A_320 = arith.cmpi sge, %reduce_max3A_319, %ge3A : i32
      %convert_element_type3A_321 = arith.extui %ge3A_320 : i1 to i32
      %cond3A_322 = arith.constant 0 : i32
      %cond3A_323 = arith.cmpi ne, %convert_element_type3A_321, %cond3A_322 : i32
      scf.if %cond3A_323 {
        %iota3A_963 = tpu.iota {dimensions = array<i32: 0>} : vector<16xi32>
        %scan3A_964 = arith.constant 0 : i32
        %scan3A_965 = arith.constant 0 : i32
        %scan3A_966 = arith.constant 8 : i32
        %scan3A_967 = arith.addi %scan3A_965, %scan3A_966 : i32
        %scan3A_968 = arith.constant 1 : i32
        scf.for %scan3A_970 = %scan3A_965 to %scan3A_967 step %scan3A_968  : i32 {
          %mul3A_971 = arith.constant 16 : i32
          %mul3A_972 = arith.muli %mul3A_971, %scan3A_970 : i32
          %get3A_973 = arith.index_cast %add3A_244 : i32 to index
          %get3A_974 = arith.index_cast %mul3A_972 : i32 to index
          %get3A_975 = tpu.vector_load %arg6[%get3A_973, %get3A_974] {strides = array<i32>} : memref<200x128xi32, #tpu.memory_space<vmem>>, vector<16xi32>,
          %ge3A_976 = arith.constant 999936 : i32
          %ge3A_977 = vector.broadcast %ge3A_976 : i32 to vector<16xi32>
          %ge3A_978 = arith.cmpi sge, %get3A_975, %ge3A_977 : vector<16xi32>
          %sub3A_979 = arith.constant 999936 : i32
          %sub3A_980 = vector.broadcast %sub3A_979 : i32 to vector<16xi32>
          %sub3A_981 = arith.subi %get3A_975, %sub3A_980 : vector<16xi32>
          %max3A_982 = arith.constant 0 : i32
          %max3A_983 = vector.broadcast %max3A_982 : i32 to vector<16xi32>
          %max3A_984 = arith.maxsi %sub3A_981, %max3A_983 : vector<16xi32>
          %min3A = arith.constant 63 : i32
          %min3A_985 = vector.broadcast %min3A : i32 to vector<16xi32>
          %min3A_986 = arith.minsi %max3A_984, %min3A_985 : vector<16xi32>
          %scan3A_987 = arith.constant 0 : i32
          %scan3A_988 = arith.constant 0 : i32
          %scan3A_989 = arith.constant 32 : i32
          %scan3A_990 = arith.addi %scan3A_988, %scan3A_989 : i32
          %scan3A_991 = arith.constant 1 : i32
          scf.for %scan3A_993 = %scan3A_988 to %scan3A_990 step %scan3A_991  : i32 {
            %and3A_994 = arith.constant 0 : i32
            %and3A_995 = vector.broadcast %and3A_994 : i32 to vector<16xi32>
            %and3A_996 = arith.andi %iota3A_963, %and3A_995 : vector<16xi32>
            %add3A_997 = vector.broadcast %scan3A_993 : i32 to vector<16xi32>
            %add3A_998 = arith.addi %and3A_996, %add3A_997 : vector<16xi32>
            %gather3A = tpu.vector_load_idx %arg7[%min3A_986, %add3A_998] : memref<64x32xf32, #tpu.memory_space<vmem>>[vector<16xi32>, vector<16xi32>], vector<16xf32>,
            %mul3A_999 = arith.constant 128 : i32
            %mul3A_1000 = arith.muli %scan3A_993, %mul3A_999 : i32
            %mul3A_1001 = arith.constant 16 : i32
            %mul3A_1002 = arith.muli %mul3A_1001, %scan3A_970 : i32
            %add3A_1003 = arith.addi %mul3A_1000, %mul3A_1002 : i32
            %get3A_1004 = arith.index_cast %add3A_1003 : i32 to index
            %get3A_1005 = tpu.vector_load %arg12[%get3A_1004] {strides = array<i32>} : memref<4096xf32, #tpu.memory_space<vmem>>, vector<16xf32>,
            %select_n3A_1006 = arith.select %ge3A_978, %gather3A, %get3A_1005 : vector<16xi1>, vector<16xf32>
            %swap3A = arith.index_cast %add3A_1003 : i32 to index
            %swap3A_1007 = tpu.vector_load %arg12[%swap3A] {strides = array<i32>} : memref<4096xf32, #tpu.memory_space<vmem>>, vector<16xf32>,
            tpu.vector_store %arg12[%swap3A], %select_n3A_1006 {strides = array<i32>} : memref<4096xf32, #tpu.memory_space<vmem>>, vector<16xf32>,
          }
          %scan3A_992 = arith.constant 32 : i32
        }
        %scan3A_969 = arith.constant 8 : i32
      } else {
      }
      %mul3A_324 = arith.constant 200 : i32
      %mul3A_325 = arith.muli %add3A, %mul3A_324 : i32
      %add3A_326 = arith.addi %mul3A_325, %add3A_244 : i32
      %jit3A = arith.constant 128 : i32
      %div3A = arith.divsi %add3A_326, %jit3A : i32
      %sign3A = arith.constant 0 : i32
      %sign3A_327 = arith.cmpi sgt, %add3A_326, %sign3A : i32
      %sign3A_328 = arith.extui %sign3A_327 : i1 to i32
      %sign3A_329 = arith.constant 0 : i32
      %sign3A_330 = arith.cmpi slt, %add3A_326, %sign3A_329 : i32
      %sign3A_331 = arith.extui %sign3A_330 : i1 to i32
      %sign3A_332 = arith.subi %sign3A_328, %sign3A_331 : i32
      %sign3A_333 = arith.constant 0 : i32
      %sign3A_334 = arith.cmpi sgt, %jit3A, %sign3A_333 : i32
      %sign3A_335 = arith.extui %sign3A_334 : i1 to i32
      %sign3A_336 = arith.constant 0 : i32
      %sign3A_337 = arith.cmpi slt, %jit3A, %sign3A_336 : i32
      %sign3A_338 = arith.extui %sign3A_337 : i1 to i32
      %sign3A_339 = arith.subi %sign3A_335, %sign3A_338 : i32
      %ne3A = arith.cmpi ne, %sign3A_332, %sign3A_339 : i32
      %rem3A = arith.remsi %add3A_326, %jit3A : i32
      %ne3A_340 = arith.constant 0 : i32
      %ne3A_341 = arith.cmpi ne, %rem3A, %ne3A_340 : i32
      %and3A = arith.andi %ne3A, %ne3A_341 : i1
      %sub3A = arith.constant 1 : i32
      %sub3A_342 = arith.subi %div3A, %sub3A : i32
      %select_n3A = arith.select %and3A, %sub3A_342, %div3A : i32
      %jit3A_343 = arith.constant 128 : i32
      %eq3A = arith.constant 0 : i32
      %eq3A_344 = arith.cmpi eq, %jit3A_343, %eq3A : i32
      %jit3A_345 = arith.constant 1 : i32
      %select_n3A_346 = arith.select %eq3A_344, %jit3A_345, %jit3A_343 : i32
      %rem3A_347 = arith.remsi %add3A_326, %select_n3A_346 : i32
      %ne3A_348 = arith.constant 0 : i32
      %ne3A_349 = arith.cmpi ne, %rem3A_347, %ne3A_348 : i32
      %lt3A = arith.constant 0 : i32
      %lt3A_350 = arith.cmpi slt, %rem3A_347, %lt3A : i32
      %lt3A_351 = arith.constant 0 : i32
      %lt3A_352 = arith.cmpi slt, %select_n3A_346, %lt3A_351 : i32
      %ne3A_353 = arith.xori %lt3A_350, %lt3A_352 : i1
      %and3A_354 = arith.andi %ne3A_353, %ne3A_349 : i1
      %add3A_355 = arith.addi %rem3A_347, %select_n3A_346 : i32
      %select_n3A_356 = arith.select %and3A_354, %add3A_355, %rem3A_347 : i32
      %dma_start3A_357 = arith.constant 0 : i32
      %dma_start3A_358 = arith.constant 0 : i32
      %dma_start3A_359 = tpu.memref_slice %arg12[%dma_start3A_358] : memref<4096xf32, #tpu.memory_space<vmem>> -> memref<1024xf32, #tpu.memory_space<vmem>>
      %dma_start3A_360 = arith.constant 0 : i32
      %dma_start3A_361 = tpu.memref_slice %arg5[%select_n3A, %dma_start3A_357, %select_n3A_356, %dma_start3A_360] : memref<50x4x128x1024xf32, #tpu.memory_space<hbm>> -> memref<1x1x1x1024xf32, #tpu.memory_space<hbm>>
      %dma_start3A_362 = tpu.memref_squeeze %dma_start3A_361 : memref<1x1x1x1024xf32, #tpu.memory_space<hbm>> -> memref<1024xf32, #tpu.memory_space<hbm>>
      %dma_start3A_363 = arith.constant 0 : i32
      %dma_start3A_364 = tpu.memref_slice %arg5[%select_n3A, %dma_start3A_357, %select_n3A_356, %dma_start3A_363] : memref<50x4x128x1024xf32, #tpu.memory_space<hbm>> -> memref<1x1x1x1024xf32, #tpu.memory_space<hbm>>
      %dma_start3A_365 = tpu.memref_squeeze %dma_start3A_364 : memref<1x1x1x1024xf32, #tpu.memory_space<hbm>> -> memref<1024xf32, #tpu.memory_space<hbm>>
      %dma_start3A_366 = arith.constant 0 : i32
      %dma_start3A_367 = tpu.memref_slice %arg12[%dma_start3A_366] : memref<4096xf32, #tpu.memory_space<vmem>> -> memref<1024xf32, #tpu.memory_space<vmem>>
      tpu.enqueue_dma source(%dma_start3A_367 : memref<1024xf32, #tpu.memory_space<vmem>>) target(%dma_start3A_365 : memref<1024xf32, #tpu.memory_space<hbm>>) target_semaphore(%arg20 : memref<!tpu.dma_semaphore, #tpu.memory_space<semaphore_mem>>)
      %dma_start3A_368 = arith.constant 1 : i32
      %dma_start3A_369 = arith.constant 1024 : i32
      %dma_start3A_370 = tpu.memref_slice %arg12[%dma_start3A_369] : memref<4096xf32, #tpu.memory_space<vmem>> -> memref<1024xf32, #tpu.memory_space<vmem>>
      %dma_start3A_371 = arith.constant 0 : i32
      %dma_start3A_372 = tpu.memref_slice %arg5[%select_n3A, %dma_start3A_368, %select_n3A_356, %dma_start3A_371] : memref<50x4x128x1024xf32, #tpu.memory_space<hbm>> -> memref<1x1x1x1024xf32, #tpu.memory_space<hbm>>
      %dma_start3A_373 = tpu.memref_squeeze %dma_start3A_372 : memref<1x1x1x1024xf32, #tpu.memory_space<hbm>> -> memref<1024xf32, #tpu.memory_space<hbm>>
      %dma_start3A_374 = arith.constant 0 : i32
      %dma_start3A_375 = tpu.memref_slice %arg5[%select_n3A, %dma_start3A_368, %select_n3A_356, %dma_start3A_374] : memref<50x4x128x1024xf32, #tpu.memory_space<hbm>> -> memref<1x1x1x1024xf32, #tpu.memory_space<hbm>>
      %dma_start3A_376 = tpu.memref_squeeze %dma_start3A_375 : memref<1x1x1x1024xf32, #tpu.memory_space<hbm>> -> memref<1024xf32, #tpu.memory_space<hbm>>
      %dma_start3A_377 = arith.constant 1024 : i32
      %dma_start3A_378 = tpu.memref_slice %arg12[%dma_start3A_377] : memref<4096xf32, #tpu.memory_space<vmem>> -> memref<1024xf32, #tpu.memory_space<vmem>>
      tpu.enqueue_dma source(%dma_start3A_378 : memref<1024xf32, #tpu.memory_space<vmem>>) target(%dma_start3A_376 : memref<1024xf32, #tpu.memory_space<hbm>>) target_semaphore(%arg20 : memref<!tpu.dma_semaphore, #tpu.memory_space<semaphore_mem>>)
      %dma_start3A_379 = arith.constant 2 : i32
      %dma_start3A_380 = arith.constant 2048 : i32
      %dma_start3A_381 = tpu.memref_slice %arg12[%dma_start3A_380] : memref<4096xf32, #tpu.memory_space<vmem>> -> memref<1024xf32, #tpu.memory_space<vmem>>
      %dma_start3A_382 = arith.constant 0 : i32
      %dma_start3A_383 = tpu.memref_slice %arg5[%select_n3A, %dma_start3A_379, %select_n3A_356, %dma_start3A_382] : memref<50x4x128x1024xf32, #tpu.memory_space<hbm>> -> memref<1x1x1x1024xf32, #tpu.memory_space<hbm>>
      %dma_start3A_384 = tpu.memref_squeeze %dma_start3A_383 : memref<1x1x1x1024xf32, #tpu.memory_space<hbm>> -> memref<1024xf32, #tpu.memory_space<hbm>>
      %dma_start3A_385 = arith.constant 0 : i32
      %dma_start3A_386 = tpu.memref_slice %arg5[%select_n3A, %dma_start3A_379, %select_n3A_356, %dma_start3A_385] : memref<50x4x128x1024xf32, #tpu.memory_space<hbm>> -> memref<1x1x1x1024xf32, #tpu.memory_space<hbm>>
      %dma_start3A_387 = tpu.memref_squeeze %dma_start3A_386 : memref<1x1x1x1024xf32, #tpu.memory_space<hbm>> -> memref<1024xf32, #tpu.memory_space<hbm>>
      %dma_start3A_388 = arith.constant 2048 : i32
      %dma_start3A_389 = tpu.memref_slice %arg12[%dma_start3A_388] : memref<4096xf32, #tpu.memory_space<vmem>> -> memref<1024xf32, #tpu.memory_space<vmem>>
      tpu.enqueue_dma source(%dma_start3A_389 : memref<1024xf32, #tpu.memory_space<vmem>>) target(%dma_start3A_387 : memref<1024xf32, #tpu.memory_space<hbm>>) target_semaphore(%arg20 : memref<!tpu.dma_semaphore, #tpu.memory_space<semaphore_mem>>)
      %dma_start3A_390 = arith.constant 3 : i32
      %dma_start3A_391 = arith.constant 3072 : i32
      %dma_start3A_392 = tpu.memref_slice %arg12[%dma_start3A_391] : memref<4096xf32, #tpu.memory_space<vmem>> -> memref<1024xf32, #tpu.memory_space<vmem>>
      %dma_start3A_393 = arith.constant 0 : i32
      %dma_start3A_394 = tpu.memref_slice %arg5[%select_n3A, %dma_start3A_390, %select_n3A_356, %dma_start3A_393] : memref<50x4x128x1024xf32, #tpu.memory_space<hbm>> -> memref<1x1x1x1024xf32, #tpu.memory_space<hbm>>
      %dma_start3A_395 = tpu.memref_squeeze %dma_start3A_394 : memref<1x1x1x1024xf32, #tpu.memory_space<hbm>> -> memref<1024xf32, #tpu.memory_space<hbm>>
      %dma_start3A_396 = arith.constant 0 : i32
      %dma_start3A_397 = tpu.memref_slice %arg5[%select_n3A, %dma_start3A_390, %select_n3A_356, %dma_start3A_396] : memref<50x4x128x1024xf32, #tpu.memory_space<hbm>> -> memref<1x1x1x1024xf32, #tpu.memory_space<hbm>>
      %dma_start3A_398 = tpu.memref_squeeze %dma_start3A_397 : memref<1x1x1x1024xf32, #tpu.memory_space<hbm>> -> memref<1024xf32, #tpu.memory_space<hbm>>
      %dma_start3A_399 = arith.constant 3072 : i32
      %dma_start3A_400 = tpu.memref_slice %arg12[%dma_start3A_399] : memref<4096xf32, #tpu.memory_space<vmem>> -> memref<1024xf32, #tpu.memory_space<vmem>>
      tpu.enqueue_dma source(%dma_start3A_400 : memref<1024xf32, #tpu.memory_space<vmem>>) target(%dma_start3A_398 : memref<1024xf32, #tpu.memory_space<hbm>>) target_semaphore(%arg20 : memref<!tpu.dma_semaphore, #tpu.memory_space<semaphore_mem>>)
      %add3A_401 = arith.constant 4 : i32
      %add3A_402 = arith.addi %add3A_244, %add3A_401 : i32
      %lt3A_403 = arith.constant 200 : i32
      %lt3A_404 = arith.cmpi slt, %add3A_402, %lt3A_403 : i32
      %convert_element_type3A_405 = arith.extui %lt3A_404 : i1 to i32
      %cond3A_406 = arith.constant 0 : i32
      %cond3A_407 = arith.cmpi ne, %convert_element_type3A_405, %cond3A_406 : i32
      scf.if %cond3A_407 {
        %add3A_963 = arith.constant 4 : i32
        %add3A_964 = arith.addi %add3A_244, %add3A_963 : i32
        %dma_start3A_965 = arith.constant 0 : i32
        %dma_start3A_966 = tpu.memref_slice %arg6[%add3A_964, %dma_start3A_965] : memref<200x128xi32, #tpu.memory_space<vmem>> -> memref<1x128xi32, #tpu.memory_space<vmem>>
        %dma_start3A_967 = tpu.memref_squeeze %dma_start3A_966 : memref<1x128xi32, #tpu.memory_space<vmem>> -> memref<128xi32, #tpu.memory_space<vmem>>
        %dma_start3A_968 = arith.constant 0 : i32
        %dma_start3A_969 = arith.constant 0 : i32
        %dma_start3A_970 = tpu.memref_slice %arg3[%dma_start3A_968, %dma_start3A_969] : memref<1000064x32xf32, #tpu.memory_space<hbm>> -> memref<1000064x32xf32, #tpu.memory_space<hbm>>
        tpu.enqueue_indirect_dma source(%dma_start3A_970 : memref<1000064x32xf32, #tpu.memory_space<hbm>>) target(%arg8 : memref<128x32xf32, #tpu.memory_space<vmem>>) offsets(%dma_start3A_967 : memref<128xi32, #tpu.memory_space<vmem>>) semaphore(%arg16 : memref<!tpu.dma_semaphore, #tpu.memory_space<semaphore_mem>>)
      } else {
      }
      %mul3A_408 = arith.constant 4 : i32
      %mul3A_409 = arith.muli %mul3A_408, %scan3A_240 : i32
      %add3A_410 = arith.constant 1 : i32
      %add3A_411 = arith.addi %mul3A_409, %add3A_410 : i32
      %dma_wait3A_412 = arith.constant 0 : i32
      %dma_wait3A_413 = arith.constant 0 : i32
      %dma_wait3A_414 = tpu.memref_slice %arg6[%dma_wait3A_412, %dma_wait3A_413] : memref<200x128xi32, #tpu.memory_space<vmem>> -> memref<1x128xi32, #tpu.memory_space<vmem>>
      %dma_wait3A_415 = tpu.memref_squeeze %dma_wait3A_414 : memref<1x128xi32, #tpu.memory_space<vmem>> -> memref<128xi32, #tpu.memory_space<vmem>>
      %dma_wait3A_416 = arith.constant 0 : i32
      %dma_wait3A_417 = arith.constant 0 : i32
      %dma_wait3A_418 = tpu.memref_slice %arg3[%dma_wait3A_416, %dma_wait3A_417] : memref<1000064x32xf32, #tpu.memory_space<hbm>> -> memref<1000064x32xf32, #tpu.memory_space<hbm>>
      tpu.wait_indirect_dma semaphore(%arg17 : memref<!tpu.dma_semaphore, #tpu.memory_space<semaphore_mem>>) src(%dma_wait3A_418 : memref<1000064x32xf32, #tpu.memory_space<hbm>>) dst(%arg9 : memref<128x32xf32, #tpu.memory_space<vmem>>)
      %gt3A_419 = arith.constant 0 : i32
      %gt3A_420 = arith.cmpi sgt, %scan3A_240, %gt3A_419 : i32
      %convert_element_type3A_421 = arith.extui %gt3A_420 : i1 to i32
      %cond3A_422 = arith.constant 0 : i32
      %cond3A_423 = arith.cmpi ne, %convert_element_type3A_421, %cond3A_422 : i32
      scf.if %cond3A_423 {
        %dma_wait3A_963 = arith.constant 0 : i32
        %dma_wait3A_964 = arith.constant 0 : i32
        %dma_wait3A_965 = arith.constant 0 : i32
        %dma_wait3A_966 = arith.constant 0 : i32
        %dma_wait3A_967 = tpu.memref_slice %arg13[%dma_wait3A_966] : memref<4096xf32, #tpu.memory_space<vmem>> -> memref<1024xf32, #tpu.memory_space<vmem>>
        %dma_wait3A_968 = arith.constant 0 : i32
        %dma_wait3A_969 = tpu.memref_slice %arg5[%dma_wait3A_963, %dma_wait3A_964, %dma_wait3A_965, %dma_wait3A_968] : memref<50x4x128x1024xf32, #tpu.memory_space<hbm>> -> memref<1x1x1x1024xf32, #tpu.memory_space<hbm>>
        %dma_wait3A_970 = tpu.memref_squeeze %dma_wait3A_969 : memref<1x1x1x1024xf32, #tpu.memory_space<hbm>> -> memref<1024xf32, #tpu.memory_space<hbm>>
        %dma_wait3A_971 = arith.constant 0 : i32
        %dma_wait3A_972 = tpu.memref_slice %arg5[%dma_wait3A_963, %dma_wait3A_964, %dma_wait3A_965, %dma_wait3A_971] : memref<50x4x128x1024xf32, #tpu.memory_space<hbm>> -> memref<1x1x1x1024xf32, #tpu.memory_space<hbm>>
        %dma_wait3A_973 = tpu.memref_squeeze %dma_wait3A_972 : memref<1x1x1x1024xf32, #tpu.memory_space<hbm>> -> memref<1024xf32, #tpu.memory_space<hbm>>
        %dma_wait3A_974 = arith.constant 0 : i32
        %dma_wait3A_975 = tpu.memref_slice %arg13[%dma_wait3A_974] : memref<4096xf32, #tpu.memory_space<vmem>> -> memref<1024xf32, #tpu.memory_space<vmem>>
        tpu.wait_dma2 semaphore(%arg21 : memref<!tpu.dma_semaphore, #tpu.memory_space<semaphore_mem>>) src(%dma_wait3A_975 : memref<1024xf32, #tpu.memory_space<vmem>>) dst(%dma_wait3A_973 : memref<1024xf32, #tpu.memory_space<hbm>>)
        %dma_wait3A_976 = arith.constant 0 : i32
        %dma_wait3A_977 = arith.constant 1 : i32
        %dma_wait3A_978 = arith.constant 0 : i32
        %dma_wait3A_979 = arith.constant 1024 : i32
        %dma_wait3A_980 = tpu.memref_slice %arg13[%dma_wait3A_979] : memref<4096xf32, #tpu.memory_space<vmem>> -> memref<1024xf32, #tpu.memory_space<vmem>>
        %dma_wait3A_981 = arith.constant 0 : i32
        %dma_wait3A_982 = tpu.memref_slice %arg5[%dma_wait3A_976, %dma_wait3A_977, %dma_wait3A_978, %dma_wait3A_981] : memref<50x4x128x1024xf32, #tpu.memory_space<hbm>> -> memref<1x1x1x1024xf32, #tpu.memory_space<hbm>>
        %dma_wait3A_983 = tpu.memref_squeeze %dma_wait3A_982 : memref<1x1x1x1024xf32, #tpu.memory_space<hbm>> -> memref<1024xf32, #tpu.memory_space<hbm>>
        %dma_wait3A_984 = arith.constant 0 : i32
        %dma_wait3A_985 = tpu.memref_slice %arg5[%dma_wait3A_976, %dma_wait3A_977, %dma_wait3A_978, %dma_wait3A_984] : memref<50x4x128x1024xf32, #tpu.memory_space<hbm>> -> memref<1x1x1x1024xf32, #tpu.memory_space<hbm>>
        %dma_wait3A_986 = tpu.memref_squeeze %dma_wait3A_985 : memref<1x1x1x1024xf32, #tpu.memory_space<hbm>> -> memref<1024xf32, #tpu.memory_space<hbm>>
        %dma_wait3A_987 = arith.constant 1024 : i32
        %dma_wait3A_988 = tpu.memref_slice %arg13[%dma_wait3A_987] : memref<4096xf32, #tpu.memory_space<vmem>> -> memref<1024xf32, #tpu.memory_space<vmem>>
        tpu.wait_dma2 semaphore(%arg21 : memref<!tpu.dma_semaphore, #tpu.memory_space<semaphore_mem>>) src(%dma_wait3A_988 : memref<1024xf32, #tpu.memory_space<vmem>>) dst(%dma_wait3A_986 : memref<1024xf32, #tpu.memory_space<hbm>>)
        %dma_wait3A_989 = arith.constant 0 : i32
        %dma_wait3A_990 = arith.constant 2 : i32
        %dma_wait3A_991 = arith.constant 0 : i32
        %dma_wait3A_992 = arith.constant 2048 : i32
        %dma_wait3A_993 = tpu.memref_slice %arg13[%dma_wait3A_992] : memref<4096xf32, #tpu.memory_space<vmem>> -> memref<1024xf32, #tpu.memory_space<vmem>>
        %dma_wait3A_994 = arith.constant 0 : i32
        %dma_wait3A_995 = tpu.memref_slice %arg5[%dma_wait3A_989, %dma_wait3A_990, %dma_wait3A_991, %dma_wait3A_994] : memref<50x4x128x1024xf32, #tpu.memory_space<hbm>> -> memref<1x1x1x1024xf32, #tpu.memory_space<hbm>>
        %dma_wait3A_996 = tpu.memref_squeeze %dma_wait3A_995 : memref<1x1x1x1024xf32, #tpu.memory_space<hbm>> -> memref<1024xf32, #tpu.memory_space<hbm>>
        %dma_wait3A_997 = arith.constant 0 : i32
        %dma_wait3A_998 = tpu.memref_slice %arg5[%dma_wait3A_989, %dma_wait3A_990, %dma_wait3A_991, %dma_wait3A_997] : memref<50x4x128x1024xf32, #tpu.memory_space<hbm>> -> memref<1x1x1x1024xf32, #tpu.memory_space<hbm>>
        %dma_wait3A_999 = tpu.memref_squeeze %dma_wait3A_998 : memref<1x1x1x1024xf32, #tpu.memory_space<hbm>> -> memref<1024xf32, #tpu.memory_space<hbm>>
        %dma_wait3A_1000 = arith.constant 2048 : i32
        %dma_wait3A_1001 = tpu.memref_slice %arg13[%dma_wait3A_1000] : memref<4096xf32, #tpu.memory_space<vmem>> -> memref<1024xf32, #tpu.memory_space<vmem>>
        tpu.wait_dma2 semaphore(%arg21 : memref<!tpu.dma_semaphore, #tpu.memory_space<semaphore_mem>>) src(%dma_wait3A_1001 : memref<1024xf32, #tpu.memory_space<vmem>>) dst(%dma_wait3A_999 : memref<1024xf32, #tpu.memory_space<hbm>>)
        %dma_wait3A_1002 = arith.constant 0 : i32
        %dma_wait3A_1003 = arith.constant 3 : i32
        %dma_wait3A_1004 = arith.constant 0 : i32
        %dma_wait3A_1005 = arith.constant 3072 : i32
        %dma_wait3A_1006 = tpu.memref_slice %arg13[%dma_wait3A_1005] : memref<4096xf32, #tpu.memory_space<vmem>> -> memref<1024xf32, #tpu.memory_space<vmem>>
        %dma_wait3A_1007 = arith.constant 0 : i32
        %dma_wait3A_1008 = tpu.memref_slice %arg5[%dma_wait3A_1002, %dma_wait3A_1003, %dma_wait3A_1004, %dma_wait3A_1007] : memref<50x4x128x1024xf32, #tpu.memory_space<hbm>> -> memref<1x1x1x1024xf32, #tpu.memory_space<hbm>>
        %dma_wait3A_1009 = tpu.memref_squeeze %dma_wait3A_1008 : memref<1x1x1x1024xf32, #tpu.memory_space<hbm>> -> memref<1024xf32, #tpu.memory_space<hbm>>
        %dma_wait3A_1010 = arith.constant 0 : i32
        %dma_wait3A_1011 = tpu.memref_slice %arg5[%dma_wait3A_1002, %dma_wait3A_1003, %dma_wait3A_1004, %dma_wait3A_1010] : memref<50x4x128x1024xf32, #tpu.memory_space<hbm>> -> memref<1x1x1x1024xf32, #tpu.memory_space<hbm>>
        %dma_wait3A_1012 = tpu.memref_squeeze %dma_wait3A_1011 : memref<1x1x1x1024xf32, #tpu.memory_space<hbm>> -> memref<1024xf32, #tpu.memory_space<hbm>>
        %dma_wait3A_1013 = arith.constant 3072 : i32
        %dma_wait3A_1014 = tpu.memref_slice %arg13[%dma_wait3A_1013] : memref<4096xf32, #tpu.memory_space<vmem>> -> memref<1024xf32, #tpu.memory_space<vmem>>
        tpu.wait_dma2 semaphore(%arg21 : memref<!tpu.dma_semaphore, #tpu.memory_space<semaphore_mem>>) src(%dma_wait3A_1014 : memref<1024xf32, #tpu.memory_space<vmem>>) dst(%dma_wait3A_1012 : memref<1024xf32, #tpu.memory_space<hbm>>)
      } else {
      }
      %iota3A_424 = tpu.iota {dimensions = array<i32: 0>} : vector<16xi32>
      %add3A_425 = arith.constant 0 : i32
      %add3A_426 = vector.broadcast %add3A_425 : i32 to vector<16xi32>
      %add3A_427 = arith.addi %iota3A_424, %add3A_426 : vector<16xi32>
      %add3A_428 = arith.constant 16 : i32
      %add3A_429 = vector.broadcast %add3A_428 : i32 to vector<16xi32>
      %add3A_430 = arith.addi %iota3A_424, %add3A_429 : vector<16xi32>
      %add3A_431 = arith.constant 32 : i32
      %add3A_432 = vector.broadcast %add3A_431 : i32 to vector<16xi32>
      %add3A_433 = arith.addi %iota3A_424, %add3A_432 : vector<16xi32>
      %add3A_434 = arith.constant 48 : i32
      %add3A_435 = vector.broadcast %add3A_434 : i32 to vector<16xi32>
      %add3A_436 = arith.addi %iota3A_424, %add3A_435 : vector<16xi32>
      %add3A_437 = arith.constant 64 : i32
      %add3A_438 = vector.broadcast %add3A_437 : i32 to vector<16xi32>
      %add3A_439 = arith.addi %iota3A_424, %add3A_438 : vector<16xi32>
      %add3A_440 = arith.constant 80 : i32
      %add3A_441 = vector.broadcast %add3A_440 : i32 to vector<16xi32>
      %add3A_442 = arith.addi %iota3A_424, %add3A_441 : vector<16xi32>
      %add3A_443 = arith.constant 96 : i32
      %add3A_444 = vector.broadcast %add3A_443 : i32 to vector<16xi32>
      %add3A_445 = arith.addi %iota3A_424, %add3A_444 : vector<16xi32>
      %add3A_446 = arith.constant 112 : i32
      %add3A_447 = vector.broadcast %add3A_446 : i32 to vector<16xi32>
      %add3A_448 = arith.addi %iota3A_424, %add3A_447 : vector<16xi32>
      %scan3A_449 = arith.constant 0 : i32
      %scan3A_450 = arith.constant 0 : i32
      %scan3A_451 = arith.constant 16 : i32
      %scan3A_452 = arith.addi %scan3A_450, %scan3A_451 : i32
      %scan3A_453 = arith.constant 1 : i32
      scf.for %scan3A_963 = %scan3A_450 to %scan3A_452 step %scan3A_453  : i32 {
        %mul3A_964 = arith.constant 2 : i32
        %mul3A_965 = arith.muli %mul3A_964, %scan3A_963 : i32
        %mul3A_966 = arith.constant 2 : i32
        %mul3A_967 = arith.muli %mul3A_966, %scan3A_963 : i32
        %add3A_968 = arith.constant 1 : i32
        %add3A_969 = arith.addi %mul3A_967, %add3A_968 : i32
        %add3A_970 = vector.broadcast %mul3A_965 : i32 to vector<16xi32>
        %add3A_971 = arith.addi %add3A_427, %add3A_970 : vector<16xi32>
        %and3A_972 = arith.constant 31 : i32
        %and3A_973 = vector.broadcast %and3A_972 : i32 to vector<16xi32>
        %and3A_974 = arith.andi %add3A_971, %and3A_973 : vector<16xi32>
        %gather3A = tpu.vector_load_idx %arg9[%add3A_427, %and3A_974] : memref<128x32xf32, #tpu.memory_space<vmem>>[vector<16xi32>, vector<16xi32>], vector<16xf32>,
        %mul3A_975 = arith.constant 128 : i32
        %mul3A_976 = vector.broadcast %mul3A_975 : i32 to vector<16xi32>
        %mul3A_977 = arith.muli %and3A_974, %mul3A_976 : vector<16xi32>
        %add3A_978 = arith.addi %mul3A_977, %add3A_427 : vector<16xi32>
        tpu.vector_store_idx %arg13[%add3A_978], %gather3A : memref<4096xf32, #tpu.memory_space<vmem>>[vector<16xi32>], vector<16xf32>,
        %add3A_979 = vector.broadcast %mul3A_965 : i32 to vector<16xi32>
        %add3A_980 = arith.addi %add3A_430, %add3A_979 : vector<16xi32>
        %and3A_981 = arith.constant 31 : i32
        %and3A_982 = vector.broadcast %and3A_981 : i32 to vector<16xi32>
        %and3A_983 = arith.andi %add3A_980, %and3A_982 : vector<16xi32>
        %gather3A_984 = tpu.vector_load_idx %arg9[%add3A_430, %and3A_983] : memref<128x32xf32, #tpu.memory_space<vmem>>[vector<16xi32>, vector<16xi32>], vector<16xf32>,
        %mul3A_985 = arith.constant 128 : i32
        %mul3A_986 = vector.broadcast %mul3A_985 : i32 to vector<16xi32>
        %mul3A_987 = arith.muli %and3A_983, %mul3A_986 : vector<16xi32>
        %add3A_988 = arith.addi %mul3A_987, %add3A_430 : vector<16xi32>
        tpu.vector_store_idx %arg13[%add3A_988], %gather3A_984 : memref<4096xf32, #tpu.memory_space<vmem>>[vector<16xi32>], vector<16xf32>,
        %add3A_989 = vector.broadcast %mul3A_965 : i32 to vector<16xi32>
        %add3A_990 = arith.addi %add3A_433, %add3A_989 : vector<16xi32>
        %and3A_991 = arith.constant 31 : i32
        %and3A_992 = vector.broadcast %and3A_991 : i32 to vector<16xi32>
        %and3A_993 = arith.andi %add3A_990, %and3A_992 : vector<16xi32>
        %gather3A_994 = tpu.vector_load_idx %arg9[%add3A_433, %and3A_993] : memref<128x32xf32, #tpu.memory_space<vmem>>[vector<16xi32>, vector<16xi32>], vector<16xf32>,
        %mul3A_995 = arith.constant 128 : i32
        %mul3A_996 = vector.broadcast %mul3A_995 : i32 to vector<16xi32>
        %mul3A_997 = arith.muli %and3A_993, %mul3A_996 : vector<16xi32>
        %add3A_998 = arith.addi %mul3A_997, %add3A_433 : vector<16xi32>
        tpu.vector_store_idx %arg13[%add3A_998], %gather3A_994 : memref<4096xf32, #tpu.memory_space<vmem>>[vector<16xi32>], vector<16xf32>,
        %add3A_999 = vector.broadcast %mul3A_965 : i32 to vector<16xi32>
        %add3A_1000 = arith.addi %add3A_436, %add3A_999 : vector<16xi32>
        %and3A_1001 = arith.constant 31 : i32
        %and3A_1002 = vector.broadcast %and3A_1001 : i32 to vector<16xi32>
        %and3A_1003 = arith.andi %add3A_1000, %and3A_1002 : vector<16xi32>
        %gather3A_1004 = tpu.vector_load_idx %arg9[%add3A_436, %and3A_1003] : memref<128x32xf32, #tpu.memory_space<vmem>>[vector<16xi32>, vector<16xi32>], vector<16xf32>,
        %mul3A_1005 = arith.constant 128 : i32
        %mul3A_1006 = vector.broadcast %mul3A_1005 : i32 to vector<16xi32>
        %mul3A_1007 = arith.muli %and3A_1003, %mul3A_1006 : vector<16xi32>
        %add3A_1008 = arith.addi %mul3A_1007, %add3A_436 : vector<16xi32>
        tpu.vector_store_idx %arg13[%add3A_1008], %gather3A_1004 : memref<4096xf32, #tpu.memory_space<vmem>>[vector<16xi32>], vector<16xf32>,
        %add3A_1009 = vector.broadcast %mul3A_965 : i32 to vector<16xi32>
        %add3A_1010 = arith.addi %add3A_439, %add3A_1009 : vector<16xi32>
        %and3A_1011 = arith.constant 31 : i32
        %and3A_1012 = vector.broadcast %and3A_1011 : i32 to vector<16xi32>
        %and3A_1013 = arith.andi %add3A_1010, %and3A_1012 : vector<16xi32>
        %gather3A_1014 = tpu.vector_load_idx %arg9[%add3A_439, %and3A_1013] : memref<128x32xf32, #tpu.memory_space<vmem>>[vector<16xi32>, vector<16xi32>], vector<16xf32>,
        %mul3A_1015 = arith.constant 128 : i32
        %mul3A_1016 = vector.broadcast %mul3A_1015 : i32 to vector<16xi32>
        %mul3A_1017 = arith.muli %and3A_1013, %mul3A_1016 : vector<16xi32>
        %add3A_1018 = arith.addi %mul3A_1017, %add3A_439 : vector<16xi32>
        tpu.vector_store_idx %arg13[%add3A_1018], %gather3A_1014 : memref<4096xf32, #tpu.memory_space<vmem>>[vector<16xi32>], vector<16xf32>,
        %add3A_1019 = vector.broadcast %mul3A_965 : i32 to vector<16xi32>
        %add3A_1020 = arith.addi %add3A_442, %add3A_1019 : vector<16xi32>
        %and3A_1021 = arith.constant 31 : i32
        %and3A_1022 = vector.broadcast %and3A_1021 : i32 to vector<16xi32>
        %and3A_1023 = arith.andi %add3A_1020, %and3A_1022 : vector<16xi32>
        %gather3A_1024 = tpu.vector_load_idx %arg9[%add3A_442, %and3A_1023] : memref<128x32xf32, #tpu.memory_space<vmem>>[vector<16xi32>, vector<16xi32>], vector<16xf32>,
        %mul3A_1025 = arith.constant 128 : i32
        %mul3A_1026 = vector.broadcast %mul3A_1025 : i32 to vector<16xi32>
        %mul3A_1027 = arith.muli %and3A_1023, %mul3A_1026 : vector<16xi32>
        %add3A_1028 = arith.addi %mul3A_1027, %add3A_442 : vector<16xi32>
        tpu.vector_store_idx %arg13[%add3A_1028], %gather3A_1024 : memref<4096xf32, #tpu.memory_space<vmem>>[vector<16xi32>], vector<16xf32>,
        %add3A_1029 = vector.broadcast %mul3A_965 : i32 to vector<16xi32>
        %add3A_1030 = arith.addi %add3A_445, %add3A_1029 : vector<16xi32>
        %and3A_1031 = arith.constant 31 : i32
        %and3A_1032 = vector.broadcast %and3A_1031 : i32 to vector<16xi32>
        %and3A_1033 = arith.andi %add3A_1030, %and3A_1032 : vector<16xi32>
        %gather3A_1034 = tpu.vector_load_idx %arg9[%add3A_445, %and3A_1033] : memref<128x32xf32, #tpu.memory_space<vmem>>[vector<16xi32>, vector<16xi32>], vector<16xf32>,
        %mul3A_1035 = arith.constant 128 : i32
        %mul3A_1036 = vector.broadcast %mul3A_1035 : i32 to vector<16xi32>
        %mul3A_1037 = arith.muli %and3A_1033, %mul3A_1036 : vector<16xi32>
        %add3A_1038 = arith.addi %mul3A_1037, %add3A_445 : vector<16xi32>
        tpu.vector_store_idx %arg13[%add3A_1038], %gather3A_1034 : memref<4096xf32, #tpu.memory_space<vmem>>[vector<16xi32>], vector<16xf32>,
        %add3A_1039 = vector.broadcast %mul3A_965 : i32 to vector<16xi32>
        %add3A_1040 = arith.addi %add3A_448, %add3A_1039 : vector<16xi32>
        %and3A_1041 = arith.constant 31 : i32
        %and3A_1042 = vector.broadcast %and3A_1041 : i32 to vector<16xi32>
        %and3A_1043 = arith.andi %add3A_1040, %and3A_1042 : vector<16xi32>
        %gather3A_1044 = tpu.vector_load_idx %arg9[%add3A_448, %and3A_1043] : memref<128x32xf32, #tpu.memory_space<vmem>>[vector<16xi32>, vector<16xi32>], vector<16xf32>,
        %mul3A_1045 = arith.constant 128 : i32
        %mul3A_1046 = vector.broadcast %mul3A_1045 : i32 to vector<16xi32>
        %mul3A_1047 = arith.muli %and3A_1043, %mul3A_1046 : vector<16xi32>
        %add3A_1048 = arith.addi %mul3A_1047, %add3A_448 : vector<16xi32>
        tpu.vector_store_idx %arg13[%add3A_1048], %gather3A_1044 : memref<4096xf32, #tpu.memory_space<vmem>>[vector<16xi32>], vector<16xf32>,
        %add3A_1049 = vector.broadcast %add3A_969 : i32 to vector<16xi32>
        %add3A_1050 = arith.addi %add3A_427, %add3A_1049 : vector<16xi32>
        %and3A_1051 = arith.constant 31 : i32
        %and3A_1052 = vector.broadcast %and3A_1051 : i32 to vector<16xi32>
        %and3A_1053 = arith.andi %add3A_1050, %and3A_1052 : vector<16xi32>
        %gather3A_1054 = tpu.vector_load_idx %arg9[%add3A_427, %and3A_1053] : memref<128x32xf32, #tpu.memory_space<vmem>>[vector<16xi32>, vector<16xi32>], vector<16xf32>,
        %mul3A_1055 = arith.constant 128 : i32
        %mul3A_1056 = vector.broadcast %mul3A_1055 : i32 to vector<16xi32>
        %mul3A_1057 = arith.muli %and3A_1053, %mul3A_1056 : vector<16xi32>
        %add3A_1058 = arith.addi %mul3A_1057, %add3A_427 : vector<16xi32>
        tpu.vector_store_idx %arg13[%add3A_1058], %gather3A_1054 : memref<4096xf32, #tpu.memory_space<vmem>>[vector<16xi32>], vector<16xf32>,
        %add3A_1059 = vector.broadcast %add3A_969 : i32 to vector<16xi32>
        %add3A_1060 = arith.addi %add3A_430, %add3A_1059 : vector<16xi32>
        %and3A_1061 = arith.constant 31 : i32
        %and3A_1062 = vector.broadcast %and3A_1061 : i32 to vector<16xi32>
        %and3A_1063 = arith.andi %add3A_1060, %and3A_1062 : vector<16xi32>
        %gather3A_1064 = tpu.vector_load_idx %arg9[%add3A_430, %and3A_1063] : memref<128x32xf32, #tpu.memory_space<vmem>>[vector<16xi32>, vector<16xi32>], vector<16xf32>,
        %mul3A_1065 = arith.constant 128 : i32
        %mul3A_1066 = vector.broadcast %mul3A_1065 : i32 to vector<16xi32>
        %mul3A_1067 = arith.muli %and3A_1063, %mul3A_1066 : vector<16xi32>
        %add3A_1068 = arith.addi %mul3A_1067, %add3A_430 : vector<16xi32>
        tpu.vector_store_idx %arg13[%add3A_1068], %gather3A_1064 : memref<4096xf32, #tpu.memory_space<vmem>>[vector<16xi32>], vector<16xf32>,
        %add3A_1069 = vector.broadcast %add3A_969 : i32 to vector<16xi32>
        %add3A_1070 = arith.addi %add3A_433, %add3A_1069 : vector<16xi32>
        %and3A_1071 = arith.constant 31 : i32
        %and3A_1072 = vector.broadcast %and3A_1071 : i32 to vector<16xi32>
        %and3A_1073 = arith.andi %add3A_1070, %and3A_1072 : vector<16xi32>
        %gather3A_1074 = tpu.vector_load_idx %arg9[%add3A_433, %and3A_1073] : memref<128x32xf32, #tpu.memory_space<vmem>>[vector<16xi32>, vector<16xi32>], vector<16xf32>,
        %mul3A_1075 = arith.constant 128 : i32
        %mul3A_1076 = vector.broadcast %mul3A_1075 : i32 to vector<16xi32>
        %mul3A_1077 = arith.muli %and3A_1073, %mul3A_1076 : vector<16xi32>
        %add3A_1078 = arith.addi %mul3A_1077, %add3A_433 : vector<16xi32>
        tpu.vector_store_idx %arg13[%add3A_1078], %gather3A_1074 : memref<4096xf32, #tpu.memory_space<vmem>>[vector<16xi32>], vector<16xf32>,
        %add3A_1079 = vector.broadcast %add3A_969 : i32 to vector<16xi32>
        %add3A_1080 = arith.addi %add3A_436, %add3A_1079 : vector<16xi32>
        %and3A_1081 = arith.constant 31 : i32
        %and3A_1082 = vector.broadcast %and3A_1081 : i32 to vector<16xi32>
        %and3A_1083 = arith.andi %add3A_1080, %and3A_1082 : vector<16xi32>
        %gather3A_1084 = tpu.vector_load_idx %arg9[%add3A_436, %and3A_1083] : memref<128x32xf32, #tpu.memory_space<vmem>>[vector<16xi32>, vector<16xi32>], vector<16xf32>,
        %mul3A_1085 = arith.constant 128 : i32
        %mul3A_1086 = vector.broadcast %mul3A_1085 : i32 to vector<16xi32>
        %mul3A_1087 = arith.muli %and3A_1083, %mul3A_1086 : vector<16xi32>
        %add3A_1088 = arith.addi %mul3A_1087, %add3A_436 : vector<16xi32>
        tpu.vector_store_idx %arg13[%add3A_1088], %gather3A_1084 : memref<4096xf32, #tpu.memory_space<vmem>>[vector<16xi32>], vector<16xf32>,
        %add3A_1089 = vector.broadcast %add3A_969 : i32 to vector<16xi32>
        %add3A_1090 = arith.addi %add3A_439, %add3A_1089 : vector<16xi32>
        %and3A_1091 = arith.constant 31 : i32
        %and3A_1092 = vector.broadcast %and3A_1091 : i32 to vector<16xi32>
        %and3A_1093 = arith.andi %add3A_1090, %and3A_1092 : vector<16xi32>
        %gather3A_1094 = tpu.vector_load_idx %arg9[%add3A_439, %and3A_1093] : memref<128x32xf32, #tpu.memory_space<vmem>>[vector<16xi32>, vector<16xi32>], vector<16xf32>,
        %mul3A_1095 = arith.constant 128 : i32
        %mul3A_1096 = vector.broadcast %mul3A_1095 : i32 to vector<16xi32>
        %mul3A_1097 = arith.muli %and3A_1093, %mul3A_1096 : vector<16xi32>
        %add3A_1098 = arith.addi %mul3A_1097, %add3A_439 : vector<16xi32>
        tpu.vector_store_idx %arg13[%add3A_1098], %gather3A_1094 : memref<4096xf32, #tpu.memory_space<vmem>>[vector<16xi32>], vector<16xf32>,
        %add3A_1099 = vector.broadcast %add3A_969 : i32 to vector<16xi32>
        %add3A_1100 = arith.addi %add3A_442, %add3A_1099 : vector<16xi32>
        %and3A_1101 = arith.constant 31 : i32
        %and3A_1102 = vector.broadcast %and3A_1101 : i32 to vector<16xi32>
        %and3A_1103 = arith.andi %add3A_1100, %and3A_1102 : vector<16xi32>
        %gather3A_1104 = tpu.vector_load_idx %arg9[%add3A_442, %and3A_1103] : memref<128x32xf32, #tpu.memory_space<vmem>>[vector<16xi32>, vector<16xi32>], vector<16xf32>,
        %mul3A_1105 = arith.constant 128 : i32
        %mul3A_1106 = vector.broadcast %mul3A_1105 : i32 to vector<16xi32>
        %mul3A_1107 = arith.muli %and3A_1103, %mul3A_1106 : vector<16xi32>
        %add3A_1108 = arith.addi %mul3A_1107, %add3A_442 : vector<16xi32>
        tpu.vector_store_idx %arg13[%add3A_1108], %gather3A_1104 : memref<4096xf32, #tpu.memory_space<vmem>>[vector<16xi32>], vector<16xf32>,
        %add3A_1109 = vector.broadcast %add3A_969 : i32 to vector<16xi32>
        %add3A_1110 = arith.addi %add3A_445, %add3A_1109 : vector<16xi32>
        %and3A_1111 = arith.constant 31 : i32
        %and3A_1112 = vector.broadcast %and3A_1111 : i32 to vector<16xi32>
        %and3A_1113 = arith.andi %add3A_1110, %and3A_1112 : vector<16xi32>
        %gather3A_1114 = tpu.vector_load_idx %arg9[%add3A_445, %and3A_1113] : memref<128x32xf32, #tpu.memory_space<vmem>>[vector<16xi32>, vector<16xi32>], vector<16xf32>,
        %mul3A_1115 = arith.constant 128 : i32
        %mul3A_1116 = vector.broadcast %mul3A_1115 : i32 to vector<16xi32>
        %mul3A_1117 = arith.muli %and3A_1113, %mul3A_1116 : vector<16xi32>
        %add3A_1118 = arith.addi %mul3A_1117, %add3A_445 : vector<16xi32>
        tpu.vector_store_idx %arg13[%add3A_1118], %gather3A_1114 : memref<4096xf32, #tpu.memory_space<vmem>>[vector<16xi32>], vector<16xf32>,
        %add3A_1119 = vector.broadcast %add3A_969 : i32 to vector<16xi32>
        %add3A_1120 = arith.addi %add3A_448, %add3A_1119 : vector<16xi32>
        %and3A_1121 = arith.constant 31 : i32
        %and3A_1122 = vector.broadcast %and3A_1121 : i32 to vector<16xi32>
        %and3A_1123 = arith.andi %add3A_1120, %and3A_1122 : vector<16xi32>
        %gather3A_1124 = tpu.vector_load_idx %arg9[%add3A_448, %and3A_1123] : memref<128x32xf32, #tpu.memory_space<vmem>>[vector<16xi32>, vector<16xi32>], vector<16xf32>,
        %mul3A_1125 = arith.constant 128 : i32
        %mul3A_1126 = vector.broadcast %mul3A_1125 : i32 to vector<16xi32>
        %mul3A_1127 = arith.muli %and3A_1123, %mul3A_1126 : vector<16xi32>
        %add3A_1128 = arith.addi %mul3A_1127, %add3A_448 : vector<16xi32>
        tpu.vector_store_idx %arg13[%add3A_1128], %gather3A_1124 : memref<4096xf32, #tpu.memory_space<vmem>>[vector<16xi32>], vector<16xf32>,
      }
      %scan3A_454 = arith.constant 16 : i32
      %get3A_455 = arith.index_cast %add3A_411 : i32 to index
      %get3A_456 = arith.constant 0 : index
      %get3A_457 = tpu.vector_load %arg6[%get3A_455, %get3A_456] {strides = array<i32>} : memref<200x128xi32, #tpu.memory_space<vmem>>, vector<16xi32>,
      %get3A_458 = arith.index_cast %add3A_411 : i32 to index
      %get3A_459 = arith.constant 16 : index
      %get3A_460 = tpu.vector_load %arg6[%get3A_458, %get3A_459] {strides = array<i32>} : memref<200x128xi32, #tpu.memory_space<vmem>>, vector<16xi32>,
      %max3A_461 = arith.maxsi %get3A_457, %get3A_460 : vector<16xi32>
      %get3A_462 = arith.index_cast %add3A_411 : i32 to index
      %get3A_463 = arith.constant 32 : index
      %get3A_464 = tpu.vector_load %arg6[%get3A_462, %get3A_463] {strides = array<i32>} : memref<200x128xi32, #tpu.memory_space<vmem>>, vector<16xi32>,
      %max3A_465 = arith.maxsi %max3A_461, %get3A_464 : vector<16xi32>
      %get3A_466 = arith.index_cast %add3A_411 : i32 to index
      %get3A_467 = arith.constant 48 : index
      %get3A_468 = tpu.vector_load %arg6[%get3A_466, %get3A_467] {strides = array<i32>} : memref<200x128xi32, #tpu.memory_space<vmem>>, vector<16xi32>,
      %max3A_469 = arith.maxsi %max3A_465, %get3A_468 : vector<16xi32>
      %get3A_470 = arith.index_cast %add3A_411 : i32 to index
      %get3A_471 = arith.constant 64 : index
      %get3A_472 = tpu.vector_load %arg6[%get3A_470, %get3A_471] {strides = array<i32>} : memref<200x128xi32, #tpu.memory_space<vmem>>, vector<16xi32>,
      %max3A_473 = arith.maxsi %max3A_469, %get3A_472 : vector<16xi32>
      %get3A_474 = arith.index_cast %add3A_411 : i32 to index
      %get3A_475 = arith.constant 80 : index
      %get3A_476 = tpu.vector_load %arg6[%get3A_474, %get3A_475] {strides = array<i32>} : memref<200x128xi32, #tpu.memory_space<vmem>>, vector<16xi32>,
      %max3A_477 = arith.maxsi %max3A_473, %get3A_476 : vector<16xi32>
      %get3A_478 = arith.index_cast %add3A_411 : i32 to index
      %get3A_479 = arith.constant 96 : index
      %get3A_480 = tpu.vector_load %arg6[%get3A_478, %get3A_479] {strides = array<i32>} : memref<200x128xi32, #tpu.memory_space<vmem>>, vector<16xi32>,
      %max3A_481 = arith.maxsi %max3A_477, %get3A_480 : vector<16xi32>
      %get3A_482 = arith.index_cast %add3A_411 : i32 to index
      %get3A_483 = arith.constant 112 : index
      %get3A_484 = tpu.vector_load %arg6[%get3A_482, %get3A_483] {strides = array<i32>} : memref<200x128xi32, #tpu.memory_space<vmem>>, vector<16xi32>,
      %max3A_485 = arith.maxsi %max3A_481, %get3A_484 : vector<16xi32>
      %reduce_max3A_486 = arith.constant true
      %reduce_max3A_487 = vector.broadcast %reduce_max3A_486 : i1 to vector<16xi1>
      %reduce_max3A_488 = arith.constant -2147483648 : i32
      %reduce_max3A_489 = vector.broadcast %reduce_max3A_488 : i32 to vector<16xi32>
      %reduce_max3A_490 = arith.xori %max3A_485, %reduce_max3A_489 : vector<16xi32>
      %reduce_max3A_491 = tpu.scan <max>, %reduce_max3A_490 masked %reduce_max3A_487 : vector<16xi32>, vector<16xi1> -> vector<16xi32>
      %reduce_max3A_492 = arith.xori %reduce_max3A_491, %reduce_max3A_489 : vector<16xi32>
      %reduce_max3A_493 = vector.extract %reduce_max3A_492[15] : i32 from vector<16xi32>
      %ge3A_494 = arith.constant 999936 : i32
      %ge3A_495 = arith.cmpi sge, %reduce_max3A_493, %ge3A_494 : i32
      %convert_element_type3A_496 = arith.extui %ge3A_495 : i1 to i32
      %cond3A_497 = arith.constant 0 : i32
      %cond3A_498 = arith.cmpi ne, %convert_element_type3A_496, %cond3A_497 : i32
      scf.if %cond3A_498 {
        %iota3A_963 = tpu.iota {dimensions = array<i32: 0>} : vector<16xi32>
        %scan3A_964 = arith.constant 0 : i32
        %scan3A_965 = arith.constant 0 : i32
        %scan3A_966 = arith.constant 8 : i32
        %scan3A_967 = arith.addi %scan3A_965, %scan3A_966 : i32
        %scan3A_968 = arith.constant 1 : i32
        scf.for %scan3A_970 = %scan3A_965 to %scan3A_967 step %scan3A_968  : i32 {
          %mul3A_971 = arith.constant 16 : i32
          %mul3A_972 = arith.muli %mul3A_971, %scan3A_970 : i32
          %get3A_973 = arith.index_cast %add3A_411 : i32 to index
          %get3A_974 = arith.index_cast %mul3A_972 : i32 to index
          %get3A_975 = tpu.vector_load %arg6[%get3A_973, %get3A_974] {strides = array<i32>} : memref<200x128xi32, #tpu.memory_space<vmem>>, vector<16xi32>,
          %ge3A_976 = arith.constant 999936 : i32
          %ge3A_977 = vector.broadcast %ge3A_976 : i32 to vector<16xi32>
          %ge3A_978 = arith.cmpi sge, %get3A_975, %ge3A_977 : vector<16xi32>
          %sub3A_979 = arith.constant 999936 : i32
          %sub3A_980 = vector.broadcast %sub3A_979 : i32 to vector<16xi32>
          %sub3A_981 = arith.subi %get3A_975, %sub3A_980 : vector<16xi32>
          %max3A_982 = arith.constant 0 : i32
          %max3A_983 = vector.broadcast %max3A_982 : i32 to vector<16xi32>
          %max3A_984 = arith.maxsi %sub3A_981, %max3A_983 : vector<16xi32>
          %min3A = arith.constant 63 : i32
          %min3A_985 = vector.broadcast %min3A : i32 to vector<16xi32>
          %min3A_986 = arith.minsi %max3A_984, %min3A_985 : vector<16xi32>
          %scan3A_987 = arith.constant 0 : i32
          %scan3A_988 = arith.constant 0 : i32
          %scan3A_989 = arith.constant 32 : i32
          %scan3A_990 = arith.addi %scan3A_988, %scan3A_989 : i32
          %scan3A_991 = arith.constant 1 : i32
          scf.for %scan3A_993 = %scan3A_988 to %scan3A_990 step %scan3A_991  : i32 {
            %and3A_994 = arith.constant 0 : i32
            %and3A_995 = vector.broadcast %and3A_994 : i32 to vector<16xi32>
            %and3A_996 = arith.andi %iota3A_963, %and3A_995 : vector<16xi32>
            %add3A_997 = vector.broadcast %scan3A_993 : i32 to vector<16xi32>
            %add3A_998 = arith.addi %and3A_996, %add3A_997 : vector<16xi32>
            %gather3A = tpu.vector_load_idx %arg7[%min3A_986, %add3A_998] : memref<64x32xf32, #tpu.memory_space<vmem>>[vector<16xi32>, vector<16xi32>], vector<16xf32>,
            %mul3A_999 = arith.constant 128 : i32
            %mul3A_1000 = arith.muli %scan3A_993, %mul3A_999 : i32
            %mul3A_1001 = arith.constant 16 : i32
            %mul3A_1002 = arith.muli %mul3A_1001, %scan3A_970 : i32
            %add3A_1003 = arith.addi %mul3A_1000, %mul3A_1002 : i32
            %get3A_1004 = arith.index_cast %add3A_1003 : i32 to index
            %get3A_1005 = tpu.vector_load %arg13[%get3A_1004] {strides = array<i32>} : memref<4096xf32, #tpu.memory_space<vmem>>, vector<16xf32>,
            %select_n3A_1006 = arith.select %ge3A_978, %gather3A, %get3A_1005 : vector<16xi1>, vector<16xf32>
            %swap3A = arith.index_cast %add3A_1003 : i32 to index
            %swap3A_1007 = tpu.vector_load %arg13[%swap3A] {strides = array<i32>} : memref<4096xf32, #tpu.memory_space<vmem>>, vector<16xf32>,
            tpu.vector_store %arg13[%swap3A], %select_n3A_1006 {strides = array<i32>} : memref<4096xf32, #tpu.memory_space<vmem>>, vector<16xf32>,
          }
          %scan3A_992 = arith.constant 32 : i32
        }
        %scan3A_969 = arith.constant 8 : i32
      } else {
      }
      %mul3A_499 = arith.constant 200 : i32
      %mul3A_500 = arith.muli %add3A, %mul3A_499 : i32
      %add3A_501 = arith.addi %mul3A_500, %add3A_411 : i32
      %jit3A_502 = arith.constant 128 : i32
      %div3A_503 = arith.divsi %add3A_501, %jit3A_502 : i32
      %sign3A_504 = arith.constant 0 : i32
      %sign3A_505 = arith.cmpi sgt, %add3A_501, %sign3A_504 : i32
      %sign3A_506 = arith.extui %sign3A_505 : i1 to i32
      %sign3A_507 = arith.constant 0 : i32
      %sign3A_508 = arith.cmpi slt, %add3A_501, %sign3A_507 : i32
      %sign3A_509 = arith.extui %sign3A_508 : i1 to i32
      %sign3A_510 = arith.subi %sign3A_506, %sign3A_509 : i32
      %sign3A_511 = arith.constant 0 : i32
      %sign3A_512 = arith.cmpi sgt, %jit3A_502, %sign3A_511 : i32
      %sign3A_513 = arith.extui %sign3A_512 : i1 to i32
      %sign3A_514 = arith.constant 0 : i32
      %sign3A_515 = arith.cmpi slt, %jit3A_502, %sign3A_514 : i32
      %sign3A_516 = arith.extui %sign3A_515 : i1 to i32
      %sign3A_517 = arith.subi %sign3A_513, %sign3A_516 : i32
      %ne3A_518 = arith.cmpi ne, %sign3A_510, %sign3A_517 : i32
      %rem3A_519 = arith.remsi %add3A_501, %jit3A_502 : i32
      %ne3A_520 = arith.constant 0 : i32
      %ne3A_521 = arith.cmpi ne, %rem3A_519, %ne3A_520 : i32
      %and3A_522 = arith.andi %ne3A_518, %ne3A_521 : i1
      %sub3A_523 = arith.constant 1 : i32
      %sub3A_524 = arith.subi %div3A_503, %sub3A_523 : i32
      %select_n3A_525 = arith.select %and3A_522, %sub3A_524, %div3A_503 : i32
      %jit3A_526 = arith.constant 128 : i32
      %eq3A_527 = arith.constant 0 : i32
      %eq3A_528 = arith.cmpi eq, %jit3A_526, %eq3A_527 : i32
      %jit3A_529 = arith.constant 1 : i32
      %select_n3A_530 = arith.select %eq3A_528, %jit3A_529, %jit3A_526 : i32
      %rem3A_531 = arith.remsi %add3A_501, %select_n3A_530 : i32
      %ne3A_532 = arith.constant 0 : i32
      %ne3A_533 = arith.cmpi ne, %rem3A_531, %ne3A_532 : i32
      %lt3A_534 = arith.constant 0 : i32
      %lt3A_535 = arith.cmpi slt, %rem3A_531, %lt3A_534 : i32
      %lt3A_536 = arith.constant 0 : i32
      %lt3A_537 = arith.cmpi slt, %select_n3A_530, %lt3A_536 : i32
      %ne3A_538 = arith.xori %lt3A_535, %lt3A_537 : i1
      %and3A_539 = arith.andi %ne3A_538, %ne3A_533 : i1
      %add3A_540 = arith.addi %rem3A_531, %select_n3A_530 : i32
      %select_n3A_541 = arith.select %and3A_539, %add3A_540, %rem3A_531 : i32
      %dma_start3A_542 = arith.constant 0 : i32
      %dma_start3A_543 = arith.constant 0 : i32
      %dma_start3A_544 = tpu.memref_slice %arg13[%dma_start3A_543] : memref<4096xf32, #tpu.memory_space<vmem>> -> memref<1024xf32, #tpu.memory_space<vmem>>
      %dma_start3A_545 = arith.constant 0 : i32
      %dma_start3A_546 = tpu.memref_slice %arg5[%select_n3A_525, %dma_start3A_542, %select_n3A_541, %dma_start3A_545] : memref<50x4x128x1024xf32, #tpu.memory_space<hbm>> -> memref<1x1x1x1024xf32, #tpu.memory_space<hbm>>
      %dma_start3A_547 = tpu.memref_squeeze %dma_start3A_546 : memref<1x1x1x1024xf32, #tpu.memory_space<hbm>> -> memref<1024xf32, #tpu.memory_space<hbm>>
      %dma_start3A_548 = arith.constant 0 : i32
      %dma_start3A_549 = tpu.memref_slice %arg5[%select_n3A_525, %dma_start3A_542, %select_n3A_541, %dma_start3A_548] : memref<50x4x128x1024xf32, #tpu.memory_space<hbm>> -> memref<1x1x1x1024xf32, #tpu.memory_space<hbm>>
      %dma_start3A_550 = tpu.memref_squeeze %dma_start3A_549 : memref<1x1x1x1024xf32, #tpu.memory_space<hbm>> -> memref<1024xf32, #tpu.memory_space<hbm>>
      %dma_start3A_551 = arith.constant 0 : i32
      %dma_start3A_552 = tpu.memref_slice %arg13[%dma_start3A_551] : memref<4096xf32, #tpu.memory_space<vmem>> -> memref<1024xf32, #tpu.memory_space<vmem>>
      tpu.enqueue_dma source(%dma_start3A_552 : memref<1024xf32, #tpu.memory_space<vmem>>) target(%dma_start3A_550 : memref<1024xf32, #tpu.memory_space<hbm>>) target_semaphore(%arg21 : memref<!tpu.dma_semaphore, #tpu.memory_space<semaphore_mem>>)
      %dma_start3A_553 = arith.constant 1 : i32
      %dma_start3A_554 = arith.constant 1024 : i32
      %dma_start3A_555 = tpu.memref_slice %arg13[%dma_start3A_554] : memref<4096xf32, #tpu.memory_space<vmem>> -> memref<1024xf32, #tpu.memory_space<vmem>>
      %dma_start3A_556 = arith.constant 0 : i32
      %dma_start3A_557 = tpu.memref_slice %arg5[%select_n3A_525, %dma_start3A_553, %select_n3A_541, %dma_start3A_556] : memref<50x4x128x1024xf32, #tpu.memory_space<hbm>> -> memref<1x1x1x1024xf32, #tpu.memory_space<hbm>>
      %dma_start3A_558 = tpu.memref_squeeze %dma_start3A_557 : memref<1x1x1x1024xf32, #tpu.memory_space<hbm>> -> memref<1024xf32, #tpu.memory_space<hbm>>
      %dma_start3A_559 = arith.constant 0 : i32
      %dma_start3A_560 = tpu.memref_slice %arg5[%select_n3A_525, %dma_start3A_553, %select_n3A_541, %dma_start3A_559] : memref<50x4x128x1024xf32, #tpu.memory_space<hbm>> -> memref<1x1x1x1024xf32, #tpu.memory_space<hbm>>
      %dma_start3A_561 = tpu.memref_squeeze %dma_start3A_560 : memref<1x1x1x1024xf32, #tpu.memory_space<hbm>> -> memref<1024xf32, #tpu.memory_space<hbm>>
      %dma_start3A_562 = arith.constant 1024 : i32
      %dma_start3A_563 = tpu.memref_slice %arg13[%dma_start3A_562] : memref<4096xf32, #tpu.memory_space<vmem>> -> memref<1024xf32, #tpu.memory_space<vmem>>
      tpu.enqueue_dma source(%dma_start3A_563 : memref<1024xf32, #tpu.memory_space<vmem>>) target(%dma_start3A_561 : memref<1024xf32, #tpu.memory_space<hbm>>) target_semaphore(%arg21 : memref<!tpu.dma_semaphore, #tpu.memory_space<semaphore_mem>>)
      %dma_start3A_564 = arith.constant 2 : i32
      %dma_start3A_565 = arith.constant 2048 : i32
      %dma_start3A_566 = tpu.memref_slice %arg13[%dma_start3A_565] : memref<4096xf32, #tpu.memory_space<vmem>> -> memref<1024xf32, #tpu.memory_space<vmem>>
      %dma_start3A_567 = arith.constant 0 : i32
      %dma_start3A_568 = tpu.memref_slice %arg5[%select_n3A_525, %dma_start3A_564, %select_n3A_541, %dma_start3A_567] : memref<50x4x128x1024xf32, #tpu.memory_space<hbm>> -> memref<1x1x1x1024xf32, #tpu.memory_space<hbm>>
      %dma_start3A_569 = tpu.memref_squeeze %dma_start3A_568 : memref<1x1x1x1024xf32, #tpu.memory_space<hbm>> -> memref<1024xf32, #tpu.memory_space<hbm>>
      %dma_start3A_570 = arith.constant 0 : i32
      %dma_start3A_571 = tpu.memref_slice %arg5[%select_n3A_525, %dma_start3A_564, %select_n3A_541, %dma_start3A_570] : memref<50x4x128x1024xf32, #tpu.memory_space<hbm>> -> memref<1x1x1x1024xf32, #tpu.memory_space<hbm>>
      %dma_start3A_572 = tpu.memref_squeeze %dma_start3A_571 : memref<1x1x1x1024xf32, #tpu.memory_space<hbm>> -> memref<1024xf32, #tpu.memory_space<hbm>>
      %dma_start3A_573 = arith.constant 2048 : i32
      %dma_start3A_574 = tpu.memref_slice %arg13[%dma_start3A_573] : memref<4096xf32, #tpu.memory_space<vmem>> -> memref<1024xf32, #tpu.memory_space<vmem>>
      tpu.enqueue_dma source(%dma_start3A_574 : memref<1024xf32, #tpu.memory_space<vmem>>) target(%dma_start3A_572 : memref<1024xf32, #tpu.memory_space<hbm>>) target_semaphore(%arg21 : memref<!tpu.dma_semaphore, #tpu.memory_space<semaphore_mem>>)
      %dma_start3A_575 = arith.constant 3 : i32
      %dma_start3A_576 = arith.constant 3072 : i32
      %dma_start3A_577 = tpu.memref_slice %arg13[%dma_start3A_576] : memref<4096xf32, #tpu.memory_space<vmem>> -> memref<1024xf32, #tpu.memory_space<vmem>>
      %dma_start3A_578 = arith.constant 0 : i32
      %dma_start3A_579 = tpu.memref_slice %arg5[%select_n3A_525, %dma_start3A_575, %select_n3A_541, %dma_start3A_578] : memref<50x4x128x1024xf32, #tpu.memory_space<hbm>> -> memref<1x1x1x1024xf32, #tpu.memory_space<hbm>>
      %dma_start3A_580 = tpu.memref_squeeze %dma_start3A_579 : memref<1x1x1x1024xf32, #tpu.memory_space<hbm>> -> memref<1024xf32, #tpu.memory_space<hbm>>
      %dma_start3A_581 = arith.constant 0 : i32
      %dma_start3A_582 = tpu.memref_slice %arg5[%select_n3A_525, %dma_start3A_575, %select_n3A_541, %dma_start3A_581] : memref<50x4x128x1024xf32, #tpu.memory_space<hbm>> -> memref<1x1x1x1024xf32, #tpu.memory_space<hbm>>
      %dma_start3A_583 = tpu.memref_squeeze %dma_start3A_582 : memref<1x1x1x1024xf32, #tpu.memory_space<hbm>> -> memref<1024xf32, #tpu.memory_space<hbm>>
      %dma_start3A_584 = arith.constant 3072 : i32
      %dma_start3A_585 = tpu.memref_slice %arg13[%dma_start3A_584] : memref<4096xf32, #tpu.memory_space<vmem>> -> memref<1024xf32, #tpu.memory_space<vmem>>
      tpu.enqueue_dma source(%dma_start3A_585 : memref<1024xf32, #tpu.memory_space<vmem>>) target(%dma_start3A_583 : memref<1024xf32, #tpu.memory_space<hbm>>) target_semaphore(%arg21 : memref<!tpu.dma_semaphore, #tpu.memory_space<semaphore_mem>>)
      %add3A_586 = arith.constant 4 : i32
      %add3A_587 = arith.addi %add3A_411, %add3A_586 : i32
      %lt3A_588 = arith.constant 200 : i32
      %lt3A_589 = arith.cmpi slt, %add3A_587, %lt3A_588 : i32
      %convert_element_type3A_590 = arith.extui %lt3A_589 : i1 to i32
      %cond3A_591 = arith.constant 0 : i32
      %cond3A_592 = arith.cmpi ne, %convert_element_type3A_590, %cond3A_591 : i32
      scf.if %cond3A_592 {
        %add3A_963 = arith.constant 4 : i32
        %add3A_964 = arith.addi %add3A_411, %add3A_963 : i32
        %dma_start3A_965 = arith.constant 0 : i32
        %dma_start3A_966 = tpu.memref_slice %arg6[%add3A_964, %dma_start3A_965] : memref<200x128xi32, #tpu.memory_space<vmem>> -> memref<1x128xi32, #tpu.memory_space<vmem>>
        %dma_start3A_967 = tpu.memref_squeeze %dma_start3A_966 : memref<1x128xi32, #tpu.memory_space<vmem>> -> memref<128xi32, #tpu.memory_space<vmem>>
        %dma_start3A_968 = arith.constant 0 : i32
        %dma_start3A_969 = arith.constant 0 : i32
        %dma_start3A_970 = tpu.memref_slice %arg3[%dma_start3A_968, %dma_start3A_969] : memref<1000064x32xf32, #tpu.memory_space<hbm>> -> memref<1000064x32xf32, #tpu.memory_space<hbm>>
        tpu.enqueue_indirect_dma source(%dma_start3A_970 : memref<1000064x32xf32, #tpu.memory_space<hbm>>) target(%arg9 : memref<128x32xf32, #tpu.memory_space<vmem>>) offsets(%dma_start3A_967 : memref<128xi32, #tpu.memory_space<vmem>>) semaphore(%arg17 : memref<!tpu.dma_semaphore, #tpu.memory_space<semaphore_mem>>)
      } else {
      }
      %mul3A_593 = arith.constant 4 : i32
      %mul3A_594 = arith.muli %mul3A_593, %scan3A_240 : i32
      %add3A_595 = arith.constant 2 : i32
      %add3A_596 = arith.addi %mul3A_594, %add3A_595 : i32
      %dma_wait3A_597 = arith.constant 0 : i32
      %dma_wait3A_598 = arith.constant 0 : i32
      %dma_wait3A_599 = tpu.memref_slice %arg6[%dma_wait3A_597, %dma_wait3A_598] : memref<200x128xi32, #tpu.memory_space<vmem>> -> memref<1x128xi32, #tpu.memory_space<vmem>>
      %dma_wait3A_600 = tpu.memref_squeeze %dma_wait3A_599 : memref<1x128xi32, #tpu.memory_space<vmem>> -> memref<128xi32, #tpu.memory_space<vmem>>
      %dma_wait3A_601 = arith.constant 0 : i32
      %dma_wait3A_602 = arith.constant 0 : i32
      %dma_wait3A_603 = tpu.memref_slice %arg3[%dma_wait3A_601, %dma_wait3A_602] : memref<1000064x32xf32, #tpu.memory_space<hbm>> -> memref<1000064x32xf32, #tpu.memory_space<hbm>>
      tpu.wait_indirect_dma semaphore(%arg18 : memref<!tpu.dma_semaphore, #tpu.memory_space<semaphore_mem>>) src(%dma_wait3A_603 : memref<1000064x32xf32, #tpu.memory_space<hbm>>) dst(%arg10 : memref<128x32xf32, #tpu.memory_space<vmem>>)
      %gt3A_604 = arith.constant 0 : i32
      %gt3A_605 = arith.cmpi sgt, %scan3A_240, %gt3A_604 : i32
      %convert_element_type3A_606 = arith.extui %gt3A_605 : i1 to i32
      %cond3A_607 = arith.constant 0 : i32
      %cond3A_608 = arith.cmpi ne, %convert_element_type3A_606, %cond3A_607 : i32
      scf.if %cond3A_608 {
        %dma_wait3A_963 = arith.constant 0 : i32
        %dma_wait3A_964 = arith.constant 0 : i32
        %dma_wait3A_965 = arith.constant 0 : i32
        %dma_wait3A_966 = arith.constant 0 : i32
        %dma_wait3A_967 = tpu.memref_slice %arg14[%dma_wait3A_966] : memref<4096xf32, #tpu.memory_space<vmem>> -> memref<1024xf32, #tpu.memory_space<vmem>>
        %dma_wait3A_968 = arith.constant 0 : i32
        %dma_wait3A_969 = tpu.memref_slice %arg5[%dma_wait3A_963, %dma_wait3A_964, %dma_wait3A_965, %dma_wait3A_968] : memref<50x4x128x1024xf32, #tpu.memory_space<hbm>> -> memref<1x1x1x1024xf32, #tpu.memory_space<hbm>>
        %dma_wait3A_970 = tpu.memref_squeeze %dma_wait3A_969 : memref<1x1x1x1024xf32, #tpu.memory_space<hbm>> -> memref<1024xf32, #tpu.memory_space<hbm>>
        %dma_wait3A_971 = arith.constant 0 : i32
        %dma_wait3A_972 = tpu.memref_slice %arg5[%dma_wait3A_963, %dma_wait3A_964, %dma_wait3A_965, %dma_wait3A_971] : memref<50x4x128x1024xf32, #tpu.memory_space<hbm>> -> memref<1x1x1x1024xf32, #tpu.memory_space<hbm>>
        %dma_wait3A_973 = tpu.memref_squeeze %dma_wait3A_972 : memref<1x1x1x1024xf32, #tpu.memory_space<hbm>> -> memref<1024xf32, #tpu.memory_space<hbm>>
        %dma_wait3A_974 = arith.constant 0 : i32
        %dma_wait3A_975 = tpu.memref_slice %arg14[%dma_wait3A_974] : memref<4096xf32, #tpu.memory_space<vmem>> -> memref<1024xf32, #tpu.memory_space<vmem>>
        tpu.wait_dma2 semaphore(%arg22 : memref<!tpu.dma_semaphore, #tpu.memory_space<semaphore_mem>>) src(%dma_wait3A_975 : memref<1024xf32, #tpu.memory_space<vmem>>) dst(%dma_wait3A_973 : memref<1024xf32, #tpu.memory_space<hbm>>)
        %dma_wait3A_976 = arith.constant 0 : i32
        %dma_wait3A_977 = arith.constant 1 : i32
        %dma_wait3A_978 = arith.constant 0 : i32
        %dma_wait3A_979 = arith.constant 1024 : i32
        %dma_wait3A_980 = tpu.memref_slice %arg14[%dma_wait3A_979] : memref<4096xf32, #tpu.memory_space<vmem>> -> memref<1024xf32, #tpu.memory_space<vmem>>
        %dma_wait3A_981 = arith.constant 0 : i32
        %dma_wait3A_982 = tpu.memref_slice %arg5[%dma_wait3A_976, %dma_wait3A_977, %dma_wait3A_978, %dma_wait3A_981] : memref<50x4x128x1024xf32, #tpu.memory_space<hbm>> -> memref<1x1x1x1024xf32, #tpu.memory_space<hbm>>
        %dma_wait3A_983 = tpu.memref_squeeze %dma_wait3A_982 : memref<1x1x1x1024xf32, #tpu.memory_space<hbm>> -> memref<1024xf32, #tpu.memory_space<hbm>>
        %dma_wait3A_984 = arith.constant 0 : i32
        %dma_wait3A_985 = tpu.memref_slice %arg5[%dma_wait3A_976, %dma_wait3A_977, %dma_wait3A_978, %dma_wait3A_984] : memref<50x4x128x1024xf32, #tpu.memory_space<hbm>> -> memref<1x1x1x1024xf32, #tpu.memory_space<hbm>>
        %dma_wait3A_986 = tpu.memref_squeeze %dma_wait3A_985 : memref<1x1x1x1024xf32, #tpu.memory_space<hbm>> -> memref<1024xf32, #tpu.memory_space<hbm>>
        %dma_wait3A_987 = arith.constant 1024 : i32
        %dma_wait3A_988 = tpu.memref_slice %arg14[%dma_wait3A_987] : memref<4096xf32, #tpu.memory_space<vmem>> -> memref<1024xf32, #tpu.memory_space<vmem>>
        tpu.wait_dma2 semaphore(%arg22 : memref<!tpu.dma_semaphore, #tpu.memory_space<semaphore_mem>>) src(%dma_wait3A_988 : memref<1024xf32, #tpu.memory_space<vmem>>) dst(%dma_wait3A_986 : memref<1024xf32, #tpu.memory_space<hbm>>)
        %dma_wait3A_989 = arith.constant 0 : i32
        %dma_wait3A_990 = arith.constant 2 : i32
        %dma_wait3A_991 = arith.constant 0 : i32
        %dma_wait3A_992 = arith.constant 2048 : i32
        %dma_wait3A_993 = tpu.memref_slice %arg14[%dma_wait3A_992] : memref<4096xf32, #tpu.memory_space<vmem>> -> memref<1024xf32, #tpu.memory_space<vmem>>
        %dma_wait3A_994 = arith.constant 0 : i32
        %dma_wait3A_995 = tpu.memref_slice %arg5[%dma_wait3A_989, %dma_wait3A_990, %dma_wait3A_991, %dma_wait3A_994] : memref<50x4x128x1024xf32, #tpu.memory_space<hbm>> -> memref<1x1x1x1024xf32, #tpu.memory_space<hbm>>
        %dma_wait3A_996 = tpu.memref_squeeze %dma_wait3A_995 : memref<1x1x1x1024xf32, #tpu.memory_space<hbm>> -> memref<1024xf32, #tpu.memory_space<hbm>>
        %dma_wait3A_997 = arith.constant 0 : i32
        %dma_wait3A_998 = tpu.memref_slice %arg5[%dma_wait3A_989, %dma_wait3A_990, %dma_wait3A_991, %dma_wait3A_997] : memref<50x4x128x1024xf32, #tpu.memory_space<hbm>> -> memref<1x1x1x1024xf32, #tpu.memory_space<hbm>>
        %dma_wait3A_999 = tpu.memref_squeeze %dma_wait3A_998 : memref<1x1x1x1024xf32, #tpu.memory_space<hbm>> -> memref<1024xf32, #tpu.memory_space<hbm>>
        %dma_wait3A_1000 = arith.constant 2048 : i32
        %dma_wait3A_1001 = tpu.memref_slice %arg14[%dma_wait3A_1000] : memref<4096xf32, #tpu.memory_space<vmem>> -> memref<1024xf32, #tpu.memory_space<vmem>>
        tpu.wait_dma2 semaphore(%arg22 : memref<!tpu.dma_semaphore, #tpu.memory_space<semaphore_mem>>) src(%dma_wait3A_1001 : memref<1024xf32, #tpu.memory_space<vmem>>) dst(%dma_wait3A_999 : memref<1024xf32, #tpu.memory_space<hbm>>)
        %dma_wait3A_1002 = arith.constant 0 : i32
        %dma_wait3A_1003 = arith.constant 3 : i32
        %dma_wait3A_1004 = arith.constant 0 : i32
        %dma_wait3A_1005 = arith.constant 3072 : i32
        %dma_wait3A_1006 = tpu.memref_slice %arg14[%dma_wait3A_1005] : memref<4096xf32, #tpu.memory_space<vmem>> -> memref<1024xf32, #tpu.memory_space<vmem>>
        %dma_wait3A_1007 = arith.constant 0 : i32
        %dma_wait3A_1008 = tpu.memref_slice %arg5[%dma_wait3A_1002, %dma_wait3A_1003, %dma_wait3A_1004, %dma_wait3A_1007] : memref<50x4x128x1024xf32, #tpu.memory_space<hbm>> -> memref<1x1x1x1024xf32, #tpu.memory_space<hbm>>
        %dma_wait3A_1009 = tpu.memref_squeeze %dma_wait3A_1008 : memref<1x1x1x1024xf32, #tpu.memory_space<hbm>> -> memref<1024xf32, #tpu.memory_space<hbm>>
        %dma_wait3A_1010 = arith.constant 0 : i32
        %dma_wait3A_1011 = tpu.memref_slice %arg5[%dma_wait3A_1002, %dma_wait3A_1003, %dma_wait3A_1004, %dma_wait3A_1010] : memref<50x4x128x1024xf32, #tpu.memory_space<hbm>> -> memref<1x1x1x1024xf32, #tpu.memory_space<hbm>>
        %dma_wait3A_1012 = tpu.memref_squeeze %dma_wait3A_1011 : memref<1x1x1x1024xf32, #tpu.memory_space<hbm>> -> memref<1024xf32, #tpu.memory_space<hbm>>
        %dma_wait3A_1013 = arith.constant 3072 : i32
        %dma_wait3A_1014 = tpu.memref_slice %arg14[%dma_wait3A_1013] : memref<4096xf32, #tpu.memory_space<vmem>> -> memref<1024xf32, #tpu.memory_space<vmem>>
        tpu.wait_dma2 semaphore(%arg22 : memref<!tpu.dma_semaphore, #tpu.memory_space<semaphore_mem>>) src(%dma_wait3A_1014 : memref<1024xf32, #tpu.memory_space<vmem>>) dst(%dma_wait3A_1012 : memref<1024xf32, #tpu.memory_space<hbm>>)
      } else {
      }
      %iota3A_609 = tpu.iota {dimensions = array<i32: 0>} : vector<16xi32>
      %add3A_610 = arith.constant 0 : i32
      %add3A_611 = vector.broadcast %add3A_610 : i32 to vector<16xi32>
      %add3A_612 = arith.addi %iota3A_609, %add3A_611 : vector<16xi32>
      %add3A_613 = arith.constant 16 : i32
      %add3A_614 = vector.broadcast %add3A_613 : i32 to vector<16xi32>
      %add3A_615 = arith.addi %iota3A_609, %add3A_614 : vector<16xi32>
      %add3A_616 = arith.constant 32 : i32
      %add3A_617 = vector.broadcast %add3A_616 : i32 to vector<16xi32>
      %add3A_618 = arith.addi %iota3A_609, %add3A_617 : vector<16xi32>
      %add3A_619 = arith.constant 48 : i32
      %add3A_620 = vector.broadcast %add3A_619 : i32 to vector<16xi32>
      %add3A_621 = arith.addi %iota3A_609, %add3A_620 : vector<16xi32>
      %add3A_622 = arith.constant 64 : i32
      %add3A_623 = vector.broadcast %add3A_622 : i32 to vector<16xi32>
      %add3A_624 = arith.addi %iota3A_609, %add3A_623 : vector<16xi32>
      %add3A_625 = arith.constant 80 : i32
      %add3A_626 = vector.broadcast %add3A_625 : i32 to vector<16xi32>
      %add3A_627 = arith.addi %iota3A_609, %add3A_626 : vector<16xi32>
      %add3A_628 = arith.constant 96 : i32
      %add3A_629 = vector.broadcast %add3A_628 : i32 to vector<16xi32>
      %add3A_630 = arith.addi %iota3A_609, %add3A_629 : vector<16xi32>
      %add3A_631 = arith.constant 112 : i32
      %add3A_632 = vector.broadcast %add3A_631 : i32 to vector<16xi32>
      %add3A_633 = arith.addi %iota3A_609, %add3A_632 : vector<16xi32>
      %scan3A_634 = arith.constant 0 : i32
      %scan3A_635 = arith.constant 0 : i32
      %scan3A_636 = arith.constant 16 : i32
      %scan3A_637 = arith.addi %scan3A_635, %scan3A_636 : i32
      %scan3A_638 = arith.constant 1 : i32
      scf.for %scan3A_963 = %scan3A_635 to %scan3A_637 step %scan3A_638  : i32 {
        %mul3A_964 = arith.constant 2 : i32
        %mul3A_965 = arith.muli %mul3A_964, %scan3A_963 : i32
        %mul3A_966 = arith.constant 2 : i32
        %mul3A_967 = arith.muli %mul3A_966, %scan3A_963 : i32
        %add3A_968 = arith.constant 1 : i32
        %add3A_969 = arith.addi %mul3A_967, %add3A_968 : i32
        %add3A_970 = vector.broadcast %mul3A_965 : i32 to vector<16xi32>
        %add3A_971 = arith.addi %add3A_612, %add3A_970 : vector<16xi32>
        %and3A_972 = arith.constant 31 : i32
        %and3A_973 = vector.broadcast %and3A_972 : i32 to vector<16xi32>
        %and3A_974 = arith.andi %add3A_971, %and3A_973 : vector<16xi32>
        %gather3A = tpu.vector_load_idx %arg10[%add3A_612, %and3A_974] : memref<128x32xf32, #tpu.memory_space<vmem>>[vector<16xi32>, vector<16xi32>], vector<16xf32>,
        %mul3A_975 = arith.constant 128 : i32
        %mul3A_976 = vector.broadcast %mul3A_975 : i32 to vector<16xi32>
        %mul3A_977 = arith.muli %and3A_974, %mul3A_976 : vector<16xi32>
        %add3A_978 = arith.addi %mul3A_977, %add3A_612 : vector<16xi32>
        tpu.vector_store_idx %arg14[%add3A_978], %gather3A : memref<4096xf32, #tpu.memory_space<vmem>>[vector<16xi32>], vector<16xf32>,
        %add3A_979 = vector.broadcast %mul3A_965 : i32 to vector<16xi32>
        %add3A_980 = arith.addi %add3A_615, %add3A_979 : vector<16xi32>
        %and3A_981 = arith.constant 31 : i32
        %and3A_982 = vector.broadcast %and3A_981 : i32 to vector<16xi32>
        %and3A_983 = arith.andi %add3A_980, %and3A_982 : vector<16xi32>
        %gather3A_984 = tpu.vector_load_idx %arg10[%add3A_615, %and3A_983] : memref<128x32xf32, #tpu.memory_space<vmem>>[vector<16xi32>, vector<16xi32>], vector<16xf32>,
        %mul3A_985 = arith.constant 128 : i32
        %mul3A_986 = vector.broadcast %mul3A_985 : i32 to vector<16xi32>
        %mul3A_987 = arith.muli %and3A_983, %mul3A_986 : vector<16xi32>
        %add3A_988 = arith.addi %mul3A_987, %add3A_615 : vector<16xi32>
        tpu.vector_store_idx %arg14[%add3A_988], %gather3A_984 : memref<4096xf32, #tpu.memory_space<vmem>>[vector<16xi32>], vector<16xf32>,
        %add3A_989 = vector.broadcast %mul3A_965 : i32 to vector<16xi32>
        %add3A_990 = arith.addi %add3A_618, %add3A_989 : vector<16xi32>
        %and3A_991 = arith.constant 31 : i32
        %and3A_992 = vector.broadcast %and3A_991 : i32 to vector<16xi32>
        %and3A_993 = arith.andi %add3A_990, %and3A_992 : vector<16xi32>
        %gather3A_994 = tpu.vector_load_idx %arg10[%add3A_618, %and3A_993] : memref<128x32xf32, #tpu.memory_space<vmem>>[vector<16xi32>, vector<16xi32>], vector<16xf32>,
        %mul3A_995 = arith.constant 128 : i32
        %mul3A_996 = vector.broadcast %mul3A_995 : i32 to vector<16xi32>
        %mul3A_997 = arith.muli %and3A_993, %mul3A_996 : vector<16xi32>
        %add3A_998 = arith.addi %mul3A_997, %add3A_618 : vector<16xi32>
        tpu.vector_store_idx %arg14[%add3A_998], %gather3A_994 : memref<4096xf32, #tpu.memory_space<vmem>>[vector<16xi32>], vector<16xf32>,
        %add3A_999 = vector.broadcast %mul3A_965 : i32 to vector<16xi32>
        %add3A_1000 = arith.addi %add3A_621, %add3A_999 : vector<16xi32>
        %and3A_1001 = arith.constant 31 : i32
        %and3A_1002 = vector.broadcast %and3A_1001 : i32 to vector<16xi32>
        %and3A_1003 = arith.andi %add3A_1000, %and3A_1002 : vector<16xi32>
        %gather3A_1004 = tpu.vector_load_idx %arg10[%add3A_621, %and3A_1003] : memref<128x32xf32, #tpu.memory_space<vmem>>[vector<16xi32>, vector<16xi32>], vector<16xf32>,
        %mul3A_1005 = arith.constant 128 : i32
        %mul3A_1006 = vector.broadcast %mul3A_1005 : i32 to vector<16xi32>
        %mul3A_1007 = arith.muli %and3A_1003, %mul3A_1006 : vector<16xi32>
        %add3A_1008 = arith.addi %mul3A_1007, %add3A_621 : vector<16xi32>
        tpu.vector_store_idx %arg14[%add3A_1008], %gather3A_1004 : memref<4096xf32, #tpu.memory_space<vmem>>[vector<16xi32>], vector<16xf32>,
        %add3A_1009 = vector.broadcast %mul3A_965 : i32 to vector<16xi32>
        %add3A_1010 = arith.addi %add3A_624, %add3A_1009 : vector<16xi32>
        %and3A_1011 = arith.constant 31 : i32
        %and3A_1012 = vector.broadcast %and3A_1011 : i32 to vector<16xi32>
        %and3A_1013 = arith.andi %add3A_1010, %and3A_1012 : vector<16xi32>
        %gather3A_1014 = tpu.vector_load_idx %arg10[%add3A_624, %and3A_1013] : memref<128x32xf32, #tpu.memory_space<vmem>>[vector<16xi32>, vector<16xi32>], vector<16xf32>,
        %mul3A_1015 = arith.constant 128 : i32
        %mul3A_1016 = vector.broadcast %mul3A_1015 : i32 to vector<16xi32>
        %mul3A_1017 = arith.muli %and3A_1013, %mul3A_1016 : vector<16xi32>
        %add3A_1018 = arith.addi %mul3A_1017, %add3A_624 : vector<16xi32>
        tpu.vector_store_idx %arg14[%add3A_1018], %gather3A_1014 : memref<4096xf32, #tpu.memory_space<vmem>>[vector<16xi32>], vector<16xf32>,
        %add3A_1019 = vector.broadcast %mul3A_965 : i32 to vector<16xi32>
        %add3A_1020 = arith.addi %add3A_627, %add3A_1019 : vector<16xi32>
        %and3A_1021 = arith.constant 31 : i32
        %and3A_1022 = vector.broadcast %and3A_1021 : i32 to vector<16xi32>
        %and3A_1023 = arith.andi %add3A_1020, %and3A_1022 : vector<16xi32>
        %gather3A_1024 = tpu.vector_load_idx %arg10[%add3A_627, %and3A_1023] : memref<128x32xf32, #tpu.memory_space<vmem>>[vector<16xi32>, vector<16xi32>], vector<16xf32>,
        %mul3A_1025 = arith.constant 128 : i32
        %mul3A_1026 = vector.broadcast %mul3A_1025 : i32 to vector<16xi32>
        %mul3A_1027 = arith.muli %and3A_1023, %mul3A_1026 : vector<16xi32>
        %add3A_1028 = arith.addi %mul3A_1027, %add3A_627 : vector<16xi32>
        tpu.vector_store_idx %arg14[%add3A_1028], %gather3A_1024 : memref<4096xf32, #tpu.memory_space<vmem>>[vector<16xi32>], vector<16xf32>,
        %add3A_1029 = vector.broadcast %mul3A_965 : i32 to vector<16xi32>
        %add3A_1030 = arith.addi %add3A_630, %add3A_1029 : vector<16xi32>
        %and3A_1031 = arith.constant 31 : i32
        %and3A_1032 = vector.broadcast %and3A_1031 : i32 to vector<16xi32>
        %and3A_1033 = arith.andi %add3A_1030, %and3A_1032 : vector<16xi32>
        %gather3A_1034 = tpu.vector_load_idx %arg10[%add3A_630, %and3A_1033] : memref<128x32xf32, #tpu.memory_space<vmem>>[vector<16xi32>, vector<16xi32>], vector<16xf32>,
        %mul3A_1035 = arith.constant 128 : i32
        %mul3A_1036 = vector.broadcast %mul3A_1035 : i32 to vector<16xi32>
        %mul3A_1037 = arith.muli %and3A_1033, %mul3A_1036 : vector<16xi32>
        %add3A_1038 = arith.addi %mul3A_1037, %add3A_630 : vector<16xi32>
        tpu.vector_store_idx %arg14[%add3A_1038], %gather3A_1034 : memref<4096xf32, #tpu.memory_space<vmem>>[vector<16xi32>], vector<16xf32>,
        %add3A_1039 = vector.broadcast %mul3A_965 : i32 to vector<16xi32>
        %add3A_1040 = arith.addi %add3A_633, %add3A_1039 : vector<16xi32>
        %and3A_1041 = arith.constant 31 : i32
        %and3A_1042 = vector.broadcast %and3A_1041 : i32 to vector<16xi32>
        %and3A_1043 = arith.andi %add3A_1040, %and3A_1042 : vector<16xi32>
        %gather3A_1044 = tpu.vector_load_idx %arg10[%add3A_633, %and3A_1043] : memref<128x32xf32, #tpu.memory_space<vmem>>[vector<16xi32>, vector<16xi32>], vector<16xf32>,
        %mul3A_1045 = arith.constant 128 : i32
        %mul3A_1046 = vector.broadcast %mul3A_1045 : i32 to vector<16xi32>
        %mul3A_1047 = arith.muli %and3A_1043, %mul3A_1046 : vector<16xi32>
        %add3A_1048 = arith.addi %mul3A_1047, %add3A_633 : vector<16xi32>
        tpu.vector_store_idx %arg14[%add3A_1048], %gather3A_1044 : memref<4096xf32, #tpu.memory_space<vmem>>[vector<16xi32>], vector<16xf32>,
        %add3A_1049 = vector.broadcast %add3A_969 : i32 to vector<16xi32>
        %add3A_1050 = arith.addi %add3A_612, %add3A_1049 : vector<16xi32>
        %and3A_1051 = arith.constant 31 : i32
        %and3A_1052 = vector.broadcast %and3A_1051 : i32 to vector<16xi32>
        %and3A_1053 = arith.andi %add3A_1050, %and3A_1052 : vector<16xi32>
        %gather3A_1054 = tpu.vector_load_idx %arg10[%add3A_612, %and3A_1053] : memref<128x32xf32, #tpu.memory_space<vmem>>[vector<16xi32>, vector<16xi32>], vector<16xf32>,
        %mul3A_1055 = arith.constant 128 : i32
        %mul3A_1056 = vector.broadcast %mul3A_1055 : i32 to vector<16xi32>
        %mul3A_1057 = arith.muli %and3A_1053, %mul3A_1056 : vector<16xi32>
        %add3A_1058 = arith.addi %mul3A_1057, %add3A_612 : vector<16xi32>
        tpu.vector_store_idx %arg14[%add3A_1058], %gather3A_1054 : memref<4096xf32, #tpu.memory_space<vmem>>[vector<16xi32>], vector<16xf32>,
        %add3A_1059 = vector.broadcast %add3A_969 : i32 to vector<16xi32>
        %add3A_1060 = arith.addi %add3A_615, %add3A_1059 : vector<16xi32>
        %and3A_1061 = arith.constant 31 : i32
        %and3A_1062 = vector.broadcast %and3A_1061 : i32 to vector<16xi32>
        %and3A_1063 = arith.andi %add3A_1060, %and3A_1062 : vector<16xi32>
        %gather3A_1064 = tpu.vector_load_idx %arg10[%add3A_615, %and3A_1063] : memref<128x32xf32, #tpu.memory_space<vmem>>[vector<16xi32>, vector<16xi32>], vector<16xf32>,
        %mul3A_1065 = arith.constant 128 : i32
        %mul3A_1066 = vector.broadcast %mul3A_1065 : i32 to vector<16xi32>
        %mul3A_1067 = arith.muli %and3A_1063, %mul3A_1066 : vector<16xi32>
        %add3A_1068 = arith.addi %mul3A_1067, %add3A_615 : vector<16xi32>
        tpu.vector_store_idx %arg14[%add3A_1068], %gather3A_1064 : memref<4096xf32, #tpu.memory_space<vmem>>[vector<16xi32>], vector<16xf32>,
        %add3A_1069 = vector.broadcast %add3A_969 : i32 to vector<16xi32>
        %add3A_1070 = arith.addi %add3A_618, %add3A_1069 : vector<16xi32>
        %and3A_1071 = arith.constant 31 : i32
        %and3A_1072 = vector.broadcast %and3A_1071 : i32 to vector<16xi32>
        %and3A_1073 = arith.andi %add3A_1070, %and3A_1072 : vector<16xi32>
        %gather3A_1074 = tpu.vector_load_idx %arg10[%add3A_618, %and3A_1073] : memref<128x32xf32, #tpu.memory_space<vmem>>[vector<16xi32>, vector<16xi32>], vector<16xf32>,
        %mul3A_1075 = arith.constant 128 : i32
        %mul3A_1076 = vector.broadcast %mul3A_1075 : i32 to vector<16xi32>
        %mul3A_1077 = arith.muli %and3A_1073, %mul3A_1076 : vector<16xi32>
        %add3A_1078 = arith.addi %mul3A_1077, %add3A_618 : vector<16xi32>
        tpu.vector_store_idx %arg14[%add3A_1078], %gather3A_1074 : memref<4096xf32, #tpu.memory_space<vmem>>[vector<16xi32>], vector<16xf32>,
        %add3A_1079 = vector.broadcast %add3A_969 : i32 to vector<16xi32>
        %add3A_1080 = arith.addi %add3A_621, %add3A_1079 : vector<16xi32>
        %and3A_1081 = arith.constant 31 : i32
        %and3A_1082 = vector.broadcast %and3A_1081 : i32 to vector<16xi32>
        %and3A_1083 = arith.andi %add3A_1080, %and3A_1082 : vector<16xi32>
        %gather3A_1084 = tpu.vector_load_idx %arg10[%add3A_621, %and3A_1083] : memref<128x32xf32, #tpu.memory_space<vmem>>[vector<16xi32>, vector<16xi32>], vector<16xf32>,
        %mul3A_1085 = arith.constant 128 : i32
        %mul3A_1086 = vector.broadcast %mul3A_1085 : i32 to vector<16xi32>
        %mul3A_1087 = arith.muli %and3A_1083, %mul3A_1086 : vector<16xi32>
        %add3A_1088 = arith.addi %mul3A_1087, %add3A_621 : vector<16xi32>
        tpu.vector_store_idx %arg14[%add3A_1088], %gather3A_1084 : memref<4096xf32, #tpu.memory_space<vmem>>[vector<16xi32>], vector<16xf32>,
        %add3A_1089 = vector.broadcast %add3A_969 : i32 to vector<16xi32>
        %add3A_1090 = arith.addi %add3A_624, %add3A_1089 : vector<16xi32>
        %and3A_1091 = arith.constant 31 : i32
        %and3A_1092 = vector.broadcast %and3A_1091 : i32 to vector<16xi32>
        %and3A_1093 = arith.andi %add3A_1090, %and3A_1092 : vector<16xi32>
        %gather3A_1094 = tpu.vector_load_idx %arg10[%add3A_624, %and3A_1093] : memref<128x32xf32, #tpu.memory_space<vmem>>[vector<16xi32>, vector<16xi32>], vector<16xf32>,
        %mul3A_1095 = arith.constant 128 : i32
        %mul3A_1096 = vector.broadcast %mul3A_1095 : i32 to vector<16xi32>
        %mul3A_1097 = arith.muli %and3A_1093, %mul3A_1096 : vector<16xi32>
        %add3A_1098 = arith.addi %mul3A_1097, %add3A_624 : vector<16xi32>
        tpu.vector_store_idx %arg14[%add3A_1098], %gather3A_1094 : memref<4096xf32, #tpu.memory_space<vmem>>[vector<16xi32>], vector<16xf32>,
        %add3A_1099 = vector.broadcast %add3A_969 : i32 to vector<16xi32>
        %add3A_1100 = arith.addi %add3A_627, %add3A_1099 : vector<16xi32>
        %and3A_1101 = arith.constant 31 : i32
        %and3A_1102 = vector.broadcast %and3A_1101 : i32 to vector<16xi32>
        %and3A_1103 = arith.andi %add3A_1100, %and3A_1102 : vector<16xi32>
        %gather3A_1104 = tpu.vector_load_idx %arg10[%add3A_627, %and3A_1103] : memref<128x32xf32, #tpu.memory_space<vmem>>[vector<16xi32>, vector<16xi32>], vector<16xf32>,
        %mul3A_1105 = arith.constant 128 : i32
        %mul3A_1106 = vector.broadcast %mul3A_1105 : i32 to vector<16xi32>
        %mul3A_1107 = arith.muli %and3A_1103, %mul3A_1106 : vector<16xi32>
        %add3A_1108 = arith.addi %mul3A_1107, %add3A_627 : vector<16xi32>
        tpu.vector_store_idx %arg14[%add3A_1108], %gather3A_1104 : memref<4096xf32, #tpu.memory_space<vmem>>[vector<16xi32>], vector<16xf32>,
        %add3A_1109 = vector.broadcast %add3A_969 : i32 to vector<16xi32>
        %add3A_1110 = arith.addi %add3A_630, %add3A_1109 : vector<16xi32>
        %and3A_1111 = arith.constant 31 : i32
        %and3A_1112 = vector.broadcast %and3A_1111 : i32 to vector<16xi32>
        %and3A_1113 = arith.andi %add3A_1110, %and3A_1112 : vector<16xi32>
        %gather3A_1114 = tpu.vector_load_idx %arg10[%add3A_630, %and3A_1113] : memref<128x32xf32, #tpu.memory_space<vmem>>[vector<16xi32>, vector<16xi32>], vector<16xf32>,
        %mul3A_1115 = arith.constant 128 : i32
        %mul3A_1116 = vector.broadcast %mul3A_1115 : i32 to vector<16xi32>
        %mul3A_1117 = arith.muli %and3A_1113, %mul3A_1116 : vector<16xi32>
        %add3A_1118 = arith.addi %mul3A_1117, %add3A_630 : vector<16xi32>
        tpu.vector_store_idx %arg14[%add3A_1118], %gather3A_1114 : memref<4096xf32, #tpu.memory_space<vmem>>[vector<16xi32>], vector<16xf32>,
        %add3A_1119 = vector.broadcast %add3A_969 : i32 to vector<16xi32>
        %add3A_1120 = arith.addi %add3A_633, %add3A_1119 : vector<16xi32>
        %and3A_1121 = arith.constant 31 : i32
        %and3A_1122 = vector.broadcast %and3A_1121 : i32 to vector<16xi32>
        %and3A_1123 = arith.andi %add3A_1120, %and3A_1122 : vector<16xi32>
        %gather3A_1124 = tpu.vector_load_idx %arg10[%add3A_633, %and3A_1123] : memref<128x32xf32, #tpu.memory_space<vmem>>[vector<16xi32>, vector<16xi32>], vector<16xf32>,
        %mul3A_1125 = arith.constant 128 : i32
        %mul3A_1126 = vector.broadcast %mul3A_1125 : i32 to vector<16xi32>
        %mul3A_1127 = arith.muli %and3A_1123, %mul3A_1126 : vector<16xi32>
        %add3A_1128 = arith.addi %mul3A_1127, %add3A_633 : vector<16xi32>
        tpu.vector_store_idx %arg14[%add3A_1128], %gather3A_1124 : memref<4096xf32, #tpu.memory_space<vmem>>[vector<16xi32>], vector<16xf32>,
      }
      %scan3A_639 = arith.constant 16 : i32
      %get3A_640 = arith.index_cast %add3A_596 : i32 to index
      %get3A_641 = arith.constant 0 : index
      %get3A_642 = tpu.vector_load %arg6[%get3A_640, %get3A_641] {strides = array<i32>} : memref<200x128xi32, #tpu.memory_space<vmem>>, vector<16xi32>,
      %get3A_643 = arith.index_cast %add3A_596 : i32 to index
      %get3A_644 = arith.constant 16 : index
      %get3A_645 = tpu.vector_load %arg6[%get3A_643, %get3A_644] {strides = array<i32>} : memref<200x128xi32, #tpu.memory_space<vmem>>, vector<16xi32>,
      %max3A_646 = arith.maxsi %get3A_642, %get3A_645 : vector<16xi32>
      %get3A_647 = arith.index_cast %add3A_596 : i32 to index
      %get3A_648 = arith.constant 32 : index
      %get3A_649 = tpu.vector_load %arg6[%get3A_647, %get3A_648] {strides = array<i32>} : memref<200x128xi32, #tpu.memory_space<vmem>>, vector<16xi32>,
      %max3A_650 = arith.maxsi %max3A_646, %get3A_649 : vector<16xi32>
      %get3A_651 = arith.index_cast %add3A_596 : i32 to index
      %get3A_652 = arith.constant 48 : index
      %get3A_653 = tpu.vector_load %arg6[%get3A_651, %get3A_652] {strides = array<i32>} : memref<200x128xi32, #tpu.memory_space<vmem>>, vector<16xi32>,
      %max3A_654 = arith.maxsi %max3A_650, %get3A_653 : vector<16xi32>
      %get3A_655 = arith.index_cast %add3A_596 : i32 to index
      %get3A_656 = arith.constant 64 : index
      %get3A_657 = tpu.vector_load %arg6[%get3A_655, %get3A_656] {strides = array<i32>} : memref<200x128xi32, #tpu.memory_space<vmem>>, vector<16xi32>,
      %max3A_658 = arith.maxsi %max3A_654, %get3A_657 : vector<16xi32>
      %get3A_659 = arith.index_cast %add3A_596 : i32 to index
      %get3A_660 = arith.constant 80 : index
      %get3A_661 = tpu.vector_load %arg6[%get3A_659, %get3A_660] {strides = array<i32>} : memref<200x128xi32, #tpu.memory_space<vmem>>, vector<16xi32>,
      %max3A_662 = arith.maxsi %max3A_658, %get3A_661 : vector<16xi32>
      %get3A_663 = arith.index_cast %add3A_596 : i32 to index
      %get3A_664 = arith.constant 96 : index
      %get3A_665 = tpu.vector_load %arg6[%get3A_663, %get3A_664] {strides = array<i32>} : memref<200x128xi32, #tpu.memory_space<vmem>>, vector<16xi32>,
      %max3A_666 = arith.maxsi %max3A_662, %get3A_665 : vector<16xi32>
      %get3A_667 = arith.index_cast %add3A_596 : i32 to index
      %get3A_668 = arith.constant 112 : index
      %get3A_669 = tpu.vector_load %arg6[%get3A_667, %get3A_668] {strides = array<i32>} : memref<200x128xi32, #tpu.memory_space<vmem>>, vector<16xi32>,
      %max3A_670 = arith.maxsi %max3A_666, %get3A_669 : vector<16xi32>
      %reduce_max3A_671 = arith.constant true
      %reduce_max3A_672 = vector.broadcast %reduce_max3A_671 : i1 to vector<16xi1>
      %reduce_max3A_673 = arith.constant -2147483648 : i32
      %reduce_max3A_674 = vector.broadcast %reduce_max3A_673 : i32 to vector<16xi32>
      %reduce_max3A_675 = arith.xori %max3A_670, %reduce_max3A_674 : vector<16xi32>
      %reduce_max3A_676 = tpu.scan <max>, %reduce_max3A_675 masked %reduce_max3A_672 : vector<16xi32>, vector<16xi1> -> vector<16xi32>
      %reduce_max3A_677 = arith.xori %reduce_max3A_676, %reduce_max3A_674 : vector<16xi32>
      %reduce_max3A_678 = vector.extract %reduce_max3A_677[15] : i32 from vector<16xi32>
      %ge3A_679 = arith.constant 999936 : i32
      %ge3A_680 = arith.cmpi sge, %reduce_max3A_678, %ge3A_679 : i32
      %convert_element_type3A_681 = arith.extui %ge3A_680 : i1 to i32
      %cond3A_682 = arith.constant 0 : i32
      %cond3A_683 = arith.cmpi ne, %convert_element_type3A_681, %cond3A_682 : i32
      scf.if %cond3A_683 {
        %iota3A_963 = tpu.iota {dimensions = array<i32: 0>} : vector<16xi32>
        %scan3A_964 = arith.constant 0 : i32
        %scan3A_965 = arith.constant 0 : i32
        %scan3A_966 = arith.constant 8 : i32
        %scan3A_967 = arith.addi %scan3A_965, %scan3A_966 : i32
        %scan3A_968 = arith.constant 1 : i32
        scf.for %scan3A_970 = %scan3A_965 to %scan3A_967 step %scan3A_968  : i32 {
          %mul3A_971 = arith.constant 16 : i32
          %mul3A_972 = arith.muli %mul3A_971, %scan3A_970 : i32
          %get3A_973 = arith.index_cast %add3A_596 : i32 to index
          %get3A_974 = arith.index_cast %mul3A_972 : i32 to index
          %get3A_975 = tpu.vector_load %arg6[%get3A_973, %get3A_974] {strides = array<i32>} : memref<200x128xi32, #tpu.memory_space<vmem>>, vector<16xi32>,
          %ge3A_976 = arith.constant 999936 : i32
          %ge3A_977 = vector.broadcast %ge3A_976 : i32 to vector<16xi32>
          %ge3A_978 = arith.cmpi sge, %get3A_975, %ge3A_977 : vector<16xi32>
          %sub3A_979 = arith.constant 999936 : i32
          %sub3A_980 = vector.broadcast %sub3A_979 : i32 to vector<16xi32>
          %sub3A_981 = arith.subi %get3A_975, %sub3A_980 : vector<16xi32>
          %max3A_982 = arith.constant 0 : i32
          %max3A_983 = vector.broadcast %max3A_982 : i32 to vector<16xi32>
          %max3A_984 = arith.maxsi %sub3A_981, %max3A_983 : vector<16xi32>
          %min3A = arith.constant 63 : i32
          %min3A_985 = vector.broadcast %min3A : i32 to vector<16xi32>
          %min3A_986 = arith.minsi %max3A_984, %min3A_985 : vector<16xi32>
          %scan3A_987 = arith.constant 0 : i32
          %scan3A_988 = arith.constant 0 : i32
          %scan3A_989 = arith.constant 32 : i32
          %scan3A_990 = arith.addi %scan3A_988, %scan3A_989 : i32
          %scan3A_991 = arith.constant 1 : i32
          scf.for %scan3A_993 = %scan3A_988 to %scan3A_990 step %scan3A_991  : i32 {
            %and3A_994 = arith.constant 0 : i32
            %and3A_995 = vector.broadcast %and3A_994 : i32 to vector<16xi32>
            %and3A_996 = arith.andi %iota3A_963, %and3A_995 : vector<16xi32>
            %add3A_997 = vector.broadcast %scan3A_993 : i32 to vector<16xi32>
            %add3A_998 = arith.addi %and3A_996, %add3A_997 : vector<16xi32>
            %gather3A = tpu.vector_load_idx %arg7[%min3A_986, %add3A_998] : memref<64x32xf32, #tpu.memory_space<vmem>>[vector<16xi32>, vector<16xi32>], vector<16xf32>,
            %mul3A_999 = arith.constant 128 : i32
            %mul3A_1000 = arith.muli %scan3A_993, %mul3A_999 : i32
            %mul3A_1001 = arith.constant 16 : i32
            %mul3A_1002 = arith.muli %mul3A_1001, %scan3A_970 : i32
            %add3A_1003 = arith.addi %mul3A_1000, %mul3A_1002 : i32
            %get3A_1004 = arith.index_cast %add3A_1003 : i32 to index
            %get3A_1005 = tpu.vector_load %arg14[%get3A_1004] {strides = array<i32>} : memref<4096xf32, #tpu.memory_space<vmem>>, vector<16xf32>,
            %select_n3A_1006 = arith.select %ge3A_978, %gather3A, %get3A_1005 : vector<16xi1>, vector<16xf32>
            %swap3A = arith.index_cast %add3A_1003 : i32 to index
            %swap3A_1007 = tpu.vector_load %arg14[%swap3A] {strides = array<i32>} : memref<4096xf32, #tpu.memory_space<vmem>>, vector<16xf32>,
            tpu.vector_store %arg14[%swap3A], %select_n3A_1006 {strides = array<i32>} : memref<4096xf32, #tpu.memory_space<vmem>>, vector<16xf32>,
          }
          %scan3A_992 = arith.constant 32 : i32
        }
        %scan3A_969 = arith.constant 8 : i32
      } else {
      }
      %mul3A_684 = arith.constant 200 : i32
      %mul3A_685 = arith.muli %add3A, %mul3A_684 : i32
      %add3A_686 = arith.addi %mul3A_685, %add3A_596 : i32
      %jit3A_687 = arith.constant 128 : i32
      %div3A_688 = arith.divsi %add3A_686, %jit3A_687 : i32
      %sign3A_689 = arith.constant 0 : i32
      %sign3A_690 = arith.cmpi sgt, %add3A_686, %sign3A_689 : i32
      %sign3A_691 = arith.extui %sign3A_690 : i1 to i32
      %sign3A_692 = arith.constant 0 : i32
      %sign3A_693 = arith.cmpi slt, %add3A_686, %sign3A_692 : i32
      %sign3A_694 = arith.extui %sign3A_693 : i1 to i32
      %sign3A_695 = arith.subi %sign3A_691, %sign3A_694 : i32
      %sign3A_696 = arith.constant 0 : i32
      %sign3A_697 = arith.cmpi sgt, %jit3A_687, %sign3A_696 : i32
      %sign3A_698 = arith.extui %sign3A_697 : i1 to i32
      %sign3A_699 = arith.constant 0 : i32
      %sign3A_700 = arith.cmpi slt, %jit3A_687, %sign3A_699 : i32
      %sign3A_701 = arith.extui %sign3A_700 : i1 to i32
      %sign3A_702 = arith.subi %sign3A_698, %sign3A_701 : i32
      %ne3A_703 = arith.cmpi ne, %sign3A_695, %sign3A_702 : i32
      %rem3A_704 = arith.remsi %add3A_686, %jit3A_687 : i32
      %ne3A_705 = arith.constant 0 : i32
      %ne3A_706 = arith.cmpi ne, %rem3A_704, %ne3A_705 : i32
      %and3A_707 = arith.andi %ne3A_703, %ne3A_706 : i1
      %sub3A_708 = arith.constant 1 : i32
      %sub3A_709 = arith.subi %div3A_688, %sub3A_708 : i32
      %select_n3A_710 = arith.select %and3A_707, %sub3A_709, %div3A_688 : i32
      %jit3A_711 = arith.constant 128 : i32
      %eq3A_712 = arith.constant 0 : i32
      %eq3A_713 = arith.cmpi eq, %jit3A_711, %eq3A_712 : i32
      %jit3A_714 = arith.constant 1 : i32
      %select_n3A_715 = arith.select %eq3A_713, %jit3A_714, %jit3A_711 : i32
      %rem3A_716 = arith.remsi %add3A_686, %select_n3A_715 : i32
      %ne3A_717 = arith.constant 0 : i32
      %ne3A_718 = arith.cmpi ne, %rem3A_716, %ne3A_717 : i32
      %lt3A_719 = arith.constant 0 : i32
      %lt3A_720 = arith.cmpi slt, %rem3A_716, %lt3A_719 : i32
      %lt3A_721 = arith.constant 0 : i32
      %lt3A_722 = arith.cmpi slt, %select_n3A_715, %lt3A_721 : i32
      %ne3A_723 = arith.xori %lt3A_720, %lt3A_722 : i1
      %and3A_724 = arith.andi %ne3A_723, %ne3A_718 : i1
      %add3A_725 = arith.addi %rem3A_716, %select_n3A_715 : i32
      %select_n3A_726 = arith.select %and3A_724, %add3A_725, %rem3A_716 : i32
      %dma_start3A_727 = arith.constant 0 : i32
      %dma_start3A_728 = arith.constant 0 : i32
      %dma_start3A_729 = tpu.memref_slice %arg14[%dma_start3A_728] : memref<4096xf32, #tpu.memory_space<vmem>> -> memref<1024xf32, #tpu.memory_space<vmem>>
      %dma_start3A_730 = arith.constant 0 : i32
      %dma_start3A_731 = tpu.memref_slice %arg5[%select_n3A_710, %dma_start3A_727, %select_n3A_726, %dma_start3A_730] : memref<50x4x128x1024xf32, #tpu.memory_space<hbm>> -> memref<1x1x1x1024xf32, #tpu.memory_space<hbm>>
      %dma_start3A_732 = tpu.memref_squeeze %dma_start3A_731 : memref<1x1x1x1024xf32, #tpu.memory_space<hbm>> -> memref<1024xf32, #tpu.memory_space<hbm>>
      %dma_start3A_733 = arith.constant 0 : i32
      %dma_start3A_734 = tpu.memref_slice %arg5[%select_n3A_710, %dma_start3A_727, %select_n3A_726, %dma_start3A_733] : memref<50x4x128x1024xf32, #tpu.memory_space<hbm>> -> memref<1x1x1x1024xf32, #tpu.memory_space<hbm>>
      %dma_start3A_735 = tpu.memref_squeeze %dma_start3A_734 : memref<1x1x1x1024xf32, #tpu.memory_space<hbm>> -> memref<1024xf32, #tpu.memory_space<hbm>>
      %dma_start3A_736 = arith.constant 0 : i32
      %dma_start3A_737 = tpu.memref_slice %arg14[%dma_start3A_736] : memref<4096xf32, #tpu.memory_space<vmem>> -> memref<1024xf32, #tpu.memory_space<vmem>>
      tpu.enqueue_dma source(%dma_start3A_737 : memref<1024xf32, #tpu.memory_space<vmem>>) target(%dma_start3A_735 : memref<1024xf32, #tpu.memory_space<hbm>>) target_semaphore(%arg22 : memref<!tpu.dma_semaphore, #tpu.memory_space<semaphore_mem>>)
      %dma_start3A_738 = arith.constant 1 : i32
      %dma_start3A_739 = arith.constant 1024 : i32
      %dma_start3A_740 = tpu.memref_slice %arg14[%dma_start3A_739] : memref<4096xf32, #tpu.memory_space<vmem>> -> memref<1024xf32, #tpu.memory_space<vmem>>
      %dma_start3A_741 = arith.constant 0 : i32
      %dma_start3A_742 = tpu.memref_slice %arg5[%select_n3A_710, %dma_start3A_738, %select_n3A_726, %dma_start3A_741] : memref<50x4x128x1024xf32, #tpu.memory_space<hbm>> -> memref<1x1x1x1024xf32, #tpu.memory_space<hbm>>
      %dma_start3A_743 = tpu.memref_squeeze %dma_start3A_742 : memref<1x1x1x1024xf32, #tpu.memory_space<hbm>> -> memref<1024xf32, #tpu.memory_space<hbm>>
      %dma_start3A_744 = arith.constant 0 : i32
      %dma_start3A_745 = tpu.memref_slice %arg5[%select_n3A_710, %dma_start3A_738, %select_n3A_726, %dma_start3A_744] : memref<50x4x128x1024xf32, #tpu.memory_space<hbm>> -> memref<1x1x1x1024xf32, #tpu.memory_space<hbm>>
      %dma_start3A_746 = tpu.memref_squeeze %dma_start3A_745 : memref<1x1x1x1024xf32, #tpu.memory_space<hbm>> -> memref<1024xf32, #tpu.memory_space<hbm>>
      %dma_start3A_747 = arith.constant 1024 : i32
      %dma_start3A_748 = tpu.memref_slice %arg14[%dma_start3A_747] : memref<4096xf32, #tpu.memory_space<vmem>> -> memref<1024xf32, #tpu.memory_space<vmem>>
      tpu.enqueue_dma source(%dma_start3A_748 : memref<1024xf32, #tpu.memory_space<vmem>>) target(%dma_start3A_746 : memref<1024xf32, #tpu.memory_space<hbm>>) target_semaphore(%arg22 : memref<!tpu.dma_semaphore, #tpu.memory_space<semaphore_mem>>)
      %dma_start3A_749 = arith.constant 2 : i32
      %dma_start3A_750 = arith.constant 2048 : i32
      %dma_start3A_751 = tpu.memref_slice %arg14[%dma_start3A_750] : memref<4096xf32, #tpu.memory_space<vmem>> -> memref<1024xf32, #tpu.memory_space<vmem>>
      %dma_start3A_752 = arith.constant 0 : i32
      %dma_start3A_753 = tpu.memref_slice %arg5[%select_n3A_710, %dma_start3A_749, %select_n3A_726, %dma_start3A_752] : memref<50x4x128x1024xf32, #tpu.memory_space<hbm>> -> memref<1x1x1x1024xf32, #tpu.memory_space<hbm>>
      %dma_start3A_754 = tpu.memref_squeeze %dma_start3A_753 : memref<1x1x1x1024xf32, #tpu.memory_space<hbm>> -> memref<1024xf32, #tpu.memory_space<hbm>>
      %dma_start3A_755 = arith.constant 0 : i32
      %dma_start3A_756 = tpu.memref_slice %arg5[%select_n3A_710, %dma_start3A_749, %select_n3A_726, %dma_start3A_755] : memref<50x4x128x1024xf32, #tpu.memory_space<hbm>> -> memref<1x1x1x1024xf32, #tpu.memory_space<hbm>>
      %dma_start3A_757 = tpu.memref_squeeze %dma_start3A_756 : memref<1x1x1x1024xf32, #tpu.memory_space<hbm>> -> memref<1024xf32, #tpu.memory_space<hbm>>
      %dma_start3A_758 = arith.constant 2048 : i32
      %dma_start3A_759 = tpu.memref_slice %arg14[%dma_start3A_758] : memref<4096xf32, #tpu.memory_space<vmem>> -> memref<1024xf32, #tpu.memory_space<vmem>>
      tpu.enqueue_dma source(%dma_start3A_759 : memref<1024xf32, #tpu.memory_space<vmem>>) target(%dma_start3A_757 : memref<1024xf32, #tpu.memory_space<hbm>>) target_semaphore(%arg22 : memref<!tpu.dma_semaphore, #tpu.memory_space<semaphore_mem>>)
      %dma_start3A_760 = arith.constant 3 : i32
      %dma_start3A_761 = arith.constant 3072 : i32
      %dma_start3A_762 = tpu.memref_slice %arg14[%dma_start3A_761] : memref<4096xf32, #tpu.memory_space<vmem>> -> memref<1024xf32, #tpu.memory_space<vmem>>
      %dma_start3A_763 = arith.constant 0 : i32
      %dma_start3A_764 = tpu.memref_slice %arg5[%select_n3A_710, %dma_start3A_760, %select_n3A_726, %dma_start3A_763] : memref<50x4x128x1024xf32, #tpu.memory_space<hbm>> -> memref<1x1x1x1024xf32, #tpu.memory_space<hbm>>
      %dma_start3A_765 = tpu.memref_squeeze %dma_start3A_764 : memref<1x1x1x1024xf32, #tpu.memory_space<hbm>> -> memref<1024xf32, #tpu.memory_space<hbm>>
      %dma_start3A_766 = arith.constant 0 : i32
      %dma_start3A_767 = tpu.memref_slice %arg5[%select_n3A_710, %dma_start3A_760, %select_n3A_726, %dma_start3A_766] : memref<50x4x128x1024xf32, #tpu.memory_space<hbm>> -> memref<1x1x1x1024xf32, #tpu.memory_space<hbm>>
      %dma_start3A_768 = tpu.memref_squeeze %dma_start3A_767 : memref<1x1x1x1024xf32, #tpu.memory_space<hbm>> -> memref<1024xf32, #tpu.memory_space<hbm>>
      %dma_start3A_769 = arith.constant 3072 : i32
      %dma_start3A_770 = tpu.memref_slice %arg14[%dma_start3A_769] : memref<4096xf32, #tpu.memory_space<vmem>> -> memref<1024xf32, #tpu.memory_space<vmem>>
      tpu.enqueue_dma source(%dma_start3A_770 : memref<1024xf32, #tpu.memory_space<vmem>>) target(%dma_start3A_768 : memref<1024xf32, #tpu.memory_space<hbm>>) target_semaphore(%arg22 : memref<!tpu.dma_semaphore, #tpu.memory_space<semaphore_mem>>)
      %add3A_771 = arith.constant 4 : i32
      %add3A_772 = arith.addi %add3A_596, %add3A_771 : i32
      %lt3A_773 = arith.constant 200 : i32
      %lt3A_774 = arith.cmpi slt, %add3A_772, %lt3A_773 : i32
      %convert_element_type3A_775 = arith.extui %lt3A_774 : i1 to i32
      %cond3A_776 = arith.constant 0 : i32
      %cond3A_777 = arith.cmpi ne, %convert_element_type3A_775, %cond3A_776 : i32
      scf.if %cond3A_777 {
        %add3A_963 = arith.constant 4 : i32
        %add3A_964 = arith.addi %add3A_596, %add3A_963 : i32
        %dma_start3A_965 = arith.constant 0 : i32
        %dma_start3A_966 = tpu.memref_slice %arg6[%add3A_964, %dma_start3A_965] : memref<200x128xi32, #tpu.memory_space<vmem>> -> memref<1x128xi32, #tpu.memory_space<vmem>>
        %dma_start3A_967 = tpu.memref_squeeze %dma_start3A_966 : memref<1x128xi32, #tpu.memory_space<vmem>> -> memref<128xi32, #tpu.memory_space<vmem>>
        %dma_start3A_968 = arith.constant 0 : i32
        %dma_start3A_969 = arith.constant 0 : i32
        %dma_start3A_970 = tpu.memref_slice %arg3[%dma_start3A_968, %dma_start3A_969] : memref<1000064x32xf32, #tpu.memory_space<hbm>> -> memref<1000064x32xf32, #tpu.memory_space<hbm>>
        tpu.enqueue_indirect_dma source(%dma_start3A_970 : memref<1000064x32xf32, #tpu.memory_space<hbm>>) target(%arg10 : memref<128x32xf32, #tpu.memory_space<vmem>>) offsets(%dma_start3A_967 : memref<128xi32, #tpu.memory_space<vmem>>) semaphore(%arg18 : memref<!tpu.dma_semaphore, #tpu.memory_space<semaphore_mem>>)
      } else {
      }
      %mul3A_778 = arith.constant 4 : i32
      %mul3A_779 = arith.muli %mul3A_778, %scan3A_240 : i32
      %add3A_780 = arith.constant 3 : i32
      %add3A_781 = arith.addi %mul3A_779, %add3A_780 : i32
      %dma_wait3A_782 = arith.constant 0 : i32
      %dma_wait3A_783 = arith.constant 0 : i32
      %dma_wait3A_784 = tpu.memref_slice %arg6[%dma_wait3A_782, %dma_wait3A_783] : memref<200x128xi32, #tpu.memory_space<vmem>> -> memref<1x128xi32, #tpu.memory_space<vmem>>
      %dma_wait3A_785 = tpu.memref_squeeze %dma_wait3A_784 : memref<1x128xi32, #tpu.memory_space<vmem>> -> memref<128xi32, #tpu.memory_space<vmem>>
      %dma_wait3A_786 = arith.constant 0 : i32
      %dma_wait3A_787 = arith.constant 0 : i32
      %dma_wait3A_788 = tpu.memref_slice %arg3[%dma_wait3A_786, %dma_wait3A_787] : memref<1000064x32xf32, #tpu.memory_space<hbm>> -> memref<1000064x32xf32, #tpu.memory_space<hbm>>
      tpu.wait_indirect_dma semaphore(%arg19 : memref<!tpu.dma_semaphore, #tpu.memory_space<semaphore_mem>>) src(%dma_wait3A_788 : memref<1000064x32xf32, #tpu.memory_space<hbm>>) dst(%arg11 : memref<128x32xf32, #tpu.memory_space<vmem>>)
      %gt3A_789 = arith.constant 0 : i32
      %gt3A_790 = arith.cmpi sgt, %scan3A_240, %gt3A_789 : i32
      %convert_element_type3A_791 = arith.extui %gt3A_790 : i1 to i32
      %cond3A_792 = arith.constant 0 : i32
      %cond3A_793 = arith.cmpi ne, %convert_element_type3A_791, %cond3A_792 : i32
      scf.if %cond3A_793 {
        %dma_wait3A_963 = arith.constant 0 : i32
        %dma_wait3A_964 = arith.constant 0 : i32
        %dma_wait3A_965 = arith.constant 0 : i32
        %dma_wait3A_966 = arith.constant 0 : i32
        %dma_wait3A_967 = tpu.memref_slice %arg15[%dma_wait3A_966] : memref<4096xf32, #tpu.memory_space<vmem>> -> memref<1024xf32, #tpu.memory_space<vmem>>
        %dma_wait3A_968 = arith.constant 0 : i32
        %dma_wait3A_969 = tpu.memref_slice %arg5[%dma_wait3A_963, %dma_wait3A_964, %dma_wait3A_965, %dma_wait3A_968] : memref<50x4x128x1024xf32, #tpu.memory_space<hbm>> -> memref<1x1x1x1024xf32, #tpu.memory_space<hbm>>
        %dma_wait3A_970 = tpu.memref_squeeze %dma_wait3A_969 : memref<1x1x1x1024xf32, #tpu.memory_space<hbm>> -> memref<1024xf32, #tpu.memory_space<hbm>>
        %dma_wait3A_971 = arith.constant 0 : i32
        %dma_wait3A_972 = tpu.memref_slice %arg5[%dma_wait3A_963, %dma_wait3A_964, %dma_wait3A_965, %dma_wait3A_971] : memref<50x4x128x1024xf32, #tpu.memory_space<hbm>> -> memref<1x1x1x1024xf32, #tpu.memory_space<hbm>>
        %dma_wait3A_973 = tpu.memref_squeeze %dma_wait3A_972 : memref<1x1x1x1024xf32, #tpu.memory_space<hbm>> -> memref<1024xf32, #tpu.memory_space<hbm>>
        %dma_wait3A_974 = arith.constant 0 : i32
        %dma_wait3A_975 = tpu.memref_slice %arg15[%dma_wait3A_974] : memref<4096xf32, #tpu.memory_space<vmem>> -> memref<1024xf32, #tpu.memory_space<vmem>>
        tpu.wait_dma2 semaphore(%arg23 : memref<!tpu.dma_semaphore, #tpu.memory_space<semaphore_mem>>) src(%dma_wait3A_975 : memref<1024xf32, #tpu.memory_space<vmem>>) dst(%dma_wait3A_973 : memref<1024xf32, #tpu.memory_space<hbm>>)
        %dma_wait3A_976 = arith.constant 0 : i32
        %dma_wait3A_977 = arith.constant 1 : i32
        %dma_wait3A_978 = arith.constant 0 : i32
        %dma_wait3A_979 = arith.constant 1024 : i32
        %dma_wait3A_980 = tpu.memref_slice %arg15[%dma_wait3A_979] : memref<4096xf32, #tpu.memory_space<vmem>> -> memref<1024xf32, #tpu.memory_space<vmem>>
        %dma_wait3A_981 = arith.constant 0 : i32
        %dma_wait3A_982 = tpu.memref_slice %arg5[%dma_wait3A_976, %dma_wait3A_977, %dma_wait3A_978, %dma_wait3A_981] : memref<50x4x128x1024xf32, #tpu.memory_space<hbm>> -> memref<1x1x1x1024xf32, #tpu.memory_space<hbm>>
        %dma_wait3A_983 = tpu.memref_squeeze %dma_wait3A_982 : memref<1x1x1x1024xf32, #tpu.memory_space<hbm>> -> memref<1024xf32, #tpu.memory_space<hbm>>
        %dma_wait3A_984 = arith.constant 0 : i32
        %dma_wait3A_985 = tpu.memref_slice %arg5[%dma_wait3A_976, %dma_wait3A_977, %dma_wait3A_978, %dma_wait3A_984] : memref<50x4x128x1024xf32, #tpu.memory_space<hbm>> -> memref<1x1x1x1024xf32, #tpu.memory_space<hbm>>
        %dma_wait3A_986 = tpu.memref_squeeze %dma_wait3A_985 : memref<1x1x1x1024xf32, #tpu.memory_space<hbm>> -> memref<1024xf32, #tpu.memory_space<hbm>>
        %dma_wait3A_987 = arith.constant 1024 : i32
        %dma_wait3A_988 = tpu.memref_slice %arg15[%dma_wait3A_987] : memref<4096xf32, #tpu.memory_space<vmem>> -> memref<1024xf32, #tpu.memory_space<vmem>>
        tpu.wait_dma2 semaphore(%arg23 : memref<!tpu.dma_semaphore, #tpu.memory_space<semaphore_mem>>) src(%dma_wait3A_988 : memref<1024xf32, #tpu.memory_space<vmem>>) dst(%dma_wait3A_986 : memref<1024xf32, #tpu.memory_space<hbm>>)
        %dma_wait3A_989 = arith.constant 0 : i32
        %dma_wait3A_990 = arith.constant 2 : i32
        %dma_wait3A_991 = arith.constant 0 : i32
        %dma_wait3A_992 = arith.constant 2048 : i32
        %dma_wait3A_993 = tpu.memref_slice %arg15[%dma_wait3A_992] : memref<4096xf32, #tpu.memory_space<vmem>> -> memref<1024xf32, #tpu.memory_space<vmem>>
        %dma_wait3A_994 = arith.constant 0 : i32
        %dma_wait3A_995 = tpu.memref_slice %arg5[%dma_wait3A_989, %dma_wait3A_990, %dma_wait3A_991, %dma_wait3A_994] : memref<50x4x128x1024xf32, #tpu.memory_space<hbm>> -> memref<1x1x1x1024xf32, #tpu.memory_space<hbm>>
        %dma_wait3A_996 = tpu.memref_squeeze %dma_wait3A_995 : memref<1x1x1x1024xf32, #tpu.memory_space<hbm>> -> memref<1024xf32, #tpu.memory_space<hbm>>
        %dma_wait3A_997 = arith.constant 0 : i32
        %dma_wait3A_998 = tpu.memref_slice %arg5[%dma_wait3A_989, %dma_wait3A_990, %dma_wait3A_991, %dma_wait3A_997] : memref<50x4x128x1024xf32, #tpu.memory_space<hbm>> -> memref<1x1x1x1024xf32, #tpu.memory_space<hbm>>
        %dma_wait3A_999 = tpu.memref_squeeze %dma_wait3A_998 : memref<1x1x1x1024xf32, #tpu.memory_space<hbm>> -> memref<1024xf32, #tpu.memory_space<hbm>>
        %dma_wait3A_1000 = arith.constant 2048 : i32
        %dma_wait3A_1001 = tpu.memref_slice %arg15[%dma_wait3A_1000] : memref<4096xf32, #tpu.memory_space<vmem>> -> memref<1024xf32, #tpu.memory_space<vmem>>
        tpu.wait_dma2 semaphore(%arg23 : memref<!tpu.dma_semaphore, #tpu.memory_space<semaphore_mem>>) src(%dma_wait3A_1001 : memref<1024xf32, #tpu.memory_space<vmem>>) dst(%dma_wait3A_999 : memref<1024xf32, #tpu.memory_space<hbm>>)
        %dma_wait3A_1002 = arith.constant 0 : i32
        %dma_wait3A_1003 = arith.constant 3 : i32
        %dma_wait3A_1004 = arith.constant 0 : i32
        %dma_wait3A_1005 = arith.constant 3072 : i32
        %dma_wait3A_1006 = tpu.memref_slice %arg15[%dma_wait3A_1005] : memref<4096xf32, #tpu.memory_space<vmem>> -> memref<1024xf32, #tpu.memory_space<vmem>>
        %dma_wait3A_1007 = arith.constant 0 : i32
        %dma_wait3A_1008 = tpu.memref_slice %arg5[%dma_wait3A_1002, %dma_wait3A_1003, %dma_wait3A_1004, %dma_wait3A_1007] : memref<50x4x128x1024xf32, #tpu.memory_space<hbm>> -> memref<1x1x1x1024xf32, #tpu.memory_space<hbm>>
        %dma_wait3A_1009 = tpu.memref_squeeze %dma_wait3A_1008 : memref<1x1x1x1024xf32, #tpu.memory_space<hbm>> -> memref<1024xf32, #tpu.memory_space<hbm>>
        %dma_wait3A_1010 = arith.constant 0 : i32
        %dma_wait3A_1011 = tpu.memref_slice %arg5[%dma_wait3A_1002, %dma_wait3A_1003, %dma_wait3A_1004, %dma_wait3A_1010] : memref<50x4x128x1024xf32, #tpu.memory_space<hbm>> -> memref<1x1x1x1024xf32, #tpu.memory_space<hbm>>
        %dma_wait3A_1012 = tpu.memref_squeeze %dma_wait3A_1011 : memref<1x1x1x1024xf32, #tpu.memory_space<hbm>> -> memref<1024xf32, #tpu.memory_space<hbm>>
        %dma_wait3A_1013 = arith.constant 3072 : i32
        %dma_wait3A_1014 = tpu.memref_slice %arg15[%dma_wait3A_1013] : memref<4096xf32, #tpu.memory_space<vmem>> -> memref<1024xf32, #tpu.memory_space<vmem>>
        tpu.wait_dma2 semaphore(%arg23 : memref<!tpu.dma_semaphore, #tpu.memory_space<semaphore_mem>>) src(%dma_wait3A_1014 : memref<1024xf32, #tpu.memory_space<vmem>>) dst(%dma_wait3A_1012 : memref<1024xf32, #tpu.memory_space<hbm>>)
      } else {
      }
      %iota3A_794 = tpu.iota {dimensions = array<i32: 0>} : vector<16xi32>
      %add3A_795 = arith.constant 0 : i32
      %add3A_796 = vector.broadcast %add3A_795 : i32 to vector<16xi32>
      %add3A_797 = arith.addi %iota3A_794, %add3A_796 : vector<16xi32>
      %add3A_798 = arith.constant 16 : i32
      %add3A_799 = vector.broadcast %add3A_798 : i32 to vector<16xi32>
      %add3A_800 = arith.addi %iota3A_794, %add3A_799 : vector<16xi32>
      %add3A_801 = arith.constant 32 : i32
      %add3A_802 = vector.broadcast %add3A_801 : i32 to vector<16xi32>
      %add3A_803 = arith.addi %iota3A_794, %add3A_802 : vector<16xi32>
      %add3A_804 = arith.constant 48 : i32
      %add3A_805 = vector.broadcast %add3A_804 : i32 to vector<16xi32>
      %add3A_806 = arith.addi %iota3A_794, %add3A_805 : vector<16xi32>
      %add3A_807 = arith.constant 64 : i32
      %add3A_808 = vector.broadcast %add3A_807 : i32 to vector<16xi32>
      %add3A_809 = arith.addi %iota3A_794, %add3A_808 : vector<16xi32>
      %add3A_810 = arith.constant 80 : i32
      %add3A_811 = vector.broadcast %add3A_810 : i32 to vector<16xi32>
      %add3A_812 = arith.addi %iota3A_794, %add3A_811 : vector<16xi32>
      %add3A_813 = arith.constant 96 : i32
      %add3A_814 = vector.broadcast %add3A_813 : i32 to vector<16xi32>
      %add3A_815 = arith.addi %iota3A_794, %add3A_814 : vector<16xi32>
      %add3A_816 = arith.constant 112 : i32
      %add3A_817 = vector.broadcast %add3A_816 : i32 to vector<16xi32>
      %add3A_818 = arith.addi %iota3A_794, %add3A_817 : vector<16xi32>
      %scan3A_819 = arith.constant 0 : i32
      %scan3A_820 = arith.constant 0 : i32
      %scan3A_821 = arith.constant 16 : i32
      %scan3A_822 = arith.addi %scan3A_820, %scan3A_821 : i32
      %scan3A_823 = arith.constant 1 : i32
      scf.for %scan3A_963 = %scan3A_820 to %scan3A_822 step %scan3A_823  : i32 {
        %mul3A_964 = arith.constant 2 : i32
        %mul3A_965 = arith.muli %mul3A_964, %scan3A_963 : i32
        %mul3A_966 = arith.constant 2 : i32
        %mul3A_967 = arith.muli %mul3A_966, %scan3A_963 : i32
        %add3A_968 = arith.constant 1 : i32
        %add3A_969 = arith.addi %mul3A_967, %add3A_968 : i32
        %add3A_970 = vector.broadcast %mul3A_965 : i32 to vector<16xi32>
        %add3A_971 = arith.addi %add3A_797, %add3A_970 : vector<16xi32>
        %and3A_972 = arith.constant 31 : i32
        %and3A_973 = vector.broadcast %and3A_972 : i32 to vector<16xi32>
        %and3A_974 = arith.andi %add3A_971, %and3A_973 : vector<16xi32>
        %gather3A = tpu.vector_load_idx %arg11[%add3A_797, %and3A_974] : memref<128x32xf32, #tpu.memory_space<vmem>>[vector<16xi32>, vector<16xi32>], vector<16xf32>,
        %mul3A_975 = arith.constant 128 : i32
        %mul3A_976 = vector.broadcast %mul3A_975 : i32 to vector<16xi32>
        %mul3A_977 = arith.muli %and3A_974, %mul3A_976 : vector<16xi32>
        %add3A_978 = arith.addi %mul3A_977, %add3A_797 : vector<16xi32>
        tpu.vector_store_idx %arg15[%add3A_978], %gather3A : memref<4096xf32, #tpu.memory_space<vmem>>[vector<16xi32>], vector<16xf32>,
        %add3A_979 = vector.broadcast %mul3A_965 : i32 to vector<16xi32>
        %add3A_980 = arith.addi %add3A_800, %add3A_979 : vector<16xi32>
        %and3A_981 = arith.constant 31 : i32
        %and3A_982 = vector.broadcast %and3A_981 : i32 to vector<16xi32>
        %and3A_983 = arith.andi %add3A_980, %and3A_982 : vector<16xi32>
        %gather3A_984 = tpu.vector_load_idx %arg11[%add3A_800, %and3A_983] : memref<128x32xf32, #tpu.memory_space<vmem>>[vector<16xi32>, vector<16xi32>], vector<16xf32>,
        %mul3A_985 = arith.constant 128 : i32
        %mul3A_986 = vector.broadcast %mul3A_985 : i32 to vector<16xi32>
        %mul3A_987 = arith.muli %and3A_983, %mul3A_986 : vector<16xi32>
        %add3A_988 = arith.addi %mul3A_987, %add3A_800 : vector<16xi32>
        tpu.vector_store_idx %arg15[%add3A_988], %gather3A_984 : memref<4096xf32, #tpu.memory_space<vmem>>[vector<16xi32>], vector<16xf32>,
        %add3A_989 = vector.broadcast %mul3A_965 : i32 to vector<16xi32>
        %add3A_990 = arith.addi %add3A_803, %add3A_989 : vector<16xi32>
        %and3A_991 = arith.constant 31 : i32
        %and3A_992 = vector.broadcast %and3A_991 : i32 to vector<16xi32>
        %and3A_993 = arith.andi %add3A_990, %and3A_992 : vector<16xi32>
        %gather3A_994 = tpu.vector_load_idx %arg11[%add3A_803, %and3A_993] : memref<128x32xf32, #tpu.memory_space<vmem>>[vector<16xi32>, vector<16xi32>], vector<16xf32>,
        %mul3A_995 = arith.constant 128 : i32
        %mul3A_996 = vector.broadcast %mul3A_995 : i32 to vector<16xi32>
        %mul3A_997 = arith.muli %and3A_993, %mul3A_996 : vector<16xi32>
        %add3A_998 = arith.addi %mul3A_997, %add3A_803 : vector<16xi32>
        tpu.vector_store_idx %arg15[%add3A_998], %gather3A_994 : memref<4096xf32, #tpu.memory_space<vmem>>[vector<16xi32>], vector<16xf32>,
        %add3A_999 = vector.broadcast %mul3A_965 : i32 to vector<16xi32>
        %add3A_1000 = arith.addi %add3A_806, %add3A_999 : vector<16xi32>
        %and3A_1001 = arith.constant 31 : i32
        %and3A_1002 = vector.broadcast %and3A_1001 : i32 to vector<16xi32>
        %and3A_1003 = arith.andi %add3A_1000, %and3A_1002 : vector<16xi32>
        %gather3A_1004 = tpu.vector_load_idx %arg11[%add3A_806, %and3A_1003] : memref<128x32xf32, #tpu.memory_space<vmem>>[vector<16xi32>, vector<16xi32>], vector<16xf32>,
        %mul3A_1005 = arith.constant 128 : i32
        %mul3A_1006 = vector.broadcast %mul3A_1005 : i32 to vector<16xi32>
        %mul3A_1007 = arith.muli %and3A_1003, %mul3A_1006 : vector<16xi32>
        %add3A_1008 = arith.addi %mul3A_1007, %add3A_806 : vector<16xi32>
        tpu.vector_store_idx %arg15[%add3A_1008], %gather3A_1004 : memref<4096xf32, #tpu.memory_space<vmem>>[vector<16xi32>], vector<16xf32>,
        %add3A_1009 = vector.broadcast %mul3A_965 : i32 to vector<16xi32>
        %add3A_1010 = arith.addi %add3A_809, %add3A_1009 : vector<16xi32>
        %and3A_1011 = arith.constant 31 : i32
        %and3A_1012 = vector.broadcast %and3A_1011 : i32 to vector<16xi32>
        %and3A_1013 = arith.andi %add3A_1010, %and3A_1012 : vector<16xi32>
        %gather3A_1014 = tpu.vector_load_idx %arg11[%add3A_809, %and3A_1013] : memref<128x32xf32, #tpu.memory_space<vmem>>[vector<16xi32>, vector<16xi32>], vector<16xf32>,
        %mul3A_1015 = arith.constant 128 : i32
        %mul3A_1016 = vector.broadcast %mul3A_1015 : i32 to vector<16xi32>
        %mul3A_1017 = arith.muli %and3A_1013, %mul3A_1016 : vector<16xi32>
        %add3A_1018 = arith.addi %mul3A_1017, %add3A_809 : vector<16xi32>
        tpu.vector_store_idx %arg15[%add3A_1018], %gather3A_1014 : memref<4096xf32, #tpu.memory_space<vmem>>[vector<16xi32>], vector<16xf32>,
        %add3A_1019 = vector.broadcast %mul3A_965 : i32 to vector<16xi32>
        %add3A_1020 = arith.addi %add3A_812, %add3A_1019 : vector<16xi32>
        %and3A_1021 = arith.constant 31 : i32
        %and3A_1022 = vector.broadcast %and3A_1021 : i32 to vector<16xi32>
        %and3A_1023 = arith.andi %add3A_1020, %and3A_1022 : vector<16xi32>
        %gather3A_1024 = tpu.vector_load_idx %arg11[%add3A_812, %and3A_1023] : memref<128x32xf32, #tpu.memory_space<vmem>>[vector<16xi32>, vector<16xi32>], vector<16xf32>,
        %mul3A_1025 = arith.constant 128 : i32
        %mul3A_1026 = vector.broadcast %mul3A_1025 : i32 to vector<16xi32>
        %mul3A_1027 = arith.muli %and3A_1023, %mul3A_1026 : vector<16xi32>
        %add3A_1028 = arith.addi %mul3A_1027, %add3A_812 : vector<16xi32>
        tpu.vector_store_idx %arg15[%add3A_1028], %gather3A_1024 : memref<4096xf32, #tpu.memory_space<vmem>>[vector<16xi32>], vector<16xf32>,
        %add3A_1029 = vector.broadcast %mul3A_965 : i32 to vector<16xi32>
        %add3A_1030 = arith.addi %add3A_815, %add3A_1029 : vector<16xi32>
        %and3A_1031 = arith.constant 31 : i32
        %and3A_1032 = vector.broadcast %and3A_1031 : i32 to vector<16xi32>
        %and3A_1033 = arith.andi %add3A_1030, %and3A_1032 : vector<16xi32>
        %gather3A_1034 = tpu.vector_load_idx %arg11[%add3A_815, %and3A_1033] : memref<128x32xf32, #tpu.memory_space<vmem>>[vector<16xi32>, vector<16xi32>], vector<16xf32>,
        %mul3A_1035 = arith.constant 128 : i32
        %mul3A_1036 = vector.broadcast %mul3A_1035 : i32 to vector<16xi32>
        %mul3A_1037 = arith.muli %and3A_1033, %mul3A_1036 : vector<16xi32>
        %add3A_1038 = arith.addi %mul3A_1037, %add3A_815 : vector<16xi32>
        tpu.vector_store_idx %arg15[%add3A_1038], %gather3A_1034 : memref<4096xf32, #tpu.memory_space<vmem>>[vector<16xi32>], vector<16xf32>,
        %add3A_1039 = vector.broadcast %mul3A_965 : i32 to vector<16xi32>
        %add3A_1040 = arith.addi %add3A_818, %add3A_1039 : vector<16xi32>
        %and3A_1041 = arith.constant 31 : i32
        %and3A_1042 = vector.broadcast %and3A_1041 : i32 to vector<16xi32>
        %and3A_1043 = arith.andi %add3A_1040, %and3A_1042 : vector<16xi32>
        %gather3A_1044 = tpu.vector_load_idx %arg11[%add3A_818, %and3A_1043] : memref<128x32xf32, #tpu.memory_space<vmem>>[vector<16xi32>, vector<16xi32>], vector<16xf32>,
        %mul3A_1045 = arith.constant 128 : i32
        %mul3A_1046 = vector.broadcast %mul3A_1045 : i32 to vector<16xi32>
        %mul3A_1047 = arith.muli %and3A_1043, %mul3A_1046 : vector<16xi32>
        %add3A_1048 = arith.addi %mul3A_1047, %add3A_818 : vector<16xi32>
        tpu.vector_store_idx %arg15[%add3A_1048], %gather3A_1044 : memref<4096xf32, #tpu.memory_space<vmem>>[vector<16xi32>], vector<16xf32>,
        %add3A_1049 = vector.broadcast %add3A_969 : i32 to vector<16xi32>
        %add3A_1050 = arith.addi %add3A_797, %add3A_1049 : vector<16xi32>
        %and3A_1051 = arith.constant 31 : i32
        %and3A_1052 = vector.broadcast %and3A_1051 : i32 to vector<16xi32>
        %and3A_1053 = arith.andi %add3A_1050, %and3A_1052 : vector<16xi32>
        %gather3A_1054 = tpu.vector_load_idx %arg11[%add3A_797, %and3A_1053] : memref<128x32xf32, #tpu.memory_space<vmem>>[vector<16xi32>, vector<16xi32>], vector<16xf32>,
        %mul3A_1055 = arith.constant 128 : i32
        %mul3A_1056 = vector.broadcast %mul3A_1055 : i32 to vector<16xi32>
        %mul3A_1057 = arith.muli %and3A_1053, %mul3A_1056 : vector<16xi32>
        %add3A_1058 = arith.addi %mul3A_1057, %add3A_797 : vector<16xi32>
        tpu.vector_store_idx %arg15[%add3A_1058], %gather3A_1054 : memref<4096xf32, #tpu.memory_space<vmem>>[vector<16xi32>], vector<16xf32>,
        %add3A_1059 = vector.broadcast %add3A_969 : i32 to vector<16xi32>
        %add3A_1060 = arith.addi %add3A_800, %add3A_1059 : vector<16xi32>
        %and3A_1061 = arith.constant 31 : i32
        %and3A_1062 = vector.broadcast %and3A_1061 : i32 to vector<16xi32>
        %and3A_1063 = arith.andi %add3A_1060, %and3A_1062 : vector<16xi32>
        %gather3A_1064 = tpu.vector_load_idx %arg11[%add3A_800, %and3A_1063] : memref<128x32xf32, #tpu.memory_space<vmem>>[vector<16xi32>, vector<16xi32>], vector<16xf32>,
        %mul3A_1065 = arith.constant 128 : i32
        %mul3A_1066 = vector.broadcast %mul3A_1065 : i32 to vector<16xi32>
        %mul3A_1067 = arith.muli %and3A_1063, %mul3A_1066 : vector<16xi32>
        %add3A_1068 = arith.addi %mul3A_1067, %add3A_800 : vector<16xi32>
        tpu.vector_store_idx %arg15[%add3A_1068], %gather3A_1064 : memref<4096xf32, #tpu.memory_space<vmem>>[vector<16xi32>], vector<16xf32>,
        %add3A_1069 = vector.broadcast %add3A_969 : i32 to vector<16xi32>
        %add3A_1070 = arith.addi %add3A_803, %add3A_1069 : vector<16xi32>
        %and3A_1071 = arith.constant 31 : i32
        %and3A_1072 = vector.broadcast %and3A_1071 : i32 to vector<16xi32>
        %and3A_1073 = arith.andi %add3A_1070, %and3A_1072 : vector<16xi32>
        %gather3A_1074 = tpu.vector_load_idx %arg11[%add3A_803, %and3A_1073] : memref<128x32xf32, #tpu.memory_space<vmem>>[vector<16xi32>, vector<16xi32>], vector<16xf32>,
        %mul3A_1075 = arith.constant 128 : i32
        %mul3A_1076 = vector.broadcast %mul3A_1075 : i32 to vector<16xi32>
        %mul3A_1077 = arith.muli %and3A_1073, %mul3A_1076 : vector<16xi32>
        %add3A_1078 = arith.addi %mul3A_1077, %add3A_803 : vector<16xi32>
        tpu.vector_store_idx %arg15[%add3A_1078], %gather3A_1074 : memref<4096xf32, #tpu.memory_space<vmem>>[vector<16xi32>], vector<16xf32>,
        %add3A_1079 = vector.broadcast %add3A_969 : i32 to vector<16xi32>
        %add3A_1080 = arith.addi %add3A_806, %add3A_1079 : vector<16xi32>
        %and3A_1081 = arith.constant 31 : i32
        %and3A_1082 = vector.broadcast %and3A_1081 : i32 to vector<16xi32>
        %and3A_1083 = arith.andi %add3A_1080, %and3A_1082 : vector<16xi32>
        %gather3A_1084 = tpu.vector_load_idx %arg11[%add3A_806, %and3A_1083] : memref<128x32xf32, #tpu.memory_space<vmem>>[vector<16xi32>, vector<16xi32>], vector<16xf32>,
        %mul3A_1085 = arith.constant 128 : i32
        %mul3A_1086 = vector.broadcast %mul3A_1085 : i32 to vector<16xi32>
        %mul3A_1087 = arith.muli %and3A_1083, %mul3A_1086 : vector<16xi32>
        %add3A_1088 = arith.addi %mul3A_1087, %add3A_806 : vector<16xi32>
        tpu.vector_store_idx %arg15[%add3A_1088], %gather3A_1084 : memref<4096xf32, #tpu.memory_space<vmem>>[vector<16xi32>], vector<16xf32>,
        %add3A_1089 = vector.broadcast %add3A_969 : i32 to vector<16xi32>
        %add3A_1090 = arith.addi %add3A_809, %add3A_1089 : vector<16xi32>
        %and3A_1091 = arith.constant 31 : i32
        %and3A_1092 = vector.broadcast %and3A_1091 : i32 to vector<16xi32>
        %and3A_1093 = arith.andi %add3A_1090, %and3A_1092 : vector<16xi32>
        %gather3A_1094 = tpu.vector_load_idx %arg11[%add3A_809, %and3A_1093] : memref<128x32xf32, #tpu.memory_space<vmem>>[vector<16xi32>, vector<16xi32>], vector<16xf32>,
        %mul3A_1095 = arith.constant 128 : i32
        %mul3A_1096 = vector.broadcast %mul3A_1095 : i32 to vector<16xi32>
        %mul3A_1097 = arith.muli %and3A_1093, %mul3A_1096 : vector<16xi32>
        %add3A_1098 = arith.addi %mul3A_1097, %add3A_809 : vector<16xi32>
        tpu.vector_store_idx %arg15[%add3A_1098], %gather3A_1094 : memref<4096xf32, #tpu.memory_space<vmem>>[vector<16xi32>], vector<16xf32>,
        %add3A_1099 = vector.broadcast %add3A_969 : i32 to vector<16xi32>
        %add3A_1100 = arith.addi %add3A_812, %add3A_1099 : vector<16xi32>
        %and3A_1101 = arith.constant 31 : i32
        %and3A_1102 = vector.broadcast %and3A_1101 : i32 to vector<16xi32>
        %and3A_1103 = arith.andi %add3A_1100, %and3A_1102 : vector<16xi32>
        %gather3A_1104 = tpu.vector_load_idx %arg11[%add3A_812, %and3A_1103] : memref<128x32xf32, #tpu.memory_space<vmem>>[vector<16xi32>, vector<16xi32>], vector<16xf32>,
        %mul3A_1105 = arith.constant 128 : i32
        %mul3A_1106 = vector.broadcast %mul3A_1105 : i32 to vector<16xi32>
        %mul3A_1107 = arith.muli %and3A_1103, %mul3A_1106 : vector<16xi32>
        %add3A_1108 = arith.addi %mul3A_1107, %add3A_812 : vector<16xi32>
        tpu.vector_store_idx %arg15[%add3A_1108], %gather3A_1104 : memref<4096xf32, #tpu.memory_space<vmem>>[vector<16xi32>], vector<16xf32>,
        %add3A_1109 = vector.broadcast %add3A_969 : i32 to vector<16xi32>
        %add3A_1110 = arith.addi %add3A_815, %add3A_1109 : vector<16xi32>
        %and3A_1111 = arith.constant 31 : i32
        %and3A_1112 = vector.broadcast %and3A_1111 : i32 to vector<16xi32>
        %and3A_1113 = arith.andi %add3A_1110, %and3A_1112 : vector<16xi32>
        %gather3A_1114 = tpu.vector_load_idx %arg11[%add3A_815, %and3A_1113] : memref<128x32xf32, #tpu.memory_space<vmem>>[vector<16xi32>, vector<16xi32>], vector<16xf32>,
        %mul3A_1115 = arith.constant 128 : i32
        %mul3A_1116 = vector.broadcast %mul3A_1115 : i32 to vector<16xi32>
        %mul3A_1117 = arith.muli %and3A_1113, %mul3A_1116 : vector<16xi32>
        %add3A_1118 = arith.addi %mul3A_1117, %add3A_815 : vector<16xi32>
        tpu.vector_store_idx %arg15[%add3A_1118], %gather3A_1114 : memref<4096xf32, #tpu.memory_space<vmem>>[vector<16xi32>], vector<16xf32>,
        %add3A_1119 = vector.broadcast %add3A_969 : i32 to vector<16xi32>
        %add3A_1120 = arith.addi %add3A_818, %add3A_1119 : vector<16xi32>
        %and3A_1121 = arith.constant 31 : i32
        %and3A_1122 = vector.broadcast %and3A_1121 : i32 to vector<16xi32>
        %and3A_1123 = arith.andi %add3A_1120, %and3A_1122 : vector<16xi32>
        %gather3A_1124 = tpu.vector_load_idx %arg11[%add3A_818, %and3A_1123] : memref<128x32xf32, #tpu.memory_space<vmem>>[vector<16xi32>, vector<16xi32>], vector<16xf32>,
        %mul3A_1125 = arith.constant 128 : i32
        %mul3A_1126 = vector.broadcast %mul3A_1125 : i32 to vector<16xi32>
        %mul3A_1127 = arith.muli %and3A_1123, %mul3A_1126 : vector<16xi32>
        %add3A_1128 = arith.addi %mul3A_1127, %add3A_818 : vector<16xi32>
        tpu.vector_store_idx %arg15[%add3A_1128], %gather3A_1124 : memref<4096xf32, #tpu.memory_space<vmem>>[vector<16xi32>], vector<16xf32>,
      }
      %scan3A_824 = arith.constant 16 : i32
      %get3A_825 = arith.index_cast %add3A_781 : i32 to index
      %get3A_826 = arith.constant 0 : index
      %get3A_827 = tpu.vector_load %arg6[%get3A_825, %get3A_826] {strides = array<i32>} : memref<200x128xi32, #tpu.memory_space<vmem>>, vector<16xi32>,
      %get3A_828 = arith.index_cast %add3A_781 : i32 to index
      %get3A_829 = arith.constant 16 : index
      %get3A_830 = tpu.vector_load %arg6[%get3A_828, %get3A_829] {strides = array<i32>} : memref<200x128xi32, #tpu.memory_space<vmem>>, vector<16xi32>,
      %max3A_831 = arith.maxsi %get3A_827, %get3A_830 : vector<16xi32>
      %get3A_832 = arith.index_cast %add3A_781 : i32 to index
      %get3A_833 = arith.constant 32 : index
      %get3A_834 = tpu.vector_load %arg6[%get3A_832, %get3A_833] {strides = array<i32>} : memref<200x128xi32, #tpu.memory_space<vmem>>, vector<16xi32>,
      %max3A_835 = arith.maxsi %max3A_831, %get3A_834 : vector<16xi32>
      %get3A_836 = arith.index_cast %add3A_781 : i32 to index
      %get3A_837 = arith.constant 48 : index
      %get3A_838 = tpu.vector_load %arg6[%get3A_836, %get3A_837] {strides = array<i32>} : memref<200x128xi32, #tpu.memory_space<vmem>>, vector<16xi32>,
      %max3A_839 = arith.maxsi %max3A_835, %get3A_838 : vector<16xi32>
      %get3A_840 = arith.index_cast %add3A_781 : i32 to index
      %get3A_841 = arith.constant 64 : index
      %get3A_842 = tpu.vector_load %arg6[%get3A_840, %get3A_841] {strides = array<i32>} : memref<200x128xi32, #tpu.memory_space<vmem>>, vector<16xi32>,
      %max3A_843 = arith.maxsi %max3A_839, %get3A_842 : vector<16xi32>
      %get3A_844 = arith.index_cast %add3A_781 : i32 to index
      %get3A_845 = arith.constant 80 : index
      %get3A_846 = tpu.vector_load %arg6[%get3A_844, %get3A_845] {strides = array<i32>} : memref<200x128xi32, #tpu.memory_space<vmem>>, vector<16xi32>,
      %max3A_847 = arith.maxsi %max3A_843, %get3A_846 : vector<16xi32>
      %get3A_848 = arith.index_cast %add3A_781 : i32 to index
      %get3A_849 = arith.constant 96 : index
      %get3A_850 = tpu.vector_load %arg6[%get3A_848, %get3A_849] {strides = array<i32>} : memref<200x128xi32, #tpu.memory_space<vmem>>, vector<16xi32>,
      %max3A_851 = arith.maxsi %max3A_847, %get3A_850 : vector<16xi32>
      %get3A_852 = arith.index_cast %add3A_781 : i32 to index
      %get3A_853 = arith.constant 112 : index
      %get3A_854 = tpu.vector_load %arg6[%get3A_852, %get3A_853] {strides = array<i32>} : memref<200x128xi32, #tpu.memory_space<vmem>>, vector<16xi32>,
      %max3A_855 = arith.maxsi %max3A_851, %get3A_854 : vector<16xi32>
      %reduce_max3A_856 = arith.constant true
      %reduce_max3A_857 = vector.broadcast %reduce_max3A_856 : i1 to vector<16xi1>
      %reduce_max3A_858 = arith.constant -2147483648 : i32
      %reduce_max3A_859 = vector.broadcast %reduce_max3A_858 : i32 to vector<16xi32>
      %reduce_max3A_860 = arith.xori %max3A_855, %reduce_max3A_859 : vector<16xi32>
      %reduce_max3A_861 = tpu.scan <max>, %reduce_max3A_860 masked %reduce_max3A_857 : vector<16xi32>, vector<16xi1> -> vector<16xi32>
      %reduce_max3A_862 = arith.xori %reduce_max3A_861, %reduce_max3A_859 : vector<16xi32>
      %reduce_max3A_863 = vector.extract %reduce_max3A_862[15] : i32 from vector<16xi32>
      %ge3A_864 = arith.constant 999936 : i32
      %ge3A_865 = arith.cmpi sge, %reduce_max3A_863, %ge3A_864 : i32
      %convert_element_type3A_866 = arith.extui %ge3A_865 : i1 to i32
      %cond3A_867 = arith.constant 0 : i32
      %cond3A_868 = arith.cmpi ne, %convert_element_type3A_866, %cond3A_867 : i32
      scf.if %cond3A_868 {
        %iota3A_963 = tpu.iota {dimensions = array<i32: 0>} : vector<16xi32>
        %scan3A_964 = arith.constant 0 : i32
        %scan3A_965 = arith.constant 0 : i32
        %scan3A_966 = arith.constant 8 : i32
        %scan3A_967 = arith.addi %scan3A_965, %scan3A_966 : i32
        %scan3A_968 = arith.constant 1 : i32
        scf.for %scan3A_970 = %scan3A_965 to %scan3A_967 step %scan3A_968  : i32 {
          %mul3A_971 = arith.constant 16 : i32
          %mul3A_972 = arith.muli %mul3A_971, %scan3A_970 : i32
          %get3A_973 = arith.index_cast %add3A_781 : i32 to index
          %get3A_974 = arith.index_cast %mul3A_972 : i32 to index
          %get3A_975 = tpu.vector_load %arg6[%get3A_973, %get3A_974] {strides = array<i32>} : memref<200x128xi32, #tpu.memory_space<vmem>>, vector<16xi32>,
          %ge3A_976 = arith.constant 999936 : i32
          %ge3A_977 = vector.broadcast %ge3A_976 : i32 to vector<16xi32>
          %ge3A_978 = arith.cmpi sge, %get3A_975, %ge3A_977 : vector<16xi32>
          %sub3A_979 = arith.constant 999936 : i32
          %sub3A_980 = vector.broadcast %sub3A_979 : i32 to vector<16xi32>
          %sub3A_981 = arith.subi %get3A_975, %sub3A_980 : vector<16xi32>
          %max3A_982 = arith.constant 0 : i32
          %max3A_983 = vector.broadcast %max3A_982 : i32 to vector<16xi32>
          %max3A_984 = arith.maxsi %sub3A_981, %max3A_983 : vector<16xi32>
          %min3A = arith.constant 63 : i32
          %min3A_985 = vector.broadcast %min3A : i32 to vector<16xi32>
          %min3A_986 = arith.minsi %max3A_984, %min3A_985 : vector<16xi32>
          %scan3A_987 = arith.constant 0 : i32
          %scan3A_988 = arith.constant 0 : i32
          %scan3A_989 = arith.constant 32 : i32
          %scan3A_990 = arith.addi %scan3A_988, %scan3A_989 : i32
          %scan3A_991 = arith.constant 1 : i32
          scf.for %scan3A_993 = %scan3A_988 to %scan3A_990 step %scan3A_991  : i32 {
            %and3A_994 = arith.constant 0 : i32
            %and3A_995 = vector.broadcast %and3A_994 : i32 to vector<16xi32>
            %and3A_996 = arith.andi %iota3A_963, %and3A_995 : vector<16xi32>
            %add3A_997 = vector.broadcast %scan3A_993 : i32 to vector<16xi32>
            %add3A_998 = arith.addi %and3A_996, %add3A_997 : vector<16xi32>
            %gather3A = tpu.vector_load_idx %arg7[%min3A_986, %add3A_998] : memref<64x32xf32, #tpu.memory_space<vmem>>[vector<16xi32>, vector<16xi32>], vector<16xf32>,
            %mul3A_999 = arith.constant 128 : i32
            %mul3A_1000 = arith.muli %scan3A_993, %mul3A_999 : i32
            %mul3A_1001 = arith.constant 16 : i32
            %mul3A_1002 = arith.muli %mul3A_1001, %scan3A_970 : i32
            %add3A_1003 = arith.addi %mul3A_1000, %mul3A_1002 : i32
            %get3A_1004 = arith.index_cast %add3A_1003 : i32 to index
            %get3A_1005 = tpu.vector_load %arg15[%get3A_1004] {strides = array<i32>} : memref<4096xf32, #tpu.memory_space<vmem>>, vector<16xf32>,
            %select_n3A_1006 = arith.select %ge3A_978, %gather3A, %get3A_1005 : vector<16xi1>, vector<16xf32>
            %swap3A = arith.index_cast %add3A_1003 : i32 to index
            %swap3A_1007 = tpu.vector_load %arg15[%swap3A] {strides = array<i32>} : memref<4096xf32, #tpu.memory_space<vmem>>, vector<16xf32>,
            tpu.vector_store %arg15[%swap3A], %select_n3A_1006 {strides = array<i32>} : memref<4096xf32, #tpu.memory_space<vmem>>, vector<16xf32>,
          }
          %scan3A_992 = arith.constant 32 : i32
        }
        %scan3A_969 = arith.constant 8 : i32
      } else {
      }
      %mul3A_869 = arith.constant 200 : i32
      %mul3A_870 = arith.muli %add3A, %mul3A_869 : i32
      %add3A_871 = arith.addi %mul3A_870, %add3A_781 : i32
      %jit3A_872 = arith.constant 128 : i32
      %div3A_873 = arith.divsi %add3A_871, %jit3A_872 : i32
      %sign3A_874 = arith.constant 0 : i32
      %sign3A_875 = arith.cmpi sgt, %add3A_871, %sign3A_874 : i32
      %sign3A_876 = arith.extui %sign3A_875 : i1 to i32
      %sign3A_877 = arith.constant 0 : i32
      %sign3A_878 = arith.cmpi slt, %add3A_871, %sign3A_877 : i32
      %sign3A_879 = arith.extui %sign3A_878 : i1 to i32
      %sign3A_880 = arith.subi %sign3A_876, %sign3A_879 : i32
      %sign3A_881 = arith.constant 0 : i32
      %sign3A_882 = arith.cmpi sgt, %jit3A_872, %sign3A_881 : i32
      %sign3A_883 = arith.extui %sign3A_882 : i1 to i32
      %sign3A_884 = arith.constant 0 : i32
      %sign3A_885 = arith.cmpi slt, %jit3A_872, %sign3A_884 : i32
      %sign3A_886 = arith.extui %sign3A_885 : i1 to i32
      %sign3A_887 = arith.subi %sign3A_883, %sign3A_886 : i32
      %ne3A_888 = arith.cmpi ne, %sign3A_880, %sign3A_887 : i32
      %rem3A_889 = arith.remsi %add3A_871, %jit3A_872 : i32
      %ne3A_890 = arith.constant 0 : i32
      %ne3A_891 = arith.cmpi ne, %rem3A_889, %ne3A_890 : i32
      %and3A_892 = arith.andi %ne3A_888, %ne3A_891 : i1
      %sub3A_893 = arith.constant 1 : i32
      %sub3A_894 = arith.subi %div3A_873, %sub3A_893 : i32
      %select_n3A_895 = arith.select %and3A_892, %sub3A_894, %div3A_873 : i32
      %jit3A_896 = arith.constant 128 : i32
      %eq3A_897 = arith.constant 0 : i32
      %eq3A_898 = arith.cmpi eq, %jit3A_896, %eq3A_897 : i32
      %jit3A_899 = arith.constant 1 : i32
      %select_n3A_900 = arith.select %eq3A_898, %jit3A_899, %jit3A_896 : i32
      %rem3A_901 = arith.remsi %add3A_871, %select_n3A_900 : i32
      %ne3A_902 = arith.constant 0 : i32
      %ne3A_903 = arith.cmpi ne, %rem3A_901, %ne3A_902 : i32
      %lt3A_904 = arith.constant 0 : i32
      %lt3A_905 = arith.cmpi slt, %rem3A_901, %lt3A_904 : i32
      %lt3A_906 = arith.constant 0 : i32
      %lt3A_907 = arith.cmpi slt, %select_n3A_900, %lt3A_906 : i32
      %ne3A_908 = arith.xori %lt3A_905, %lt3A_907 : i1
      %and3A_909 = arith.andi %ne3A_908, %ne3A_903 : i1
      %add3A_910 = arith.addi %rem3A_901, %select_n3A_900 : i32
      %select_n3A_911 = arith.select %and3A_909, %add3A_910, %rem3A_901 : i32
      %dma_start3A_912 = arith.constant 0 : i32
      %dma_start3A_913 = arith.constant 0 : i32
      %dma_start3A_914 = tpu.memref_slice %arg15[%dma_start3A_913] : memref<4096xf32, #tpu.memory_space<vmem>> -> memref<1024xf32, #tpu.memory_space<vmem>>
      %dma_start3A_915 = arith.constant 0 : i32
      %dma_start3A_916 = tpu.memref_slice %arg5[%select_n3A_895, %dma_start3A_912, %select_n3A_911, %dma_start3A_915] : memref<50x4x128x1024xf32, #tpu.memory_space<hbm>> -> memref<1x1x1x1024xf32, #tpu.memory_space<hbm>>
      %dma_start3A_917 = tpu.memref_squeeze %dma_start3A_916 : memref<1x1x1x1024xf32, #tpu.memory_space<hbm>> -> memref<1024xf32, #tpu.memory_space<hbm>>
      %dma_start3A_918 = arith.constant 0 : i32
      %dma_start3A_919 = tpu.memref_slice %arg5[%select_n3A_895, %dma_start3A_912, %select_n3A_911, %dma_start3A_918] : memref<50x4x128x1024xf32, #tpu.memory_space<hbm>> -> memref<1x1x1x1024xf32, #tpu.memory_space<hbm>>
      %dma_start3A_920 = tpu.memref_squeeze %dma_start3A_919 : memref<1x1x1x1024xf32, #tpu.memory_space<hbm>> -> memref<1024xf32, #tpu.memory_space<hbm>>
      %dma_start3A_921 = arith.constant 0 : i32
      %dma_start3A_922 = tpu.memref_slice %arg15[%dma_start3A_921] : memref<4096xf32, #tpu.memory_space<vmem>> -> memref<1024xf32, #tpu.memory_space<vmem>>
      tpu.enqueue_dma source(%dma_start3A_922 : memref<1024xf32, #tpu.memory_space<vmem>>) target(%dma_start3A_920 : memref<1024xf32, #tpu.memory_space<hbm>>) target_semaphore(%arg23 : memref<!tpu.dma_semaphore, #tpu.memory_space<semaphore_mem>>)
      %dma_start3A_923 = arith.constant 1 : i32
      %dma_start3A_924 = arith.constant 1024 : i32
      %dma_start3A_925 = tpu.memref_slice %arg15[%dma_start3A_924] : memref<4096xf32, #tpu.memory_space<vmem>> -> memref<1024xf32, #tpu.memory_space<vmem>>
      %dma_start3A_926 = arith.constant 0 : i32
      %dma_start3A_927 = tpu.memref_slice %arg5[%select_n3A_895, %dma_start3A_923, %select_n3A_911, %dma_start3A_926] : memref<50x4x128x1024xf32, #tpu.memory_space<hbm>> -> memref<1x1x1x1024xf32, #tpu.memory_space<hbm>>
      %dma_start3A_928 = tpu.memref_squeeze %dma_start3A_927 : memref<1x1x1x1024xf32, #tpu.memory_space<hbm>> -> memref<1024xf32, #tpu.memory_space<hbm>>
      %dma_start3A_929 = arith.constant 0 : i32
      %dma_start3A_930 = tpu.memref_slice %arg5[%select_n3A_895, %dma_start3A_923, %select_n3A_911, %dma_start3A_929] : memref<50x4x128x1024xf32, #tpu.memory_space<hbm>> -> memref<1x1x1x1024xf32, #tpu.memory_space<hbm>>
      %dma_start3A_931 = tpu.memref_squeeze %dma_start3A_930 : memref<1x1x1x1024xf32, #tpu.memory_space<hbm>> -> memref<1024xf32, #tpu.memory_space<hbm>>
      %dma_start3A_932 = arith.constant 1024 : i32
      %dma_start3A_933 = tpu.memref_slice %arg15[%dma_start3A_932] : memref<4096xf32, #tpu.memory_space<vmem>> -> memref<1024xf32, #tpu.memory_space<vmem>>
      tpu.enqueue_dma source(%dma_start3A_933 : memref<1024xf32, #tpu.memory_space<vmem>>) target(%dma_start3A_931 : memref<1024xf32, #tpu.memory_space<hbm>>) target_semaphore(%arg23 : memref<!tpu.dma_semaphore, #tpu.memory_space<semaphore_mem>>)
      %dma_start3A_934 = arith.constant 2 : i32
      %dma_start3A_935 = arith.constant 2048 : i32
      %dma_start3A_936 = tpu.memref_slice %arg15[%dma_start3A_935] : memref<4096xf32, #tpu.memory_space<vmem>> -> memref<1024xf32, #tpu.memory_space<vmem>>
      %dma_start3A_937 = arith.constant 0 : i32
      %dma_start3A_938 = tpu.memref_slice %arg5[%select_n3A_895, %dma_start3A_934, %select_n3A_911, %dma_start3A_937] : memref<50x4x128x1024xf32, #tpu.memory_space<hbm>> -> memref<1x1x1x1024xf32, #tpu.memory_space<hbm>>
      %dma_start3A_939 = tpu.memref_squeeze %dma_start3A_938 : memref<1x1x1x1024xf32, #tpu.memory_space<hbm>> -> memref<1024xf32, #tpu.memory_space<hbm>>
      %dma_start3A_940 = arith.constant 0 : i32
      %dma_start3A_941 = tpu.memref_slice %arg5[%select_n3A_895, %dma_start3A_934, %select_n3A_911, %dma_start3A_940] : memref<50x4x128x1024xf32, #tpu.memory_space<hbm>> -> memref<1x1x1x1024xf32, #tpu.memory_space<hbm>>
      %dma_start3A_942 = tpu.memref_squeeze %dma_start3A_941 : memref<1x1x1x1024xf32, #tpu.memory_space<hbm>> -> memref<1024xf32, #tpu.memory_space<hbm>>
      %dma_start3A_943 = arith.constant 2048 : i32
      %dma_start3A_944 = tpu.memref_slice %arg15[%dma_start3A_943] : memref<4096xf32, #tpu.memory_space<vmem>> -> memref<1024xf32, #tpu.memory_space<vmem>>
      tpu.enqueue_dma source(%dma_start3A_944 : memref<1024xf32, #tpu.memory_space<vmem>>) target(%dma_start3A_942 : memref<1024xf32, #tpu.memory_space<hbm>>) target_semaphore(%arg23 : memref<!tpu.dma_semaphore, #tpu.memory_space<semaphore_mem>>)
      %dma_start3A_945 = arith.constant 3 : i32
      %dma_start3A_946 = arith.constant 3072 : i32
      %dma_start3A_947 = tpu.memref_slice %arg15[%dma_start3A_946] : memref<4096xf32, #tpu.memory_space<vmem>> -> memref<1024xf32, #tpu.memory_space<vmem>>
      %dma_start3A_948 = arith.constant 0 : i32
      %dma_start3A_949 = tpu.memref_slice %arg5[%select_n3A_895, %dma_start3A_945, %select_n3A_911, %dma_start3A_948] : memref<50x4x128x1024xf32, #tpu.memory_space<hbm>> -> memref<1x1x1x1024xf32, #tpu.memory_space<hbm>>
      %dma_start3A_950 = tpu.memref_squeeze %dma_start3A_949 : memref<1x1x1x1024xf32, #tpu.memory_space<hbm>> -> memref<1024xf32, #tpu.memory_space<hbm>>
      %dma_start3A_951 = arith.constant 0 : i32
      %dma_start3A_952 = tpu.memref_slice %arg5[%select_n3A_895, %dma_start3A_945, %select_n3A_911, %dma_start3A_951] : memref<50x4x128x1024xf32, #tpu.memory_space<hbm>> -> memref<1x1x1x1024xf32, #tpu.memory_space<hbm>>
      %dma_start3A_953 = tpu.memref_squeeze %dma_start3A_952 : memref<1x1x1x1024xf32, #tpu.memory_space<hbm>> -> memref<1024xf32, #tpu.memory_space<hbm>>
      %dma_start3A_954 = arith.constant 3072 : i32
      %dma_start3A_955 = tpu.memref_slice %arg15[%dma_start3A_954] : memref<4096xf32, #tpu.memory_space<vmem>> -> memref<1024xf32, #tpu.memory_space<vmem>>
      tpu.enqueue_dma source(%dma_start3A_955 : memref<1024xf32, #tpu.memory_space<vmem>>) target(%dma_start3A_953 : memref<1024xf32, #tpu.memory_space<hbm>>) target_semaphore(%arg23 : memref<!tpu.dma_semaphore, #tpu.memory_space<semaphore_mem>>)
      %add3A_956 = arith.constant 4 : i32
      %add3A_957 = arith.addi %add3A_781, %add3A_956 : i32
      %lt3A_958 = arith.constant 200 : i32
      %lt3A_959 = arith.cmpi slt, %add3A_957, %lt3A_958 : i32
      %convert_element_type3A_960 = arith.extui %lt3A_959 : i1 to i32
      %cond3A_961 = arith.constant 0 : i32
      %cond3A_962 = arith.cmpi ne, %convert_element_type3A_960, %cond3A_961 : i32
      scf.if %cond3A_962 {
        %add3A_963 = arith.constant 4 : i32
        %add3A_964 = arith.addi %add3A_781, %add3A_963 : i32
        %dma_start3A_965 = arith.constant 0 : i32
        %dma_start3A_966 = tpu.memref_slice %arg6[%add3A_964, %dma_start3A_965] : memref<200x128xi32, #tpu.memory_space<vmem>> -> memref<1x128xi32, #tpu.memory_space<vmem>>
        %dma_start3A_967 = tpu.memref_squeeze %dma_start3A_966 : memref<1x128xi32, #tpu.memory_space<vmem>> -> memref<128xi32, #tpu.memory_space<vmem>>
        %dma_start3A_968 = arith.constant 0 : i32
        %dma_start3A_969 = arith.constant 0 : i32
        %dma_start3A_970 = tpu.memref_slice %arg3[%dma_start3A_968, %dma_start3A_969] : memref<1000064x32xf32, #tpu.memory_space<hbm>> -> memref<1000064x32xf32, #tpu.memory_space<hbm>>
        tpu.enqueue_indirect_dma source(%dma_start3A_970 : memref<1000064x32xf32, #tpu.memory_space<hbm>>) target(%arg11 : memref<128x32xf32, #tpu.memory_space<vmem>>) offsets(%dma_start3A_967 : memref<128xi32, #tpu.memory_space<vmem>>) semaphore(%arg19 : memref<!tpu.dma_semaphore, #tpu.memory_space<semaphore_mem>>)
      } else {
      }
    }
    %scan3A_32 = arith.constant 50 : i32
    %dma_wait3A = arith.constant 0 : i32
    %dma_wait3A_33 = arith.constant 0 : i32
    %dma_wait3A_34 = arith.constant 0 : i32
    %dma_wait3A_35 = arith.constant 0 : i32
    %dma_wait3A_36 = tpu.memref_slice %arg12[%dma_wait3A_35] : memref<4096xf32, #tpu.memory_space<vmem>> -> memref<1024xf32, #tpu.memory_space<vmem>>
    %dma_wait3A_37 = arith.constant 0 : i32
    %dma_wait3A_38 = tpu.memref_slice %arg5[%dma_wait3A, %dma_wait3A_33, %dma_wait3A_34, %dma_wait3A_37] : memref<50x4x128x1024xf32, #tpu.memory_space<hbm>> -> memref<1x1x1x1024xf32, #tpu.memory_space<hbm>>
    %dma_wait3A_39 = tpu.memref_squeeze %dma_wait3A_38 : memref<1x1x1x1024xf32, #tpu.memory_space<hbm>> -> memref<1024xf32, #tpu.memory_space<hbm>>
    %dma_wait3A_40 = arith.constant 0 : i32
    %dma_wait3A_41 = tpu.memref_slice %arg5[%dma_wait3A, %dma_wait3A_33, %dma_wait3A_34, %dma_wait3A_40] : memref<50x4x128x1024xf32, #tpu.memory_space<hbm>> -> memref<1x1x1x1024xf32, #tpu.memory_space<hbm>>
    %dma_wait3A_42 = tpu.memref_squeeze %dma_wait3A_41 : memref<1x1x1x1024xf32, #tpu.memory_space<hbm>> -> memref<1024xf32, #tpu.memory_space<hbm>>
    %dma_wait3A_43 = arith.constant 0 : i32
    %dma_wait3A_44 = tpu.memref_slice %arg12[%dma_wait3A_43] : memref<4096xf32, #tpu.memory_space<vmem>> -> memref<1024xf32, #tpu.memory_space<vmem>>
    tpu.wait_dma2 semaphore(%arg20 : memref<!tpu.dma_semaphore, #tpu.memory_space<semaphore_mem>>) src(%dma_wait3A_44 : memref<1024xf32, #tpu.memory_space<vmem>>) dst(%dma_wait3A_42 : memref<1024xf32, #tpu.memory_space<hbm>>)
    %dma_wait3A_45 = arith.constant 0 : i32
    %dma_wait3A_46 = arith.constant 1 : i32
    %dma_wait3A_47 = arith.constant 0 : i32
    %dma_wait3A_48 = arith.constant 1024 : i32
    %dma_wait3A_49 = tpu.memref_slice %arg12[%dma_wait3A_48] : memref<4096xf32, #tpu.memory_space<vmem>> -> memref<1024xf32, #tpu.memory_space<vmem>>
    %dma_wait3A_50 = arith.constant 0 : i32
    %dma_wait3A_51 = tpu.memref_slice %arg5[%dma_wait3A_45, %dma_wait3A_46, %dma_wait3A_47, %dma_wait3A_50] : memref<50x4x128x1024xf32, #tpu.memory_space<hbm>> -> memref<1x1x1x1024xf32, #tpu.memory_space<hbm>>
    %dma_wait3A_52 = tpu.memref_squeeze %dma_wait3A_51 : memref<1x1x1x1024xf32, #tpu.memory_space<hbm>> -> memref<1024xf32, #tpu.memory_space<hbm>>
    %dma_wait3A_53 = arith.constant 0 : i32
    %dma_wait3A_54 = tpu.memref_slice %arg5[%dma_wait3A_45, %dma_wait3A_46, %dma_wait3A_47, %dma_wait3A_53] : memref<50x4x128x1024xf32, #tpu.memory_space<hbm>> -> memref<1x1x1x1024xf32, #tpu.memory_space<hbm>>
    %dma_wait3A_55 = tpu.memref_squeeze %dma_wait3A_54 : memref<1x1x1x1024xf32, #tpu.memory_space<hbm>> -> memref<1024xf32, #tpu.memory_space<hbm>>
    %dma_wait3A_56 = arith.constant 1024 : i32
    %dma_wait3A_57 = tpu.memref_slice %arg12[%dma_wait3A_56] : memref<4096xf32, #tpu.memory_space<vmem>> -> memref<1024xf32, #tpu.memory_space<vmem>>
    tpu.wait_dma2 semaphore(%arg20 : memref<!tpu.dma_semaphore, #tpu.memory_space<semaphore_mem>>) src(%dma_wait3A_57 : memref<1024xf32, #tpu.memory_space<vmem>>) dst(%dma_wait3A_55 : memref<1024xf32, #tpu.memory_space<hbm>>)
    %dma_wait3A_58 = arith.constant 0 : i32
    %dma_wait3A_59 = arith.constant 2 : i32
    %dma_wait3A_60 = arith.constant 0 : i32
    %dma_wait3A_61 = arith.constant 2048 : i32
    %dma_wait3A_62 = tpu.memref_slice %arg12[%dma_wait3A_61] : memref<4096xf32, #tpu.memory_space<vmem>> -> memref<1024xf32, #tpu.memory_space<vmem>>
    %dma_wait3A_63 = arith.constant 0 : i32
    %dma_wait3A_64 = tpu.memref_slice %arg5[%dma_wait3A_58, %dma_wait3A_59, %dma_wait3A_60, %dma_wait3A_63] : memref<50x4x128x1024xf32, #tpu.memory_space<hbm>> -> memref<1x1x1x1024xf32, #tpu.memory_space<hbm>>
    %dma_wait3A_65 = tpu.memref_squeeze %dma_wait3A_64 : memref<1x1x1x1024xf32, #tpu.memory_space<hbm>> -> memref<1024xf32, #tpu.memory_space<hbm>>
    %dma_wait3A_66 = arith.constant 0 : i32
    %dma_wait3A_67 = tpu.memref_slice %arg5[%dma_wait3A_58, %dma_wait3A_59, %dma_wait3A_60, %dma_wait3A_66] : memref<50x4x128x1024xf32, #tpu.memory_space<hbm>> -> memref<1x1x1x1024xf32, #tpu.memory_space<hbm>>
    %dma_wait3A_68 = tpu.memref_squeeze %dma_wait3A_67 : memref<1x1x1x1024xf32, #tpu.memory_space<hbm>> -> memref<1024xf32, #tpu.memory_space<hbm>>
    %dma_wait3A_69 = arith.constant 2048 : i32
    %dma_wait3A_70 = tpu.memref_slice %arg12[%dma_wait3A_69] : memref<4096xf32, #tpu.memory_space<vmem>> -> memref<1024xf32, #tpu.memory_space<vmem>>
    tpu.wait_dma2 semaphore(%arg20 : memref<!tpu.dma_semaphore, #tpu.memory_space<semaphore_mem>>) src(%dma_wait3A_70 : memref<1024xf32, #tpu.memory_space<vmem>>) dst(%dma_wait3A_68 : memref<1024xf32, #tpu.memory_space<hbm>>)
    %dma_wait3A_71 = arith.constant 0 : i32
    %dma_wait3A_72 = arith.constant 3 : i32
    %dma_wait3A_73 = arith.constant 0 : i32
    %dma_wait3A_74 = arith.constant 3072 : i32
    %dma_wait3A_75 = tpu.memref_slice %arg12[%dma_wait3A_74] : memref<4096xf32, #tpu.memory_space<vmem>> -> memref<1024xf32, #tpu.memory_space<vmem>>
    %dma_wait3A_76 = arith.constant 0 : i32
    %dma_wait3A_77 = tpu.memref_slice %arg5[%dma_wait3A_71, %dma_wait3A_72, %dma_wait3A_73, %dma_wait3A_76] : memref<50x4x128x1024xf32, #tpu.memory_space<hbm>> -> memref<1x1x1x1024xf32, #tpu.memory_space<hbm>>
    %dma_wait3A_78 = tpu.memref_squeeze %dma_wait3A_77 : memref<1x1x1x1024xf32, #tpu.memory_space<hbm>> -> memref<1024xf32, #tpu.memory_space<hbm>>
    %dma_wait3A_79 = arith.constant 0 : i32
    %dma_wait3A_80 = tpu.memref_slice %arg5[%dma_wait3A_71, %dma_wait3A_72, %dma_wait3A_73, %dma_wait3A_79] : memref<50x4x128x1024xf32, #tpu.memory_space<hbm>> -> memref<1x1x1x1024xf32, #tpu.memory_space<hbm>>
    %dma_wait3A_81 = tpu.memref_squeeze %dma_wait3A_80 : memref<1x1x1x1024xf32, #tpu.memory_space<hbm>> -> memref<1024xf32, #tpu.memory_space<hbm>>
    %dma_wait3A_82 = arith.constant 3072 : i32
    %dma_wait3A_83 = tpu.memref_slice %arg12[%dma_wait3A_82] : memref<4096xf32, #tpu.memory_space<vmem>> -> memref<1024xf32, #tpu.memory_space<vmem>>
    tpu.wait_dma2 semaphore(%arg20 : memref<!tpu.dma_semaphore, #tpu.memory_space<semaphore_mem>>) src(%dma_wait3A_83 : memref<1024xf32, #tpu.memory_space<vmem>>) dst(%dma_wait3A_81 : memref<1024xf32, #tpu.memory_space<hbm>>)
    %dma_wait3A_84 = arith.constant 0 : i32
    %dma_wait3A_85 = arith.constant 0 : i32
    %dma_wait3A_86 = arith.constant 0 : i32
    %dma_wait3A_87 = arith.constant 0 : i32
    %dma_wait3A_88 = tpu.memref_slice %arg13[%dma_wait3A_87] : memref<4096xf32, #tpu.memory_space<vmem>> -> memref<1024xf32, #tpu.memory_space<vmem>>
    %dma_wait3A_89 = arith.constant 0 : i32
    %dma_wait3A_90 = tpu.memref_slice %arg5[%dma_wait3A_84, %dma_wait3A_85, %dma_wait3A_86, %dma_wait3A_89] : memref<50x4x128x1024xf32, #tpu.memory_space<hbm>> -> memref<1x1x1x1024xf32, #tpu.memory_space<hbm>>
    %dma_wait3A_91 = tpu.memref_squeeze %dma_wait3A_90 : memref<1x1x1x1024xf32, #tpu.memory_space<hbm>> -> memref<1024xf32, #tpu.memory_space<hbm>>
    %dma_wait3A_92 = arith.constant 0 : i32
    %dma_wait3A_93 = tpu.memref_slice %arg5[%dma_wait3A_84, %dma_wait3A_85, %dma_wait3A_86, %dma_wait3A_92] : memref<50x4x128x1024xf32, #tpu.memory_space<hbm>> -> memref<1x1x1x1024xf32, #tpu.memory_space<hbm>>
    %dma_wait3A_94 = tpu.memref_squeeze %dma_wait3A_93 : memref<1x1x1x1024xf32, #tpu.memory_space<hbm>> -> memref<1024xf32, #tpu.memory_space<hbm>>
    %dma_wait3A_95 = arith.constant 0 : i32
    %dma_wait3A_96 = tpu.memref_slice %arg13[%dma_wait3A_95] : memref<4096xf32, #tpu.memory_space<vmem>> -> memref<1024xf32, #tpu.memory_space<vmem>>
    tpu.wait_dma2 semaphore(%arg21 : memref<!tpu.dma_semaphore, #tpu.memory_space<semaphore_mem>>) src(%dma_wait3A_96 : memref<1024xf32, #tpu.memory_space<vmem>>) dst(%dma_wait3A_94 : memref<1024xf32, #tpu.memory_space<hbm>>)
    %dma_wait3A_97 = arith.constant 0 : i32
    %dma_wait3A_98 = arith.constant 1 : i32
    %dma_wait3A_99 = arith.constant 0 : i32
    %dma_wait3A_100 = arith.constant 1024 : i32
    %dma_wait3A_101 = tpu.memref_slice %arg13[%dma_wait3A_100] : memref<4096xf32, #tpu.memory_space<vmem>> -> memref<1024xf32, #tpu.memory_space<vmem>>
    %dma_wait3A_102 = arith.constant 0 : i32
    %dma_wait3A_103 = tpu.memref_slice %arg5[%dma_wait3A_97, %dma_wait3A_98, %dma_wait3A_99, %dma_wait3A_102] : memref<50x4x128x1024xf32, #tpu.memory_space<hbm>> -> memref<1x1x1x1024xf32, #tpu.memory_space<hbm>>
    %dma_wait3A_104 = tpu.memref_squeeze %dma_wait3A_103 : memref<1x1x1x1024xf32, #tpu.memory_space<hbm>> -> memref<1024xf32, #tpu.memory_space<hbm>>
    %dma_wait3A_105 = arith.constant 0 : i32
    %dma_wait3A_106 = tpu.memref_slice %arg5[%dma_wait3A_97, %dma_wait3A_98, %dma_wait3A_99, %dma_wait3A_105] : memref<50x4x128x1024xf32, #tpu.memory_space<hbm>> -> memref<1x1x1x1024xf32, #tpu.memory_space<hbm>>
    %dma_wait3A_107 = tpu.memref_squeeze %dma_wait3A_106 : memref<1x1x1x1024xf32, #tpu.memory_space<hbm>> -> memref<1024xf32, #tpu.memory_space<hbm>>
    %dma_wait3A_108 = arith.constant 1024 : i32
    %dma_wait3A_109 = tpu.memref_slice %arg13[%dma_wait3A_108] : memref<4096xf32, #tpu.memory_space<vmem>> -> memref<1024xf32, #tpu.memory_space<vmem>>
    tpu.wait_dma2 semaphore(%arg21 : memref<!tpu.dma_semaphore, #tpu.memory_space<semaphore_mem>>) src(%dma_wait3A_109 : memref<1024xf32, #tpu.memory_space<vmem>>) dst(%dma_wait3A_107 : memref<1024xf32, #tpu.memory_space<hbm>>)
    %dma_wait3A_110 = arith.constant 0 : i32
    %dma_wait3A_111 = arith.constant 2 : i32
    %dma_wait3A_112 = arith.constant 0 : i32
    %dma_wait3A_113 = arith.constant 2048 : i32
    %dma_wait3A_114 = tpu.memref_slice %arg13[%dma_wait3A_113] : memref<4096xf32, #tpu.memory_space<vmem>> -> memref<1024xf32, #tpu.memory_space<vmem>>
    %dma_wait3A_115 = arith.constant 0 : i32
    %dma_wait3A_116 = tpu.memref_slice %arg5[%dma_wait3A_110, %dma_wait3A_111, %dma_wait3A_112, %dma_wait3A_115] : memref<50x4x128x1024xf32, #tpu.memory_space<hbm>> -> memref<1x1x1x1024xf32, #tpu.memory_space<hbm>>
    %dma_wait3A_117 = tpu.memref_squeeze %dma_wait3A_116 : memref<1x1x1x1024xf32, #tpu.memory_space<hbm>> -> memref<1024xf32, #tpu.memory_space<hbm>>
    %dma_wait3A_118 = arith.constant 0 : i32
    %dma_wait3A_119 = tpu.memref_slice %arg5[%dma_wait3A_110, %dma_wait3A_111, %dma_wait3A_112, %dma_wait3A_118] : memref<50x4x128x1024xf32, #tpu.memory_space<hbm>> -> memref<1x1x1x1024xf32, #tpu.memory_space<hbm>>
    %dma_wait3A_120 = tpu.memref_squeeze %dma_wait3A_119 : memref<1x1x1x1024xf32, #tpu.memory_space<hbm>> -> memref<1024xf32, #tpu.memory_space<hbm>>
    %dma_wait3A_121 = arith.constant 2048 : i32
    %dma_wait3A_122 = tpu.memref_slice %arg13[%dma_wait3A_121] : memref<4096xf32, #tpu.memory_space<vmem>> -> memref<1024xf32, #tpu.memory_space<vmem>>
    tpu.wait_dma2 semaphore(%arg21 : memref<!tpu.dma_semaphore, #tpu.memory_space<semaphore_mem>>) src(%dma_wait3A_122 : memref<1024xf32, #tpu.memory_space<vmem>>) dst(%dma_wait3A_120 : memref<1024xf32, #tpu.memory_space<hbm>>)
    %dma_wait3A_123 = arith.constant 0 : i32
    %dma_wait3A_124 = arith.constant 3 : i32
    %dma_wait3A_125 = arith.constant 0 : i32
    %dma_wait3A_126 = arith.constant 3072 : i32
    %dma_wait3A_127 = tpu.memref_slice %arg13[%dma_wait3A_126] : memref<4096xf32, #tpu.memory_space<vmem>> -> memref<1024xf32, #tpu.memory_space<vmem>>
    %dma_wait3A_128 = arith.constant 0 : i32
    %dma_wait3A_129 = tpu.memref_slice %arg5[%dma_wait3A_123, %dma_wait3A_124, %dma_wait3A_125, %dma_wait3A_128] : memref<50x4x128x1024xf32, #tpu.memory_space<hbm>> -> memref<1x1x1x1024xf32, #tpu.memory_space<hbm>>
    %dma_wait3A_130 = tpu.memref_squeeze %dma_wait3A_129 : memref<1x1x1x1024xf32, #tpu.memory_space<hbm>> -> memref<1024xf32, #tpu.memory_space<hbm>>
    %dma_wait3A_131 = arith.constant 0 : i32
    %dma_wait3A_132 = tpu.memref_slice %arg5[%dma_wait3A_123, %dma_wait3A_124, %dma_wait3A_125, %dma_wait3A_131] : memref<50x4x128x1024xf32, #tpu.memory_space<hbm>> -> memref<1x1x1x1024xf32, #tpu.memory_space<hbm>>
    %dma_wait3A_133 = tpu.memref_squeeze %dma_wait3A_132 : memref<1x1x1x1024xf32, #tpu.memory_space<hbm>> -> memref<1024xf32, #tpu.memory_space<hbm>>
    %dma_wait3A_134 = arith.constant 3072 : i32
    %dma_wait3A_135 = tpu.memref_slice %arg13[%dma_wait3A_134] : memref<4096xf32, #tpu.memory_space<vmem>> -> memref<1024xf32, #tpu.memory_space<vmem>>
    tpu.wait_dma2 semaphore(%arg21 : memref<!tpu.dma_semaphore, #tpu.memory_space<semaphore_mem>>) src(%dma_wait3A_135 : memref<1024xf32, #tpu.memory_space<vmem>>) dst(%dma_wait3A_133 : memref<1024xf32, #tpu.memory_space<hbm>>)
    %dma_wait3A_136 = arith.constant 0 : i32
    %dma_wait3A_137 = arith.constant 0 : i32
    %dma_wait3A_138 = arith.constant 0 : i32
    %dma_wait3A_139 = arith.constant 0 : i32
    %dma_wait3A_140 = tpu.memref_slice %arg14[%dma_wait3A_139] : memref<4096xf32, #tpu.memory_space<vmem>> -> memref<1024xf32, #tpu.memory_space<vmem>>
    %dma_wait3A_141 = arith.constant 0 : i32
    %dma_wait3A_142 = tpu.memref_slice %arg5[%dma_wait3A_136, %dma_wait3A_137, %dma_wait3A_138, %dma_wait3A_141] : memref<50x4x128x1024xf32, #tpu.memory_space<hbm>> -> memref<1x1x1x1024xf32, #tpu.memory_space<hbm>>
    %dma_wait3A_143 = tpu.memref_squeeze %dma_wait3A_142 : memref<1x1x1x1024xf32, #tpu.memory_space<hbm>> -> memref<1024xf32, #tpu.memory_space<hbm>>
    %dma_wait3A_144 = arith.constant 0 : i32
    %dma_wait3A_145 = tpu.memref_slice %arg5[%dma_wait3A_136, %dma_wait3A_137, %dma_wait3A_138, %dma_wait3A_144] : memref<50x4x128x1024xf32, #tpu.memory_space<hbm>> -> memref<1x1x1x1024xf32, #tpu.memory_space<hbm>>
    %dma_wait3A_146 = tpu.memref_squeeze %dma_wait3A_145 : memref<1x1x1x1024xf32, #tpu.memory_space<hbm>> -> memref<1024xf32, #tpu.memory_space<hbm>>
    %dma_wait3A_147 = arith.constant 0 : i32
    %dma_wait3A_148 = tpu.memref_slice %arg14[%dma_wait3A_147] : memref<4096xf32, #tpu.memory_space<vmem>> -> memref<1024xf32, #tpu.memory_space<vmem>>
    tpu.wait_dma2 semaphore(%arg22 : memref<!tpu.dma_semaphore, #tpu.memory_space<semaphore_mem>>) src(%dma_wait3A_148 : memref<1024xf32, #tpu.memory_space<vmem>>) dst(%dma_wait3A_146 : memref<1024xf32, #tpu.memory_space<hbm>>)
    %dma_wait3A_149 = arith.constant 0 : i32
    %dma_wait3A_150 = arith.constant 1 : i32
    %dma_wait3A_151 = arith.constant 0 : i32
    %dma_wait3A_152 = arith.constant 1024 : i32
    %dma_wait3A_153 = tpu.memref_slice %arg14[%dma_wait3A_152] : memref<4096xf32, #tpu.memory_space<vmem>> -> memref<1024xf32, #tpu.memory_space<vmem>>
    %dma_wait3A_154 = arith.constant 0 : i32
    %dma_wait3A_155 = tpu.memref_slice %arg5[%dma_wait3A_149, %dma_wait3A_150, %dma_wait3A_151, %dma_wait3A_154] : memref<50x4x128x1024xf32, #tpu.memory_space<hbm>> -> memref<1x1x1x1024xf32, #tpu.memory_space<hbm>>
    %dma_wait3A_156 = tpu.memref_squeeze %dma_wait3A_155 : memref<1x1x1x1024xf32, #tpu.memory_space<hbm>> -> memref<1024xf32, #tpu.memory_space<hbm>>
    %dma_wait3A_157 = arith.constant 0 : i32
    %dma_wait3A_158 = tpu.memref_slice %arg5[%dma_wait3A_149, %dma_wait3A_150, %dma_wait3A_151, %dma_wait3A_157] : memref<50x4x128x1024xf32, #tpu.memory_space<hbm>> -> memref<1x1x1x1024xf32, #tpu.memory_space<hbm>>
    %dma_wait3A_159 = tpu.memref_squeeze %dma_wait3A_158 : memref<1x1x1x1024xf32, #tpu.memory_space<hbm>> -> memref<1024xf32, #tpu.memory_space<hbm>>
    %dma_wait3A_160 = arith.constant 1024 : i32
    %dma_wait3A_161 = tpu.memref_slice %arg14[%dma_wait3A_160] : memref<4096xf32, #tpu.memory_space<vmem>> -> memref<1024xf32, #tpu.memory_space<vmem>>
    tpu.wait_dma2 semaphore(%arg22 : memref<!tpu.dma_semaphore, #tpu.memory_space<semaphore_mem>>) src(%dma_wait3A_161 : memref<1024xf32, #tpu.memory_space<vmem>>) dst(%dma_wait3A_159 : memref<1024xf32, #tpu.memory_space<hbm>>)
    %dma_wait3A_162 = arith.constant 0 : i32
    %dma_wait3A_163 = arith.constant 2 : i32
    %dma_wait3A_164 = arith.constant 0 : i32
    %dma_wait3A_165 = arith.constant 2048 : i32
    %dma_wait3A_166 = tpu.memref_slice %arg14[%dma_wait3A_165] : memref<4096xf32, #tpu.memory_space<vmem>> -> memref<1024xf32, #tpu.memory_space<vmem>>
    %dma_wait3A_167 = arith.constant 0 : i32
    %dma_wait3A_168 = tpu.memref_slice %arg5[%dma_wait3A_162, %dma_wait3A_163, %dma_wait3A_164, %dma_wait3A_167] : memref<50x4x128x1024xf32, #tpu.memory_space<hbm>> -> memref<1x1x1x1024xf32, #tpu.memory_space<hbm>>
    %dma_wait3A_169 = tpu.memref_squeeze %dma_wait3A_168 : memref<1x1x1x1024xf32, #tpu.memory_space<hbm>> -> memref<1024xf32, #tpu.memory_space<hbm>>
    %dma_wait3A_170 = arith.constant 0 : i32
    %dma_wait3A_171 = tpu.memref_slice %arg5[%dma_wait3A_162, %dma_wait3A_163, %dma_wait3A_164, %dma_wait3A_170] : memref<50x4x128x1024xf32, #tpu.memory_space<hbm>> -> memref<1x1x1x1024xf32, #tpu.memory_space<hbm>>
    %dma_wait3A_172 = tpu.memref_squeeze %dma_wait3A_171 : memref<1x1x1x1024xf32, #tpu.memory_space<hbm>> -> memref<1024xf32, #tpu.memory_space<hbm>>
    %dma_wait3A_173 = arith.constant 2048 : i32
    %dma_wait3A_174 = tpu.memref_slice %arg14[%dma_wait3A_173] : memref<4096xf32, #tpu.memory_space<vmem>> -> memref<1024xf32, #tpu.memory_space<vmem>>
    tpu.wait_dma2 semaphore(%arg22 : memref<!tpu.dma_semaphore, #tpu.memory_space<semaphore_mem>>) src(%dma_wait3A_174 : memref<1024xf32, #tpu.memory_space<vmem>>) dst(%dma_wait3A_172 : memref<1024xf32, #tpu.memory_space<hbm>>)
    %dma_wait3A_175 = arith.constant 0 : i32
    %dma_wait3A_176 = arith.constant 3 : i32
    %dma_wait3A_177 = arith.constant 0 : i32
    %dma_wait3A_178 = arith.constant 3072 : i32
    %dma_wait3A_179 = tpu.memref_slice %arg14[%dma_wait3A_178] : memref<4096xf32, #tpu.memory_space<vmem>> -> memref<1024xf32, #tpu.memory_space<vmem>>
    %dma_wait3A_180 = arith.constant 0 : i32
    %dma_wait3A_181 = tpu.memref_slice %arg5[%dma_wait3A_175, %dma_wait3A_176, %dma_wait3A_177, %dma_wait3A_180] : memref<50x4x128x1024xf32, #tpu.memory_space<hbm>> -> memref<1x1x1x1024xf32, #tpu.memory_space<hbm>>
    %dma_wait3A_182 = tpu.memref_squeeze %dma_wait3A_181 : memref<1x1x1x1024xf32, #tpu.memory_space<hbm>> -> memref<1024xf32, #tpu.memory_space<hbm>>
    %dma_wait3A_183 = arith.constant 0 : i32
    %dma_wait3A_184 = tpu.memref_slice %arg5[%dma_wait3A_175, %dma_wait3A_176, %dma_wait3A_177, %dma_wait3A_183] : memref<50x4x128x1024xf32, #tpu.memory_space<hbm>> -> memref<1x1x1x1024xf32, #tpu.memory_space<hbm>>
    %dma_wait3A_185 = tpu.memref_squeeze %dma_wait3A_184 : memref<1x1x1x1024xf32, #tpu.memory_space<hbm>> -> memref<1024xf32, #tpu.memory_space<hbm>>
    %dma_wait3A_186 = arith.constant 3072 : i32
    %dma_wait3A_187 = tpu.memref_slice %arg14[%dma_wait3A_186] : memref<4096xf32, #tpu.memory_space<vmem>> -> memref<1024xf32, #tpu.memory_space<vmem>>
    tpu.wait_dma2 semaphore(%arg22 : memref<!tpu.dma_semaphore, #tpu.memory_space<semaphore_mem>>) src(%dma_wait3A_187 : memref<1024xf32, #tpu.memory_space<vmem>>) dst(%dma_wait3A_185 : memref<1024xf32, #tpu.memory_space<hbm>>)
    %dma_wait3A_188 = arith.constant 0 : i32
    %dma_wait3A_189 = arith.constant 0 : i32
    %dma_wait3A_190 = arith.constant 0 : i32
    %dma_wait3A_191 = arith.constant 0 : i32
    %dma_wait3A_192 = tpu.memref_slice %arg15[%dma_wait3A_191] : memref<4096xf32, #tpu.memory_space<vmem>> -> memref<1024xf32, #tpu.memory_space<vmem>>
    %dma_wait3A_193 = arith.constant 0 : i32
    %dma_wait3A_194 = tpu.memref_slice %arg5[%dma_wait3A_188, %dma_wait3A_189, %dma_wait3A_190, %dma_wait3A_193] : memref<50x4x128x1024xf32, #tpu.memory_space<hbm>> -> memref<1x1x1x1024xf32, #tpu.memory_space<hbm>>
    %dma_wait3A_195 = tpu.memref_squeeze %dma_wait3A_194 : memref<1x1x1x1024xf32, #tpu.memory_space<hbm>> -> memref<1024xf32, #tpu.memory_space<hbm>>
    %dma_wait3A_196 = arith.constant 0 : i32
    %dma_wait3A_197 = tpu.memref_slice %arg5[%dma_wait3A_188, %dma_wait3A_189, %dma_wait3A_190, %dma_wait3A_196] : memref<50x4x128x1024xf32, #tpu.memory_space<hbm>> -> memref<1x1x1x1024xf32, #tpu.memory_space<hbm>>
    %dma_wait3A_198 = tpu.memref_squeeze %dma_wait3A_197 : memref<1x1x1x1024xf32, #tpu.memory_space<hbm>> -> memref<1024xf32, #tpu.memory_space<hbm>>
    %dma_wait3A_199 = arith.constant 0 : i32
    %dma_wait3A_200 = tpu.memref_slice %arg15[%dma_wait3A_199] : memref<4096xf32, #tpu.memory_space<vmem>> -> memref<1024xf32, #tpu.memory_space<vmem>>
    tpu.wait_dma2 semaphore(%arg23 : memref<!tpu.dma_semaphore, #tpu.memory_space<semaphore_mem>>) src(%dma_wait3A_200 : memref<1024xf32, #tpu.memory_space<vmem>>) dst(%dma_wait3A_198 : memref<1024xf32, #tpu.memory_space<hbm>>)
    %dma_wait3A_201 = arith.constant 0 : i32
    %dma_wait3A_202 = arith.constant 1 : i32
    %dma_wait3A_203 = arith.constant 0 : i32
    %dma_wait3A_204 = arith.constant 1024 : i32
    %dma_wait3A_205 = tpu.memref_slice %arg15[%dma_wait3A_204] : memref<4096xf32, #tpu.memory_space<vmem>> -> memref<1024xf32, #tpu.memory_space<vmem>>
    %dma_wait3A_206 = arith.constant 0 : i32
    %dma_wait3A_207 = tpu.memref_slice %arg5[%dma_wait3A_201, %dma_wait3A_202, %dma_wait3A_203, %dma_wait3A_206] : memref<50x4x128x1024xf32, #tpu.memory_space<hbm>> -> memref<1x1x1x1024xf32, #tpu.memory_space<hbm>>
    %dma_wait3A_208 = tpu.memref_squeeze %dma_wait3A_207 : memref<1x1x1x1024xf32, #tpu.memory_space<hbm>> -> memref<1024xf32, #tpu.memory_space<hbm>>
    %dma_wait3A_209 = arith.constant 0 : i32
    %dma_wait3A_210 = tpu.memref_slice %arg5[%dma_wait3A_201, %dma_wait3A_202, %dma_wait3A_203, %dma_wait3A_209] : memref<50x4x128x1024xf32, #tpu.memory_space<hbm>> -> memref<1x1x1x1024xf32, #tpu.memory_space<hbm>>
    %dma_wait3A_211 = tpu.memref_squeeze %dma_wait3A_210 : memref<1x1x1x1024xf32, #tpu.memory_space<hbm>> -> memref<1024xf32, #tpu.memory_space<hbm>>
    %dma_wait3A_212 = arith.constant 1024 : i32
    %dma_wait3A_213 = tpu.memref_slice %arg15[%dma_wait3A_212] : memref<4096xf32, #tpu.memory_space<vmem>> -> memref<1024xf32, #tpu.memory_space<vmem>>
    tpu.wait_dma2 semaphore(%arg23 : memref<!tpu.dma_semaphore, #tpu.memory_space<semaphore_mem>>) src(%dma_wait3A_213 : memref<1024xf32, #tpu.memory_space<vmem>>) dst(%dma_wait3A_211 : memref<1024xf32, #tpu.memory_space<hbm>>)
    %dma_wait3A_214 = arith.constant 0 : i32
    %dma_wait3A_215 = arith.constant 2 : i32
    %dma_wait3A_216 = arith.constant 0 : i32
    %dma_wait3A_217 = arith.constant 2048 : i32
    %dma_wait3A_218 = tpu.memref_slice %arg15[%dma_wait3A_217] : memref<4096xf32, #tpu.memory_space<vmem>> -> memref<1024xf32, #tpu.memory_space<vmem>>
    %dma_wait3A_219 = arith.constant 0 : i32
    %dma_wait3A_220 = tpu.memref_slice %arg5[%dma_wait3A_214, %dma_wait3A_215, %dma_wait3A_216, %dma_wait3A_219] : memref<50x4x128x1024xf32, #tpu.memory_space<hbm>> -> memref<1x1x1x1024xf32, #tpu.memory_space<hbm>>
    %dma_wait3A_221 = tpu.memref_squeeze %dma_wait3A_220 : memref<1x1x1x1024xf32, #tpu.memory_space<hbm>> -> memref<1024xf32, #tpu.memory_space<hbm>>
    %dma_wait3A_222 = arith.constant 0 : i32
    %dma_wait3A_223 = tpu.memref_slice %arg5[%dma_wait3A_214, %dma_wait3A_215, %dma_wait3A_216, %dma_wait3A_222] : memref<50x4x128x1024xf32, #tpu.memory_space<hbm>> -> memref<1x1x1x1024xf32, #tpu.memory_space<hbm>>
    %dma_wait3A_224 = tpu.memref_squeeze %dma_wait3A_223 : memref<1x1x1x1024xf32, #tpu.memory_space<hbm>> -> memref<1024xf32, #tpu.memory_space<hbm>>
    %dma_wait3A_225 = arith.constant 2048 : i32
    %dma_wait3A_226 = tpu.memref_slice %arg15[%dma_wait3A_225] : memref<4096xf32, #tpu.memory_space<vmem>> -> memref<1024xf32, #tpu.memory_space<vmem>>
    tpu.wait_dma2 semaphore(%arg23 : memref<!tpu.dma_semaphore, #tpu.memory_space<semaphore_mem>>) src(%dma_wait3A_226 : memref<1024xf32, #tpu.memory_space<vmem>>) dst(%dma_wait3A_224 : memref<1024xf32, #tpu.memory_space<hbm>>)
    %dma_wait3A_227 = arith.constant 0 : i32
    %dma_wait3A_228 = arith.constant 3 : i32
    %dma_wait3A_229 = arith.constant 0 : i32
    %dma_wait3A_230 = arith.constant 3072 : i32
    %dma_wait3A_231 = tpu.memref_slice %arg15[%dma_wait3A_230] : memref<4096xf32, #tpu.memory_space<vmem>> -> memref<1024xf32, #tpu.memory_space<vmem>>
    %dma_wait3A_232 = arith.constant 0 : i32
    %dma_wait3A_233 = tpu.memref_slice %arg5[%dma_wait3A_227, %dma_wait3A_228, %dma_wait3A_229, %dma_wait3A_232] : memref<50x4x128x1024xf32, #tpu.memory_space<hbm>> -> memref<1x1x1x1024xf32, #tpu.memory_space<hbm>>
    %dma_wait3A_234 = tpu.memref_squeeze %dma_wait3A_233 : memref<1x1x1x1024xf32, #tpu.memory_space<hbm>> -> memref<1024xf32, #tpu.memory_space<hbm>>
    %dma_wait3A_235 = arith.constant 0 : i32
    %dma_wait3A_236 = tpu.memref_slice %arg5[%dma_wait3A_227, %dma_wait3A_228, %dma_wait3A_229, %dma_wait3A_235] : memref<50x4x128x1024xf32, #tpu.memory_space<hbm>> -> memref<1x1x1x1024xf32, #tpu.memory_space<hbm>>
    %dma_wait3A_237 = tpu.memref_squeeze %dma_wait3A_236 : memref<1x1x1x1024xf32, #tpu.memory_space<hbm>> -> memref<1024xf32, #tpu.memory_space<hbm>>
    %dma_wait3A_238 = arith.constant 3072 : i32
    %dma_wait3A_239 = tpu.memref_slice %arg15[%dma_wait3A_238] : memref<4096xf32, #tpu.memory_space<vmem>> -> memref<1024xf32, #tpu.memory_space<vmem>>
    tpu.wait_dma2 semaphore(%arg23 : memref<!tpu.dma_semaphore, #tpu.memory_space<semaphore_mem>>) src(%dma_wait3A_239 : memref<1024xf32, #tpu.memory_space<vmem>>) dst(%dma_wait3A_237 : memref<1024xf32, #tpu.memory_space<hbm>>)
    return
  }
}

</mosaic_0001>

<sc_bundles>
// kernel: kernel.4.cloned.1.call-start
scs
__scs_entry_jumppad:
0x0: {  	(pc) =	sbr.rel $0x88, $3  }
0x1: {  	(tag) =	ssettag $0x0;
	lr =	simm.s32 $0x1  }
0x2: {  	[smem:$0x3F9F] =	sst lr;
	_ =	strace $0xD0000000  }
0x3: {  	_ = 	snop  }
0x4: {  	_ = 	snop  }
0x5: {  	_ = 	snop  }
0x6: {  	_ = 	snop  }
0x7: {  	_ = 	snop  }
__scs_overlays_trampoline_lowered:
0x8: {  	[smem:$0x3FAE] =	sst s0  }
0x9: {  	[smem:$0x3FAF] =	sst s1  }
0xa: {  	[smem:$0x3FB0] =	sst s2  }
0xb: {  	[smem:$0x3FB1] =	sst s3  }
0xc: {  	[smem:$0x3FB2] =	sst s4  }
0xd: {  	[smem:$0x3FB3] =	sst s5  }
0xe: {  	[smem:$0x3FB4] =	sst s6  }
0xf: {  	[smem:$0x3FB5] =	sst s7  }
0x10: {  	[smem:$0x3FB6] =	sst s8  }
0x11: {  	[smem:$0x3FB7] =	sst s9;
	s0 =	simm.s32 @!p0 $0x0  }
0x12: {  	s1 =	sld [smem:$0x3F9D];
	s0 =	simm.s32 @p0 $0x1  }
0x13: {  	[smem:$0x3FB8] =	sst s0;
	s0 =	simm.s32 @!p1 $0x0  }
0x14: {  	s2 =	sld [smem:$0x3F9C];
	s0 =	simm.s32 @p1 $0x1  }
0x15: {  	[smem:$0x3FB9] =	sst s0;
	s0 =	simm.s32 @!p2 $0x0  }
0x16: {  	s3 =	sld [smem:$0x3FDB];
	s0 =	simm.s32 @p2 $0x1  }
0x17: {  	s4 =	simm.s32 $0x1BF5;
	[smem:$0x3FBB] =	sst s0  }
0x18: {  	s0 =	sld [smem:$0x3F9E];
	_ =	swait.ge [sflag:s4], $0x0  }
0x19: {  	s7 =	sld [smem:$0x3F9F]  }
0x1a: {  	s8 =	sadd.s32 $0xFFFFE003, lr  }
0x1b: {  	s9 =	sadd.s32 $0xFFFFFEF7, lr;
	s5 =	simm.s32 $0xFFFFFFFF;
	p2 =	slt.u32 s8, $0xFFFFF086  }
0x1c: {  	p1 =	slt.u32 s9, $0xF7A;
	s5 =	simm.s32 @!p2 $0x0  }
0x1d: {  	s5 =	simm.s32 @p1 $0x1;
	p0 =	seq.s32 s7, s2  }
0x1e: {  	s7 =	smul.u32 @!p0 $0xF7A, s2;
	p2 =	seq.s32 @!p0 s5, $0x0  }
0x1f: {  	s9 =	smul.u32 $0xF7A, s1;
	s8 =	simm.s32 @!p0 $0x1BF5;
	p2 =	por !p2, p0  }
0x20: {  	[sflag:s8] =	ssyncset.s32 @!p0 $0xFFFFF086;
	s6 =	sadd.s32 @!p0 s3, s7;
	s7 =	simm.s32 @!p0 $0x108  }
0x21: {  	s3 =	sadd.s32 s3, s9;
	s6 =	sadd.s32 @!p0 $0x88, s6;
	s7 =	simm.s32 @p2 $0x1082  }
0x22: {  	[simem:s7], [sflag:s8] =	dma.local @!p0 [hbm:s6], $0xF7A  }
0x23: {  	s9 =	sor.u32 $0xD0000000, s2;
	s6 =	simm.s32 $0x108;
	_ =	swait.ge @!p0 [sflag:s8], $0x0  }
0x24: {  	s3 =	sadd.s32 $0x88, s3;
	s6 =	simm.s32 @!p1 $0x1082;
	[sflag:s4] =	ssyncset.s32 $0xFFFFF086  }
0x25: {  	[simem:s6], [sflag:s4] =	dma.local [hbm:s3], $0xF7A  }
0x26: {  	[smem:$0x3F9F] =	sst s1;
	(tag) =	ssettag s2;
	_ =	strace s9  }
0x27: {  	s1 =	sld [smem:$0x3FAF]  }
0x28: {  	s2 =	sld [smem:$0x3FB0]  }
0x29: {  	s4 =	sld [smem:$0x3FB2]  }
0x2a: {  	p0 =	seq.s32 s5, $0x0;
	s5 =	sld [smem:$0x3FB3]  }
0x2b: {  	s6 =	sld [smem:$0x3FB4]  }
0x2c: {  	s7 =	sld [smem:$0x3FB5]  }
0x2d: {  	s3 =	simm.s32 $0x108;
	s8 =	sld [smem:$0x3FB6]  }
0x2e: {  	s3 =	simm.s32 @!p0 $0x1082;
	s9 =	sld [smem:$0x3FB7]  }
0x2f: {  	lr =	sadd.s32 s0, s3;
	s0 =	sld [smem:$0x3FAE]  }
0x30: {  	s3 =	sld [smem:$0x3FB1]  }
0x31: {  	[smem:$0x3FBA] =	sst s10  }
0x32: {  	s10 =	sld [smem:$0x3FB8];
	_ =	sdelay $0x3  }
0x33: {  	p0 =	seq.s32 s10, $0x1;
	s10 =	sld [smem:$0x3FBA];
	_ =	sdelay $0x3  }
0x34: {  	[smem:$0x3FBA] =	sst s10  }
0x35: {  	s10 =	sld [smem:$0x3FB9];
	_ =	sdelay $0x3  }
0x36: {  	p1 =	seq.s32 s10, $0x1;
	s10 =	sld [smem:$0x3FBA];
	_ =	sdelay $0x3  }
0x37: {  	[smem:$0x3FBA] =	sst s10  }
0x38: {  	s10 =	sld [smem:$0x3FBB]  }
0x39: {  	_ = 	snop;
	(pc) =	sbr.ind lr, $3  }
0x3a: {  	_ = 	snop  }
0x3b: {  	_ = 	snop  }
0x3c: {  	p2 =	seq.s32 s10, $0x1;
	s10 =	sld [smem:$0x3FBA]  }
0x3d: {  	_ =	shalt  }
0x3e: {  	_ =	shalt  }
0x3f: {  	_ =	shalt  }
0x40: {  	_ =	shalt  }
0x41: {  	_ =	shalt  }
0x42: {  	_ =	shalt  }
0x43: {  	_ =	shalt  }
0x44: {  	_ =	shalt  }
0x45: {  	_ =	shalt  }
0x46: {  	_ =	shalt  }
0x47: {  	_ =	shalt  }
0x48: {  	_ =	shalt  }
0x49: {  	_ =	shalt  }
0x4a: {  	_ =	shalt  }
0x4b: {  	_ =	shalt  }
0x4c: {  	_ =	shalt  }
0x4d: {  	_ =	shalt  }
0x4e: {  	_ =	shalt  }
0x4f: {  	_ =	shalt  }
0x50: {  	_ =	shalt  }
0x51: {  	_ =	shalt  }
0x52: {  	_ =	shalt  }
0x53: {  	_ =	shalt  }
0x54: {  	_ =	shalt  }
0x55: {  	_ =	shalt  }
0x56: {  	_ =	shalt  }
0x57: {  	_ =	shalt  }
0x58: {  	_ =	shalt  }
0x59: {  	_ =	shalt  }
0x5a: {  	_ =	shalt  }
0x5b: {  	_ =	shalt  }
0x5c: {  	_ =	shalt  }
0x5d: {  	_ =	shalt  }
0x5e: {  	_ =	shalt  }
0x5f: {  	_ =	shalt  }
0x60: {  	_ =	shalt  }
0x61: {  	_ =	shalt  }
0x62: {  	_ =	shalt  }
0x63: {  	_ =	shalt  }
0x64: {  	_ =	shalt  }
0x65: {  	_ =	shalt  }
0x66: {  	_ =	shalt  }
0x67: {  	_ =	shalt  }
0x68: {  	_ =	shalt  }
0x69: {  	_ =	shalt  }
0x6a: {  	_ =	shalt  }
0x6b: {  	_ =	shalt  }
0x6c: {  	_ =	shalt  }
0x6d: {  	_ =	shalt  }
0x6e: {  	_ =	shalt  }
0x6f: {  	_ =	shalt  }
0x70: {  	_ =	shalt  }
0x71: {  	_ =	shalt  }
0x72: {  	_ =	shalt  }
0x73: {  	_ =	shalt  }
0x74: {  	_ =	shalt  }
0x75: {  	_ =	shalt  }
0x76: {  	_ =	shalt  }
0x77: {  	_ =	shalt  }
0x78: {  	_ =	shalt  }
0x79: {  	_ =	shalt  }
0x7a: {  	_ =	shalt  }
0x7b: {  	_ =	shalt  }
0x7c: {  	_ =	shalt  }
0x7d: {  	_ =	shalt  }
0x7e: {  	_ =	shalt  }
0x7f: {  	_ =	shalt  }
0x80: {  	_ =	shalt  }
0x81: {  	_ =	shalt  }
0x82: {  	_ =	shalt  }
0x83: {  	_ =	shalt  }
0x84: {  	_ =	shalt  }
0x85: {  	_ =	shalt  }
0x86: {  	_ =	shalt  }
0x87: {  	_ =	shalt  }
.Lfunc_end0:
.L_simem_size_0:
called_computation_lowered:
.L_overlay_start_0:
0x88: {  	s2 =	sld [smem:$0x3FD9]  }
0x89: {  	s3 =	sld [smem:$0x3FFE];
	_ =	sdelay $0x1  }
0x8a: {  	s1 =	srdreg.scid  }
0x8b: {  	s0 =	sand.u32 $0x1, s1  }
0x8c: {  	s17 =	sshll.u32 s0, $0xA;
	s2 =	sadd.s32 s3, s2  }
0x8d: {  	s2 =	sadd.s32 s2, s17  }
0x8e: {  	[smem:$0x3FC6] =	sst s2  }
0x8f: {  	_ = 	snop  }
0x90: {  	s2 =	sld [smem:$0x3FC8];
	(tm) =	ssettm $0x1  }
0x91: {  	s18 =	sld [smem:$0x3FFB];
	_ =	sdelay $0x3  }
0x92: {  	_ =	strace s18  }
0x93: {  	s3 =	sld [smem:$0x3FFC];
	_ =	sdelay $0x3  }
0x94: {  	_ =	strace s3  }
0x95: {  	s3 =	sld [smem:$0x3FFD];
	_ =	sdelay $0x3  }
0x96: {  	_ =	strace s3  }
0x97: {  	_ =	strace $0x8FFFFFFF  }
0x98: {  	s19 =	sld [smem:$0x3FDB];
	_ =	sdelay $0x1  }
0x99: {  	s4 =	simm.s32 $_scs_section_size  }
0x9a: {  	s5 =	simm.s32 $_size__tile_overlayer_lowered;
	s6 =	simm.s32 $_tile_overlayer_lowered  }
0x9b: {  	s22 =	simm.s32 $0x1BFF;
	s21 =	sshll.u32 s6, $0x1;
	s3 =	sadd.s32 s4, s19  }
0x9c: {  	s7 =	simm.s32 $0x0;
	s20 =	sshll.u32 s5, $0x1;
	s5 =	sadd.s32 s21, s3  }
0x9d: {  	[timem:s7], [sflag:s22] =	dma.local [hbm:s5], s20  }
0x9e: {  	_ =	swait.ge [sflag:s22], s20  }
0x9f: {  	s4 =	ssub.s32 $0x0, s20;
	[sflag:s22] =	ssyncset.done $0x0  }
0xa0: {  	[sflag:s22] =	ssyncadd.s32 s4;
	_ =	sdelay $0x1  }
0xa1: {  	s23 =	simm.s32 $0x1B8B  }
0xa2: {  	_ =	swait.ge [sflag:s23], $0x1  }
0xa3: {  	[sflag:s23] =	ssyncset.done $0x0  }
0xa4: {  	s25 =	simm.s32 $0x1B8E;
	s24 =	sld [smem:$0x3FFE];
	[sflag:s23] =	ssyncadd.s32 $0xFFFFFFFF  }
0xa5: {  	s26 =	simm.s32 $execute0_lowered;
	[smem:$0x3FD2] =	sst s25  }
0xa6: {  	s5 =	sshll.u32 s26, $0x1;
	_ =	strace $0x80000046;
	[dreg:$0x1] =	wrdreg $0xFFFFFFFF  }
0xa7: {  	s28 =	simm.s32 $_size_execute0_lowered;
	s3 =	sadd.s32 s3, s5;
	[dreg:$0x0] =	wrdreg $0x0  }
0xa8: {  	s5 =	sshll.u32 s28, $0x1;
	[dreg:$0x2] =	wrdreg s3  }
0xa9: {  	[dreg:$0x3] =	wrdreg s5  }
0xaa: {  	[dreg:$0x4] =	wrdreg $0xC0  }
0xab: {  	_ =	task [dreg:s7], $0x5FFFF  }
0xac: {  	[dreg:$0x1] =	wrdreg $0xFFFFFFFF  }
0xad: {  	[dreg:$0x0] =	wrdreg $0x60  }
0xae: {  	[dreg:$0x2] =	wrdreg s2  }
0xaf: {  	[dreg:$0x3] =	wrdreg s24  }
0xb0: {  	[dreg:$0x4] =	wrdreg $0x9  }
0xb1: {  	_ =	task.clear_ibuf [dreg:s7], $0x5FFFF;
	_ =	strace $0x90000046  }
0xb2: {  	s29 =	simm.s32 $0x9;
	_ =	strace $0x80000048  }
0xb3: {  	_ =	swait.ge [sflag:s29], $0x1  }
0xb4: {  	[sflag:s29] =	ssyncadd.s32 $0xFFFFFFFF  }
0xb5: {  	_ =	strace $0x90000048  }
0xb6: {  	_ =	sfence  }
0xb7: {  	s30 =	sld [smem:$0x0];
	_ =	sdelay $0x2  }
0xb8: {  	s31 =	sshll.u32 s1, $0xD;
	s1 =	sshrl.u32 s1, $0x2  }
0xb9: {  	s3 =	sand.u32 $0x4000, s31;
	s1 =	sadd.s32 s1, s30  }
0xba: {  	s0 =	sor.u32 s3, s0;
	s1 =	sshll.u32 s1, $0x11  }
0xbb: {  	s0 =	sor.u32 s1, s0  }
0xbc: {  	s0 =	sadd.s32 $0x8F2B, s0  }
0xbd: {  	[sflag:s0] =	ssyncadd.remote.s32 $0x1  }
0xbe: {  	_ =	sfence.sel $0xFFFF  }
0xbf: {  	[dreg:$0x0] =	wrdreg $0xFFFFFFFF;
	(pc) =	sbr.abs _section_cstart, $3  }
0xc0: {  	[dreg:$0x1] =	wrdreg $0xFFFFFFFF  }
0xc1: {  	_ =	task.clear_ibuf [dreg:s7], $0x2FFFF;
	_ =	strace $0x9FFFFFFF  }
0xc2: {  	(tm) =	ssettm $0x7FFFFFFF  }
0xc3: {  	_ =	shalt  }
tec
execute0_lowered:
.L_overlay_start_1:
0x0: {  	(tag) =	ssettag $0x1  }
0x1: {  	s1 =	rddreg [dreg:$0x0]  }
0x2: {  	s5 =	rddreg [dreg:$0x1]  }
0x3: {  	s0 =	rddreg [dreg:$0x2]  }
0x4: {  	s3 =	simm.s32 $0x0;
	s4 =	srdreg.scid;
	s2 =	stileid.u32  }
0x5: {  	s13 =	simm.s32 $0x400;
	s14 =	simm.s32 $0x7A1400;
	s15 =	simm.s32 $0x1000  }
0x6: {  	s16 =	simm.s32 $0x1;
	s17 =	simm.s32 $0x2000;
	s18 =	simm.s32 $0x2  }
0x7: {  	s19 =	simm.s32 $0x3000;
	s20 =	simm.s32 $0x3;
	s21 =	simm.s32 $0x4  }
0x8: {  	s22 =	simm.s32 $0x0;
	[smem:$0x7FF] =	sst s3;
	s6 =	sand.u32 $0x1, s4  }
0x9: {  	v0 =	vlaneseq.u32;
	s29 =	sshll.u32 s2, $0x1;
	s5 =	sadd.s32 $0xA00, s5;
	_ =	strace $0x80000047  }
.Ltmp0:
0xa: {  	v1 =	vmul.u32 $0x20, v0;
	v2 =	vor.u32 $0x10, v0;
	v4 =	vor.u32 $0x20, v0;
	s4 =	sor.u32 s6, s29;
	s7 =	ssub.s32 $0x2, s6;
	(pc) =	sbr.rel .LBB2_1-.Ltmp0, $4  }
0xb: {  	v6 =	vor.u32 $0x30, v0;
	v8 =	vor.u32 $0x40, v0;
	v10 =	vor.u32 $0x50, v0;
	s30 =	ssub.s32 $0x1EA3, s4;
	s8 =	sshrl.u32 s7, $0x1;
	s9 =	sshll.u32 s4, $0x7  }
0xc: {  	v12 =	vor.u32 $0x60, v0;
	v14 =	vor.u32 $0x70, v0;
	v3 =	vor.u32 $0x200, v1;
	s6 =	sshrl.u32 s30, $0x5;
	s10 =	ssub.s32 s7, s8;
	s7 =	sadd.s32 s1, s9  }
0xd: {  	v5 =	vor.u32 $0x400, v1;
	v7 =	vor.u32 $0x600, v1;
	v9 =	vor.u32 $0x800, v1;
	s31 =	sadd.s32 $0x1, s6;
	s8 =	sadd.s32 $0x1000, s7;
	s10 =	smax.u32 s10, $0x1  }
0xe: {  	v11 =	vor.u32 $0xA00, v1;
	v13 =	vor.u32 $0xC00, v1;
	v15 =	vor.u32 $0xE00, v1;
	s11 =	sadd.s32 $0xFFFFFFFE, s6;
	s12 =	sadd.s32 $0xFFFFFFFD, s6;
	s9 =	sshrl.u32 s31, $0x1  }
.LBB2_11:
0xf: {  	s22 =	sadd.s32 $0x1, s22  }
0x10: {  	_ =	swait.ge [sflag:s20], $0x1000;
	p0 =	sne.s32 s22, s10  }
.Ltmp1:
0x11: {  	[sflag:s20] =	ssyncset.done $0x0;
	(pc) =	sbr.rel @!p0 .LBB2_12-.Ltmp1, $4  }
0x12: {  	[sflag:s20] =	ssyncadd.s32 $0xFFFFF000  }
0x13: {  	_ =	swait.ge [sflag:s21], $0x1000  }
0x14: {  	[sflag:s21] =	ssyncset.done $0x0  }
0x15: {  	[sflag:s21] =	ssyncadd.s32 $0xFFFFF000  }
.LBB2_1:
.Ltmp2:
0x16: {  	(pc) =	sbr.rel .LBB2_2-.Ltmp2, $4  }
0x17: {  	_ = 	snop  }
0x18: {  	[tilespmem:s3], [sflag:$0x1] =	stream.strided.gather [hbm4b:s7+s13], $0x1000, s14, s13, $0x38;
	[tilespmem:$0x4000] =	vst v63  }
0x19: {  	s23 =	simm.s32 $0x0  }
0x1a: {  	[tilespmem:s15], [sflag:$0x2] =	stream.strided.gather [hbm4b:s8+s13], $0x1000, s14, s13, $0x38;
	[tilespmem:$0x4000] =	vst v63  }
.LBB2_10:
0x1b: {  	s23 =	sadd.s32 $0x1, s23  }
0x1c: {  	p0 =	sne.s32 s23, s9  }
.Ltmp3:
0x1d: {  	_ = 	snop;
	(pc) =	sbr.rel @!p0 .LBB2_11-.Ltmp3, $1  }
0x1e: {  	_ =	sdelay $0x3  }
.LBB2_2:
0x1f: {  	s24 =	sshll.u32 s23, $0x1  }
0x20: {  	p0 =	sge.u32 s24, s6  }
.Ltmp4:
0x21: {  	_ = 	snop;
	(pc) =	sbr.rel @p0 .LBB2_6-.Ltmp4, $1  }
0x22: {  	_ =	sdelay $0x3  }
0x23: {  	s25 =	simm.s32 $0x0  }
0x24: {  	v16 =	vadd.s32 s25, v0  }
0x25: {  	v16 =	vand.u32 $0x1F, v16  }
0x26: {  	_ =	swait.ge [sflag:s16], $0x1000;
	v17 =	vshll.u32 v16, $0x7  }
0x27: {  	p0 =	seq.s32 s23, $0x0;
	[sflag:s16] =	ssyncset.done $0x0;
	v18 =	vor.u32 v0, v17  }
0x28: {  	s26 =	simm.s32 @!p0 $0x3;
	[sflag:s16] =	ssyncadd.s32 $0xFFFFF000  }
0x29: {  	_ =	swait.ge @!p0 [sflag:s26], $0x1000  }
0x2a: {  	v19 =	vadd.s32 s25, v2;
	[sflag:s26] =	ssyncset.done @!p0 $0x0  }
0x2b: {  	v19 =	vand.u32 $0x1F, v19;
	[sflag:s26] =	ssyncadd.s32 @!p0 $0xFFFFF000  }
0x2c: {  	v20 =	vor.u32 v1, v16;
	v21 =	vshll.u32 v19, $0x7;
	v18 =	vld.idx.msk [tilespmem:v18+s3+$0x0], $0xffff  }
0x2d: {  	v21 =	vor.u32 v2, v21;
	_ =	sdelay $0x3  }
0x2e: {  	[tilespmem:v20+s17+$0x0] =	vst.idx.msk $0xffff, v18  }
0x2f: {  	v19 =	vor.u32 v3, v19;
	v18 =	vld.idx.msk [tilespmem:v21+s3+$0x0], $0xffff  }
0x30: {  	v20 =	vor.u32 v4, v17;
	_ =	sdelay $0x2  }
0x31: {  	v59 =	vadd.s32 s25, v6  }
0x32: {  	[tilespmem:v19+s17+$0x0] =	vst.idx.msk $0xffff, v18;
	v18 =	vand.u32 $0x1F, v59  }
0x33: {  	v19 =	vld.idx.msk [tilespmem:v20+s3+$0x0], $0xffff;
	v20 =	vor.u32 v5, v16;
	v21 =	vshll.u32 v18, $0x7  }
0x34: {  	v21 =	vor.u32 v6, v21;
	_ =	sdelay $0x3  }
0x35: {  	[tilespmem:v20+s17+$0x0] =	vst.idx.msk $0xffff, v19  }
0x36: {  	v18 =	vor.u32 v7, v18;
	v19 =	vld.idx.msk [tilespmem:v21+s3+$0x0], $0xffff  }
0x37: {  	v20 =	vor.u32 v8, v17;
	_ =	sdelay $0x2  }
0x38: {  	v60 =	vadd.s32 s25, v10  }
0x39: {  	[tilespmem:v18+s17+$0x0] =	vst.idx.msk $0xffff, v19;
	v18 =	vand.u32 $0x1F, v60  }
0x3a: {  	v19 =	vld.idx.msk [tilespmem:v20+s3+$0x0], $0xffff;
	v20 =	vor.u32 v9, v16;
	v21 =	vshll.u32 v18, $0x7  }
0x3b: {  	v21 =	vor.u32 v10, v21;
	_ =	sdelay $0x3  }
0x3c: {  	[tilespmem:v20+s17+$0x0] =	vst.idx.msk $0xffff, v19  }
0x3d: {  	v18 =	vor.u32 v11, v18;
	v19 =	vld.idx.msk [tilespmem:v21+s3+$0x0], $0xffff  }
0x3e: {  	v17 =	vor.u32 v12, v17;
	_ =	sdelay $0x2  }
0x3f: {  	v20 =	vadd.s32 s25, v14  }
0x40: {  	[tilespmem:v18+s17+$0x0] =	vst.idx.msk $0xffff, v19;
	v18 =	vand.u32 $0x1F, v20  }
0x41: {  	v16 =	vor.u32 v13, v16;
	v17 =	vld.idx.msk [tilespmem:v17+s3+$0x0], $0xffff;
	v19 =	vshll.u32 v18, $0x7  }
0x42: {  	v19 =	vor.u32 v14, v19;
	_ =	sdelay $0x1  }
0x43: {  	s30 =	simm.s32 $0x1  }
0x44: {  	v20 =	vadd.s32 s30, v0  }
0x45: {  	[tilespmem:v16+s17+$0x0] =	vst.idx.msk $0xffff, v17;
	v16 =	vand.u32 $0x1F, v20  }
0x46: {  	v18 =	vor.u32 v15, v18;
	v17 =	vld.idx.msk [tilespmem:v19+s3+$0x0], $0xffff;
	v19 =	vshll.u32 v16, $0x7  }
0x47: {  	v20 =	vor.u32 v0, v19;
	_ =	sdelay $0x2  }
0x48: {  	v61 =	vadd.s32 s30, v2  }
0x49: {  	[tilespmem:v18+s17+$0x0] =	vst.idx.msk $0xffff, v17;
	v17 =	vand.u32 $0x1F, v61  }
0x4a: {  	v18 =	vld.idx.msk [tilespmem:v20+s3+$0x0], $0xffff;
	v20 =	vor.u32 v1, v16;
	v21 =	vshll.u32 v17, $0x7  }
0x4b: {  	v21 =	vor.u32 v2, v21;
	_ =	sdelay $0x3  }
0x4c: {  	[tilespmem:v20+s17+$0x0] =	vst.idx.msk $0xffff, v18  }
0x4d: {  	v17 =	vor.u32 v3, v17;
	v18 =	vld.idx.msk [tilespmem:v21+s3+$0x0], $0xffff  }
0x4e: {  	v20 =	vor.u32 v4, v19;
	_ =	sdelay $0x2  }
0x4f: {  	v62 =	vadd.s32 s30, v6  }
0x50: {  	[tilespmem:v17+s17+$0x0] =	vst.idx.msk $0xffff, v18;
	v17 =	vand.u32 $0x1F, v62  }
0x51: {  	v18 =	vld.idx.msk [tilespmem:v20+s3+$0x0], $0xffff;
	v20 =	vor.u32 v5, v16;
	v21 =	vshll.u32 v17, $0x7  }
0x52: {  	v21 =	vor.u32 v6, v21;
	_ =	sdelay $0x3  }
0x53: {  	[tilespmem:v20+s17+$0x0] =	vst.idx.msk $0xffff, v18  }
0x54: {  	v17 =	vor.u32 v7, v17;
	v18 =	vld.idx.msk [tilespmem:v21+s3+$0x0], $0xffff  }
0x55: {  	v20 =	vor.u32 v8, v19;
	_ =	sdelay $0x2  }
0x56: {  	v63 =	vadd.s32 s30, v10  }
0x57: {  	[tilespmem:v17+s17+$0x0] =	vst.idx.msk $0xffff, v18;
	v17 =	vand.u32 $0x1F, v63  }
0x58: {  	v18 =	vld.idx.msk [tilespmem:v20+s3+$0x0], $0xffff;
	v20 =	vor.u32 v9, v16;
	v21 =	vshll.u32 v17, $0x7  }
0x59: {  	v21 =	vor.u32 v10, v21;
	_ =	sdelay $0x3  }
0x5a: {  	[tilespmem:v20+s17+$0x0] =	vst.idx.msk $0xffff, v18  }
0x5b: {  	v17 =	vor.u32 v11, v17;
	v18 =	vld.idx.msk [tilespmem:v21+s3+$0x0], $0xffff  }
0x5c: {  	v19 =	vor.u32 v12, v19;
	_ =	sdelay $0x2  }
0x5d: {  	v20 =	vor.u32 v13, v16;
	v16 =	vadd.s32 s30, v14  }
0x5e: {  	v16 =	vand.u32 $0x1F, v16;
	[tilespmem:v17+s17+$0x0] =	vst.idx.msk $0xffff, v18  }
0x5f: {  	v17 =	vshll.u32 v16, $0x7;
	v19 =	vld.idx.msk [tilespmem:v19+s3+$0x0], $0xffff  }
0x60: {  	v17 =	vor.u32 v14, v17;
	_ =	sdelay $0x2  }
0x61: {  	s31 =	sshll.u32 s23, $0x6;
	s26 =	simm.s32 $0x2  }
0x62: {  	s28 =	simm.s32 $0x4;
	s25 =	sor.u32 s4, s31;
	v18 =	vadd.s32 s26, v0;
	[tilespmem:v20+s17+$0x0] =	vst.idx.msk $0xffff, v19  }
.LBB2_4:
0x63: {  	p0 =	sne.s32 s28, $0x1E;
	v18 =	vand.u32 $0x1F, v18;
	v17 =	vld.idx.msk [tilespmem:v17+s3+$0x0], $0xffff  }
0x64: {  	v16 =	vor.u32 v15, v16;
	v19 =	vshll.u32 v18, $0x7  }
0x65: {  	v20 =	vor.u32 v0, v19;
	_ =	sdelay $0x3  }
0x66: {  	v21 =	vadd.s32 s26, v2;
	[tilespmem:v16+s17+$0x0] =	vst.idx.msk $0xffff, v17  }
0x67: {  	v17 =	vand.u32 $0x1F, v21;
	v16 =	vld.idx.msk [tilespmem:v20+s3+$0x0], $0xffff  }
0x68: {  	v20 =	vor.u32 v1, v18;
	v21 =	vshll.u32 v17, $0x7  }
0x69: {  	v21 =	vor.u32 v2, v21;
	_ =	sdelay $0x3  }
0x6a: {  	[tilespmem:v20+s17+$0x0] =	vst.idx.msk $0xffff, v16  }
0x6b: {  	v16 =	vld.idx.msk [tilespmem:v21+s3+$0x0], $0xffff  }
0x6c: {  	v17 =	vor.u32 v3, v17  }
0x6d: {  	v20 =	vor.u32 v4, v19;
	_ =	sdelay $0x3  }
0x6e: {  	[tilespmem:v17+s17+$0x0] =	vst.idx.msk $0xffff, v16;
	v16 =	vadd.s32 s26, v6  }
0x6f: {  	v17 =	vld.idx.msk [tilespmem:v20+s3+$0x0], $0xffff;
	v16 =	vand.u32 $0x1F, v16  }
0x70: {  	v20 =	vor.u32 v5, v18;
	v21 =	vshll.u32 v16, $0x7  }
0x71: {  	v21 =	vor.u32 v6, v21;
	_ =	sdelay $0x3  }
0x72: {  	[tilespmem:v20+s17+$0x0] =	vst.idx.msk $0xffff, v17  }
0x73: {  	v17 =	vld.idx.msk [tilespmem:v21+s3+$0x0], $0xffff  }
0x74: {  	v16 =	vor.u32 v7, v16  }
0x75: {  	v20 =	vor.u32 v8, v19;
	_ =	sdelay $0x3  }
0x76: {  	[tilespmem:v16+s17+$0x0] =	vst.idx.msk $0xffff, v17;
	v16 =	vadd.s32 s26, v10  }
0x77: {  	v17 =	vld.idx.msk [tilespmem:v20+s3+$0x0], $0xffff;
	v16 =	vand.u32 $0x1F, v16  }
0x78: {  	v20 =	vor.u32 v9, v18;
	v21 =	vshll.u32 v16, $0x7  }
0x79: {  	v21 =	vor.u32 v10, v21;
	_ =	sdelay $0x3  }
0x7a: {  	[tilespmem:v20+s17+$0x0] =	vst.idx.msk $0xffff, v17  }
0x7b: {  	v17 =	vld.idx.msk [tilespmem:v21+s3+$0x0], $0xffff  }
0x7c: {  	v16 =	vor.u32 v11, v16  }
0x7d: {  	v19 =	vor.u32 v12, v19;
	_ =	sdelay $0x3  }
0x7e: {  	[tilespmem:v16+s17+$0x0] =	vst.idx.msk $0xffff, v17;
	v16 =	vadd.s32 s26, v14  }
0x7f: {  	v17 =	vld.idx.msk [tilespmem:v19+s3+$0x0], $0xffff;
	v16 =	vand.u32 $0x1F, v16  }
0x80: {  	v18 =	vor.u32 v13, v18;
	v19 =	vshll.u32 v16, $0x7  }
0x81: {  	v19 =	vor.u32 v14, v19;
	_ =	sdelay $0x2  }
0x82: {  	s29 =	sadd.s32 $0x1, s26;
	s26 =	smov.u32 s28  }
0x83: {  	[tilespmem:v18+s17+$0x0] =	vst.idx.msk $0xffff, v17;
	v17 =	vadd.s32 s29, v0  }
0x84: {  	v18 =	vld.idx.msk [tilespmem:v19+s3+$0x0], $0xffff;
	v17 =	vand.u32 $0x1F, v17  }
0x85: {  	v16 =	vor.u32 v15, v16;
	v19 =	vshll.u32 v17, $0x7  }
0x86: {  	v20 =	vor.u32 v0, v19;
	_ =	sdelay $0x3  }
0x87: {  	[tilespmem:v16+s17+$0x0] =	vst.idx.msk $0xffff, v18;
	v16 =	vadd.s32 s29, v2  }
0x88: {  	v18 =	vld.idx.msk [tilespmem:v20+s3+$0x0], $0xffff;
	v16 =	vand.u32 $0x1F, v16  }
0x89: {  	v20 =	vor.u32 v1, v17;
	v21 =	vshll.u32 v16, $0x7  }
0x8a: {  	v21 =	vor.u32 v2, v21;
	_ =	sdelay $0x3  }
0x8b: {  	[tilespmem:v20+s17+$0x0] =	vst.idx.msk $0xffff, v18  }
0x8c: {  	v18 =	vld.idx.msk [tilespmem:v21+s3+$0x0], $0xffff  }
0x8d: {  	v16 =	vor.u32 v3, v16  }
0x8e: {  	v20 =	vor.u32 v4, v19;
	_ =	sdelay $0x3  }
0x8f: {  	[tilespmem:v16+s17+$0x0] =	vst.idx.msk $0xffff, v18;
	v16 =	vadd.s32 s29, v6  }
0x90: {  	v18 =	vld.idx.msk [tilespmem:v20+s3+$0x0], $0xffff;
	v16 =	vand.u32 $0x1F, v16  }
0x91: {  	v20 =	vor.u32 v5, v17;
	v21 =	vshll.u32 v16, $0x7  }
0x92: {  	v21 =	vor.u32 v6, v21;
	_ =	sdelay $0x3  }
0x93: {  	[tilespmem:v20+s17+$0x0] =	vst.idx.msk $0xffff, v18  }
0x94: {  	v18 =	vld.idx.msk [tilespmem:v21+s3+$0x0], $0xffff  }
0x95: {  	v16 =	vor.u32 v7, v16  }
0x96: {  	v20 =	vor.u32 v8, v19;
	_ =	sdelay $0x3  }
0x97: {  	[tilespmem:v16+s17+$0x0] =	vst.idx.msk $0xffff, v18;
	v16 =	vadd.s32 s29, v10  }
0x98: {  	v18 =	vld.idx.msk [tilespmem:v20+s3+$0x0], $0xffff;
	v16 =	vand.u32 $0x1F, v16  }
0x99: {  	v20 =	vor.u32 v9, v17;
	v21 =	vshll.u32 v16, $0x7  }
0x9a: {  	v21 =	vor.u32 v10, v21;
	_ =	sdelay $0x3  }
0x9b: {  	[tilespmem:v20+s17+$0x0] =	vst.idx.msk $0xffff, v18  }
0x9c: {  	v18 =	vld.idx.msk [tilespmem:v21+s3+$0x0], $0xffff  }
0x9d: {  	v16 =	vor.u32 v11, v16  }
0x9e: {  	v19 =	vor.u32 v12, v19;
	_ =	sdelay $0x3  }
0x9f: {  	[tilespmem:v16+s17+$0x0] =	vst.idx.msk $0xffff, v18;
	v16 =	vadd.s32 s29, v14  }
0xa0: {  	v19 =	vld.idx.msk [tilespmem:v19+s3+$0x0], $0xffff;
	v16 =	vand.u32 $0x1F, v16  }
0xa1: {  	v20 =	vor.u32 v13, v17;
	v17 =	vshll.u32 v16, $0x7  }
.Ltmp5:
0xa2: {  	v17 =	vor.u32 v14, v17;
	(pc) =	sbr.rel @p0 .LBB2_4-.Ltmp5, $2  }
0xa3: {  	_ =	sdelay $0x2  }
0xa4: {  	s28 =	sadd.s32 $0x2, s28;
	v18 =	vadd.s32 s26, v0;
	[tilespmem:v20+s17+$0x0] =	vst.idx.msk $0xffff, v19  }
0xa5: {  	_ =	sdelay $0x2  }
0xa6: {  	v18 =	vand.u32 $0x1F, v18  }
0xa7: {  	v17 =	vld.idx.msk [tilespmem:v17+s3+$0x0], $0xffff;
	v16 =	vor.u32 v15, v16;
	v19 =	vshll.u32 v18, $0x7  }
0xa8: {  	v20 =	vor.u32 v0, v19;
	_ =	sdelay $0x2  }
0xa9: {  	v21 =	vadd.s32 s26, v2  }
0xaa: {  	[tilespmem:v16+s17+$0x0] =	vst.idx.msk $0xffff, v17;
	v16 =	vand.u32 $0x1F, v21  }
0xab: {  	v42 =	vor.u32 v1, v18;
	v21 =	vshll.u32 v16, $0x7;
	v17 =	vld.idx.msk [tilespmem:v20+s3+$0x0], $0xffff  }
0xac: {  	v21 =	vor.u32 v2, v21;
	_ =	sdelay $0x3  }
0xad: {  	[tilespmem:v42+s17+$0x0] =	vst.idx.msk $0xffff, v17  }
0xae: {  	v16 =	vor.u32 v3, v16;
	v17 =	vld.idx.msk [tilespmem:v21+s3+$0x0], $0xffff  }
0xaf: {  	v43 =	vor.u32 v4, v19;
	_ =	sdelay $0x2  }
0xb0: {  	v44 =	vadd.s32 s26, v6  }
0xb1: {  	[tilespmem:v16+s17+$0x0] =	vst.idx.msk $0xffff, v17;
	v16 =	vand.u32 $0x1F, v44  }
0xb2: {  	v45 =	vor.u32 v5, v18;
	v17 =	vld.idx.msk [tilespmem:v43+s3+$0x0], $0xffff;
	v21 =	vshll.u32 v16, $0x7  }
0xb3: {  	v21 =	vor.u32 v6, v21;
	_ =	sdelay $0x3  }
0xb4: {  	[tilespmem:v45+s17+$0x0] =	vst.idx.msk $0xffff, v17  }
0xb5: {  	v16 =	vor.u32 v7, v16;
	v17 =	vld.idx.msk [tilespmem:v21+s3+$0x0], $0xffff  }
0xb6: {  	v46 =	vor.u32 v8, v19;
	_ =	sdelay $0x2  }
0xb7: {  	v47 =	vadd.s32 s26, v10  }
0xb8: {  	[tilespmem:v16+s17+$0x0] =	vst.idx.msk $0xffff, v17;
	v16 =	vand.u32 $0x1F, v47  }
0xb9: {  	v48 =	vor.u32 v9, v18;
	v17 =	vld.idx.msk [tilespmem:v46+s3+$0x0], $0xffff;
	v21 =	vshll.u32 v16, $0x7  }
0xba: {  	v21 =	vor.u32 v10, v21;
	_ =	sdelay $0x3  }
0xbb: {  	[tilespmem:v48+s17+$0x0] =	vst.idx.msk $0xffff, v17  }
0xbc: {  	v16 =	vor.u32 v11, v16;
	v17 =	vld.idx.msk [tilespmem:v21+s3+$0x0], $0xffff  }
0xbd: {  	v19 =	vor.u32 v12, v19;
	_ =	sdelay $0x2  }
0xbe: {  	v49 =	vadd.s32 s26, v14  }
0xbf: {  	[tilespmem:v16+s17+$0x0] =	vst.idx.msk $0xffff, v17;
	v16 =	vand.u32 $0x1F, v49  }
0xc0: {  	v18 =	vor.u32 v13, v18;
	v17 =	vld.idx.msk [tilespmem:v19+s3+$0x0], $0xffff;
	v50 =	vshll.u32 v16, $0x7  }
0xc1: {  	v19 =	vor.u32 v14, v50;
	_ =	sdelay $0x1  }
0xc2: {  	s30 =	sadd.s32 $0x1, s26  }
0xc3: {  	v51 =	vadd.s32 s30, v0  }
0xc4: {  	[tilespmem:v18+s17+$0x0] =	vst.idx.msk $0xffff, v17;
	v17 =	vand.u32 $0x1F, v51  }
0xc5: {  	v16 =	vor.u32 v15, v16;
	v18 =	vld.idx.msk [tilespmem:v19+s3+$0x0], $0xffff;
	v52 =	vshll.u32 v17, $0x7  }
0xc6: {  	v53 =	vor.u32 v0, v52;
	_ =	sdelay $0x2  }
0xc7: {  	v54 =	vadd.s32 s30, v2  }
0xc8: {  	[tilespmem:v16+s17+$0x0] =	vst.idx.msk $0xffff, v18;
	v16 =	vand.u32 $0x1F, v54  }
0xc9: {  	v55 =	vor.u32 v1, v17;
	v18 =	vld.idx.msk [tilespmem:v53+s3+$0x0], $0xffff;
	v21 =	vshll.u32 v16, $0x7  }
0xca: {  	v21 =	vor.u32 v2, v21;
	_ =	sdelay $0x3  }
0xcb: {  	[tilespmem:v55+s17+$0x0] =	vst.idx.msk $0xffff, v18  }
0xcc: {  	v16 =	vor.u32 v3, v16;
	v18 =	vld.idx.msk [tilespmem:v21+s3+$0x0], $0xffff  }
0xcd: {  	v56 =	vor.u32 v4, v52;
	_ =	sdelay $0x2  }
0xce: {  	v57 =	vadd.s32 s30, v6  }
0xcf: {  	[tilespmem:v16+s17+$0x0] =	vst.idx.msk $0xffff, v18;
	v16 =	vand.u32 $0x1F, v57  }
0xd0: {  	v58 =	vor.u32 v5, v17;
	v18 =	vld.idx.msk [tilespmem:v56+s3+$0x0], $0xffff;
	v21 =	vshll.u32 v16, $0x7  }
0xd1: {  	v21 =	vor.u32 v6, v21;
	_ =	sdelay $0x3  }
0xd2: {  	[tilespmem:v58+s17+$0x0] =	vst.idx.msk $0xffff, v18  }
0xd3: {  	v16 =	vor.u32 v7, v16;
	v18 =	vld.idx.msk [tilespmem:v21+s3+$0x0], $0xffff  }
0xd4: {  	v59 =	vor.u32 v8, v52;
	_ =	sdelay $0x2  }
0xd5: {  	v60 =	vadd.s32 s30, v10  }
0xd6: {  	[tilespmem:v16+s17+$0x0] =	vst.idx.msk $0xffff, v18;
	v16 =	vand.u32 $0x1F, v60  }
0xd7: {  	v61 =	vor.u32 v9, v17;
	v18 =	vld.idx.msk [tilespmem:v59+s3+$0x0], $0xffff;
	v21 =	vshll.u32 v16, $0x7  }
0xd8: {  	v21 =	vor.u32 v10, v21;
	_ =	sdelay $0x3  }
0xd9: {  	[tilespmem:v61+s17+$0x0] =	vst.idx.msk $0xffff, v18  }
0xda: {  	v16 =	vor.u32 v11, v16;
	v18 =	vld.idx.msk [tilespmem:v21+s3+$0x0], $0xffff  }
0xdb: {  	v19 =	vor.u32 v12, v52;
	_ =	sdelay $0x2  }
0xdc: {  	v62 =	vadd.s32 s30, v14  }
0xdd: {  	[tilespmem:v16+s17+$0x0] =	vst.idx.msk $0xffff, v18;
	v16 =	vand.u32 $0x1F, v62  }
0xde: {  	v17 =	vor.u32 v13, v17;
	v18 =	vld.idx.msk [tilespmem:v19+s3+$0x0], $0xffff;
	v63 =	vshll.u32 v16, $0x7  }
0xdf: {  	v19 =	vor.u32 v14, v63;
	_ =	sdelay $0x3  }
0xe0: {  	[tilespmem:v17+s17+$0x0] =	vst.idx.msk $0xffff, v18  }
0xe1: {  	v16 =	vor.u32 v15, v16;
	v17 =	vld.idx.msk [tilespmem:v19+s3+$0x0], $0xffff;
	_ =	sdelay $0x1  }
0xe2: {  	p0 =	sge.u32 s24, s11  }
0xe3: {  	s31 =	sshll.u32 s25, $0x9;
	s25 =	sshll.u32 @!p0 s25, $0xA  }
0xe4: {  	s26 =	sand.u32 $0x1FFFBE00, s31;
	s25 =	sadd.s32 @!p0 $0x10000, s25  }
0xe5: {  	s28 =	simm.s32 @!p0 $0x7A1400;
	s26 =	sadd.s32 s5, s26;
	s25 =	sshrl.u32 @!p0 s25, $0x3;
	[tilespmem:v16+s17+$0x0] =	vst.idx.msk $0xffff, v17  }
0xe6: {  	[hbm4b:s26+s3] =	stream.linear.scatter [tilespmem:s17], [sflag:$0x3], $0x1000, $0x38;
	[tilespmem:$0x4000] =	vst v63  }
0xe7: {  	s29 =	simm.s32 @!p0 $0x0;
	s25 =	sadd.s32 @!p0 s1, s25;
	s26 =	simm.s32 @!p0 $0x400  }
0xe8: {  	[tilespmem:s29], [sflag:$0x1] =	stream.strided.gather @!p0 [hbm4b:s25+s26], $0x1000, s28, s26, $0x38;
	[tilespmem:$0x4000] =	vst v63  }
.LBB2_6:
0xe9: {  	s25 =	sor.u32 $0x1, s24  }
0xea: {  	p0 =	sge.u32 s25, s6  }
.Ltmp6:
0xeb: {  	_ = 	snop;
	(pc) =	sbr.rel @p0 .LBB2_10-.Ltmp6, $1  }
0xec: {  	_ =	sdelay $0x3  }
0xed: {  	s26 =	simm.s32 $0x0  }
0xee: {  	v16 =	vadd.s32 s26, v0  }
0xef: {  	v16 =	vand.u32 $0x1F, v16  }
0xf0: {  	_ =	swait.ge [sflag:s18], $0x1000;
	v17 =	vshll.u32 v16, $0x7  }
0xf1: {  	p0 =	seq.s32 s23, $0x0;
	[sflag:s18] =	ssyncset.done $0x0;
	v18 =	vor.u32 v0, v17  }
0xf2: {  	s28 =	simm.s32 @!p0 $0x4;
	[sflag:s18] =	ssyncadd.s32 $0xFFFFF000  }
0xf3: {  	_ =	swait.ge @!p0 [sflag:s28], $0x1000  }
0xf4: {  	v19 =	vadd.s32 s26, v2;
	[sflag:s28] =	ssyncset.done @!p0 $0x0  }
0xf5: {  	v19 =	vand.u32 $0x1F, v19;
	[sflag:s28] =	ssyncadd.s32 @!p0 $0xFFFFF000  }
0xf6: {  	v20 =	vor.u32 v1, v16;
	v21 =	vshll.u32 v19, $0x7;
	v18 =	vld.idx.msk [tilespmem:v18+s15+$0x0], $0xffff  }
0xf7: {  	v21 =	vor.u32 v2, v21;
	_ =	sdelay $0x3  }
0xf8: {  	[tilespmem:v20+s19+$0x0] =	vst.idx.msk $0xffff, v18  }
0xf9: {  	v19 =	vor.u32 v3, v19;
	v18 =	vld.idx.msk [tilespmem:v21+s15+$0x0], $0xffff  }
0xfa: {  	v20 =	vor.u32 v4, v17;
	_ =	sdelay $0x2  }
0xfb: {  	v59 =	vadd.s32 s26, v6  }
0xfc: {  	[tilespmem:v19+s19+$0x0] =	vst.idx.msk $0xffff, v18;
	v18 =	vand.u32 $0x1F, v59  }
0xfd: {  	v19 =	vld.idx.msk [tilespmem:v20+s15+$0x0], $0xffff;
	v20 =	vor.u32 v5, v16;
	v21 =	vshll.u32 v18, $0x7  }
0xfe: {  	v21 =	vor.u32 v6, v21;
	_ =	sdelay $0x3  }
0xff: {  	[tilespmem:v20+s19+$0x0] =	vst.idx.msk $0xffff, v19  }
0x100: {  	v18 =	vor.u32 v7, v18;
	v19 =	vld.idx.msk [tilespmem:v21+s15+$0x0], $0xffff  }
0x101: {  	v20 =	vor.u32 v8, v17;
	_ =	sdelay $0x2  }
0x102: {  	v60 =	vadd.s32 s26, v10  }
0x103: {  	[tilespmem:v18+s19+$0x0] =	vst.idx.msk $0xffff, v19;
	v18 =	vand.u32 $0x1F, v60  }
0x104: {  	v19 =	vld.idx.msk [tilespmem:v20+s15+$0x0], $0xffff;
	v20 =	vor.u32 v9, v16;
	v21 =	vshll.u32 v18, $0x7  }
0x105: {  	v21 =	vor.u32 v10, v21;
	_ =	sdelay $0x3  }
0x106: {  	[tilespmem:v20+s19+$0x0] =	vst.idx.msk $0xffff, v19  }
0x107: {  	v18 =	vor.u32 v11, v18;
	v19 =	vld.idx.msk [tilespmem:v21+s15+$0x0], $0xffff  }
0x108: {  	v17 =	vor.u32 v12, v17;
	_ =	sdelay $0x2  }
0x109: {  	v20 =	vadd.s32 s26, v14  }
0x10a: {  	[tilespmem:v18+s19+$0x0] =	vst.idx.msk $0xffff, v19;
	v18 =	vand.u32 $0x1F, v20  }
0x10b: {  	v16 =	vor.u32 v13, v16;
	v17 =	vld.idx.msk [tilespmem:v17+s15+$0x0], $0xffff;
	v19 =	vshll.u32 v18, $0x7  }
0x10c: {  	v19 =	vor.u32 v14, v19;
	_ =	sdelay $0x1  }
0x10d: {  	s31 =	simm.s32 $0x1  }
0x10e: {  	v20 =	vadd.s32 s31, v0  }
0x10f: {  	[tilespmem:v16+s19+$0x0] =	vst.idx.msk $0xffff, v17;
	v16 =	vand.u32 $0x1F, v20  }
0x110: {  	v18 =	vor.u32 v15, v18;
	v17 =	vld.idx.msk [tilespmem:v19+s15+$0x0], $0xffff;
	v19 =	vshll.u32 v16, $0x7  }
0x111: {  	v20 =	vor.u32 v0, v19;
	_ =	sdelay $0x2  }
0x112: {  	v61 =	vadd.s32 s31, v2  }
0x113: {  	[tilespmem:v18+s19+$0x0] =	vst.idx.msk $0xffff, v17;
	v17 =	vand.u32 $0x1F, v61  }
0x114: {  	v18 =	vld.idx.msk [tilespmem:v20+s15+$0x0], $0xffff;
	v20 =	vor.u32 v1, v16;
	v21 =	vshll.u32 v17, $0x7  }
0x115: {  	v21 =	vor.u32 v2, v21;
	_ =	sdelay $0x3  }
0x116: {  	[tilespmem:v20+s19+$0x0] =	vst.idx.msk $0xffff, v18  }
0x117: {  	v17 =	vor.u32 v3, v17;
	v18 =	vld.idx.msk [tilespmem:v21+s15+$0x0], $0xffff  }
0x118: {  	v20 =	vor.u32 v4, v19;
	_ =	sdelay $0x2  }
0x119: {  	v62 =	vadd.s32 s31, v6  }
0x11a: {  	[tilespmem:v17+s19+$0x0] =	vst.idx.msk $0xffff, v18;
	v17 =	vand.u32 $0x1F, v62  }
0x11b: {  	v18 =	vld.idx.msk [tilespmem:v20+s15+$0x0], $0xffff;
	v20 =	vor.u32 v5, v16;
	v21 =	vshll.u32 v17, $0x7  }
0x11c: {  	v21 =	vor.u32 v6, v21;
	_ =	sdelay $0x3  }
0x11d: {  	[tilespmem:v20+s19+$0x0] =	vst.idx.msk $0xffff, v18  }
0x11e: {  	v17 =	vor.u32 v7, v17;
	v18 =	vld.idx.msk [tilespmem:v21+s15+$0x0], $0xffff  }
0x11f: {  	v20 =	vor.u32 v8, v19;
	_ =	sdelay $0x2  }
0x120: {  	v63 =	vadd.s32 s31, v10  }
0x121: {  	[tilespmem:v17+s19+$0x0] =	vst.idx.msk $0xffff, v18;
	v17 =	vand.u32 $0x1F, v63  }
0x122: {  	v18 =	vld.idx.msk [tilespmem:v20+s15+$0x0], $0xffff;
	v20 =	vor.u32 v9, v16;
	v21 =	vshll.u32 v17, $0x7  }
0x123: {  	v21 =	vor.u32 v10, v21;
	_ =	sdelay $0x3  }
0x124: {  	[tilespmem:v20+s19+$0x0] =	vst.idx.msk $0xffff, v18  }
0x125: {  	v17 =	vor.u32 v11, v17;
	v18 =	vld.idx.msk [tilespmem:v21+s15+$0x0], $0xffff  }
0x126: {  	v19 =	vor.u32 v12, v19;
	_ =	sdelay $0x2  }
0x127: {  	v20 =	vor.u32 v13, v16;
	v16 =	vadd.s32 s31, v14  }
0x128: {  	v16 =	vand.u32 $0x1F, v16;
	[tilespmem:v17+s19+$0x0] =	vst.idx.msk $0xffff, v18  }
0x129: {  	v17 =	vshll.u32 v16, $0x7;
	v19 =	vld.idx.msk [tilespmem:v19+s15+$0x0], $0xffff  }
0x12a: {  	v17 =	vor.u32 v14, v17;
	_ =	sdelay $0x2  }
0x12b: {  	s25 =	sshll.u32 s25, $0x5;
	s26 =	simm.s32 $0x2  }
0x12c: {  	s25 =	sor.u32 s4, s25;
	s28 =	simm.s32 $0x4;
	v18 =	vadd.s32 s26, v0;
	[tilespmem:v20+s19+$0x0] =	vst.idx.msk $0xffff, v19  }
.LBB2_8:
0x12d: {  	p0 =	sne.s32 s28, $0x1E;
	v18 =	vand.u32 $0x1F, v18;
	v17 =	vld.idx.msk [tilespmem:v17+s15+$0x0], $0xffff  }
0x12e: {  	v16 =	vor.u32 v15, v16;
	v19 =	vshll.u32 v18, $0x7  }
0x12f: {  	v20 =	vor.u32 v0, v19;
	_ =	sdelay $0x3  }
0x130: {  	v21 =	vadd.s32 s26, v2;
	[tilespmem:v16+s19+$0x0] =	vst.idx.msk $0xffff, v17  }
0x131: {  	v17 =	vand.u32 $0x1F, v21;
	v16 =	vld.idx.msk [tilespmem:v20+s15+$0x0], $0xffff  }
0x132: {  	v20 =	vor.u32 v1, v18;
	v21 =	vshll.u32 v17, $0x7  }
0x133: {  	v21 =	vor.u32 v2, v21;
	_ =	sdelay $0x3  }
0x134: {  	[tilespmem:v20+s19+$0x0] =	vst.idx.msk $0xffff, v16  }
0x135: {  	v16 =	vld.idx.msk [tilespmem:v21+s15+$0x0], $0xffff  }
0x136: {  	v17 =	vor.u32 v3, v17  }
0x137: {  	v20 =	vor.u32 v4, v19;
	_ =	sdelay $0x3  }
0x138: {  	[tilespmem:v17+s19+$0x0] =	vst.idx.msk $0xffff, v16;
	v16 =	vadd.s32 s26, v6  }
0x139: {  	v17 =	vld.idx.msk [tilespmem:v20+s15+$0x0], $0xffff;
	v16 =	vand.u32 $0x1F, v16  }
0x13a: {  	v20 =	vor.u32 v5, v18;
	v21 =	vshll.u32 v16, $0x7  }
0x13b: {  	v21 =	vor.u32 v6, v21;
	_ =	sdelay $0x3  }
0x13c: {  	[tilespmem:v20+s19+$0x0] =	vst.idx.msk $0xffff, v17  }
0x13d: {  	v17 =	vld.idx.msk [tilespmem:v21+s15+$0x0], $0xffff  }
0x13e: {  	v16 =	vor.u32 v7, v16  }
0x13f: {  	v20 =	vor.u32 v8, v19;
	_ =	sdelay $0x3  }
0x140: {  	[tilespmem:v16+s19+$0x0] =	vst.idx.msk $0xffff, v17;
	v16 =	vadd.s32 s26, v10  }
0x141: {  	v17 =	vld.idx.msk [tilespmem:v20+s15+$0x0], $0xffff;
	v16 =	vand.u32 $0x1F, v16  }
0x142: {  	v20 =	vor.u32 v9, v18;
	v21 =	vshll.u32 v16, $0x7  }
0x143: {  	v21 =	vor.u32 v10, v21;
	_ =	sdelay $0x3  }
0x144: {  	[tilespmem:v20+s19+$0x0] =	vst.idx.msk $0xffff, v17  }
0x145: {  	v17 =	vld.idx.msk [tilespmem:v21+s15+$0x0], $0xffff  }
0x146: {  	v16 =	vor.u32 v11, v16  }
0x147: {  	v19 =	vor.u32 v12, v19;
	_ =	sdelay $0x3  }
0x148: {  	[tilespmem:v16+s19+$0x0] =	vst.idx.msk $0xffff, v17;
	v16 =	vadd.s32 s26, v14  }
0x149: {  	v17 =	vld.idx.msk [tilespmem:v19+s15+$0x0], $0xffff;
	v16 =	vand.u32 $0x1F, v16  }
0x14a: {  	v18 =	vor.u32 v13, v18;
	v19 =	vshll.u32 v16, $0x7  }
0x14b: {  	v19 =	vor.u32 v14, v19;
	_ =	sdelay $0x2  }
0x14c: {  	s29 =	sadd.s32 $0x1, s26;
	s26 =	smov.u32 s28  }
0x14d: {  	[tilespmem:v18+s19+$0x0] =	vst.idx.msk $0xffff, v17;
	v17 =	vadd.s32 s29, v0  }
0x14e: {  	v18 =	vld.idx.msk [tilespmem:v19+s15+$0x0], $0xffff;
	v17 =	vand.u32 $0x1F, v17  }
0x14f: {  	v16 =	vor.u32 v15, v16;
	v19 =	vshll.u32 v17, $0x7  }
0x150: {  	v20 =	vor.u32 v0, v19;
	_ =	sdelay $0x3  }
0x151: {  	[tilespmem:v16+s19+$0x0] =	vst.idx.msk $0xffff, v18;
	v16 =	vadd.s32 s29, v2  }
0x152: {  	v18 =	vld.idx.msk [tilespmem:v20+s15+$0x0], $0xffff;
	v16 =	vand.u32 $0x1F, v16  }
0x153: {  	v20 =	vor.u32 v1, v17;
	v21 =	vshll.u32 v16, $0x7  }
0x154: {  	v21 =	vor.u32 v2, v21;
	_ =	sdelay $0x3  }
0x155: {  	[tilespmem:v20+s19+$0x0] =	vst.idx.msk $0xffff, v18  }
0x156: {  	v18 =	vld.idx.msk [tilespmem:v21+s15+$0x0], $0xffff  }
0x157: {  	v16 =	vor.u32 v3, v16  }
0x158: {  	v20 =	vor.u32 v4, v19;
	_ =	sdelay $0x3  }
0x159: {  	[tilespmem:v16+s19+$0x0] =	vst.idx.msk $0xffff, v18;
	v16 =	vadd.s32 s29, v6  }
0x15a: {  	v18 =	vld.idx.msk [tilespmem:v20+s15+$0x0], $0xffff;
	v16 =	vand.u32 $0x1F, v16  }
0x15b: {  	v20 =	vor.u32 v5, v17;
	v21 =	vshll.u32 v16, $0x7  }
0x15c: {  	v21 =	vor.u32 v6, v21;
	_ =	sdelay $0x3  }
0x15d: {  	[tilespmem:v20+s19+$0x0] =	vst.idx.msk $0xffff, v18  }
0x15e: {  	v18 =	vld.idx.msk [tilespmem:v21+s15+$0x0], $0xffff  }
0x15f: {  	v16 =	vor.u32 v7, v16  }
0x160: {  	v20 =	vor.u32 v8, v19;
	_ =	sdelay $0x3  }
0x161: {  	[tilespmem:v16+s19+$0x0] =	vst.idx.msk $0xffff, v18;
	v16 =	vadd.s32 s29, v10  }
0x162: {  	v18 =	vld.idx.msk [tilespmem:v20+s15+$0x0], $0xffff;
	v16 =	vand.u32 $0x1F, v16  }
0x163: {  	v20 =	vor.u32 v9, v17;
	v21 =	vshll.u32 v16, $0x7  }
0x164: {  	v21 =	vor.u32 v10, v21;
	_ =	sdelay $0x3  }
0x165: {  	[tilespmem:v20+s19+$0x0] =	vst.idx.msk $0xffff, v18  }
0x166: {  	v18 =	vld.idx.msk [tilespmem:v21+s15+$0x0], $0xffff  }
0x167: {  	v16 =	vor.u32 v11, v16  }
0x168: {  	v19 =	vor.u32 v12, v19;
	_ =	sdelay $0x3  }
0x169: {  	[tilespmem:v16+s19+$0x0] =	vst.idx.msk $0xffff, v18;
	v16 =	vadd.s32 s29, v14  }
0x16a: {  	v19 =	vld.idx.msk [tilespmem:v19+s15+$0x0], $0xffff;
	v16 =	vand.u32 $0x1F, v16  }
0x16b: {  	v20 =	vor.u32 v13, v17;
	v17 =	vshll.u32 v16, $0x7  }
.Ltmp7:
0x16c: {  	v17 =	vor.u32 v14, v17;
	(pc) =	sbr.rel @p0 .LBB2_8-.Ltmp7, $2  }
0x16d: {  	_ =	sdelay $0x2  }
0x16e: {  	s28 =	sadd.s32 $0x2, s28;
	v18 =	vadd.s32 s26, v0;
	[tilespmem:v20+s19+$0x0] =	vst.idx.msk $0xffff, v19  }
0x16f: {  	_ =	sdelay $0x2  }
0x170: {  	v18 =	vand.u32 $0x1F, v18  }
0x171: {  	v17 =	vld.idx.msk [tilespmem:v17+s15+$0x0], $0xffff;
	v16 =	vor.u32 v15, v16;
	v19 =	vshll.u32 v18, $0x7  }
0x172: {  	v20 =	vor.u32 v0, v19;
	_ =	sdelay $0x2  }
0x173: {  	v21 =	vadd.s32 s26, v2  }
0x174: {  	[tilespmem:v16+s19+$0x0] =	vst.idx.msk $0xffff, v17;
	v16 =	vand.u32 $0x1F, v21  }
0x175: {  	v42 =	vor.u32 v1, v18;
	v21 =	vshll.u32 v16, $0x7;
	v17 =	vld.idx.msk [tilespmem:v20+s15+$0x0], $0xffff  }
0x176: {  	v21 =	vor.u32 v2, v21;
	_ =	sdelay $0x3  }
0x177: {  	[tilespmem:v42+s19+$0x0] =	vst.idx.msk $0xffff, v17  }
0x178: {  	v16 =	vor.u32 v3, v16;
	v17 =	vld.idx.msk [tilespmem:v21+s15+$0x0], $0xffff  }
0x179: {  	v43 =	vor.u32 v4, v19;
	_ =	sdelay $0x2  }
0x17a: {  	v44 =	vadd.s32 s26, v6  }
0x17b: {  	[tilespmem:v16+s19+$0x0] =	vst.idx.msk $0xffff, v17;
	v16 =	vand.u32 $0x1F, v44  }
0x17c: {  	v45 =	vor.u32 v5, v18;
	v17 =	vld.idx.msk [tilespmem:v43+s15+$0x0], $0xffff;
	v21 =	vshll.u32 v16, $0x7  }
0x17d: {  	v21 =	vor.u32 v6, v21;
	_ =	sdelay $0x3  }
0x17e: {  	[tilespmem:v45+s19+$0x0] =	vst.idx.msk $0xffff, v17  }
0x17f: {  	v16 =	vor.u32 v7, v16;
	v17 =	vld.idx.msk [tilespmem:v21+s15+$0x0], $0xffff  }
0x180: {  	v46 =	vor.u32 v8, v19;
	_ =	sdelay $0x2  }
0x181: {  	v47 =	vadd.s32 s26, v10  }
0x182: {  	[tilespmem:v16+s19+$0x0] =	vst.idx.msk $0xffff, v17;
	v16 =	vand.u32 $0x1F, v47  }
0x183: {  	v48 =	vor.u32 v9, v18;
	v17 =	vld.idx.msk [tilespmem:v46+s15+$0x0], $0xffff;
	v21 =	vshll.u32 v16, $0x7  }
0x184: {  	v21 =	vor.u32 v10, v21;
	_ =	sdelay $0x3  }
0x185: {  	[tilespmem:v48+s19+$0x0] =	vst.idx.msk $0xffff, v17  }
0x186: {  	v16 =	vor.u32 v11, v16;
	v17 =	vld.idx.msk [tilespmem:v21+s15+$0x0], $0xffff  }
0x187: {  	v19 =	vor.u32 v12, v19;
	_ =	sdelay $0x2  }
0x188: {  	v49 =	vadd.s32 s26, v14  }
0x189: {  	[tilespmem:v16+s19+$0x0] =	vst.idx.msk $0xffff, v17;
	v16 =	vand.u32 $0x1F, v49  }
0x18a: {  	v18 =	vor.u32 v13, v18;
	v17 =	vld.idx.msk [tilespmem:v19+s15+$0x0], $0xffff;
	v50 =	vshll.u32 v16, $0x7  }
0x18b: {  	v19 =	vor.u32 v14, v50;
	_ =	sdelay $0x1  }
0x18c: {  	s30 =	sadd.s32 $0x1, s26  }
0x18d: {  	v51 =	vadd.s32 s30, v0  }
0x18e: {  	[tilespmem:v18+s19+$0x0] =	vst.idx.msk $0xffff, v17;
	v17 =	vand.u32 $0x1F, v51  }
0x18f: {  	v16 =	vor.u32 v15, v16;
	v18 =	vld.idx.msk [tilespmem:v19+s15+$0x0], $0xffff;
	v52 =	vshll.u32 v17, $0x7  }
0x190: {  	v53 =	vor.u32 v0, v52;
	_ =	sdelay $0x2  }
0x191: {  	v54 =	vadd.s32 s30, v2  }
0x192: {  	[tilespmem:v16+s19+$0x0] =	vst.idx.msk $0xffff, v18;
	v16 =	vand.u32 $0x1F, v54  }
0x193: {  	v55 =	vor.u32 v1, v17;
	v18 =	vld.idx.msk [tilespmem:v53+s15+$0x0], $0xffff;
	v21 =	vshll.u32 v16, $0x7  }
0x194: {  	v21 =	vor.u32 v2, v21;
	_ =	sdelay $0x3  }
0x195: {  	[tilespmem:v55+s19+$0x0] =	vst.idx.msk $0xffff, v18  }
0x196: {  	v16 =	vor.u32 v3, v16;
	v18 =	vld.idx.msk [tilespmem:v21+s15+$0x0], $0xffff  }
0x197: {  	v56 =	vor.u32 v4, v52;
	_ =	sdelay $0x2  }
0x198: {  	v57 =	vadd.s32 s30, v6  }
0x199: {  	[tilespmem:v16+s19+$0x0] =	vst.idx.msk $0xffff, v18;
	v16 =	vand.u32 $0x1F, v57  }
0x19a: {  	v58 =	vor.u32 v5, v17;
	v18 =	vld.idx.msk [tilespmem:v56+s15+$0x0], $0xffff;
	v21 =	vshll.u32 v16, $0x7  }
0x19b: {  	v21 =	vor.u32 v6, v21;
	_ =	sdelay $0x3  }
0x19c: {  	[tilespmem:v58+s19+$0x0] =	vst.idx.msk $0xffff, v18  }
0x19d: {  	v16 =	vor.u32 v7, v16;
	v18 =	vld.idx.msk [tilespmem:v21+s15+$0x0], $0xffff  }
0x19e: {  	v59 =	vor.u32 v8, v52;
	_ =	sdelay $0x2  }
0x19f: {  	v60 =	vadd.s32 s30, v10  }
0x1a0: {  	[tilespmem:v16+s19+$0x0] =	vst.idx.msk $0xffff, v18;
	v16 =	vand.u32 $0x1F, v60  }
0x1a1: {  	v61 =	vor.u32 v9, v17;
	v18 =	vld.idx.msk [tilespmem:v59+s15+$0x0], $0xffff;
	v21 =	vshll.u32 v16, $0x7  }
0x1a2: {  	v21 =	vor.u32 v10, v21;
	_ =	sdelay $0x3  }
0x1a3: {  	[tilespmem:v61+s19+$0x0] =	vst.idx.msk $0xffff, v18  }
0x1a4: {  	v16 =	vor.u32 v11, v16;
	v18 =	vld.idx.msk [tilespmem:v21+s15+$0x0], $0xffff  }
0x1a5: {  	v19 =	vor.u32 v12, v52;
	_ =	sdelay $0x2  }
0x1a6: {  	v62 =	vadd.s32 s30, v14  }
0x1a7: {  	[tilespmem:v16+s19+$0x0] =	vst.idx.msk $0xffff, v18;
	v16 =	vand.u32 $0x1F, v62  }
0x1a8: {  	v17 =	vor.u32 v13, v17;
	v18 =	vld.idx.msk [tilespmem:v19+s15+$0x0], $0xffff;
	v63 =	vshll.u32 v16, $0x7  }
0x1a9: {  	v19 =	vor.u32 v14, v63;
	_ =	sdelay $0x3  }
0x1aa: {  	[tilespmem:v17+s19+$0x0] =	vst.idx.msk $0xffff, v18  }
0x1ab: {  	v16 =	vor.u32 v15, v16;
	v17 =	vld.idx.msk [tilespmem:v19+s15+$0x0], $0xffff;
	_ =	sdelay $0x1  }
0x1ac: {  	s31 =	sshll.u32 s25, $0x9;
	p0 =	sge.u32 s24, s12  }
0x1ad: {  	s26 =	sand.u32 $0x1FFFFE00, s31;
	s24 =	sshll.u32 @!p0 s25, $0x7  }
.Ltmp8:
0x1ae: {  	s24 =	sand.u32 @!p0 $0x1FFFFF80, s24;
	(pc) =	sbr.rel .LBB2_10-.Ltmp8, $4  }
0x1af: {  	s25 =	simm.s32 @!p0 $0x400;
	s26 =	sadd.s32 s5, s26;
	s24 =	sadd.s32 @!p0 s1, s24;
	[tilespmem:v16+s19+$0x0] =	vst.idx.msk $0xffff, v17  }
0x1b0: {  	[hbm4b:s26+s3] =	stream.linear.scatter [tilespmem:s19], [sflag:$0x4], $0x1000, $0x38;
	[tilespmem:$0x4000] =	vst v63  }
0x1b1: {  	s28 =	simm.s32 @!p0 $0x1000;
	s24 =	sadd.s32 @!p0 $0x2000, s24;
	s26 =	simm.s32 @!p0 $0x7A1400  }
0x1b2: {  	[tilespmem:s28], [sflag:$0x2] =	stream.strided.gather @!p0 [hbm4b:s24+s25], $0x1000, s26, s25, $0x38;
	[tilespmem:$0x4000] =	vst v63  }
.LBB2_12:
0x1b3: {  	_ =	sfence.sel $0x180000  }
0x1b4: {  	[bflag:$0x0] =	sbarrier.arrive $0xFFFF  }
0x1b5: {  	p0 =	sne.s32 s2, $0x0;
	_ =	strace $0x90000047  }
0x1b6: {  	s0 =	sadd.s32 @!p0 $0x100000, s0;
	[bflag:$0x2] =	sbarrier.arrive $0xFFFF  }
0x1b7: {  	[sflag:s0] =	ssyncadd.tile.s32 @!p0 $0x1;
	_ =	shalt  }
.Lfunc_end2:
_tile_overlayer_lowered:
.L_overlay_start_2:
0x1b8: {  	(tag) =	ssettag $0x2  }
0x1b9: {  	s0 =	rddreg [dreg:$0x0];
	s2 =	stileid.u32  }
0x1ba: {  	s1 =	rddreg [dreg:$0x1];
	p0 =	sne.s32 s2, $0x0  }
0x1bb: {  	s3 =	rddreg [dreg:$0x2];
	[bflag:$0x3] =	sbarrier.arrive $0xFFFF;
	s2 =	simm.s32 @!p0 $0x1C05  }
0x1bc: {  	[timem:s3], [sflag:s2] =	dma.local @!p0 [hbm:s0], s1  }
0x1bd: {  	s0 =	simm.s32 @!p0 $0x5  }
0x1be: {  	_ =	swait.ge @!p0 [sflag:s0], s1  }
0x1bf: {  	s1 =	ssub.s32 @!p0 $0x0, s1;
	[sflag:s0] =	ssyncset.done @!p0 $0x0  }
0x1c0: {  	[sflag:s0] =	ssyncadd.s32 @!p0 s1  }
0x1c1: {  	[bflag:$0x3] =	sbarrier.arrive $0xFFFF  }
0x1c2: {  	_ =	shalt  }

// kernel: kernel.7.cloned.1.call-start
scs
__scs_entry_jumppad:
0x0: {  	(pc) =	sbr.rel $0x88, $3  }
0x1: {  	(tag) =	ssettag $0x0;
	lr =	simm.s32 $0x1  }
0x2: {  	[smem:$0x3F9F] =	sst lr;
	_ =	strace $0xD0000000  }
0x3: {  	_ = 	snop  }
0x4: {  	_ = 	snop  }
0x5: {  	_ = 	snop  }
0x6: {  	_ = 	snop  }
0x7: {  	_ = 	snop  }
__scs_overlays_trampoline_lowered:
0x8: {  	[smem:$0x3FAE] =	sst s0  }
0x9: {  	[smem:$0x3FAF] =	sst s1  }
0xa: {  	[smem:$0x3FB0] =	sst s2  }
0xb: {  	[smem:$0x3FB1] =	sst s3  }
0xc: {  	[smem:$0x3FB2] =	sst s4  }
0xd: {  	[smem:$0x3FB3] =	sst s5  }
0xe: {  	[smem:$0x3FB4] =	sst s6  }
0xf: {  	[smem:$0x3FB5] =	sst s7  }
0x10: {  	[smem:$0x3FB6] =	sst s8  }
0x11: {  	[smem:$0x3FB7] =	sst s9;
	s0 =	simm.s32 @!p0 $0x0  }
0x12: {  	s1 =	sld [smem:$0x3F9D];
	s0 =	simm.s32 @p0 $0x1  }
0x13: {  	[smem:$0x3FB8] =	sst s0;
	s0 =	simm.s32 @!p1 $0x0  }
0x14: {  	s2 =	sld [smem:$0x3F9C];
	s0 =	simm.s32 @p1 $0x1  }
0x15: {  	[smem:$0x3FB9] =	sst s0;
	s0 =	simm.s32 @!p2 $0x0  }
0x16: {  	s3 =	sld [smem:$0x3FDB];
	s0 =	simm.s32 @p2 $0x1  }
0x17: {  	s4 =	simm.s32 $0x1BF5;
	[smem:$0x3FBB] =	sst s0  }
0x18: {  	s0 =	sld [smem:$0x3F9E];
	_ =	swait.ge [sflag:s4], $0x0  }
0x19: {  	s7 =	sld [smem:$0x3F9F]  }
0x1a: {  	s8 =	sadd.s32 $0xFFFFE003, lr  }
0x1b: {  	s9 =	sadd.s32 $0xFFFFFEF7, lr;
	s5 =	simm.s32 $0xFFFFFFFF;
	p2 =	slt.u32 s8, $0xFFFFF086  }
0x1c: {  	p1 =	slt.u32 s9, $0xF7A;
	s5 =	simm.s32 @!p2 $0x0  }
0x1d: {  	s5 =	simm.s32 @p1 $0x1;
	p0 =	seq.s32 s7, s2  }
0x1e: {  	s7 =	smul.u32 @!p0 $0xF7A, s2;
	p2 =	seq.s32 @!p0 s5, $0x0  }
0x1f: {  	s9 =	smul.u32 $0xF7A, s1;
	s8 =	simm.s32 @!p0 $0x1BF5;
	p2 =	por !p2, p0  }
0x20: {  	[sflag:s8] =	ssyncset.s32 @!p0 $0xFFFFF086;
	s6 =	sadd.s32 @!p0 s3, s7;
	s7 =	simm.s32 @!p0 $0x108  }
0x21: {  	s3 =	sadd.s32 s3, s9;
	s6 =	sadd.s32 @!p0 $0x88, s6;
	s7 =	simm.s32 @p2 $0x1082  }
0x22: {  	[simem:s7], [sflag:s8] =	dma.local @!p0 [hbm:s6], $0xF7A  }
0x23: {  	s9 =	sor.u32 $0xD0000000, s2;
	s6 =	simm.s32 $0x108;
	_ =	swait.ge @!p0 [sflag:s8], $0x0  }
0x24: {  	s3 =	sadd.s32 $0x88, s3;
	s6 =	simm.s32 @!p1 $0x1082;
	[sflag:s4] =	ssyncset.s32 $0xFFFFF086  }
0x25: {  	[simem:s6], [sflag:s4] =	dma.local [hbm:s3], $0xF7A  }
0x26: {  	[smem:$0x3F9F] =	sst s1;
	(tag) =	ssettag s2;
	_ =	strace s9  }
0x27: {  	s1 =	sld [smem:$0x3FAF]  }
0x28: {  	s2 =	sld [smem:$0x3FB0]  }
0x29: {  	s4 =	sld [smem:$0x3FB2]  }
0x2a: {  	p0 =	seq.s32 s5, $0x0;
	s5 =	sld [smem:$0x3FB3]  }
0x2b: {  	s6 =	sld [smem:$0x3FB4]  }
0x2c: {  	s7 =	sld [smem:$0x3FB5]  }
0x2d: {  	s3 =	simm.s32 $0x108;
	s8 =	sld [smem:$0x3FB6]  }
0x2e: {  	s3 =	simm.s32 @!p0 $0x1082;
	s9 =	sld [smem:$0x3FB7]  }
0x2f: {  	lr =	sadd.s32 s0, s3;
	s0 =	sld [smem:$0x3FAE]  }
0x30: {  	s3 =	sld [smem:$0x3FB1]  }
0x31: {  	[smem:$0x3FBA] =	sst s10  }
0x32: {  	s10 =	sld [smem:$0x3FB8];
	_ =	sdelay $0x3  }
0x33: {  	p0 =	seq.s32 s10, $0x1;
	s10 =	sld [smem:$0x3FBA];
	_ =	sdelay $0x3  }
0x34: {  	[smem:$0x3FBA] =	sst s10  }
0x35: {  	s10 =	sld [smem:$0x3FB9];
	_ =	sdelay $0x3  }
0x36: {  	p1 =	seq.s32 s10, $0x1;
	s10 =	sld [smem:$0x3FBA];
	_ =	sdelay $0x3  }
0x37: {  	[smem:$0x3FBA] =	sst s10  }
0x38: {  	s10 =	sld [smem:$0x3FBB]  }
0x39: {  	_ = 	snop;
	(pc) =	sbr.ind lr, $3  }
0x3a: {  	_ = 	snop  }
0x3b: {  	_ = 	snop  }
0x3c: {  	p2 =	seq.s32 s10, $0x1;
	s10 =	sld [smem:$0x3FBA]  }
0x3d: {  	_ =	shalt  }
0x3e: {  	_ =	shalt  }
0x3f: {  	_ =	shalt  }
0x40: {  	_ =	shalt  }
0x41: {  	_ =	shalt  }
0x42: {  	_ =	shalt  }
0x43: {  	_ =	shalt  }
0x44: {  	_ =	shalt  }
0x45: {  	_ =	shalt  }
0x46: {  	_ =	shalt  }
0x47: {  	_ =	shalt  }
0x48: {  	_ =	shalt  }
0x49: {  	_ =	shalt  }
0x4a: {  	_ =	shalt  }
0x4b: {  	_ =	shalt  }
0x4c: {  	_ =	shalt  }
0x4d: {  	_ =	shalt  }
0x4e: {  	_ =	shalt  }
0x4f: {  	_ =	shalt  }
0x50: {  	_ =	shalt  }
0x51: {  	_ =	shalt  }
0x52: {  	_ =	shalt  }
0x53: {  	_ =	shalt  }
0x54: {  	_ =	shalt  }
0x55: {  	_ =	shalt  }
0x56: {  	_ =	shalt  }
0x57: {  	_ =	shalt  }
0x58: {  	_ =	shalt  }
0x59: {  	_ =	shalt  }
0x5a: {  	_ =	shalt  }
0x5b: {  	_ =	shalt  }
0x5c: {  	_ =	shalt  }
0x5d: {  	_ =	shalt  }
0x5e: {  	_ =	shalt  }
0x5f: {  	_ =	shalt  }
0x60: {  	_ =	shalt  }
0x61: {  	_ =	shalt  }
0x62: {  	_ =	shalt  }
0x63: {  	_ =	shalt  }
0x64: {  	_ =	shalt  }
0x65: {  	_ =	shalt  }
0x66: {  	_ =	shalt  }
0x67: {  	_ =	shalt  }
0x68: {  	_ =	shalt  }
0x69: {  	_ =	shalt  }
0x6a: {  	_ =	shalt  }
0x6b: {  	_ =	shalt  }
0x6c: {  	_ =	shalt  }
0x6d: {  	_ =	shalt  }
0x6e: {  	_ =	shalt  }
0x6f: {  	_ =	shalt  }
0x70: {  	_ =	shalt  }
0x71: {  	_ =	shalt  }
0x72: {  	_ =	shalt  }
0x73: {  	_ =	shalt  }
0x74: {  	_ =	shalt  }
0x75: {  	_ =	shalt  }
0x76: {  	_ =	shalt  }
0x77: {  	_ =	shalt  }
0x78: {  	_ =	shalt  }
0x79: {  	_ =	shalt  }
0x7a: {  	_ =	shalt  }
0x7b: {  	_ =	shalt  }
0x7c: {  	_ =	shalt  }
0x7d: {  	_ =	shalt  }
0x7e: {  	_ =	shalt  }
0x7f: {  	_ =	shalt  }
0x80: {  	_ =	shalt  }
0x81: {  	_ =	shalt  }
0x82: {  	_ =	shalt  }
0x83: {  	_ =	shalt  }
0x84: {  	_ =	shalt  }
0x85: {  	_ =	shalt  }
0x86: {  	_ =	shalt  }
0x87: {  	_ =	shalt  }
.Lfunc_end0:
.L_simem_size_0:
called_computation.1_lowered:
.L_overlay_start_0:
0x88: {  	s2 =	sld [smem:$0x3FD9]  }
0x89: {  	s3 =	sld [smem:$0x3FFE];
	_ =	sdelay $0x1  }
0x8a: {  	s1 =	srdreg.scid  }
0x8b: {  	s0 =	sand.u32 $0x1, s1  }
0x8c: {  	s17 =	sshll.u32 s0, $0xA;
	s2 =	sadd.s32 s3, s2  }
0x8d: {  	s2 =	sadd.s32 s2, s17  }
0x8e: {  	[smem:$0x3FC6] =	sst s2  }
0x8f: {  	_ = 	snop  }
0x90: {  	s2 =	sld [smem:$0x3FD0];
	(tm) =	ssettm $0x1  }
0x91: {  	s18 =	sld [smem:$0x3FFB];
	_ =	sdelay $0x3  }
0x92: {  	_ =	strace s18  }
0x93: {  	s3 =	sld [smem:$0x3FFC];
	_ =	sdelay $0x3  }
0x94: {  	_ =	strace s3  }
0x95: {  	s3 =	sld [smem:$0x3FFD];
	_ =	sdelay $0x3  }
0x96: {  	_ =	strace s3  }
0x97: {  	_ =	strace $0x8FFFFFFF  }
0x98: {  	s19 =	sld [smem:$0x3FDB];
	_ =	sdelay $0x1  }
0x99: {  	s4 =	simm.s32 $_scs_section_size  }
0x9a: {  	s5 =	simm.s32 $_size__tile_overlayer_lowered;
	s6 =	simm.s32 $_tile_overlayer_lowered  }
0x9b: {  	s22 =	simm.s32 $0x1BFF;
	s21 =	sshll.u32 s6, $0x1;
	s3 =	sadd.s32 s4, s19  }
0x9c: {  	s7 =	simm.s32 $0x0;
	s20 =	sshll.u32 s5, $0x1;
	s5 =	sadd.s32 s21, s3  }
0x9d: {  	[timem:s7], [sflag:s22] =	dma.local [hbm:s5], s20  }
0x9e: {  	_ =	swait.ge [sflag:s22], s20  }
0x9f: {  	s4 =	ssub.s32 $0x0, s20;
	[sflag:s22] =	ssyncset.done $0x0  }
0xa0: {  	[sflag:s22] =	ssyncadd.s32 s4;
	_ =	sdelay $0x1  }
0xa1: {  	s23 =	simm.s32 $0x1B8B  }
0xa2: {  	_ =	swait.ge [sflag:s23], $0x1  }
0xa3: {  	[sflag:s23] =	ssyncset.done $0x0  }
0xa4: {  	s25 =	simm.s32 $0x1B8E;
	s24 =	sld [smem:$0x3FFE];
	[sflag:s23] =	ssyncadd.s32 $0xFFFFFFFF  }
0xa5: {  	s26 =	simm.s32 $execute0_lowered;
	[smem:$0x3FD2] =	sst s25  }
0xa6: {  	s5 =	sshll.u32 s26, $0x1;
	_ =	strace $0x80000049;
	[dreg:$0x1] =	wrdreg $0xFFFFFFFF  }
0xa7: {  	s28 =	simm.s32 $_size_execute0_lowered;
	s3 =	sadd.s32 s3, s5;
	[dreg:$0x0] =	wrdreg $0x0  }
0xa8: {  	s5 =	sshll.u32 s28, $0x1;
	[dreg:$0x2] =	wrdreg s3  }
0xa9: {  	[dreg:$0x3] =	wrdreg s5  }
0xaa: {  	[dreg:$0x4] =	wrdreg $0xC0  }
0xab: {  	_ =	task [dreg:s7], $0x5FFFF  }
0xac: {  	[dreg:$0x1] =	wrdreg $0xFFFFFFFF  }
0xad: {  	[dreg:$0x0] =	wrdreg $0x60  }
0xae: {  	[dreg:$0x2] =	wrdreg s24  }
0xaf: {  	[dreg:$0x3] =	wrdreg s2  }
0xb0: {  	[dreg:$0x4] =	wrdreg $0x9  }
0xb1: {  	_ =	task.clear_ibuf [dreg:s7], $0x5FFFF;
	_ =	strace $0x90000049  }
0xb2: {  	s29 =	simm.s32 $0x9;
	_ =	strace $0x8000004B  }
0xb3: {  	_ =	swait.ge [sflag:s29], $0x1  }
0xb4: {  	[sflag:s29] =	ssyncadd.s32 $0xFFFFFFFF  }
0xb5: {  	_ =	strace $0x9000004B  }
0xb6: {  	_ =	sfence  }
0xb7: {  	s30 =	sld [smem:$0x0];
	_ =	sdelay $0x2  }
0xb8: {  	s31 =	sshll.u32 s1, $0xD;
	s1 =	sshrl.u32 s1, $0x2  }
0xb9: {  	s3 =	sand.u32 $0x4000, s31;
	s1 =	sadd.s32 s1, s30  }
0xba: {  	s0 =	sor.u32 s3, s0;
	s1 =	sshll.u32 s1, $0x11  }
0xbb: {  	s0 =	sor.u32 s1, s0  }
0xbc: {  	s0 =	sadd.s32 $0x8F2B, s0  }
0xbd: {  	[sflag:s0] =	ssyncadd.remote.s32 $0x1  }
0xbe: {  	_ =	sfence.sel $0xFFFF  }
0xbf: {  	[dreg:$0x0] =	wrdreg $0xFFFFFFFF;
	(pc) =	sbr.abs _section_cstart, $3  }
0xc0: {  	[dreg:$0x1] =	wrdreg $0xFFFFFFFF  }
0xc1: {  	_ =	task.clear_ibuf [dreg:s7], $0x2FFFF;
	_ =	strace $0x9FFFFFFF  }
0xc2: {  	(tm) =	ssettm $0x7FFFFFFF  }
0xc3: {  	_ =	shalt  }
tec
execute0_lowered:
.L_overlay_start_1:
0x0: {  	(tag) =	ssettag $0x1  }
0x1: {  	s0 =	rddreg [dreg:$0x0]  }
0x2: {  	s1 =	srdreg.scid;
	s3 =	stileid.u32  }
0x3: {  	s2 =	rddreg [dreg:$0x1];
	s13 =	simm.s32 $0x6400;
	s14 =	simm.s32 $0x80  }
0x4: {  	s15 =	simm.s32 $0x6C00;
	s16 =	simm.s32 $0x7C00;
	s18 =	simm.s32 $0x8C00  }
0x5: {  	s20 =	simm.s32 $0x9C00;
	s21 =	simm.s32 $0x1;
	s22 =	simm.s32 $0xAC00  }
0x6: {  	s26 =	simm.s32 $0x2;
	s28 =	simm.s32 $0xBC00;
	s11 =	simm.s32 $0xDC00  }
0x7: {  	v0 =	vlaneseq.u32;
	s17 =	simm.s32 $0x0;
	s1 =	sand.u32 $0x1, s1;
	s4 =	sshll.u32 s3, $0x1  }
0x8: {  	s3 =	simm.s32 $0x0;
	s8 =	sadd.s32 $0x4000, s2;
	s9 =	sadd.s32 $0x8000, s2;
	v1 =	vmul.u32 $0x20, v0;
	v2 =	vor.u32 $0xF88, v0  }
0x9: {  	s10 =	sadd.s32 $0xC000, s2;
	v3 =	vor.u32 $0x10, v0;
	v5 =	vor.u32 $0xF98, v0;
	v6 =	vor.u32 $0x20, v0;
	s5 =	sor.u32 s1, s4;
	s1 =	ssub.s32 $0x2, s1  }
0xa: {  	v8 =	vor.u32 $0xFA8, v0;
	v9 =	vor.u32 $0x30, v0;
	v11 =	vor.u32 $0xFB8, v0;
	[smem:$0x7FF] =	sst s3;
	s4 =	smul.u32 $0xC80, s5;
	s7 =	sshrl.u32 s1, $0x1  }
.Ltmp0:
0xb: {  	v12 =	vor.u32 $0x40, v0;
	v14 =	vor.u32 $0xFC8, v0;
	v15 =	vor.u32 $0x50, v0;
	_ =	strace $0x8000004A;
	s30 =	ssub.s32 s1, s7;
	(pc) =	sbr.rel .LBB2_1-.Ltmp0, $4  }
0xc: {  	v17 =	vor.u32 $0xFD8, v0;
	v18 =	vor.u32 $0x60, v0;
	v20 =	vor.u32 $0xFE8, v0;
	s6 =	sadd.s32 s4, s0;
	s4 =	sadd.s32 $0xA00, s0;
	s0 =	sadd.s32 $0x3D1400, s0  }
0xd: {  	v21 =	vor.u32 $0x70, v0;
	v23 =	vor.u32 $0xFF8, v0;
	v4 =	vor.u32 $0x200, v1;
	s7 =	smul.u32 $0xC8, s5;
	[dreg:$0x3] =	wrdreg s0;
	s31 =	sadd.s32 $0x3D1600, s6  }
0xe: {  	v7 =	vor.u32 $0x400, v1;
	v10 =	vor.u32 $0x600, v1;
	v13 =	vor.u32 $0x800, v1;
	s1 =	simm.s32 $0x3;
	s0 =	smax.u32 s30, $0x1;
	[dreg:$0x4] =	wrdreg s31  }
0xf: {  	v16 =	vor.u32 $0xA00, v1;
	v19 =	vor.u32 $0xC00, v1;
	v22 =	vor.u32 $0xE00, v1;
	s6 =	simm.s32 $0x4;
	[dreg:$0x5] =	wrdreg s0;
	s0 =	simm.s32 $0xCC00  }
.LBB2_28:
0x10: {  	s5 =	simm.s32 $0x5  }
0x11: {  	_ =	swait.ge [sflag:s5], $0x400  }
0x12: {  	[sflag:s5] =	ssyncset.done $0x0  }
0x13: {  	[sflag:s5] =	ssyncadd.s32 $0xFFFFFC00  }
0x14: {  	_ =	swait.ge [sflag:s5], $0x400  }
0x15: {  	[sflag:s5] =	ssyncset.done $0x0  }
0x16: {  	[sflag:s5] =	ssyncadd.s32 $0xFFFFFC00  }
0x17: {  	_ =	swait.ge [sflag:s5], $0x400  }
0x18: {  	[sflag:s5] =	ssyncset.done $0x0  }
0x19: {  	[sflag:s5] =	ssyncadd.s32 $0xFFFFFC00  }
0x1a: {  	_ =	swait.ge [sflag:s5], $0x400  }
0x1b: {  	[sflag:s5] =	ssyncset.done $0x0  }
0x1c: {  	s29 =	simm.s32 $0x6;
	[sflag:s5] =	ssyncadd.s32 $0xFFFFFC00  }
0x1d: {  	_ =	swait.ge [sflag:s29], $0x400  }
0x1e: {  	[sflag:s29] =	ssyncset.done $0x0  }
0x1f: {  	[sflag:s29] =	ssyncadd.s32 $0xFFFFFC00  }
0x20: {  	_ =	swait.ge [sflag:s29], $0x400  }
0x21: {  	[sflag:s29] =	ssyncset.done $0x0  }
0x22: {  	[sflag:s29] =	ssyncadd.s32 $0xFFFFFC00  }
0x23: {  	_ =	swait.ge [sflag:s29], $0x400  }
0x24: {  	[sflag:s29] =	ssyncset.done $0x0  }
0x25: {  	[sflag:s29] =	ssyncadd.s32 $0xFFFFFC00  }
0x26: {  	_ =	swait.ge [sflag:s29], $0x400  }
0x27: {  	[sflag:s29] =	ssyncset.done $0x0  }
0x28: {  	s30 =	simm.s32 $0x7;
	[sflag:s29] =	ssyncadd.s32 $0xFFFFFC00  }
0x29: {  	_ =	swait.ge [sflag:s30], $0x400  }
0x2a: {  	[sflag:s30] =	ssyncset.done $0x0  }
0x2b: {  	[sflag:s30] =	ssyncadd.s32 $0xFFFFFC00  }
0x2c: {  	_ =	swait.ge [sflag:s30], $0x400  }
0x2d: {  	[sflag:s30] =	ssyncset.done $0x0  }
0x2e: {  	[sflag:s30] =	ssyncadd.s32 $0xFFFFFC00  }
0x2f: {  	_ =	swait.ge [sflag:s30], $0x400  }
0x30: {  	[sflag:s30] =	ssyncset.done $0x0  }
0x31: {  	[sflag:s30] =	ssyncadd.s32 $0xFFFFFC00  }
0x32: {  	_ =	swait.ge [sflag:s30], $0x400  }
0x33: {  	[sflag:s30] =	ssyncset.done $0x0  }
0x34: {  	s12 =	simm.s32 $0x8;
	[sflag:s30] =	ssyncadd.s32 $0xFFFFFC00  }
0x35: {  	_ =	swait.ge [sflag:s12], $0x400  }
0x36: {  	[sflag:s12] =	ssyncset.done $0x0  }
0x37: {  	[sflag:s12] =	ssyncadd.s32 $0xFFFFFC00  }
0x38: {  	_ =	swait.ge [sflag:s12], $0x400  }
0x39: {  	[sflag:s12] =	ssyncset.done $0x0  }
0x3a: {  	[sflag:s12] =	ssyncadd.s32 $0xFFFFFC00  }
0x3b: {  	_ =	swait.ge [sflag:s12], $0x400  }
0x3c: {  	[sflag:s12] =	ssyncset.done $0x0  }
0x3d: {  	[sflag:s12] =	ssyncadd.s32 $0xFFFFFC00  }
0x3e: {  	_ =	swait.ge [sflag:s12], $0x400  }
0x3f: {  	s17 =	rddreg [dreg:$0x6]  }
0x40: {  	s31 =	rddreg [dreg:$0x5];
	s17 =	sadd.s32 $0x1, s17  }
0x41: {  	p0 =	sne.s32 s17, s31  }
.Ltmp1:
0x42: {  	_ = 	snop;
	(pc) =	sbr.rel @!p0 .LBB2_29-.Ltmp1, $3  }
0x43: {  	_ =	sdelay $0x1  }
0x44: {  	[sflag:s12] =	ssyncset.done $0x0  }
0x45: {  	[sflag:s12] =	ssyncadd.s32 $0xFFFFFC00  }
.LBB2_1:
0x46: {  	[dreg:$0x6] =	wrdreg s17  }
0x47: {  	s5 =	rddreg [dreg:$0x4];
	s12 =	simm.s32 $0x9  }
0x48: {  	[tilespmem:s3], [sflag:$0x9] =	stream.linear.gather [hbm4b:s5+s3], $0x6400, $0x38;
	[tilespmem:$0xEC00] =	vst v63  }
0x49: {  	_ =	swait.ge [sflag:s12], $0x6400  }
0x4a: {  	[sflag:s12] =	ssyncset.done $0x0  }
0x4b: {  	s29 =	rddreg [dreg:$0x3];
	[sflag:s12] =	ssyncadd.s32 $0xFFFF9C00  }
0x4c: {  	[tilespmem:s13], [sflag:$0x9] =	stream.linear.gather [hbm4b:s29+s3], $0x800, $0x38;
	[tilespmem:$0xEC00] =	vst v63  }
0x4d: {  	_ =	swait.ge [sflag:s12], $0x800  }
0x4e: {  	[sflag:s12] =	ssyncset.done $0x0  }
0x4f: {  	[sflag:s12] =	ssyncadd.s32 $0xFFFFF800  }
0x50: {  	[tilespmem:s15], [sflag:$0x1] =	stream.indirect.gather [hbm4b:s4+s14], $0x20, s3, s14, $0xb8;
	[tilespmem:$0xEC00] =	vst v63  }
0x51: {  	_ = 	snop  }
0x52: {  	[tilespmem:s16], [sflag:$0x2] =	stream.indirect.gather [hbm4b:s4+s14], $0x20, s14, s14, $0xb8;
	[tilespmem:$0xEC00] =	vst v63  }
0x53: {  	s30 =	simm.s32 $0x100  }
0x54: {  	[tilespmem:s18], [sflag:$0x3] =	stream.indirect.gather [hbm4b:s4+s14], $0x20, s30, s14, $0xb8;
	[tilespmem:$0xEC00] =	vst v63  }
0x55: {  	s31 =	simm.s32 $0x180;
	s25 =	simm.s32 $0x0  }
0x56: {  	[tilespmem:s20], [sflag:$0x4] =	stream.indirect.gather [hbm4b:s4+s14], $0x20, s31, s14, $0xb8;
	[tilespmem:$0xEC00] =	vst v63  }
.LBB2_2:
0x57: {  	_ =	swait.ge [sflag:s21], $0x1000  }
0x58: {  	p0 =	seq.s32 s25, $0x0;
	[sflag:s21] =	ssyncset.done $0x0  }
0x59: {  	s5 =	simm.s32 @!p0 $0x5;
	[sflag:s21] =	ssyncadd.s32 $0xFFFFF000  }
0x5a: {  	_ =	swait.ge @!p0 [sflag:s5], $0x400  }
0x5b: {  	[sflag:s5] =	ssyncset.done @!p0 $0x0  }
0x5c: {  	[sflag:s5] =	ssyncadd.s32 @!p0 $0xFFFFFC00  }
0x5d: {  	_ =	swait.ge @!p0 [sflag:s5], $0x400  }
0x5e: {  	s12 =	simm.s32 $0x0;
	[sflag:s5] =	ssyncset.done @!p0 $0x0  }
0x5f: {  	v24 =	vadd.s32 s12, v0;
	[sflag:s5] =	ssyncadd.s32 @!p0 $0xFFFFFC00  }
0x60: {  	v25 =	vand.u32 $0x1F, v24;
	_ =	swait.ge @!p0 [sflag:s5], $0x400  }
0x61: {  	v25 =	vor.u32 v1, v25;
	[sflag:s5] =	ssyncset.done @!p0 $0x0  }
0x62: {  	[sflag:s5] =	ssyncadd.s32 @!p0 $0xFFFFFC00  }
0x63: {  	_ =	swait.ge @!p0 [sflag:s5], $0x400  }
0x64: {  	v24 =	vshll.u32 v24, $0x7;
	[sflag:s5] =	ssyncset.done @!p0 $0x0  }
0x65: {  	v26 =	vadd.s32 s12, v3;
	v24 =	vor.u32 v0, v24;
	[sflag:s5] =	ssyncadd.s32 @!p0 $0xFFFFFC00  }
0x66: {  	v27 =	vand.u32 $0x1F, v26;
	v24 =	vand.u32 v2, v24;
	v25 =	vld.idx.msk [tilespmem:v25+s15+$0x0], $0xffff  }
0x67: {  	v27 =	vor.u32 v4, v27;
	_ =	sdelay $0x2  }
0x68: {  	v26 =	vshll.u32 v26, $0x7  }
0x69: {  	[tilespmem:v24+s22+$0x0] =	vst.idx.msk $0xffff, v25;
	v24 =	vor.u32 v3, v26;
	v25 =	vadd.s32 s12, v6  }
0x6a: {  	v26 =	vld.idx.msk [tilespmem:v27+s15+$0x0], $0xffff;
	v24 =	vand.u32 v5, v24;
	v27 =	vand.u32 $0x1F, v25  }
0x6b: {  	v27 =	vor.u32 v7, v27;
	_ =	sdelay $0x2  }
0x6c: {  	v25 =	vshll.u32 v25, $0x7  }
0x6d: {  	[tilespmem:v24+s22+$0x0] =	vst.idx.msk $0xffff, v26;
	v24 =	vor.u32 v6, v25;
	v25 =	vadd.s32 s12, v9  }
0x6e: {  	v26 =	vld.idx.msk [tilespmem:v27+s15+$0x0], $0xffff;
	v24 =	vand.u32 v8, v24;
	v27 =	vand.u32 $0x1F, v25  }
0x6f: {  	v27 =	vor.u32 v10, v27;
	_ =	sdelay $0x2  }
0x70: {  	v25 =	vshll.u32 v25, $0x7  }
0x71: {  	[tilespmem:v24+s22+$0x0] =	vst.idx.msk $0xffff, v26;
	v24 =	vor.u32 v9, v25;
	v25 =	vadd.s32 s12, v12  }
0x72: {  	v26 =	vld.idx.msk [tilespmem:v27+s15+$0x0], $0xffff;
	v24 =	vand.u32 v11, v24;
	v27 =	vand.u32 $0x1F, v25  }
0x73: {  	v27 =	vor.u32 v13, v27;
	_ =	sdelay $0x2  }
0x74: {  	v25 =	vshll.u32 v25, $0x7  }
0x75: {  	[tilespmem:v24+s22+$0x0] =	vst.idx.msk $0xffff, v26;
	v24 =	vor.u32 v12, v25;
	v25 =	vadd.s32 s12, v15  }
0x76: {  	v26 =	vld.idx.msk [tilespmem:v27+s15+$0x0], $0xffff;
	v24 =	vand.u32 v14, v24;
	v27 =	vand.u32 $0x1F, v25  }
0x77: {  	v27 =	vor.u32 v16, v27;
	_ =	sdelay $0x2  }
0x78: {  	v25 =	vshll.u32 v25, $0x7  }
0x79: {  	[tilespmem:v24+s22+$0x0] =	vst.idx.msk $0xffff, v26;
	v24 =	vor.u32 v15, v25;
	v25 =	vadd.s32 s12, v18  }
0x7a: {  	v26 =	vld.idx.msk [tilespmem:v27+s15+$0x0], $0xffff;
	v24 =	vand.u32 v17, v24;
	v27 =	vand.u32 $0x1F, v25  }
0x7b: {  	v27 =	vor.u32 v19, v27;
	_ =	sdelay $0x2  }
0x7c: {  	v25 =	vshll.u32 v25, $0x7  }
0x7d: {  	[tilespmem:v24+s22+$0x0] =	vst.idx.msk $0xffff, v26;
	v24 =	vor.u32 v18, v25;
	v25 =	vadd.s32 s12, v21  }
0x7e: {  	v26 =	vld.idx.msk [tilespmem:v27+s15+$0x0], $0xffff;
	v24 =	vand.u32 v20, v24;
	v27 =	vand.u32 $0x1F, v25  }
0x7f: {  	v27 =	vor.u32 v22, v27;
	_ =	sdelay $0x2  }
0x80: {  	s31 =	simm.s32 $0x1;
	v25 =	vshll.u32 v25, $0x7  }
0x81: {  	[tilespmem:v24+s22+$0x0] =	vst.idx.msk $0xffff, v26;
	v24 =	vor.u32 v21, v25;
	v25 =	vadd.s32 s31, v0  }
0x82: {  	v26 =	vld.idx.msk [tilespmem:v27+s15+$0x0], $0xffff;
	v24 =	vand.u32 v23, v24;
	v27 =	vand.u32 $0x1F, v25  }
0x83: {  	v27 =	vor.u32 v1, v27;
	_ =	sdelay $0x2  }
0x84: {  	v25 =	vshll.u32 v25, $0x7  }
0x85: {  	[tilespmem:v24+s22+$0x0] =	vst.idx.msk $0xffff, v26;
	v24 =	vor.u32 v0, v25;
	v25 =	vadd.s32 s31, v3  }
0x86: {  	v26 =	vld.idx.msk [tilespmem:v27+s15+$0x0], $0xffff;
	v24 =	vand.u32 v2, v24;
	v27 =	vand.u32 $0x1F, v25  }
0x87: {  	v27 =	vor.u32 v4, v27;
	_ =	sdelay $0x2  }
0x88: {  	v25 =	vshll.u32 v25, $0x7  }
0x89: {  	[tilespmem:v24+s22+$0x0] =	vst.idx.msk $0xffff, v26;
	v24 =	vor.u32 v3, v25;
	v25 =	vadd.s32 s31, v6  }
0x8a: {  	v26 =	vld.idx.msk [tilespmem:v27+s15+$0x0], $0xffff;
	v24 =	vand.u32 v5, v24;
	v27 =	vand.u32 $0x1F, v25  }
0x8b: {  	v27 =	vor.u32 v7, v27;
	_ =	sdelay $0x2  }
0x8c: {  	v25 =	vshll.u32 v25, $0x7  }
0x8d: {  	[tilespmem:v24+s22+$0x0] =	vst.idx.msk $0xffff, v26;
	v24 =	vor.u32 v6, v25;
	v25 =	vadd.s32 s31, v9  }
0x8e: {  	v26 =	vld.idx.msk [tilespmem:v27+s15+$0x0], $0xffff;
	v24 =	vand.u32 v8, v24;
	v27 =	vand.u32 $0x1F, v25  }
0x8f: {  	v27 =	vor.u32 v10, v27;
	_ =	sdelay $0x2  }
0x90: {  	v25 =	vshll.u32 v25, $0x7  }
0x91: {  	[tilespmem:v24+s22+$0x0] =	vst.idx.msk $0xffff, v26;
	v24 =	vor.u32 v9, v25;
	v25 =	vadd.s32 s31, v12  }
0x92: {  	v26 =	vld.idx.msk [tilespmem:v27+s15+$0x0], $0xffff;
	v24 =	vand.u32 v11, v24;
	v27 =	vand.u32 $0x1F, v25  }
0x93: {  	v27 =	vor.u32 v13, v27;
	_ =	sdelay $0x2  }
0x94: {  	v25 =	vshll.u32 v25, $0x7  }
0x95: {  	[tilespmem:v24+s22+$0x0] =	vst.idx.msk $0xffff, v26;
	v24 =	vor.u32 v12, v25;
	v25 =	vadd.s32 s31, v15  }
0x96: {  	v26 =	vld.idx.msk [tilespmem:v27+s15+$0x0], $0xffff;
	v24 =	vand.u32 v14, v24;
	v27 =	vand.u32 $0x1F, v25  }
0x97: {  	v27 =	vor.u32 v16, v27;
	_ =	sdelay $0x2  }
0x98: {  	v25 =	vshll.u32 v25, $0x7  }
0x99: {  	[tilespmem:v24+s22+$0x0] =	vst.idx.msk $0xffff, v26;
	v24 =	vor.u32 v15, v25;
	v25 =	vadd.s32 s31, v18  }
0x9a: {  	v26 =	vld.idx.msk [tilespmem:v27+s15+$0x0], $0xffff;
	v24 =	vand.u32 v17, v24;
	v27 =	vand.u32 $0x1F, v25  }
0x9b: {  	v27 =	vor.u32 v19, v27;
	_ =	sdelay $0x2  }
0x9c: {  	v25 =	vshll.u32 v25, $0x7  }
0x9d: {  	[tilespmem:v24+s22+$0x0] =	vst.idx.msk $0xffff, v26;
	v24 =	vor.u32 v18, v25;
	v25 =	vadd.s32 s31, v21  }
0x9e: {  	v26 =	vld.idx.msk [tilespmem:v27+s15+$0x0], $0xffff;
	v24 =	vand.u32 v20, v24;
	v27 =	vand.u32 $0x1F, v25  }
0x9f: {  	v27 =	vor.u32 v22, v27;
	_ =	sdelay $0x3  }
0xa0: {  	s29 =	simm.s32 $0x2;
	[tilespmem:v24+s22+$0x0] =	vst.idx.msk $0xffff, v26;
	v26 =	vshll.u32 v25, $0x7  }
0xa1: {  	s30 =	sshll.u32 s25, $0x2;
	s17 =	simm.s32 $0x4;
	v24 =	vadd.s32 s29, v0;
	v25 =	vld.idx.msk [tilespmem:v27+s15+$0x0], $0xffff;
	v26 =	vor.u32 v21, v26  }
.LBB2_3:
0xa2: {  	p1 =	sne.s32 s17, $0x1E;
	v27 =	vand.u32 $0x1F, v24;
	v26 =	vand.u32 v23, v26  }
0xa3: {  	v27 =	vor.u32 v1, v27;
	_ =	sdelay $0x3  }
0xa4: {  	v24 =	vshll.u32 v24, $0x7;
	[tilespmem:v26+s22+$0x0] =	vst.idx.msk $0xffff, v25  }
0xa5: {  	v24 =	vor.u32 v0, v24;
	v26 =	vadd.s32 s29, v3;
	v25 =	vld.idx.msk [tilespmem:v27+s15+$0x0], $0xffff  }
0xa6: {  	v24 =	vand.u32 v2, v24;
	v27 =	vand.u32 $0x1F, v26  }
0xa7: {  	v27 =	vor.u32 v4, v27;
	_ =	sdelay $0x3  }
0xa8: {  	[tilespmem:v24+s22+$0x0] =	vst.idx.msk $0xffff, v25;
	v24 =	vshll.u32 v26, $0x7  }
0xa9: {  	v26 =	vadd.s32 s29, v6;
	v25 =	vld.idx.msk [tilespmem:v27+s15+$0x0], $0xffff;
	v24 =	vor.u32 v3, v24  }
0xaa: {  	v27 =	vand.u32 $0x1F, v26;
	v24 =	vand.u32 v5, v24  }
0xab: {  	v27 =	vor.u32 v7, v27;
	_ =	sdelay $0x3  }
0xac: {  	[tilespmem:v24+s22+$0x0] =	vst.idx.msk $0xffff, v25;
	v24 =	vshll.u32 v26, $0x7  }
0xad: {  	v26 =	vadd.s32 s29, v9;
	v25 =	vld.idx.msk [tilespmem:v27+s15+$0x0], $0xffff;
	v24 =	vor.u32 v6, v24  }
0xae: {  	v27 =	vand.u32 $0x1F, v26;
	v24 =	vand.u32 v8, v24  }
0xaf: {  	v27 =	vor.u32 v10, v27;
	_ =	sdelay $0x3  }
0xb0: {  	[tilespmem:v24+s22+$0x0] =	vst.idx.msk $0xffff, v25;
	v24 =	vshll.u32 v26, $0x7  }
0xb1: {  	v26 =	vadd.s32 s29, v12;
	v25 =	vld.idx.msk [tilespmem:v27+s15+$0x0], $0xffff;
	v24 =	vor.u32 v9, v24  }
0xb2: {  	v27 =	vand.u32 $0x1F, v26;
	v24 =	vand.u32 v11, v24  }
0xb3: {  	v27 =	vor.u32 v13, v27;
	_ =	sdelay $0x3  }
0xb4: {  	[tilespmem:v24+s22+$0x0] =	vst.idx.msk $0xffff, v25;
	v24 =	vshll.u32 v26, $0x7  }
0xb5: {  	v26 =	vadd.s32 s29, v15;
	v25 =	vld.idx.msk [tilespmem:v27+s15+$0x0], $0xffff;
	v24 =	vor.u32 v12, v24  }
0xb6: {  	v27 =	vand.u32 $0x1F, v26;
	v24 =	vand.u32 v14, v24  }
0xb7: {  	v27 =	vor.u32 v16, v27;
	_ =	sdelay $0x3  }
0xb8: {  	[tilespmem:v24+s22+$0x0] =	vst.idx.msk $0xffff, v25;
	v24 =	vshll.u32 v26, $0x7  }
0xb9: {  	v26 =	vadd.s32 s29, v18;
	v25 =	vld.idx.msk [tilespmem:v27+s15+$0x0], $0xffff;
	v24 =	vor.u32 v15, v24  }
0xba: {  	v27 =	vand.u32 $0x1F, v26;
	v24 =	vand.u32 v17, v24  }
0xbb: {  	v27 =	vor.u32 v19, v27;
	_ =	sdelay $0x3  }
0xbc: {  	[tilespmem:v24+s22+$0x0] =	vst.idx.msk $0xffff, v25;
	v24 =	vshll.u32 v26, $0x7  }
0xbd: {  	v26 =	vadd.s32 s29, v21;
	v25 =	vld.idx.msk [tilespmem:v27+s15+$0x0], $0xffff;
	v24 =	vor.u32 v18, v24  }
0xbe: {  	v27 =	vand.u32 $0x1F, v26;
	v24 =	vand.u32 v20, v24  }
0xbf: {  	v27 =	vor.u32 v22, v27;
	_ =	sdelay $0x3  }
0xc0: {  	s19 =	sadd.s32 $0x1, s29;
	s29 =	smov.u32 s17;
	[tilespmem:v24+s22+$0x0] =	vst.idx.msk $0xffff, v25;
	v24 =	vshll.u32 v26, $0x7  }
0xc1: {  	v26 =	vadd.s32 s19, v0;
	v25 =	vld.idx.msk [tilespmem:v27+s15+$0x0], $0xffff;
	v24 =	vor.u32 v21, v24  }
0xc2: {  	v27 =	vand.u32 $0x1F, v26;
	v24 =	vand.u32 v23, v24  }
0xc3: {  	v27 =	vor.u32 v1, v27;
	_ =	sdelay $0x3  }
0xc4: {  	[tilespmem:v24+s22+$0x0] =	vst.idx.msk $0xffff, v25;
	v24 =	vshll.u32 v26, $0x7  }
0xc5: {  	v26 =	vadd.s32 s19, v3;
	v25 =	vld.idx.msk [tilespmem:v27+s15+$0x0], $0xffff;
	v24 =	vor.u32 v0, v24  }
0xc6: {  	v27 =	vand.u32 $0x1F, v26;
	v24 =	vand.u32 v2, v24  }
0xc7: {  	v27 =	vor.u32 v4, v27;
	_ =	sdelay $0x3  }
0xc8: {  	[tilespmem:v24+s22+$0x0] =	vst.idx.msk $0xffff, v25;
	v24 =	vshll.u32 v26, $0x7  }
0xc9: {  	v26 =	vadd.s32 s19, v6;
	v25 =	vld.idx.msk [tilespmem:v27+s15+$0x0], $0xffff;
	v24 =	vor.u32 v3, v24  }
0xca: {  	v27 =	vand.u32 $0x1F, v26;
	v24 =	vand.u32 v5, v24  }
0xcb: {  	v27 =	vor.u32 v7, v27;
	_ =	sdelay $0x3  }
0xcc: {  	[tilespmem:v24+s22+$0x0] =	vst.idx.msk $0xffff, v25;
	v24 =	vshll.u32 v26, $0x7  }
0xcd: {  	v26 =	vadd.s32 s19, v9;
	v25 =	vld.idx.msk [tilespmem:v27+s15+$0x0], $0xffff;
	v24 =	vor.u32 v6, v24  }
0xce: {  	v27 =	vand.u32 $0x1F, v26;
	v24 =	vand.u32 v8, v24  }
0xcf: {  	v27 =	vor.u32 v10, v27;
	_ =	sdelay $0x3  }
0xd0: {  	[tilespmem:v24+s22+$0x0] =	vst.idx.msk $0xffff, v25;
	v24 =	vshll.u32 v26, $0x7  }
0xd1: {  	v26 =	vadd.s32 s19, v12;
	v25 =	vld.idx.msk [tilespmem:v27+s15+$0x0], $0xffff;
	v24 =	vor.u32 v9, v24  }
0xd2: {  	v27 =	vand.u32 $0x1F, v26;
	v24 =	vand.u32 v11, v24  }
0xd3: {  	v27 =	vor.u32 v13, v27;
	_ =	sdelay $0x3  }
0xd4: {  	[tilespmem:v24+s22+$0x0] =	vst.idx.msk $0xffff, v25;
	v24 =	vshll.u32 v26, $0x7  }
0xd5: {  	v26 =	vadd.s32 s19, v15;
	v25 =	vld.idx.msk [tilespmem:v27+s15+$0x0], $0xffff;
	v24 =	vor.u32 v12, v24  }
0xd6: {  	v27 =	vand.u32 $0x1F, v26;
	v24 =	vand.u32 v14, v24  }
0xd7: {  	v27 =	vor.u32 v16, v27;
	_ =	sdelay $0x3  }
0xd8: {  	[tilespmem:v24+s22+$0x0] =	vst.idx.msk $0xffff, v25;
	v24 =	vshll.u32 v26, $0x7  }
0xd9: {  	v26 =	vadd.s32 s19, v18;
	v25 =	vld.idx.msk [tilespmem:v27+s15+$0x0], $0xffff;
	v24 =	vor.u32 v15, v24  }
0xda: {  	v27 =	vand.u32 $0x1F, v26;
	v24 =	vand.u32 v17, v24  }
0xdb: {  	v27 =	vor.u32 v19, v27;
	_ =	sdelay $0x3  }
0xdc: {  	[tilespmem:v24+s22+$0x0] =	vst.idx.msk $0xffff, v25;
	v24 =	vshll.u32 v26, $0x7  }
0xdd: {  	v26 =	vadd.s32 s19, v21;
	v25 =	vld.idx.msk [tilespmem:v27+s15+$0x0], $0xffff;
	v24 =	vor.u32 v18, v24  }
0xde: {  	v27 =	vand.u32 $0x1F, v26;
	v24 =	vand.u32 v20, v24  }
0xdf: {  	v27 =	vor.u32 v22, v27  }
.Ltmp2:
0xe0: {  	(pc) =	sbr.rel @p1 .LBB2_3-.Ltmp2, $3  }
0xe1: {  	_ =	sdelay $0x1  }
0xe2: {  	v26 =	vshll.u32 v26, $0x7;
	[tilespmem:v24+s22+$0x0] =	vst.idx.msk $0xffff, v25  }
0xe3: {  	s17 =	sadd.s32 $0x2, s17;
	v26 =	vor.u32 v21, v26;
	v24 =	vadd.s32 s29, v0;
	v25 =	vld.idx.msk [tilespmem:v27+s15+$0x0], $0xffff  }
0xe4: {  	v27 =	vand.u32 $0x1F, v24;
	v26 =	vand.u32 v23, v26  }
0xe5: {  	v27 =	vor.u32 v1, v27;
	_ =	sdelay $0x2  }
0xe6: {  	v46 =	vshll.u32 v24, $0x7  }
0xe7: {  	v47 =	vadd.s32 s29, v3;
	v24 =	vor.u32 v0, v46;
	[tilespmem:v26+s22+$0x0] =	vst.idx.msk $0xffff, v25  }
0xe8: {  	v48 =	vand.u32 $0x1F, v47;
	v24 =	vand.u32 v2, v24;
	v26 =	vld.idx.msk [tilespmem:v27+s15+$0x0], $0xffff  }
0xe9: {  	v27 =	vor.u32 v4, v48;
	_ =	sdelay $0x2  }
0xea: {  	v25 =	vshll.u32 v47, $0x7  }
0xeb: {  	v50 =	vadd.s32 s29, v6;
	v49 =	vor.u32 v3, v25;
	[tilespmem:v24+s22+$0x0] =	vst.idx.msk $0xffff, v26  }
0xec: {  	v51 =	vand.u32 $0x1F, v50;
	v24 =	vand.u32 v5, v49;
	v26 =	vld.idx.msk [tilespmem:v27+s15+$0x0], $0xffff  }
0xed: {  	v27 =	vor.u32 v7, v51;
	_ =	sdelay $0x2  }
0xee: {  	v25 =	vshll.u32 v50, $0x7  }
0xef: {  	v53 =	vadd.s32 s29, v9;
	v52 =	vor.u32 v6, v25;
	[tilespmem:v24+s22+$0x0] =	vst.idx.msk $0xffff, v26  }
0xf0: {  	v54 =	vand.u32 $0x1F, v53;
	v24 =	vand.u32 v8, v52;
	v26 =	vld.idx.msk [tilespmem:v27+s15+$0x0], $0xffff  }
0xf1: {  	v27 =	vor.u32 v10, v54;
	_ =	sdelay $0x2  }
0xf2: {  	v25 =	vshll.u32 v53, $0x7  }
0xf3: {  	v56 =	vadd.s32 s29, v12;
	v55 =	vor.u32 v9, v25;
	[tilespmem:v24+s22+$0x0] =	vst.idx.msk $0xffff, v26  }
0xf4: {  	v57 =	vand.u32 $0x1F, v56;
	v24 =	vand.u32 v11, v55;
	v26 =	vld.idx.msk [tilespmem:v27+s15+$0x0], $0xffff  }
0xf5: {  	v27 =	vor.u32 v13, v57;
	_ =	sdelay $0x2  }
0xf6: {  	v25 =	vshll.u32 v56, $0x7  }
0xf7: {  	v59 =	vadd.s32 s29, v15;
	v58 =	vor.u32 v12, v25;
	[tilespmem:v24+s22+$0x0] =	vst.idx.msk $0xffff, v26  }
0xf8: {  	v60 =	vand.u32 $0x1F, v59;
	v24 =	vand.u32 v14, v58;
	v26 =	vld.idx.msk [tilespmem:v27+s15+$0x0], $0xffff  }
0xf9: {  	v27 =	vor.u32 v16, v60;
	_ =	sdelay $0x2  }
0xfa: {  	v25 =	vshll.u32 v59, $0x7  }
0xfb: {  	v62 =	vadd.s32 s29, v18;
	v61 =	vor.u32 v15, v25;
	[tilespmem:v24+s22+$0x0] =	vst.idx.msk $0xffff, v26  }
0xfc: {  	v63 =	vand.u32 $0x1F, v62;
	v24 =	vand.u32 v17, v61;
	v26 =	vld.idx.msk [tilespmem:v27+s15+$0x0], $0xffff  }
0xfd: {  	v27 =	vor.u32 v19, v63;
	_ =	sdelay $0x2  }
0xfe: {  	v25 =	vshll.u32 v62, $0x7  }
0xff: {  	v31 =	vadd.s32 s29, v21;
	v30 =	vor.u32 v18, v25;
	[tilespmem:v24+s22+$0x0] =	vst.idx.msk $0xffff, v26  }
0x100: {  	v32 =	vand.u32 $0x1F, v31;
	v24 =	vand.u32 v20, v30;
	v26 =	vld.idx.msk [tilespmem:v27+s15+$0x0], $0xffff  }
0x101: {  	v27 =	vor.u32 v22, v32;
	_ =	sdelay $0x2  }
0x102: {  	s5 =	sadd.s32 $0x1, s29;
	v25 =	vshll.u32 v31, $0x7  }
0x103: {  	v34 =	vadd.s32 s5, v0;
	v33 =	vor.u32 v21, v25;
	[tilespmem:v24+s22+$0x0] =	vst.idx.msk $0xffff, v26  }
0x104: {  	v35 =	vand.u32 $0x1F, v34;
	v24 =	vand.u32 v23, v33;
	v26 =	vld.idx.msk [tilespmem:v27+s15+$0x0], $0xffff  }
0x105: {  	v27 =	vor.u32 v1, v35;
	_ =	sdelay $0x2  }
0x106: {  	v25 =	vshll.u32 v34, $0x7  }
0x107: {  	v37 =	vadd.s32 s5, v3;
	v36 =	vor.u32 v0, v25;
	[tilespmem:v24+s22+$0x0] =	vst.idx.msk $0xffff, v26  }
0x108: {  	v38 =	vand.u32 $0x1F, v37;
	v24 =	vand.u32 v2, v36;
	v26 =	vld.idx.msk [tilespmem:v27+s15+$0x0], $0xffff  }
0x109: {  	v27 =	vor.u32 v4, v38;
	_ =	sdelay $0x2  }
0x10a: {  	v25 =	vshll.u32 v37, $0x7  }
0x10b: {  	v40 =	vadd.s32 s5, v6;
	v39 =	vor.u32 v3, v25;
	[tilespmem:v24+s22+$0x0] =	vst.idx.msk $0xffff, v26  }
0x10c: {  	v41 =	vand.u32 $0x1F, v40;
	v24 =	vand.u32 v5, v39;
	v26 =	vld.idx.msk [tilespmem:v27+s15+$0x0], $0xffff  }
0x10d: {  	v27 =	vor.u32 v7, v41;
	_ =	sdelay $0x2  }
0x10e: {  	v25 =	vshll.u32 v40, $0x7  }
0x10f: {  	v43 =	vadd.s32 s5, v9;
	v42 =	vor.u32 v6, v25;
	[tilespmem:v24+s22+$0x0] =	vst.idx.msk $0xffff, v26  }
0x110: {  	v44 =	vand.u32 $0x1F, v43;
	v24 =	vand.u32 v8, v42;
	v26 =	vld.idx.msk [tilespmem:v27+s15+$0x0], $0xffff  }
0x111: {  	v27 =	vor.u32 v10, v44;
	_ =	sdelay $0x2  }
0x112: {  	v25 =	vshll.u32 v43, $0x7  }
0x113: {  	v46 =	vadd.s32 s5, v12;
	v45 =	vor.u32 v9, v25;
	[tilespmem:v24+s22+$0x0] =	vst.idx.msk $0xffff, v26  }
0x114: {  	v47 =	vand.u32 $0x1F, v46;
	v24 =	vand.u32 v11, v45;
	v26 =	vld.idx.msk [tilespmem:v27+s15+$0x0], $0xffff  }
0x115: {  	v27 =	vor.u32 v13, v47;
	_ =	sdelay $0x2  }
0x116: {  	v25 =	vshll.u32 v46, $0x7  }
0x117: {  	v49 =	vadd.s32 s5, v15;
	v48 =	vor.u32 v12, v25;
	[tilespmem:v24+s22+$0x0] =	vst.idx.msk $0xffff, v26  }
0x118: {  	v50 =	vand.u32 $0x1F, v49;
	v24 =	vand.u32 v14, v48;
	v26 =	vld.idx.msk [tilespmem:v27+s15+$0x0], $0xffff  }
0x119: {  	v27 =	vor.u32 v16, v50;
	_ =	sdelay $0x2  }
0x11a: {  	v25 =	vshll.u32 v49, $0x7  }
0x11b: {  	v52 =	vadd.s32 s5, v18;
	v51 =	vor.u32 v15, v25;
	[tilespmem:v24+s22+$0x0] =	vst.idx.msk $0xffff, v26  }
0x11c: {  	v53 =	vand.u32 $0x1F, v52;
	v24 =	vand.u32 v17, v51;
	v26 =	vld.idx.msk [tilespmem:v27+s15+$0x0], $0xffff  }
0x11d: {  	v27 =	vor.u32 v19, v53;
	_ =	sdelay $0x2  }
0x11e: {  	v25 =	vshll.u32 v52, $0x7  }
0x11f: {  	v54 =	vor.u32 v18, v25;
	v55 =	vadd.s32 s5, v21;
	[tilespmem:v24+s22+$0x0] =	vst.idx.msk $0xffff, v26  }
0x120: {  	v56 =	vand.u32 $0x1F, v55;
	v24 =	vand.u32 v20, v54;
	v26 =	vld.idx.msk [tilespmem:v27+s15+$0x0], $0xffff  }
0x121: {  	v27 =	vor.u32 v22, v56;
	_ =	sdelay $0x2  }
0x122: {  	v25 =	vshll.u32 v55, $0x7  }
0x123: {  	v57 =	vor.u32 v21, v25;
	[tilespmem:v24+s22+$0x0] =	vst.idx.msk $0xffff, v26  }
0x124: {  	v24 =	vand.u32 v23, v57;
	v58 =	vld.idx.msk [tilespmem:v27+s15+$0x0], $0xffff;
	_ =	sdelay $0x3  }
0x125: {  	s24 =	sshll.u32 s25, $0x9  }
0x126: {  	s29 =	sand.u32 $0x3FFFFE00, s24;
	[tilespmem:v24+s22+$0x0] =	vst.idx.msk $0xffff, v58  }
0x127: {  	v24 =	vld [tilespmem:s29+$0x0]  }
0x128: {  	v25 =	vld [tilespmem:s29+$0x10];
	_ =	sdelay $0x1  }
0x129: {  	v26 =	vld [tilespmem:s29+$0x20];
	_ =	sdelay $0x1  }
0x12a: {  	v59 =	vld [tilespmem:s29+$0x30]  }
0x12b: {  	vm0 =	vgt.s32 v24, v25  }
0x12c: {  	v60 =	vld [tilespmem:s29+$0x40];
	v24 =	vsel vm0, v24, v25  }
0x12d: {  	vm0 =	vgt.s32 v24, v26  }
0x12e: {  	v61 =	vld [tilespmem:s29+$0x50];
	v24 =	vsel vm0, v24, v26  }
0x12f: {  	vm0 =	vgt.s32 v24, v59  }
0x130: {  	v62 =	vld [tilespmem:s29+$0x60];
	v24 =	vsel vm0, v24, v59  }
0x131: {  	vm0 =	vgt.s32 v24, v60  }
0x132: {  	v63 =	vld [tilespmem:s29+$0x70];
	v24 =	vsel vm0, v24, v60  }
0x133: {  	vm0 =	vgt.s32 v24, v61  }
0x134: {  	v24 =	vsel vm0, v24, v61  }
0x135: {  	vm0 =	vgt.s32 v24, v62  }
0x136: {  	v24 =	vsel vm0, v24, v62  }
0x137: {  	vm0 =	vgt.s32 v24, v63  }
0x138: {  	v24 =	vsel vm0, v24, v63  }
0x139: {  	v24 =	vxor.u32 $0x80000000, v24  }
0x13a: {  	(xrf0) =	vmax.scan.msk.u32 $0xffff, v24;
	_ =	sdelay $0x5  }
0x13b: {  	v24, _, _ =	vpop (xrf0)  }
0x13c: {  	(v2sf) =	vpush v24, $0xF;
	_ =	sdelay $0xe  }
0x13d: {  	s31 =	spop (v2sf)  }
0x13e: {  	p1 =	slt.u32 s31, $0x800F4200  }
.Ltmp3:
0x13f: {  	_ = 	snop;
	(pc) =	sbr.rel @p1 .LBB2_8-.Ltmp3, $2  }
0x140: {  	_ =	sdelay $0x2  }
0x141: {  	s17 =	simm.s32 $0xAC00;
	s19 =	simm.s32 $0x0;
	s5 =	simm.s32 $0x0  }
.LBB2_5:
0x142: {  	s12 =	sshll.u32 s19, $0x4  }
0x143: {  	s12 =	sadd.s32 s12, s29  }
0x144: {  	v25 =	vld [tilespmem:s12+$0x0];
	_ =	sdelay $0x4  }
0x145: {  	v24 =	vadd.s32 $0xFFF0BE00, v25  }
0x146: {  	v26 =	vmov s5;
	vm0 =	vgt.s32 v24, $0x0  }
0x147: {  	v26 =	vand.u32 $0x1F, v26;
	v24 =	vnsel vm0, $0x0, v24  }
0x148: {  	v26 =	vbroadcast v26, $0x0;
	v24 =	vmin.u32 v24, $0x3F  }
0x149: {  	v24 =	vshll.u32 v24, $0x5  }
0x14a: {  	v26 =	vor.u32 v24, v26;
	_ =	sdelay $0x1  }
0x14b: {  	s24 =	simm.s32 $0x1  }
0x14c: {  	v28 =	vmov s24  }
0x14d: {  	v27 =	vld [tilespmem:s17+$0x0];
	v28 =	vand.u32 $0x1F, v28  }
0x14e: {  	vm0 =	vgt.s32 v25, $0xF41FF;
	v25 =	vbroadcast v28, $0x0;
	v26 =	vld.idx.msk [tilespmem:v26+s13+$0x0], $0xffff;
	_ =	sdelay $0x1  }
0x14f: {  	v25 =	vor.u32 v24, v25;
	_ =	sdelay $0x2  }
0x150: {  	s31 =	simm.s32 $0x2;
	v27 =	vsel vm0, v26, v27  }
0x151: {  	s23 =	simm.s32 $0x3;
	s12 =	smov.u32 s17;
	v26 =	vmov s31;
	[tilespmem:s17+$0x0] =	vst v27  }
.LBB2_6:
0x152: {  	p1 =	sne.s32 s23, $0x1F;
	v26 =	vand.u32 $0x1F, v26;
	v27 =	vld.idx.msk [tilespmem:v25+s13+$0x0], $0xffff;
	s12 =	sadd.s32 $0x80, s12  }
0x153: {  	v25 =	vbroadcast v26, $0x0;
	v26 =	vld [tilespmem:s12+$0x0];
	_ =	sdelay $0x1  }
.Ltmp4:
0x154: {  	v25 =	vor.u32 v24, v25;
	(pc) =	sbr.rel @p1 .LBB2_6-.Ltmp4, $3  }
0x155: {  	_ =	sdelay $0x1  }
0x156: {  	v27 =	vsel vm0, v27, v26  }
0x157: {  	v26 =	vmov s23;
	s23 =	sadd.s32 $0x1, s23;
	[tilespmem:s12+$0x0] =	vst v27  }
0x158: {  	_ =	sdelay $0x3  }
0x159: {  	v26 =	vand.u32 $0x1F, v26;
	v25 =	vld.idx.msk [tilespmem:v25+s13+$0x0], $0xffff;
	s12 =	sadd.s32 $0x80, s12  }
0x15a: {  	v26 =	vbroadcast v26, $0x0;
	v27 =	vld [tilespmem:s12+$0x0];
	_ =	sdelay $0x1  }
0x15b: {  	v24 =	vor.u32 v24, v26;
	_ =	sdelay $0x2  }
0x15c: {  	v25 =	vsel vm0, v25, v27  }
0x15d: {  	[tilespmem:s12+$0x0] =	vst v25  }
0x15e: {  	s12 =	sadd.s32 $0x80, s12;
	v24 =	vld.idx.msk [tilespmem:v24+s13+$0x0], $0xffff  }
0x15f: {  	s19 =	sadd.s32 $0x1, s19;
	v25 =	vld [tilespmem:s12+$0x0]  }
0x160: {  	p1 =	sne.s32 s19, $0x8  }
.Ltmp5:
0x161: {  	_ = 	snop;
	(pc) =	sbr.rel @p1 .LBB2_5-.Ltmp5, $3  }
0x162: {  	_ =	sdelay $0x1  }
0x163: {  	v24 =	vsel vm0, v24, v25  }
0x164: {  	s17 =	sadd.s32 $0x10, s17;
	[tilespmem:s12+$0x0] =	vst v24  }
.LBB2_8:
0x165: {  	s5 =	sadd.s32 s7, s30  }
0x166: {  	s12 =	sshll.u32 s5, $0x9;
	s5 =	sshll.u32 s5, $0x7  }
0x167: {  	s12 =	sand.u32 $0xFFF0000, s12;
	s5 =	sand.u32 $0x3E00, s5  }
0x168: {  	s5 =	sor.u32 s5, s12  }
0x169: {  	s12 =	sadd.s32 s2, s5  }
0x16a: {  	[hbm4b:s12+s3] =	stream.linear.scatter [tilespmem:s22], [sflag:$0x5], $0x400, $0x38;
	[tilespmem:$0xEC00] =	vst v63  }
0x16b: {  	s17 =	simm.s32 $0xB000;
	s19 =	sadd.s32 s5, s8  }
0x16c: {  	[hbm4b:s19+s3] =	stream.linear.scatter [tilespmem:s17], [sflag:$0x5], $0x400, $0x38;
	[tilespmem:$0xEC00] =	vst v63  }
0x16d: {  	s24 =	simm.s32 $0xB400;
	s23 =	sadd.s32 s5, s9  }
0x16e: {  	[hbm4b:s23+s3] =	stream.linear.scatter [tilespmem:s24], [sflag:$0x5], $0x400, $0x38;
	[tilespmem:$0xEC00] =	vst v63  }
0x16f: {  	p1 =	seq.s32 s25, $0x31;
	s5 =	sadd.s32 s5, s10;
	s19 =	simm.s32 $0xB800  }
0x170: {  	[hbm4b:s5+s3] =	stream.linear.scatter [tilespmem:s19], [sflag:$0x5], $0x400, $0x38;
	[tilespmem:$0xEC00] =	vst v63  }
0x171: {  	s12 =	simm.s32 @!p1 $0x80;
	s17 =	simm.s32 @!p1 $0x6C00;
	s5 =	sadd.s32 @!p1 $0x200, s29  }
0x172: {  	[tilespmem:s17], [sflag:$0x1] =	stream.indirect.gather @!p1 [hbm4b:s4+s12], $0x20, s5, s12, $0xb8;
	[tilespmem:$0xEC00] =	vst v63  }
0x173: {  	_ =	swait.ge [sflag:s26], $0x1000  }
0x174: {  	[sflag:s26] =	ssyncset.done $0x0  }
0x175: {  	s5 =	simm.s32 @!p0 $0x6;
	[sflag:s26] =	ssyncadd.s32 $0xFFFFF000  }
0x176: {  	_ =	swait.ge @!p0 [sflag:s5], $0x400  }
0x177: {  	[sflag:s5] =	ssyncset.done @!p0 $0x0  }
0x178: {  	[sflag:s5] =	ssyncadd.s32 @!p0 $0xFFFFFC00  }
0x179: {  	_ =	swait.ge @!p0 [sflag:s5], $0x400  }
0x17a: {  	s23 =	simm.s32 $0x0;
	[sflag:s5] =	ssyncset.done @!p0 $0x0  }
0x17b: {  	v24 =	vadd.s32 s23, v0;
	[sflag:s5] =	ssyncadd.s32 @!p0 $0xFFFFFC00  }
0x17c: {  	v25 =	vand.u32 $0x1F, v24;
	_ =	swait.ge @!p0 [sflag:s5], $0x400  }
0x17d: {  	v25 =	vor.u32 v1, v25;
	[sflag:s5] =	ssyncset.done @!p0 $0x0  }
0x17e: {  	[sflag:s5] =	ssyncadd.s32 @!p0 $0xFFFFFC00  }
0x17f: {  	_ =	swait.ge @!p0 [sflag:s5], $0x400  }
0x180: {  	v24 =	vshll.u32 v24, $0x7;
	[sflag:s5] =	ssyncset.done @!p0 $0x0  }
0x181: {  	v26 =	vadd.s32 s23, v3;
	v24 =	vor.u32 v0, v24;
	[sflag:s5] =	ssyncadd.s32 @!p0 $0xFFFFFC00  }
0x182: {  	v27 =	vand.u32 $0x1F, v26;
	v24 =	vand.u32 v2, v24;
	v25 =	vld.idx.msk [tilespmem:v25+s16+$0x0], $0xffff  }
0x183: {  	v27 =	vor.u32 v4, v27;
	_ =	sdelay $0x2  }
0x184: {  	v26 =	vshll.u32 v26, $0x7  }
0x185: {  	[tilespmem:v24+s28+$0x0] =	vst.idx.msk $0xffff, v25;
	v24 =	vor.u32 v3, v26;
	v25 =	vadd.s32 s23, v6  }
0x186: {  	v26 =	vld.idx.msk [tilespmem:v27+s16+$0x0], $0xffff;
	v24 =	vand.u32 v5, v24;
	v27 =	vand.u32 $0x1F, v25  }
0x187: {  	v27 =	vor.u32 v7, v27;
	_ =	sdelay $0x2  }
0x188: {  	v25 =	vshll.u32 v25, $0x7  }
0x189: {  	[tilespmem:v24+s28+$0x0] =	vst.idx.msk $0xffff, v26;
	v24 =	vor.u32 v6, v25;
	v25 =	vadd.s32 s23, v9  }
0x18a: {  	v26 =	vld.idx.msk [tilespmem:v27+s16+$0x0], $0xffff;
	v24 =	vand.u32 v8, v24;
	v27 =	vand.u32 $0x1F, v25  }
0x18b: {  	v27 =	vor.u32 v10, v27;
	_ =	sdelay $0x2  }
0x18c: {  	v25 =	vshll.u32 v25, $0x7  }
0x18d: {  	[tilespmem:v24+s28+$0x0] =	vst.idx.msk $0xffff, v26;
	v24 =	vor.u32 v9, v25;
	v25 =	vadd.s32 s23, v12  }
0x18e: {  	v26 =	vld.idx.msk [tilespmem:v27+s16+$0x0], $0xffff;
	v24 =	vand.u32 v11, v24;
	v27 =	vand.u32 $0x1F, v25  }
0x18f: {  	v27 =	vor.u32 v13, v27;
	_ =	sdelay $0x2  }
0x190: {  	v25 =	vshll.u32 v25, $0x7  }
0x191: {  	[tilespmem:v24+s28+$0x0] =	vst.idx.msk $0xffff, v26;
	v24 =	vor.u32 v12, v25;
	v25 =	vadd.s32 s23, v15  }
0x192: {  	v26 =	vld.idx.msk [tilespmem:v27+s16+$0x0], $0xffff;
	v24 =	vand.u32 v14, v24;
	v27 =	vand.u32 $0x1F, v25  }
0x193: {  	v27 =	vor.u32 v16, v27;
	_ =	sdelay $0x2  }
0x194: {  	v25 =	vshll.u32 v25, $0x7  }
0x195: {  	[tilespmem:v24+s28+$0x0] =	vst.idx.msk $0xffff, v26;
	v24 =	vor.u32 v15, v25;
	v25 =	vadd.s32 s23, v18  }
0x196: {  	v26 =	vld.idx.msk [tilespmem:v27+s16+$0x0], $0xffff;
	v24 =	vand.u32 v17, v24;
	v27 =	vand.u32 $0x1F, v25  }
0x197: {  	v27 =	vor.u32 v19, v27;
	_ =	sdelay $0x2  }
0x198: {  	v25 =	vshll.u32 v25, $0x7  }
0x199: {  	[tilespmem:v24+s28+$0x0] =	vst.idx.msk $0xffff, v26;
	v24 =	vor.u32 v18, v25;
	v25 =	vadd.s32 s23, v21  }
0x19a: {  	v26 =	vld.idx.msk [tilespmem:v27+s16+$0x0], $0xffff;
	v24 =	vand.u32 v20, v24;
	v27 =	vand.u32 $0x1F, v25  }
0x19b: {  	v27 =	vor.u32 v22, v27;
	_ =	sdelay $0x2  }
0x19c: {  	s24 =	simm.s32 $0x1;
	v25 =	vshll.u32 v25, $0x7  }
0x19d: {  	[tilespmem:v24+s28+$0x0] =	vst.idx.msk $0xffff, v26;
	v24 =	vor.u32 v21, v25;
	v25 =	vadd.s32 s24, v0  }
0x19e: {  	v26 =	vld.idx.msk [tilespmem:v27+s16+$0x0], $0xffff;
	v24 =	vand.u32 v23, v24;
	v27 =	vand.u32 $0x1F, v25  }
0x19f: {  	v27 =	vor.u32 v1, v27;
	_ =	sdelay $0x2  }
0x1a0: {  	v25 =	vshll.u32 v25, $0x7  }
0x1a1: {  	[tilespmem:v24+s28+$0x0] =	vst.idx.msk $0xffff, v26;
	v24 =	vor.u32 v0, v25;
	v25 =	vadd.s32 s24, v3  }
0x1a2: {  	v26 =	vld.idx.msk [tilespmem:v27+s16+$0x0], $0xffff;
	v24 =	vand.u32 v2, v24;
	v27 =	vand.u32 $0x1F, v25  }
0x1a3: {  	v27 =	vor.u32 v4, v27;
	_ =	sdelay $0x2  }
0x1a4: {  	v25 =	vshll.u32 v25, $0x7  }
0x1a5: {  	[tilespmem:v24+s28+$0x0] =	vst.idx.msk $0xffff, v26;
	v24 =	vor.u32 v3, v25;
	v25 =	vadd.s32 s24, v6  }
0x1a6: {  	v26 =	vld.idx.msk [tilespmem:v27+s16+$0x0], $0xffff;
	v24 =	vand.u32 v5, v24;
	v27 =	vand.u32 $0x1F, v25  }
0x1a7: {  	v27 =	vor.u32 v7, v27;
	_ =	sdelay $0x2  }
0x1a8: {  	v25 =	vshll.u32 v25, $0x7  }
0x1a9: {  	[tilespmem:v24+s28+$0x0] =	vst.idx.msk $0xffff, v26;
	v24 =	vor.u32 v6, v25;
	v25 =	vadd.s32 s24, v9  }
0x1aa: {  	v26 =	vld.idx.msk [tilespmem:v27+s16+$0x0], $0xffff;
	v24 =	vand.u32 v8, v24;
	v27 =	vand.u32 $0x1F, v25  }
0x1ab: {  	v27 =	vor.u32 v10, v27;
	_ =	sdelay $0x2  }
0x1ac: {  	v25 =	vshll.u32 v25, $0x7  }
0x1ad: {  	[tilespmem:v24+s28+$0x0] =	vst.idx.msk $0xffff, v26;
	v24 =	vor.u32 v9, v25;
	v25 =	vadd.s32 s24, v12  }
0x1ae: {  	v26 =	vld.idx.msk [tilespmem:v27+s16+$0x0], $0xffff;
	v24 =	vand.u32 v11, v24;
	v27 =	vand.u32 $0x1F, v25  }
0x1af: {  	v27 =	vor.u32 v13, v27;
	_ =	sdelay $0x2  }
0x1b0: {  	v25 =	vshll.u32 v25, $0x7  }
0x1b1: {  	[tilespmem:v24+s28+$0x0] =	vst.idx.msk $0xffff, v26;
	v24 =	vor.u32 v12, v25;
	v25 =	vadd.s32 s24, v15  }
0x1b2: {  	v26 =	vld.idx.msk [tilespmem:v27+s16+$0x0], $0xffff;
	v24 =	vand.u32 v14, v24;
	v27 =	vand.u32 $0x1F, v25  }
0x1b3: {  	v27 =	vor.u32 v16, v27;
	_ =	sdelay $0x2  }
0x1b4: {  	v25 =	vshll.u32 v25, $0x7  }
0x1b5: {  	[tilespmem:v24+s28+$0x0] =	vst.idx.msk $0xffff, v26;
	v24 =	vor.u32 v15, v25;
	v25 =	vadd.s32 s24, v18  }
0x1b6: {  	v26 =	vld.idx.msk [tilespmem:v27+s16+$0x0], $0xffff;
	v24 =	vand.u32 v17, v24;
	v27 =	vand.u32 $0x1F, v25  }
0x1b7: {  	v27 =	vor.u32 v19, v27;
	_ =	sdelay $0x2  }
0x1b8: {  	v25 =	vshll.u32 v25, $0x7  }
0x1b9: {  	[tilespmem:v24+s28+$0x0] =	vst.idx.msk $0xffff, v26;
	v24 =	vor.u32 v18, v25;
	v25 =	vadd.s32 s24, v21  }
0x1ba: {  	v26 =	vld.idx.msk [tilespmem:v27+s16+$0x0], $0xffff;
	v24 =	vand.u32 v20, v24;
	v27 =	vand.u32 $0x1F, v25  }
0x1bb: {  	v27 =	vor.u32 v22, v27;
	_ =	sdelay $0x3  }
0x1bc: {  	s17 =	simm.s32 $0x2;
	[tilespmem:v24+s28+$0x0] =	vst.idx.msk $0xffff, v26;
	v26 =	vshll.u32 v25, $0x7  }
0x1bd: {  	s31 =	sor.u32 $0x1, s30;
	s19 =	simm.s32 $0x4;
	v24 =	vadd.s32 s17, v0;
	v25 =	vld.idx.msk [tilespmem:v27+s16+$0x0], $0xffff;
	v26 =	vor.u32 v21, v26  }
.LBB2_9:
0x1be: {  	p2 =	sne.s32 s19, $0x1E;
	v27 =	vand.u32 $0x1F, v24;
	v26 =	vand.u32 v23, v26  }
0x1bf: {  	v27 =	vor.u32 v1, v27;
	_ =	sdelay $0x3  }
0x1c0: {  	v24 =	vshll.u32 v24, $0x7;
	[tilespmem:v26+s28+$0x0] =	vst.idx.msk $0xffff, v25  }
0x1c1: {  	v24 =	vor.u32 v0, v24;
	v26 =	vadd.s32 s17, v3;
	v25 =	vld.idx.msk [tilespmem:v27+s16+$0x0], $0xffff  }
0x1c2: {  	v24 =	vand.u32 v2, v24;
	v27 =	vand.u32 $0x1F, v26  }
0x1c3: {  	v27 =	vor.u32 v4, v27;
	_ =	sdelay $0x3  }
0x1c4: {  	[tilespmem:v24+s28+$0x0] =	vst.idx.msk $0xffff, v25;
	v24 =	vshll.u32 v26, $0x7  }
0x1c5: {  	v26 =	vadd.s32 s17, v6;
	v25 =	vld.idx.msk [tilespmem:v27+s16+$0x0], $0xffff;
	v24 =	vor.u32 v3, v24  }
0x1c6: {  	v27 =	vand.u32 $0x1F, v26;
	v24 =	vand.u32 v5, v24  }
0x1c7: {  	v27 =	vor.u32 v7, v27;
	_ =	sdelay $0x3  }
0x1c8: {  	[tilespmem:v24+s28+$0x0] =	vst.idx.msk $0xffff, v25;
	v24 =	vshll.u32 v26, $0x7  }
0x1c9: {  	v26 =	vadd.s32 s17, v9;
	v25 =	vld.idx.msk [tilespmem:v27+s16+$0x0], $0xffff;
	v24 =	vor.u32 v6, v24  }
0x1ca: {  	v27 =	vand.u32 $0x1F, v26;
	v24 =	vand.u32 v8, v24  }
0x1cb: {  	v27 =	vor.u32 v10, v27;
	_ =	sdelay $0x3  }
0x1cc: {  	[tilespmem:v24+s28+$0x0] =	vst.idx.msk $0xffff, v25;
	v24 =	vshll.u32 v26, $0x7  }
0x1cd: {  	v26 =	vadd.s32 s17, v12;
	v25 =	vld.idx.msk [tilespmem:v27+s16+$0x0], $0xffff;
	v24 =	vor.u32 v9, v24  }
0x1ce: {  	v27 =	vand.u32 $0x1F, v26;
	v24 =	vand.u32 v11, v24  }
0x1cf: {  	v27 =	vor.u32 v13, v27;
	_ =	sdelay $0x3  }
0x1d0: {  	[tilespmem:v24+s28+$0x0] =	vst.idx.msk $0xffff, v25;
	v24 =	vshll.u32 v26, $0x7  }
0x1d1: {  	v26 =	vadd.s32 s17, v15;
	v25 =	vld.idx.msk [tilespmem:v27+s16+$0x0], $0xffff;
	v24 =	vor.u32 v12, v24  }
0x1d2: {  	v27 =	vand.u32 $0x1F, v26;
	v24 =	vand.u32 v14, v24  }
0x1d3: {  	v27 =	vor.u32 v16, v27;
	_ =	sdelay $0x3  }
0x1d4: {  	[tilespmem:v24+s28+$0x0] =	vst.idx.msk $0xffff, v25;
	v24 =	vshll.u32 v26, $0x7  }
0x1d5: {  	v26 =	vadd.s32 s17, v18;
	v25 =	vld.idx.msk [tilespmem:v27+s16+$0x0], $0xffff;
	v24 =	vor.u32 v15, v24  }
0x1d6: {  	v27 =	vand.u32 $0x1F, v26;
	v24 =	vand.u32 v17, v24  }
0x1d7: {  	v27 =	vor.u32 v19, v27;
	_ =	sdelay $0x3  }
0x1d8: {  	[tilespmem:v24+s28+$0x0] =	vst.idx.msk $0xffff, v25;
	v24 =	vshll.u32 v26, $0x7  }
0x1d9: {  	v26 =	vadd.s32 s17, v21;
	v25 =	vld.idx.msk [tilespmem:v27+s16+$0x0], $0xffff;
	v24 =	vor.u32 v18, v24  }
0x1da: {  	v27 =	vand.u32 $0x1F, v26;
	v24 =	vand.u32 v20, v24  }
0x1db: {  	v27 =	vor.u32 v22, v27;
	_ =	sdelay $0x3  }
0x1dc: {  	s5 =	sadd.s32 $0x1, s17;
	s17 =	smov.u32 s19;
	[tilespmem:v24+s28+$0x0] =	vst.idx.msk $0xffff, v25;
	v24 =	vshll.u32 v26, $0x7  }
0x1dd: {  	v26 =	vadd.s32 s5, v0;
	v25 =	vld.idx.msk [tilespmem:v27+s16+$0x0], $0xffff;
	v24 =	vor.u32 v21, v24  }
0x1de: {  	v27 =	vand.u32 $0x1F, v26;
	v24 =	vand.u32 v23, v24  }
0x1df: {  	v27 =	vor.u32 v1, v27;
	_ =	sdelay $0x3  }
0x1e0: {  	[tilespmem:v24+s28+$0x0] =	vst.idx.msk $0xffff, v25;
	v24 =	vshll.u32 v26, $0x7  }
0x1e1: {  	v26 =	vadd.s32 s5, v3;
	v25 =	vld.idx.msk [tilespmem:v27+s16+$0x0], $0xffff;
	v24 =	vor.u32 v0, v24  }
0x1e2: {  	v27 =	vand.u32 $0x1F, v26;
	v24 =	vand.u32 v2, v24  }
0x1e3: {  	v27 =	vor.u32 v4, v27;
	_ =	sdelay $0x3  }
0x1e4: {  	[tilespmem:v24+s28+$0x0] =	vst.idx.msk $0xffff, v25;
	v24 =	vshll.u32 v26, $0x7  }
0x1e5: {  	v26 =	vadd.s32 s5, v6;
	v25 =	vld.idx.msk [tilespmem:v27+s16+$0x0], $0xffff;
	v24 =	vor.u32 v3, v24  }
0x1e6: {  	v27 =	vand.u32 $0x1F, v26;
	v24 =	vand.u32 v5, v24  }
0x1e7: {  	v27 =	vor.u32 v7, v27;
	_ =	sdelay $0x3  }
0x1e8: {  	[tilespmem:v24+s28+$0x0] =	vst.idx.msk $0xffff, v25;
	v24 =	vshll.u32 v26, $0x7  }
0x1e9: {  	v26 =	vadd.s32 s5, v9;
	v25 =	vld.idx.msk [tilespmem:v27+s16+$0x0], $0xffff;
	v24 =	vor.u32 v6, v24  }
0x1ea: {  	v27 =	vand.u32 $0x1F, v26;
	v24 =	vand.u32 v8, v24  }
0x1eb: {  	v27 =	vor.u32 v10, v27;
	_ =	sdelay $0x3  }
0x1ec: {  	[tilespmem:v24+s28+$0x0] =	vst.idx.msk $0xffff, v25;
	v24 =	vshll.u32 v26, $0x7  }
0x1ed: {  	v26 =	vadd.s32 s5, v12;
	v25 =	vld.idx.msk [tilespmem:v27+s16+$0x0], $0xffff;
	v24 =	vor.u32 v9, v24  }
0x1ee: {  	v27 =	vand.u32 $0x1F, v26;
	v24 =	vand.u32 v11, v24  }
0x1ef: {  	v27 =	vor.u32 v13, v27;
	_ =	sdelay $0x3  }
0x1f0: {  	[tilespmem:v24+s28+$0x0] =	vst.idx.msk $0xffff, v25;
	v24 =	vshll.u32 v26, $0x7  }
0x1f1: {  	v26 =	vadd.s32 s5, v15;
	v25 =	vld.idx.msk [tilespmem:v27+s16+$0x0], $0xffff;
	v24 =	vor.u32 v12, v24  }
0x1f2: {  	v27 =	vand.u32 $0x1F, v26;
	v24 =	vand.u32 v14, v24  }
0x1f3: {  	v27 =	vor.u32 v16, v27;
	_ =	sdelay $0x3  }
0x1f4: {  	[tilespmem:v24+s28+$0x0] =	vst.idx.msk $0xffff, v25;
	v24 =	vshll.u32 v26, $0x7  }
0x1f5: {  	v26 =	vadd.s32 s5, v18;
	v25 =	vld.idx.msk [tilespmem:v27+s16+$0x0], $0xffff;
	v24 =	vor.u32 v15, v24  }
0x1f6: {  	v27 =	vand.u32 $0x1F, v26;
	v24 =	vand.u32 v17, v24  }
0x1f7: {  	v27 =	vor.u32 v19, v27;
	_ =	sdelay $0x3  }
0x1f8: {  	[tilespmem:v24+s28+$0x0] =	vst.idx.msk $0xffff, v25;
	v24 =	vshll.u32 v26, $0x7  }
0x1f9: {  	v26 =	vadd.s32 s5, v21;
	v25 =	vld.idx.msk [tilespmem:v27+s16+$0x0], $0xffff;
	v24 =	vor.u32 v18, v24  }
0x1fa: {  	v27 =	vand.u32 $0x1F, v26;
	v24 =	vand.u32 v20, v24  }
0x1fb: {  	v27 =	vor.u32 v22, v27  }
.Ltmp6:
0x1fc: {  	(pc) =	sbr.rel @p2 .LBB2_9-.Ltmp6, $3  }
0x1fd: {  	_ =	sdelay $0x1  }
0x1fe: {  	v26 =	vshll.u32 v26, $0x7;
	[tilespmem:v24+s28+$0x0] =	vst.idx.msk $0xffff, v25  }
0x1ff: {  	s19 =	sadd.s32 $0x2, s19;
	v26 =	vor.u32 v21, v26;
	v24 =	vadd.s32 s17, v0;
	v25 =	vld.idx.msk [tilespmem:v27+s16+$0x0], $0xffff  }
0x200: {  	v27 =	vand.u32 $0x1F, v24;
	v26 =	vand.u32 v23, v26  }
0x201: {  	v27 =	vor.u32 v1, v27;
	_ =	sdelay $0x2  }
0x202: {  	v46 =	vshll.u32 v24, $0x7  }
0x203: {  	v47 =	vadd.s32 s17, v3;
	v24 =	vor.u32 v0, v46;
	[tilespmem:v26+s28+$0x0] =	vst.idx.msk $0xffff, v25  }
0x204: {  	v48 =	vand.u32 $0x1F, v47;
	v24 =	vand.u32 v2, v24;
	v26 =	vld.idx.msk [tilespmem:v27+s16+$0x0], $0xffff  }
0x205: {  	v27 =	vor.u32 v4, v48;
	_ =	sdelay $0x2  }
0x206: {  	v25 =	vshll.u32 v47, $0x7  }
0x207: {  	v50 =	vadd.s32 s17, v6;
	v49 =	vor.u32 v3, v25;
	[tilespmem:v24+s28+$0x0] =	vst.idx.msk $0xffff, v26  }
0x208: {  	v51 =	vand.u32 $0x1F, v50;
	v24 =	vand.u32 v5, v49;
	v26 =	vld.idx.msk [tilespmem:v27+s16+$0x0], $0xffff  }
0x209: {  	v27 =	vor.u32 v7, v51;
	_ =	sdelay $0x2  }
0x20a: {  	v25 =	vshll.u32 v50, $0x7  }
0x20b: {  	v53 =	vadd.s32 s17, v9;
	v52 =	vor.u32 v6, v25;
	[tilespmem:v24+s28+$0x0] =	vst.idx.msk $0xffff, v26  }
0x20c: {  	v54 =	vand.u32 $0x1F, v53;
	v24 =	vand.u32 v8, v52;
	v26 =	vld.idx.msk [tilespmem:v27+s16+$0x0], $0xffff  }
0x20d: {  	v27 =	vor.u32 v10, v54;
	_ =	sdelay $0x2  }
0x20e: {  	v25 =	vshll.u32 v53, $0x7  }
0x20f: {  	v56 =	vadd.s32 s17, v12;
	v55 =	vor.u32 v9, v25;
	[tilespmem:v24+s28+$0x0] =	vst.idx.msk $0xffff, v26  }
0x210: {  	v57 =	vand.u32 $0x1F, v56;
	v24 =	vand.u32 v11, v55;
	v26 =	vld.idx.msk [tilespmem:v27+s16+$0x0], $0xffff  }
0x211: {  	v27 =	vor.u32 v13, v57;
	_ =	sdelay $0x2  }
0x212: {  	v25 =	vshll.u32 v56, $0x7  }
0x213: {  	v59 =	vadd.s32 s17, v15;
	v58 =	vor.u32 v12, v25;
	[tilespmem:v24+s28+$0x0] =	vst.idx.msk $0xffff, v26  }
0x214: {  	v60 =	vand.u32 $0x1F, v59;
	v24 =	vand.u32 v14, v58;
	v26 =	vld.idx.msk [tilespmem:v27+s16+$0x0], $0xffff  }
0x215: {  	v27 =	vor.u32 v16, v60;
	_ =	sdelay $0x2  }
0x216: {  	v25 =	vshll.u32 v59, $0x7  }
0x217: {  	v62 =	vadd.s32 s17, v18;
	v61 =	vor.u32 v15, v25;
	[tilespmem:v24+s28+$0x0] =	vst.idx.msk $0xffff, v26  }
0x218: {  	v63 =	vand.u32 $0x1F, v62;
	v24 =	vand.u32 v17, v61;
	v26 =	vld.idx.msk [tilespmem:v27+s16+$0x0], $0xffff  }
0x219: {  	v27 =	vor.u32 v19, v63;
	_ =	sdelay $0x2  }
0x21a: {  	v25 =	vshll.u32 v62, $0x7  }
0x21b: {  	v31 =	vadd.s32 s17, v21;
	v30 =	vor.u32 v18, v25;
	[tilespmem:v24+s28+$0x0] =	vst.idx.msk $0xffff, v26  }
0x21c: {  	v32 =	vand.u32 $0x1F, v31;
	v24 =	vand.u32 v20, v30;
	v26 =	vld.idx.msk [tilespmem:v27+s16+$0x0], $0xffff  }
0x21d: {  	v27 =	vor.u32 v22, v32;
	_ =	sdelay $0x2  }
0x21e: {  	s5 =	sadd.s32 $0x1, s17;
	v25 =	vshll.u32 v31, $0x7  }
0x21f: {  	v34 =	vadd.s32 s5, v0;
	v33 =	vor.u32 v21, v25;
	[tilespmem:v24+s28+$0x0] =	vst.idx.msk $0xffff, v26  }
0x220: {  	v35 =	vand.u32 $0x1F, v34;
	v24 =	vand.u32 v23, v33;
	v26 =	vld.idx.msk [tilespmem:v27+s16+$0x0], $0xffff  }
0x221: {  	v27 =	vor.u32 v1, v35;
	_ =	sdelay $0x2  }
0x222: {  	v25 =	vshll.u32 v34, $0x7  }
0x223: {  	v37 =	vadd.s32 s5, v3;
	v36 =	vor.u32 v0, v25;
	[tilespmem:v24+s28+$0x0] =	vst.idx.msk $0xffff, v26  }
0x224: {  	v38 =	vand.u32 $0x1F, v37;
	v24 =	vand.u32 v2, v36;
	v26 =	vld.idx.msk [tilespmem:v27+s16+$0x0], $0xffff  }
0x225: {  	v27 =	vor.u32 v4, v38;
	_ =	sdelay $0x2  }
0x226: {  	v25 =	vshll.u32 v37, $0x7  }
0x227: {  	v40 =	vadd.s32 s5, v6;
	v39 =	vor.u32 v3, v25;
	[tilespmem:v24+s28+$0x0] =	vst.idx.msk $0xffff, v26  }
0x228: {  	v41 =	vand.u32 $0x1F, v40;
	v24 =	vand.u32 v5, v39;
	v26 =	vld.idx.msk [tilespmem:v27+s16+$0x0], $0xffff  }
0x229: {  	v27 =	vor.u32 v7, v41;
	_ =	sdelay $0x2  }
0x22a: {  	v25 =	vshll.u32 v40, $0x7  }
0x22b: {  	v43 =	vadd.s32 s5, v9;
	v42 =	vor.u32 v6, v25;
	[tilespmem:v24+s28+$0x0] =	vst.idx.msk $0xffff, v26  }
0x22c: {  	v44 =	vand.u32 $0x1F, v43;
	v24 =	vand.u32 v8, v42;
	v26 =	vld.idx.msk [tilespmem:v27+s16+$0x0], $0xffff  }
0x22d: {  	v27 =	vor.u32 v10, v44;
	_ =	sdelay $0x2  }
0x22e: {  	v25 =	vshll.u32 v43, $0x7  }
0x22f: {  	v46 =	vadd.s32 s5, v12;
	v45 =	vor.u32 v9, v25;
	[tilespmem:v24+s28+$0x0] =	vst.idx.msk $0xffff, v26  }
0x230: {  	v47 =	vand.u32 $0x1F, v46;
	v24 =	vand.u32 v11, v45;
	v26 =	vld.idx.msk [tilespmem:v27+s16+$0x0], $0xffff  }
0x231: {  	v27 =	vor.u32 v13, v47;
	_ =	sdelay $0x2  }
0x232: {  	v25 =	vshll.u32 v46, $0x7  }
0x233: {  	v49 =	vadd.s32 s5, v15;
	v48 =	vor.u32 v12, v25;
	[tilespmem:v24+s28+$0x0] =	vst.idx.msk $0xffff, v26  }
0x234: {  	v50 =	vand.u32 $0x1F, v49;
	v24 =	vand.u32 v14, v48;
	v26 =	vld.idx.msk [tilespmem:v27+s16+$0x0], $0xffff  }
0x235: {  	v27 =	vor.u32 v16, v50;
	_ =	sdelay $0x2  }
0x236: {  	v25 =	vshll.u32 v49, $0x7  }
0x237: {  	v52 =	vadd.s32 s5, v18;
	v51 =	vor.u32 v15, v25;
	[tilespmem:v24+s28+$0x0] =	vst.idx.msk $0xffff, v26  }
0x238: {  	v53 =	vand.u32 $0x1F, v52;
	v24 =	vand.u32 v17, v51;
	v26 =	vld.idx.msk [tilespmem:v27+s16+$0x0], $0xffff  }
0x239: {  	v27 =	vor.u32 v19, v53;
	_ =	sdelay $0x2  }
0x23a: {  	v25 =	vshll.u32 v52, $0x7  }
0x23b: {  	v54 =	vor.u32 v18, v25;
	v55 =	vadd.s32 s5, v21;
	[tilespmem:v24+s28+$0x0] =	vst.idx.msk $0xffff, v26  }
0x23c: {  	v56 =	vand.u32 $0x1F, v55;
	v24 =	vand.u32 v20, v54;
	v26 =	vld.idx.msk [tilespmem:v27+s16+$0x0], $0xffff  }
0x23d: {  	v27 =	vor.u32 v22, v56;
	_ =	sdelay $0x2  }
0x23e: {  	v25 =	vshll.u32 v55, $0x7  }
0x23f: {  	v57 =	vor.u32 v21, v25;
	[tilespmem:v24+s28+$0x0] =	vst.idx.msk $0xffff, v26  }
0x240: {  	v24 =	vand.u32 v23, v57;
	v58 =	vld.idx.msk [tilespmem:v27+s16+$0x0], $0xffff;
	_ =	sdelay $0x3  }
0x241: {  	s24 =	sshll.u32 s31, $0x7  }
0x242: {  	s5 =	sand.u32 $0x3FFFFF80, s24;
	[tilespmem:v24+s28+$0x0] =	vst.idx.msk $0xffff, v58  }
0x243: {  	v24 =	vld [tilespmem:s5+$0x0]  }
0x244: {  	v25 =	vld [tilespmem:s5+$0x10];
	_ =	sdelay $0x1  }
0x245: {  	v26 =	vld [tilespmem:s5+$0x20];
	_ =	sdelay $0x1  }
0x246: {  	v59 =	vld [tilespmem:s5+$0x30]  }
0x247: {  	vm0 =	vgt.s32 v24, v25  }
0x248: {  	v60 =	vld [tilespmem:s5+$0x40];
	v24 =	vsel vm0, v24, v25  }
0x249: {  	vm0 =	vgt.s32 v24, v26  }
0x24a: {  	v61 =	vld [tilespmem:s5+$0x50];
	v24 =	vsel vm0, v24, v26  }
0x24b: {  	vm0 =	vgt.s32 v24, v59  }
0x24c: {  	v62 =	vld [tilespmem:s5+$0x60];
	v24 =	vsel vm0, v24, v59  }
0x24d: {  	vm0 =	vgt.s32 v24, v60  }
0x24e: {  	v63 =	vld [tilespmem:s5+$0x70];
	v24 =	vsel vm0, v24, v60  }
0x24f: {  	vm0 =	vgt.s32 v24, v61  }
0x250: {  	v24 =	vsel vm0, v24, v61  }
0x251: {  	vm0 =	vgt.s32 v24, v62  }
0x252: {  	v24 =	vsel vm0, v24, v62  }
0x253: {  	vm0 =	vgt.s32 v24, v63  }
0x254: {  	v24 =	vsel vm0, v24, v63  }
0x255: {  	v24 =	vxor.u32 $0x80000000, v24  }
0x256: {  	(xrf0) =	vmax.scan.msk.u32 $0xffff, v24;
	_ =	sdelay $0x5  }
0x257: {  	v24, _, _ =	vpop (xrf0)  }
0x258: {  	(v2sf) =	vpush v24, $0xF;
	_ =	sdelay $0xe  }
0x259: {  	s12 =	spop (v2sf)  }
0x25a: {  	p2 =	slt.u32 s12, $0x800F4200  }
.Ltmp7:
0x25b: {  	_ = 	snop;
	(pc) =	sbr.rel @p2 .LBB2_14-.Ltmp7, $2  }
0x25c: {  	_ =	sdelay $0x2  }
0x25d: {  	s17 =	simm.s32 $0x0;
	s23 =	simm.s32 $0xBC00;
	s12 =	simm.s32 $0x0  }
.LBB2_11:
0x25e: {  	s19 =	sshll.u32 s12, $0x4  }
0x25f: {  	s19 =	sadd.s32 s19, s5  }
0x260: {  	v25 =	vld [tilespmem:s19+$0x0];
	_ =	sdelay $0x4  }
0x261: {  	v24 =	vadd.s32 $0xFFF0BE00, v25  }
0x262: {  	v26 =	vmov s17;
	vm0 =	vgt.s32 v24, $0x0  }
0x263: {  	v26 =	vand.u32 $0x1F, v26;
	v24 =	vnsel vm0, $0x0, v24  }
0x264: {  	v26 =	vbroadcast v26, $0x0;
	v24 =	vmin.u32 v24, $0x3F  }
0x265: {  	v24 =	vshll.u32 v24, $0x5  }
0x266: {  	v26 =	vor.u32 v24, v26;
	_ =	sdelay $0x1  }
0x267: {  	s24 =	simm.s32 $0x1  }
0x268: {  	v28 =	vmov s24  }
0x269: {  	v27 =	vld [tilespmem:s23+$0x0];
	v28 =	vand.u32 $0x1F, v28  }
0x26a: {  	vm0 =	vgt.s32 v25, $0xF41FF;
	v25 =	vbroadcast v28, $0x0;
	v26 =	vld.idx.msk [tilespmem:v26+s13+$0x0], $0xffff;
	_ =	sdelay $0x1  }
0x26b: {  	v25 =	vor.u32 v24, v25;
	_ =	sdelay $0x2  }
0x26c: {  	s24 =	simm.s32 $0x2;
	v27 =	vsel vm0, v26, v27  }
0x26d: {  	s19 =	smov.u32 s23;
	v26 =	vmov s24;
	s24 =	simm.s32 $0x3;
	[tilespmem:s23+$0x0] =	vst v27  }
.LBB2_12:
0x26e: {  	p2 =	sne.s32 s24, $0x1F;
	v26 =	vand.u32 $0x1F, v26;
	v27 =	vld.idx.msk [tilespmem:v25+s13+$0x0], $0xffff;
	s19 =	sadd.s32 $0x80, s19  }
0x26f: {  	v25 =	vbroadcast v26, $0x0;
	v26 =	vld [tilespmem:s19+$0x0];
	_ =	sdelay $0x1  }
.Ltmp8:
0x270: {  	v25 =	vor.u32 v24, v25;
	(pc) =	sbr.rel @p2 .LBB2_12-.Ltmp8, $3  }
0x271: {  	_ =	sdelay $0x1  }
0x272: {  	v27 =	vsel vm0, v27, v26  }
0x273: {  	v26 =	vmov s24;
	s24 =	sadd.s32 $0x1, s24;
	[tilespmem:s19+$0x0] =	vst v27  }
0x274: {  	_ =	sdelay $0x3  }
0x275: {  	v26 =	vand.u32 $0x1F, v26;
	v25 =	vld.idx.msk [tilespmem:v25+s13+$0x0], $0xffff;
	s19 =	sadd.s32 $0x80, s19  }
0x276: {  	v26 =	vbroadcast v26, $0x0;
	v27 =	vld [tilespmem:s19+$0x0];
	_ =	sdelay $0x1  }
0x277: {  	v24 =	vor.u32 v24, v26;
	_ =	sdelay $0x2  }
0x278: {  	v25 =	vsel vm0, v25, v27  }
0x279: {  	[tilespmem:s19+$0x0] =	vst v25  }
0x27a: {  	s19 =	sadd.s32 $0x80, s19;
	v24 =	vld.idx.msk [tilespmem:v24+s13+$0x0], $0xffff  }
0x27b: {  	s12 =	sadd.s32 $0x1, s12;
	v25 =	vld [tilespmem:s19+$0x0]  }
0x27c: {  	p2 =	sne.s32 s12, $0x8  }
.Ltmp9:
0x27d: {  	_ = 	snop;
	(pc) =	sbr.rel @p2 .LBB2_11-.Ltmp9, $3  }
0x27e: {  	_ =	sdelay $0x1  }
0x27f: {  	v24 =	vsel vm0, v24, v25  }
0x280: {  	s23 =	sadd.s32 $0x10, s23;
	[tilespmem:s19+$0x0] =	vst v24  }
.LBB2_14:
0x281: {  	s5 =	sadd.s32 s7, s31  }
0x282: {  	s12 =	sshll.u32 s5, $0x9;
	s5 =	sshll.u32 s5, $0x7  }
0x283: {  	s12 =	sand.u32 $0xFFF0000, s12;
	s5 =	sand.u32 $0x3E80, s5  }
0x284: {  	s5 =	sor.u32 s5, s12  }
0x285: {  	s12 =	sadd.s32 s2, s5  }
0x286: {  	[hbm4b:s12+s3] =	stream.linear.scatter [tilespmem:s28], [sflag:$0x6], $0x400, $0x38;
	[tilespmem:$0xEC00] =	vst v63  }
0x287: {  	s17 =	simm.s32 $0xC000;
	s19 =	sadd.s32 s5, s8  }
0x288: {  	[hbm4b:s19+s3] =	stream.linear.scatter [tilespmem:s17], [sflag:$0x6], $0x400, $0x38;
	[tilespmem:$0xEC00] =	vst v63  }
0x289: {  	s24 =	simm.s32 $0xC400;
	s23 =	sadd.s32 s5, s9  }
0x28a: {  	[hbm4b:s23+s3] =	stream.linear.scatter [tilespmem:s24], [sflag:$0x6], $0x400, $0x38;
	[tilespmem:$0xEC00] =	vst v63  }
0x28b: {  	s5 =	sadd.s32 s5, s10;
	s19 =	simm.s32 $0xC800  }
0x28c: {  	[hbm4b:s5+s3] =	stream.linear.scatter [tilespmem:s19], [sflag:$0x6], $0x400, $0x38;
	[tilespmem:$0xEC00] =	vst v63  }
0x28d: {  	s12 =	simm.s32 @!p1 $0x80;
	s17 =	simm.s32 @!p1 $0x7C00;
	s5 =	sadd.s32 @!p1 $0x280, s29  }
0x28e: {  	[tilespmem:s17], [sflag:$0x2] =	stream.indirect.gather @!p1 [hbm4b:s4+s12], $0x20, s5, s12, $0xb8;
	[tilespmem:$0xEC00] =	vst v63  }
0x28f: {  	_ =	swait.ge [sflag:s1], $0x1000  }
0x290: {  	[sflag:s1] =	ssyncset.done $0x0  }
0x291: {  	s5 =	simm.s32 @!p0 $0x7;
	[sflag:s1] =	ssyncadd.s32 $0xFFFFF000  }
0x292: {  	_ =	swait.ge @!p0 [sflag:s5], $0x400  }
0x293: {  	[sflag:s5] =	ssyncset.done @!p0 $0x0  }
0x294: {  	[sflag:s5] =	ssyncadd.s32 @!p0 $0xFFFFFC00  }
0x295: {  	_ =	swait.ge @!p0 [sflag:s5], $0x400  }
0x296: {  	s23 =	simm.s32 $0x0;
	[sflag:s5] =	ssyncset.done @!p0 $0x0  }
0x297: {  	v24 =	vadd.s32 s23, v0;
	[sflag:s5] =	ssyncadd.s32 @!p0 $0xFFFFFC00  }
0x298: {  	v25 =	vand.u32 $0x1F, v24;
	_ =	swait.ge @!p0 [sflag:s5], $0x400  }
0x299: {  	v25 =	vor.u32 v1, v25;
	[sflag:s5] =	ssyncset.done @!p0 $0x0  }
0x29a: {  	[sflag:s5] =	ssyncadd.s32 @!p0 $0xFFFFFC00  }
0x29b: {  	_ =	swait.ge @!p0 [sflag:s5], $0x400  }
0x29c: {  	v24 =	vshll.u32 v24, $0x7;
	[sflag:s5] =	ssyncset.done @!p0 $0x0  }
0x29d: {  	v26 =	vadd.s32 s23, v3;
	v24 =	vor.u32 v0, v24;
	[sflag:s5] =	ssyncadd.s32 @!p0 $0xFFFFFC00  }
0x29e: {  	v27 =	vand.u32 $0x1F, v26;
	v24 =	vand.u32 v2, v24;
	v25 =	vld.idx.msk [tilespmem:v25+s18+$0x0], $0xffff  }
0x29f: {  	v27 =	vor.u32 v4, v27;
	_ =	sdelay $0x2  }
0x2a0: {  	v26 =	vshll.u32 v26, $0x7  }
0x2a1: {  	[tilespmem:v24+s0+$0x0] =	vst.idx.msk $0xffff, v25;
	v24 =	vor.u32 v3, v26;
	v25 =	vadd.s32 s23, v6  }
0x2a2: {  	v26 =	vld.idx.msk [tilespmem:v27+s18+$0x0], $0xffff;
	v24 =	vand.u32 v5, v24;
	v27 =	vand.u32 $0x1F, v25  }
0x2a3: {  	v27 =	vor.u32 v7, v27;
	_ =	sdelay $0x2  }
0x2a4: {  	v25 =	vshll.u32 v25, $0x7  }
0x2a5: {  	[tilespmem:v24+s0+$0x0] =	vst.idx.msk $0xffff, v26;
	v24 =	vor.u32 v6, v25;
	v25 =	vadd.s32 s23, v9  }
0x2a6: {  	v26 =	vld.idx.msk [tilespmem:v27+s18+$0x0], $0xffff;
	v24 =	vand.u32 v8, v24;
	v27 =	vand.u32 $0x1F, v25  }
0x2a7: {  	v27 =	vor.u32 v10, v27;
	_ =	sdelay $0x2  }
0x2a8: {  	v25 =	vshll.u32 v25, $0x7  }
0x2a9: {  	[tilespmem:v24+s0+$0x0] =	vst.idx.msk $0xffff, v26;
	v24 =	vor.u32 v9, v25;
	v25 =	vadd.s32 s23, v12  }
0x2aa: {  	v26 =	vld.idx.msk [tilespmem:v27+s18+$0x0], $0xffff;
	v24 =	vand.u32 v11, v24;
	v27 =	vand.u32 $0x1F, v25  }
0x2ab: {  	v27 =	vor.u32 v13, v27;
	_ =	sdelay $0x2  }
0x2ac: {  	v25 =	vshll.u32 v25, $0x7  }
0x2ad: {  	[tilespmem:v24+s0+$0x0] =	vst.idx.msk $0xffff, v26;
	v24 =	vor.u32 v12, v25;
	v25 =	vadd.s32 s23, v15  }
0x2ae: {  	v26 =	vld.idx.msk [tilespmem:v27+s18+$0x0], $0xffff;
	v24 =	vand.u32 v14, v24;
	v27 =	vand.u32 $0x1F, v25  }
0x2af: {  	v27 =	vor.u32 v16, v27;
	_ =	sdelay $0x2  }
0x2b0: {  	v25 =	vshll.u32 v25, $0x7  }
0x2b1: {  	[tilespmem:v24+s0+$0x0] =	vst.idx.msk $0xffff, v26;
	v24 =	vor.u32 v15, v25;
	v25 =	vadd.s32 s23, v18  }
0x2b2: {  	v26 =	vld.idx.msk [tilespmem:v27+s18+$0x0], $0xffff;
	v24 =	vand.u32 v17, v24;
	v27 =	vand.u32 $0x1F, v25  }
0x2b3: {  	v27 =	vor.u32 v19, v27;
	_ =	sdelay $0x2  }
0x2b4: {  	v25 =	vshll.u32 v25, $0x7  }
0x2b5: {  	[tilespmem:v24+s0+$0x0] =	vst.idx.msk $0xffff, v26;
	v24 =	vor.u32 v18, v25;
	v25 =	vadd.s32 s23, v21  }
0x2b6: {  	v26 =	vld.idx.msk [tilespmem:v27+s18+$0x0], $0xffff;
	v24 =	vand.u32 v20, v24;
	v27 =	vand.u32 $0x1F, v25  }
0x2b7: {  	v27 =	vor.u32 v22, v27;
	_ =	sdelay $0x2  }
0x2b8: {  	s24 =	simm.s32 $0x1;
	v25 =	vshll.u32 v25, $0x7  }
0x2b9: {  	[tilespmem:v24+s0+$0x0] =	vst.idx.msk $0xffff, v26;
	v24 =	vor.u32 v21, v25;
	v25 =	vadd.s32 s24, v0  }
0x2ba: {  	v26 =	vld.idx.msk [tilespmem:v27+s18+$0x0], $0xffff;
	v24 =	vand.u32 v23, v24;
	v27 =	vand.u32 $0x1F, v25  }
0x2bb: {  	v27 =	vor.u32 v1, v27;
	_ =	sdelay $0x2  }
0x2bc: {  	v25 =	vshll.u32 v25, $0x7  }
0x2bd: {  	[tilespmem:v24+s0+$0x0] =	vst.idx.msk $0xffff, v26;
	v24 =	vor.u32 v0, v25;
	v25 =	vadd.s32 s24, v3  }
0x2be: {  	v26 =	vld.idx.msk [tilespmem:v27+s18+$0x0], $0xffff;
	v24 =	vand.u32 v2, v24;
	v27 =	vand.u32 $0x1F, v25  }
0x2bf: {  	v27 =	vor.u32 v4, v27;
	_ =	sdelay $0x2  }
0x2c0: {  	v25 =	vshll.u32 v25, $0x7  }
0x2c1: {  	[tilespmem:v24+s0+$0x0] =	vst.idx.msk $0xffff, v26;
	v24 =	vor.u32 v3, v25;
	v25 =	vadd.s32 s24, v6  }
0x2c2: {  	v26 =	vld.idx.msk [tilespmem:v27+s18+$0x0], $0xffff;
	v24 =	vand.u32 v5, v24;
	v27 =	vand.u32 $0x1F, v25  }
0x2c3: {  	v27 =	vor.u32 v7, v27;
	_ =	sdelay $0x2  }
0x2c4: {  	v25 =	vshll.u32 v25, $0x7  }
0x2c5: {  	[tilespmem:v24+s0+$0x0] =	vst.idx.msk $0xffff, v26;
	v24 =	vor.u32 v6, v25;
	v25 =	vadd.s32 s24, v9  }
0x2c6: {  	v26 =	vld.idx.msk [tilespmem:v27+s18+$0x0], $0xffff;
	v24 =	vand.u32 v8, v24;
	v27 =	vand.u32 $0x1F, v25  }
0x2c7: {  	v27 =	vor.u32 v10, v27;
	_ =	sdelay $0x2  }
0x2c8: {  	v25 =	vshll.u32 v25, $0x7  }
0x2c9: {  	[tilespmem:v24+s0+$0x0] =	vst.idx.msk $0xffff, v26;
	v24 =	vor.u32 v9, v25;
	v25 =	vadd.s32 s24, v12  }
0x2ca: {  	v26 =	vld.idx.msk [tilespmem:v27+s18+$0x0], $0xffff;
	v24 =	vand.u32 v11, v24;
	v27 =	vand.u32 $0x1F, v25  }
0x2cb: {  	v27 =	vor.u32 v13, v27;
	_ =	sdelay $0x2  }
0x2cc: {  	v25 =	vshll.u32 v25, $0x7  }
0x2cd: {  	[tilespmem:v24+s0+$0x0] =	vst.idx.msk $0xffff, v26;
	v24 =	vor.u32 v12, v25;
	v25 =	vadd.s32 s24, v15  }
0x2ce: {  	v26 =	vld.idx.msk [tilespmem:v27+s18+$0x0], $0xffff;
	v24 =	vand.u32 v14, v24;
	v27 =	vand.u32 $0x1F, v25  }
0x2cf: {  	v27 =	vor.u32 v16, v27;
	_ =	sdelay $0x2  }
0x2d0: {  	v25 =	vshll.u32 v25, $0x7  }
0x2d1: {  	[tilespmem:v24+s0+$0x0] =	vst.idx.msk $0xffff, v26;
	v24 =	vor.u32 v15, v25;
	v25 =	vadd.s32 s24, v18  }
0x2d2: {  	v26 =	vld.idx.msk [tilespmem:v27+s18+$0x0], $0xffff;
	v24 =	vand.u32 v17, v24;
	v27 =	vand.u32 $0x1F, v25  }
0x2d3: {  	v27 =	vor.u32 v19, v27;
	_ =	sdelay $0x2  }
0x2d4: {  	v25 =	vshll.u32 v25, $0x7  }
0x2d5: {  	[tilespmem:v24+s0+$0x0] =	vst.idx.msk $0xffff, v26;
	v24 =	vor.u32 v18, v25;
	v25 =	vadd.s32 s24, v21  }
0x2d6: {  	v26 =	vld.idx.msk [tilespmem:v27+s18+$0x0], $0xffff;
	v24 =	vand.u32 v20, v24;
	v27 =	vand.u32 $0x1F, v25  }
0x2d7: {  	v27 =	vor.u32 v22, v27;
	_ =	sdelay $0x3  }
0x2d8: {  	s17 =	simm.s32 $0x2;
	[tilespmem:v24+s0+$0x0] =	vst.idx.msk $0xffff, v26;
	v26 =	vshll.u32 v25, $0x7  }
0x2d9: {  	s31 =	sor.u32 $0x2, s30;
	s19 =	simm.s32 $0x4;
	v24 =	vadd.s32 s17, v0;
	v25 =	vld.idx.msk [tilespmem:v27+s18+$0x0], $0xffff;
	v26 =	vor.u32 v21, v26  }
.LBB2_15:
0x2da: {  	p2 =	sne.s32 s19, $0x1E;
	v27 =	vand.u32 $0x1F, v24;
	v26 =	vand.u32 v23, v26  }
0x2db: {  	v27 =	vor.u32 v1, v27;
	_ =	sdelay $0x3  }
0x2dc: {  	v24 =	vshll.u32 v24, $0x7;
	[tilespmem:v26+s0+$0x0] =	vst.idx.msk $0xffff, v25  }
0x2dd: {  	v24 =	vor.u32 v0, v24;
	v26 =	vadd.s32 s17, v3;
	v25 =	vld.idx.msk [tilespmem:v27+s18+$0x0], $0xffff  }
0x2de: {  	v24 =	vand.u32 v2, v24;
	v27 =	vand.u32 $0x1F, v26  }
0x2df: {  	v27 =	vor.u32 v4, v27;
	_ =	sdelay $0x3  }
0x2e0: {  	[tilespmem:v24+s0+$0x0] =	vst.idx.msk $0xffff, v25;
	v24 =	vshll.u32 v26, $0x7  }
0x2e1: {  	v26 =	vadd.s32 s17, v6;
	v25 =	vld.idx.msk [tilespmem:v27+s18+$0x0], $0xffff;
	v24 =	vor.u32 v3, v24  }
0x2e2: {  	v27 =	vand.u32 $0x1F, v26;
	v24 =	vand.u32 v5, v24  }
0x2e3: {  	v27 =	vor.u32 v7, v27;
	_ =	sdelay $0x3  }
0x2e4: {  	[tilespmem:v24+s0+$0x0] =	vst.idx.msk $0xffff, v25;
	v24 =	vshll.u32 v26, $0x7  }
0x2e5: {  	v26 =	vadd.s32 s17, v9;
	v25 =	vld.idx.msk [tilespmem:v27+s18+$0x0], $0xffff;
	v24 =	vor.u32 v6, v24  }
0x2e6: {  	v27 =	vand.u32 $0x1F, v26;
	v24 =	vand.u32 v8, v24  }
0x2e7: {  	v27 =	vor.u32 v10, v27;
	_ =	sdelay $0x3  }
0x2e8: {  	[tilespmem:v24+s0+$0x0] =	vst.idx.msk $0xffff, v25;
	v24 =	vshll.u32 v26, $0x7  }
0x2e9: {  	v26 =	vadd.s32 s17, v12;
	v25 =	vld.idx.msk [tilespmem:v27+s18+$0x0], $0xffff;
	v24 =	vor.u32 v9, v24  }
0x2ea: {  	v27 =	vand.u32 $0x1F, v26;
	v24 =	vand.u32 v11, v24  }
0x2eb: {  	v27 =	vor.u32 v13, v27;
	_ =	sdelay $0x3  }
0x2ec: {  	[tilespmem:v24+s0+$0x0] =	vst.idx.msk $0xffff, v25;
	v24 =	vshll.u32 v26, $0x7  }
0x2ed: {  	v26 =	vadd.s32 s17, v15;
	v25 =	vld.idx.msk [tilespmem:v27+s18+$0x0], $0xffff;
	v24 =	vor.u32 v12, v24  }
0x2ee: {  	v27 =	vand.u32 $0x1F, v26;
	v24 =	vand.u32 v14, v24  }
0x2ef: {  	v27 =	vor.u32 v16, v27;
	_ =	sdelay $0x3  }
0x2f0: {  	[tilespmem:v24+s0+$0x0] =	vst.idx.msk $0xffff, v25;
	v24 =	vshll.u32 v26, $0x7  }
0x2f1: {  	v26 =	vadd.s32 s17, v18;
	v25 =	vld.idx.msk [tilespmem:v27+s18+$0x0], $0xffff;
	v24 =	vor.u32 v15, v24  }
0x2f2: {  	v27 =	vand.u32 $0x1F, v26;
	v24 =	vand.u32 v17, v24  }
0x2f3: {  	v27 =	vor.u32 v19, v27;
	_ =	sdelay $0x3  }
0x2f4: {  	[tilespmem:v24+s0+$0x0] =	vst.idx.msk $0xffff, v25;
	v24 =	vshll.u32 v26, $0x7  }
0x2f5: {  	v26 =	vadd.s32 s17, v21;
	v25 =	vld.idx.msk [tilespmem:v27+s18+$0x0], $0xffff;
	v24 =	vor.u32 v18, v24  }
0x2f6: {  	v27 =	vand.u32 $0x1F, v26;
	v24 =	vand.u32 v20, v24  }
0x2f7: {  	v27 =	vor.u32 v22, v27;
	_ =	sdelay $0x3  }
0x2f8: {  	s5 =	sadd.s32 $0x1, s17;
	s17 =	smov.u32 s19;
	[tilespmem:v24+s0+$0x0] =	vst.idx.msk $0xffff, v25;
	v24 =	vshll.u32 v26, $0x7  }
0x2f9: {  	v26 =	vadd.s32 s5, v0;
	v25 =	vld.idx.msk [tilespmem:v27+s18+$0x0], $0xffff;
	v24 =	vor.u32 v21, v24  }
0x2fa: {  	v27 =	vand.u32 $0x1F, v26;
	v24 =	vand.u32 v23, v24  }
0x2fb: {  	v27 =	vor.u32 v1, v27;
	_ =	sdelay $0x3  }
0x2fc: {  	[tilespmem:v24+s0+$0x0] =	vst.idx.msk $0xffff, v25;
	v24 =	vshll.u32 v26, $0x7  }
0x2fd: {  	v26 =	vadd.s32 s5, v3;
	v25 =	vld.idx.msk [tilespmem:v27+s18+$0x0], $0xffff;
	v24 =	vor.u32 v0, v24  }
0x2fe: {  	v27 =	vand.u32 $0x1F, v26;
	v24 =	vand.u32 v2, v24  }
0x2ff: {  	v27 =	vor.u32 v4, v27;
	_ =	sdelay $0x3  }
0x300: {  	[tilespmem:v24+s0+$0x0] =	vst.idx.msk $0xffff, v25;
	v24 =	vshll.u32 v26, $0x7  }
0x301: {  	v26 =	vadd.s32 s5, v6;
	v25 =	vld.idx.msk [tilespmem:v27+s18+$0x0], $0xffff;
	v24 =	vor.u32 v3, v24  }
0x302: {  	v27 =	vand.u32 $0x1F, v26;
	v24 =	vand.u32 v5, v24  }
0x303: {  	v27 =	vor.u32 v7, v27;
	_ =	sdelay $0x3  }
0x304: {  	[tilespmem:v24+s0+$0x0] =	vst.idx.msk $0xffff, v25;
	v24 =	vshll.u32 v26, $0x7  }
0x305: {  	v26 =	vadd.s32 s5, v9;
	v25 =	vld.idx.msk [tilespmem:v27+s18+$0x0], $0xffff;
	v24 =	vor.u32 v6, v24  }
0x306: {  	v27 =	vand.u32 $0x1F, v26;
	v24 =	vand.u32 v8, v24  }
0x307: {  	v27 =	vor.u32 v10, v27;
	_ =	sdelay $0x3  }
0x308: {  	[tilespmem:v24+s0+$0x0] =	vst.idx.msk $0xffff, v25;
	v24 =	vshll.u32 v26, $0x7  }
0x309: {  	v26 =	vadd.s32 s5, v12;
	v25 =	vld.idx.msk [tilespmem:v27+s18+$0x0], $0xffff;
	v24 =	vor.u32 v9, v24  }
0x30a: {  	v27 =	vand.u32 $0x1F, v26;
	v24 =	vand.u32 v11, v24  }
0x30b: {  	v27 =	vor.u32 v13, v27;
	_ =	sdelay $0x3  }
0x30c: {  	[tilespmem:v24+s0+$0x0] =	vst.idx.msk $0xffff, v25;
	v24 =	vshll.u32 v26, $0x7  }
0x30d: {  	v26 =	vadd.s32 s5, v15;
	v25 =	vld.idx.msk [tilespmem:v27+s18+$0x0], $0xffff;
	v24 =	vor.u32 v12, v24  }
0x30e: {  	v27 =	vand.u32 $0x1F, v26;
	v24 =	vand.u32 v14, v24  }
0x30f: {  	v27 =	vor.u32 v16, v27;
	_ =	sdelay $0x3  }
0x310: {  	[tilespmem:v24+s0+$0x0] =	vst.idx.msk $0xffff, v25;
	v24 =	vshll.u32 v26, $0x7  }
0x311: {  	v26 =	vadd.s32 s5, v18;
	v25 =	vld.idx.msk [tilespmem:v27+s18+$0x0], $0xffff;
	v24 =	vor.u32 v15, v24  }
0x312: {  	v27 =	vand.u32 $0x1F, v26;
	v24 =	vand.u32 v17, v24  }
0x313: {  	v27 =	vor.u32 v19, v27;
	_ =	sdelay $0x3  }
0x314: {  	[tilespmem:v24+s0+$0x0] =	vst.idx.msk $0xffff, v25;
	v24 =	vshll.u32 v26, $0x7  }
0x315: {  	v26 =	vadd.s32 s5, v21;
	v25 =	vld.idx.msk [tilespmem:v27+s18+$0x0], $0xffff;
	v24 =	vor.u32 v18, v24  }
0x316: {  	v27 =	vand.u32 $0x1F, v26;
	v24 =	vand.u32 v20, v24  }
0x317: {  	v27 =	vor.u32 v22, v27  }
.Ltmp10:
0x318: {  	(pc) =	sbr.rel @p2 .LBB2_15-.Ltmp10, $3  }
0x319: {  	_ =	sdelay $0x1  }
0x31a: {  	v26 =	vshll.u32 v26, $0x7;
	[tilespmem:v24+s0+$0x0] =	vst.idx.msk $0xffff, v25  }
0x31b: {  	s19 =	sadd.s32 $0x2, s19;
	v26 =	vor.u32 v21, v26;
	v24 =	vadd.s32 s17, v0;
	v25 =	vld.idx.msk [tilespmem:v27+s18+$0x0], $0xffff  }
0x31c: {  	v27 =	vand.u32 $0x1F, v24;
	v26 =	vand.u32 v23, v26  }
0x31d: {  	v27 =	vor.u32 v1, v27;
	_ =	sdelay $0x2  }
0x31e: {  	v46 =	vshll.u32 v24, $0x7  }
0x31f: {  	v47 =	vadd.s32 s17, v3;
	v24 =	vor.u32 v0, v46;
	[tilespmem:v26+s0+$0x0] =	vst.idx.msk $0xffff, v25  }
0x320: {  	v48 =	vand.u32 $0x1F, v47;
	v24 =	vand.u32 v2, v24;
	v26 =	vld.idx.msk [tilespmem:v27+s18+$0x0], $0xffff  }
0x321: {  	v27 =	vor.u32 v4, v48;
	_ =	sdelay $0x2  }
0x322: {  	v25 =	vshll.u32 v47, $0x7  }
0x323: {  	v50 =	vadd.s32 s17, v6;
	v49 =	vor.u32 v3, v25;
	[tilespmem:v24+s0+$0x0] =	vst.idx.msk $0xffff, v26  }
0x324: {  	v51 =	vand.u32 $0x1F, v50;
	v24 =	vand.u32 v5, v49;
	v26 =	vld.idx.msk [tilespmem:v27+s18+$0x0], $0xffff  }
0x325: {  	v27 =	vor.u32 v7, v51;
	_ =	sdelay $0x2  }
0x326: {  	v25 =	vshll.u32 v50, $0x7  }
0x327: {  	v53 =	vadd.s32 s17, v9;
	v52 =	vor.u32 v6, v25;
	[tilespmem:v24+s0+$0x0] =	vst.idx.msk $0xffff, v26  }
0x328: {  	v54 =	vand.u32 $0x1F, v53;
	v24 =	vand.u32 v8, v52;
	v26 =	vld.idx.msk [tilespmem:v27+s18+$0x0], $0xffff  }
0x329: {  	v27 =	vor.u32 v10, v54;
	_ =	sdelay $0x2  }
0x32a: {  	v25 =	vshll.u32 v53, $0x7  }
0x32b: {  	v56 =	vadd.s32 s17, v12;
	v55 =	vor.u32 v9, v25;
	[tilespmem:v24+s0+$0x0] =	vst.idx.msk $0xffff, v26  }
0x32c: {  	v57 =	vand.u32 $0x1F, v56;
	v24 =	vand.u32 v11, v55;
	v26 =	vld.idx.msk [tilespmem:v27+s18+$0x0], $0xffff  }
0x32d: {  	v27 =	vor.u32 v13, v57;
	_ =	sdelay $0x2  }
0x32e: {  	v25 =	vshll.u32 v56, $0x7  }
0x32f: {  	v59 =	vadd.s32 s17, v15;
	v58 =	vor.u32 v12, v25;
	[tilespmem:v24+s0+$0x0] =	vst.idx.msk $0xffff, v26  }
0x330: {  	v60 =	vand.u32 $0x1F, v59;
	v24 =	vand.u32 v14, v58;
	v26 =	vld.idx.msk [tilespmem:v27+s18+$0x0], $0xffff  }
0x331: {  	v27 =	vor.u32 v16, v60;
	_ =	sdelay $0x2  }
0x332: {  	v25 =	vshll.u32 v59, $0x7  }
0x333: {  	v62 =	vadd.s32 s17, v18;
	v61 =	vor.u32 v15, v25;
	[tilespmem:v24+s0+$0x0] =	vst.idx.msk $0xffff, v26  }
0x334: {  	v63 =	vand.u32 $0x1F, v62;
	v24 =	vand.u32 v17, v61;
	v26 =	vld.idx.msk [tilespmem:v27+s18+$0x0], $0xffff  }
0x335: {  	v27 =	vor.u32 v19, v63;
	_ =	sdelay $0x2  }
0x336: {  	v25 =	vshll.u32 v62, $0x7  }
0x337: {  	v31 =	vadd.s32 s17, v21;
	v30 =	vor.u32 v18, v25;
	[tilespmem:v24+s0+$0x0] =	vst.idx.msk $0xffff, v26  }
0x338: {  	v32 =	vand.u32 $0x1F, v31;
	v24 =	vand.u32 v20, v30;
	v26 =	vld.idx.msk [tilespmem:v27+s18+$0x0], $0xffff  }
0x339: {  	v27 =	vor.u32 v22, v32;
	_ =	sdelay $0x2  }
0x33a: {  	s5 =	sadd.s32 $0x1, s17;
	v25 =	vshll.u32 v31, $0x7  }
0x33b: {  	v34 =	vadd.s32 s5, v0;
	v33 =	vor.u32 v21, v25;
	[tilespmem:v24+s0+$0x0] =	vst.idx.msk $0xffff, v26  }
0x33c: {  	v35 =	vand.u32 $0x1F, v34;
	v24 =	vand.u32 v23, v33;
	v26 =	vld.idx.msk [tilespmem:v27+s18+$0x0], $0xffff  }
0x33d: {  	v27 =	vor.u32 v1, v35;
	_ =	sdelay $0x2  }
0x33e: {  	v25 =	vshll.u32 v34, $0x7  }
0x33f: {  	v37 =	vadd.s32 s5, v3;
	v36 =	vor.u32 v0, v25;
	[tilespmem:v24+s0+$0x0] =	vst.idx.msk $0xffff, v26  }
0x340: {  	v38 =	vand.u32 $0x1F, v37;
	v24 =	vand.u32 v2, v36;
	v26 =	vld.idx.msk [tilespmem:v27+s18+$0x0], $0xffff  }
0x341: {  	v27 =	vor.u32 v4, v38;
	_ =	sdelay $0x2  }
0x342: {  	v25 =	vshll.u32 v37, $0x7  }
0x343: {  	v40 =	vadd.s32 s5, v6;
	v39 =	vor.u32 v3, v25;
	[tilespmem:v24+s0+$0x0] =	vst.idx.msk $0xffff, v26  }
0x344: {  	v41 =	vand.u32 $0x1F, v40;
	v24 =	vand.u32 v5, v39;
	v26 =	vld.idx.msk [tilespmem:v27+s18+$0x0], $0xffff  }
0x345: {  	v27 =	vor.u32 v7, v41;
	_ =	sdelay $0x2  }
0x346: {  	v25 =	vshll.u32 v40, $0x7  }
0x347: {  	v43 =	vadd.s32 s5, v9;
	v42 =	vor.u32 v6, v25;
	[tilespmem:v24+s0+$0x0] =	vst.idx.msk $0xffff, v26  }
0x348: {  	v44 =	vand.u32 $0x1F, v43;
	v24 =	vand.u32 v8, v42;
	v26 =	vld.idx.msk [tilespmem:v27+s18+$0x0], $0xffff  }
0x349: {  	v27 =	vor.u32 v10, v44;
	_ =	sdelay $0x2  }
0x34a: {  	v25 =	vshll.u32 v43, $0x7  }
0x34b: {  	v46 =	vadd.s32 s5, v12;
	v45 =	vor.u32 v9, v25;
	[tilespmem:v24+s0+$0x0] =	vst.idx.msk $0xffff, v26  }
0x34c: {  	v47 =	vand.u32 $0x1F, v46;
	v24 =	vand.u32 v11, v45;
	v26 =	vld.idx.msk [tilespmem:v27+s18+$0x0], $0xffff  }
0x34d: {  	v27 =	vor.u32 v13, v47;
	_ =	sdelay $0x2  }
0x34e: {  	v25 =	vshll.u32 v46, $0x7  }
0x34f: {  	v49 =	vadd.s32 s5, v15;
	v48 =	vor.u32 v12, v25;
	[tilespmem:v24+s0+$0x0] =	vst.idx.msk $0xffff, v26  }
0x350: {  	v50 =	vand.u32 $0x1F, v49;
	v24 =	vand.u32 v14, v48;
	v26 =	vld.idx.msk [tilespmem:v27+s18+$0x0], $0xffff  }
0x351: {  	v27 =	vor.u32 v16, v50;
	_ =	sdelay $0x2  }
0x352: {  	v25 =	vshll.u32 v49, $0x7  }
0x353: {  	v52 =	vadd.s32 s5, v18;
	v51 =	vor.u32 v15, v25;
	[tilespmem:v24+s0+$0x0] =	vst.idx.msk $0xffff, v26  }
0x354: {  	v53 =	vand.u32 $0x1F, v52;
	v24 =	vand.u32 v17, v51;
	v26 =	vld.idx.msk [tilespmem:v27+s18+$0x0], $0xffff  }
0x355: {  	v27 =	vor.u32 v19, v53;
	_ =	sdelay $0x2  }
0x356: {  	v25 =	vshll.u32 v52, $0x7  }
0x357: {  	v54 =	vor.u32 v18, v25;
	v55 =	vadd.s32 s5, v21;
	[tilespmem:v24+s0+$0x0] =	vst.idx.msk $0xffff, v26  }
0x358: {  	v56 =	vand.u32 $0x1F, v55;
	v24 =	vand.u32 v20, v54;
	v26 =	vld.idx.msk [tilespmem:v27+s18+$0x0], $0xffff  }
0x359: {  	v27 =	vor.u32 v22, v56;
	_ =	sdelay $0x2  }
0x35a: {  	v25 =	vshll.u32 v55, $0x7  }
0x35b: {  	v57 =	vor.u32 v21, v25;
	[tilespmem:v24+s0+$0x0] =	vst.idx.msk $0xffff, v26  }
0x35c: {  	v24 =	vand.u32 v23, v57;
	v58 =	vld.idx.msk [tilespmem:v27+s18+$0x0], $0xffff;
	_ =	sdelay $0x3  }
0x35d: {  	s24 =	sshll.u32 s31, $0x7  }
0x35e: {  	s5 =	sand.u32 $0x3FFFFF80, s24;
	[tilespmem:v24+s0+$0x0] =	vst.idx.msk $0xffff, v58  }
0x35f: {  	v24 =	vld [tilespmem:s5+$0x0]  }
0x360: {  	v25 =	vld [tilespmem:s5+$0x10];
	_ =	sdelay $0x1  }
0x361: {  	v26 =	vld [tilespmem:s5+$0x20];
	_ =	sdelay $0x1  }
0x362: {  	v59 =	vld [tilespmem:s5+$0x30]  }
0x363: {  	vm0 =	vgt.s32 v24, v25  }
0x364: {  	v60 =	vld [tilespmem:s5+$0x40];
	v24 =	vsel vm0, v24, v25  }
0x365: {  	vm0 =	vgt.s32 v24, v26  }
0x366: {  	v61 =	vld [tilespmem:s5+$0x50];
	v24 =	vsel vm0, v24, v26  }
0x367: {  	vm0 =	vgt.s32 v24, v59  }
0x368: {  	v62 =	vld [tilespmem:s5+$0x60];
	v24 =	vsel vm0, v24, v59  }
0x369: {  	vm0 =	vgt.s32 v24, v60  }
0x36a: {  	v63 =	vld [tilespmem:s5+$0x70];
	v24 =	vsel vm0, v24, v60  }
0x36b: {  	vm0 =	vgt.s32 v24, v61  }
0x36c: {  	v24 =	vsel vm0, v24, v61  }
0x36d: {  	vm0 =	vgt.s32 v24, v62  }
0x36e: {  	v24 =	vsel vm0, v24, v62  }
0x36f: {  	vm0 =	vgt.s32 v24, v63  }
0x370: {  	v24 =	vsel vm0, v24, v63  }
0x371: {  	v24 =	vxor.u32 $0x80000000, v24  }
0x372: {  	(xrf0) =	vmax.scan.msk.u32 $0xffff, v24;
	_ =	sdelay $0x5  }
0x373: {  	v24, _, _ =	vpop (xrf0)  }
0x374: {  	(v2sf) =	vpush v24, $0xF;
	_ =	sdelay $0xe  }
0x375: {  	s12 =	spop (v2sf)  }
0x376: {  	p2 =	slt.u32 s12, $0x800F4200  }
.Ltmp11:
0x377: {  	_ = 	snop;
	(pc) =	sbr.rel @p2 .LBB2_20-.Ltmp11, $2  }
0x378: {  	_ =	sdelay $0x2  }
0x379: {  	s17 =	simm.s32 $0x0;
	s19 =	simm.s32 $0xCC00;
	s12 =	simm.s32 $0x0  }
.LBB2_17:
0x37a: {  	s23 =	sshll.u32 s12, $0x4  }
0x37b: {  	s23 =	sadd.s32 s23, s5  }
0x37c: {  	v25 =	vld [tilespmem:s23+$0x0];
	_ =	sdelay $0x4  }
0x37d: {  	v24 =	vadd.s32 $0xFFF0BE00, v25  }
0x37e: {  	v26 =	vmov s17;
	vm0 =	vgt.s32 v24, $0x0  }
0x37f: {  	v26 =	vand.u32 $0x1F, v26;
	v24 =	vnsel vm0, $0x0, v24  }
0x380: {  	v26 =	vbroadcast v26, $0x0;
	v24 =	vmin.u32 v24, $0x3F  }
0x381: {  	v24 =	vshll.u32 v24, $0x5  }
0x382: {  	v26 =	vor.u32 v24, v26;
	_ =	sdelay $0x1  }
0x383: {  	s24 =	simm.s32 $0x1  }
0x384: {  	v28 =	vmov s24  }
0x385: {  	v27 =	vld [tilespmem:s19+$0x0];
	v28 =	vand.u32 $0x1F, v28  }
0x386: {  	v28 =	vbroadcast v28, $0x0;
	v26 =	vld.idx.msk [tilespmem:v26+s13+$0x0], $0xffff;
	_ =	sdelay $0x1  }
0x387: {  	vm0 =	vgt.s32 v25, $0xF41FF;
	v25 =	vor.u32 v24, v28;
	_ =	sdelay $0x2  }
0x388: {  	s24 =	simm.s32 $0x2;
	v27 =	vsel vm0, v26, v27  }
0x389: {  	s23 =	smov.u32 s19;
	v26 =	vmov s24;
	s24 =	simm.s32 $0x3;
	[tilespmem:s19+$0x0] =	vst v27  }
.LBB2_18:
0x38a: {  	p2 =	sne.s32 s24, $0x1F;
	v26 =	vand.u32 $0x1F, v26;
	v27 =	vld.idx.msk [tilespmem:v25+s13+$0x0], $0xffff;
	s23 =	sadd.s32 $0x80, s23  }
0x38b: {  	v25 =	vbroadcast v26, $0x0;
	v26 =	vld [tilespmem:s23+$0x0];
	_ =	sdelay $0x1  }
.Ltmp12:
0x38c: {  	v25 =	vor.u32 v24, v25;
	(pc) =	sbr.rel @p2 .LBB2_18-.Ltmp12, $3  }
0x38d: {  	_ =	sdelay $0x1  }
0x38e: {  	v27 =	vsel vm0, v27, v26  }
0x38f: {  	v26 =	vmov s24;
	s24 =	sadd.s32 $0x1, s24;
	[tilespmem:s23+$0x0] =	vst v27  }
0x390: {  	_ =	sdelay $0x3  }
0x391: {  	v26 =	vand.u32 $0x1F, v26;
	v25 =	vld.idx.msk [tilespmem:v25+s13+$0x0], $0xffff;
	s23 =	sadd.s32 $0x80, s23  }
0x392: {  	v26 =	vbroadcast v26, $0x0;
	v27 =	vld [tilespmem:s23+$0x0];
	_ =	sdelay $0x1  }
0x393: {  	v24 =	vor.u32 v24, v26;
	_ =	sdelay $0x2  }
0x394: {  	v25 =	vsel vm0, v25, v27  }
0x395: {  	[tilespmem:s23+$0x0] =	vst v25  }
0x396: {  	s23 =	sadd.s32 $0x80, s23;
	v24 =	vld.idx.msk [tilespmem:v24+s13+$0x0], $0xffff  }
0x397: {  	s12 =	sadd.s32 $0x1, s12;
	v25 =	vld [tilespmem:s23+$0x0]  }
0x398: {  	p2 =	sne.s32 s12, $0x8  }
.Ltmp13:
0x399: {  	_ = 	snop;
	(pc) =	sbr.rel @p2 .LBB2_17-.Ltmp13, $3  }
0x39a: {  	_ =	sdelay $0x1  }
0x39b: {  	v24 =	vsel vm0, v24, v25  }
0x39c: {  	s19 =	sadd.s32 $0x10, s19;
	[tilespmem:s23+$0x0] =	vst v24  }
.LBB2_20:
0x39d: {  	s5 =	sadd.s32 s7, s31  }
0x39e: {  	s12 =	sshll.u32 s5, $0x9;
	s5 =	sshll.u32 s5, $0x7  }
0x39f: {  	s12 =	sand.u32 $0xFFF0000, s12;
	s5 =	sand.u32 $0x3F00, s5  }
0x3a0: {  	s5 =	sor.u32 s5, s12  }
0x3a1: {  	s12 =	sadd.s32 s2, s5  }
0x3a2: {  	[hbm4b:s12+s3] =	stream.linear.scatter [tilespmem:s0], [sflag:$0x7], $0x400, $0x38;
	[tilespmem:$0xEC00] =	vst v63  }
0x3a3: {  	s17 =	simm.s32 $0xD000;
	s31 =	sadd.s32 s5, s8  }
0x3a4: {  	[hbm4b:s31+s3] =	stream.linear.scatter [tilespmem:s17], [sflag:$0x7], $0x400, $0x38;
	[tilespmem:$0xEC00] =	vst v63  }
0x3a5: {  	s19 =	simm.s32 $0xD400;
	s17 =	sadd.s32 s5, s9  }
0x3a6: {  	[hbm4b:s17+s3] =	stream.linear.scatter [tilespmem:s19], [sflag:$0x7], $0x400, $0x38;
	[tilespmem:$0xEC00] =	vst v63  }
0x3a7: {  	s23 =	simm.s32 $0xD800;
	s5 =	sadd.s32 s5, s10  }
0x3a8: {  	[hbm4b:s5+s3] =	stream.linear.scatter [tilespmem:s23], [sflag:$0x7], $0x400, $0x38;
	[tilespmem:$0xEC00] =	vst v63  }
0x3a9: {  	s12 =	simm.s32 @!p1 $0x80;
	s17 =	simm.s32 @!p1 $0x8C00;
	s5 =	sadd.s32 @!p1 $0x300, s29  }
0x3aa: {  	[tilespmem:s17], [sflag:$0x3] =	stream.indirect.gather @!p1 [hbm4b:s4+s12], $0x20, s5, s12, $0xb8;
	[tilespmem:$0xEC00] =	vst v63  }
0x3ab: {  	_ =	swait.ge [sflag:s6], $0x1000  }
0x3ac: {  	[sflag:s6] =	ssyncset.done $0x0  }
0x3ad: {  	s5 =	simm.s32 @!p0 $0x8;
	[sflag:s6] =	ssyncadd.s32 $0xFFFFF000  }
0x3ae: {  	_ =	swait.ge @!p0 [sflag:s5], $0x400  }
0x3af: {  	[sflag:s5] =	ssyncset.done @!p0 $0x0  }
0x3b0: {  	[sflag:s5] =	ssyncadd.s32 @!p0 $0xFFFFFC00  }
0x3b1: {  	_ =	swait.ge @!p0 [sflag:s5], $0x400  }
0x3b2: {  	s24 =	simm.s32 $0x0;
	[sflag:s5] =	ssyncset.done @!p0 $0x0  }
0x3b3: {  	v24 =	vadd.s32 s24, v0;
	[sflag:s5] =	ssyncadd.s32 @!p0 $0xFFFFFC00  }
0x3b4: {  	v25 =	vand.u32 $0x1F, v24;
	_ =	swait.ge @!p0 [sflag:s5], $0x400  }
0x3b5: {  	v25 =	vor.u32 v1, v25;
	[sflag:s5] =	ssyncset.done @!p0 $0x0  }
0x3b6: {  	[sflag:s5] =	ssyncadd.s32 @!p0 $0xFFFFFC00  }
0x3b7: {  	_ =	swait.ge @!p0 [sflag:s5], $0x400  }
0x3b8: {  	v24 =	vshll.u32 v24, $0x7;
	[sflag:s5] =	ssyncset.done @!p0 $0x0  }
0x3b9: {  	v26 =	vadd.s32 s24, v3;
	v24 =	vor.u32 v0, v24;
	[sflag:s5] =	ssyncadd.s32 @!p0 $0xFFFFFC00  }
0x3ba: {  	v27 =	vand.u32 $0x1F, v26;
	v24 =	vand.u32 v2, v24;
	v25 =	vld.idx.msk [tilespmem:v25+s20+$0x0], $0xffff  }
0x3bb: {  	v27 =	vor.u32 v4, v27;
	_ =	sdelay $0x2  }
0x3bc: {  	v26 =	vshll.u32 v26, $0x7  }
0x3bd: {  	[tilespmem:v24+s11+$0x0] =	vst.idx.msk $0xffff, v25;
	v24 =	vor.u32 v3, v26;
	v25 =	vadd.s32 s24, v6  }
0x3be: {  	v26 =	vld.idx.msk [tilespmem:v27+s20+$0x0], $0xffff;
	v24 =	vand.u32 v5, v24;
	v27 =	vand.u32 $0x1F, v25  }
0x3bf: {  	v27 =	vor.u32 v7, v27;
	_ =	sdelay $0x2  }
0x3c0: {  	v25 =	vshll.u32 v25, $0x7  }
0x3c1: {  	[tilespmem:v24+s11+$0x0] =	vst.idx.msk $0xffff, v26;
	v24 =	vor.u32 v6, v25;
	v25 =	vadd.s32 s24, v9  }
0x3c2: {  	v26 =	vld.idx.msk [tilespmem:v27+s20+$0x0], $0xffff;
	v24 =	vand.u32 v8, v24;
	v27 =	vand.u32 $0x1F, v25  }
0x3c3: {  	v27 =	vor.u32 v10, v27;
	_ =	sdelay $0x2  }
0x3c4: {  	v25 =	vshll.u32 v25, $0x7  }
0x3c5: {  	[tilespmem:v24+s11+$0x0] =	vst.idx.msk $0xffff, v26;
	v24 =	vor.u32 v9, v25;
	v25 =	vadd.s32 s24, v12  }
0x3c6: {  	v26 =	vld.idx.msk [tilespmem:v27+s20+$0x0], $0xffff;
	v24 =	vand.u32 v11, v24;
	v27 =	vand.u32 $0x1F, v25  }
0x3c7: {  	v27 =	vor.u32 v13, v27;
	_ =	sdelay $0x2  }
0x3c8: {  	v25 =	vshll.u32 v25, $0x7  }
0x3c9: {  	[tilespmem:v24+s11+$0x0] =	vst.idx.msk $0xffff, v26;
	v24 =	vor.u32 v12, v25;
	v25 =	vadd.s32 s24, v15  }
0x3ca: {  	v26 =	vld.idx.msk [tilespmem:v27+s20+$0x0], $0xffff;
	v24 =	vand.u32 v14, v24;
	v27 =	vand.u32 $0x1F, v25  }
0x3cb: {  	v27 =	vor.u32 v16, v27;
	_ =	sdelay $0x2  }
0x3cc: {  	v25 =	vshll.u32 v25, $0x7  }
0x3cd: {  	[tilespmem:v24+s11+$0x0] =	vst.idx.msk $0xffff, v26;
	v24 =	vor.u32 v15, v25;
	v25 =	vadd.s32 s24, v18  }
0x3ce: {  	v26 =	vld.idx.msk [tilespmem:v27+s20+$0x0], $0xffff;
	v24 =	vand.u32 v17, v24;
	v27 =	vand.u32 $0x1F, v25  }
0x3cf: {  	v27 =	vor.u32 v19, v27;
	_ =	sdelay $0x2  }
0x3d0: {  	v25 =	vshll.u32 v25, $0x7  }
0x3d1: {  	[tilespmem:v24+s11+$0x0] =	vst.idx.msk $0xffff, v26;
	v24 =	vor.u32 v18, v25;
	v25 =	vadd.s32 s24, v21  }
0x3d2: {  	v26 =	vld.idx.msk [tilespmem:v27+s20+$0x0], $0xffff;
	v24 =	vand.u32 v20, v24;
	v27 =	vand.u32 $0x1F, v25  }
0x3d3: {  	v27 =	vor.u32 v22, v27;
	_ =	sdelay $0x2  }
0x3d4: {  	s31 =	simm.s32 $0x1;
	v25 =	vshll.u32 v25, $0x7  }
0x3d5: {  	[tilespmem:v24+s11+$0x0] =	vst.idx.msk $0xffff, v26;
	v24 =	vor.u32 v21, v25;
	v25 =	vadd.s32 s31, v0  }
0x3d6: {  	v26 =	vld.idx.msk [tilespmem:v27+s20+$0x0], $0xffff;
	v24 =	vand.u32 v23, v24;
	v27 =	vand.u32 $0x1F, v25  }
0x3d7: {  	v27 =	vor.u32 v1, v27;
	_ =	sdelay $0x2  }
0x3d8: {  	v25 =	vshll.u32 v25, $0x7  }
0x3d9: {  	[tilespmem:v24+s11+$0x0] =	vst.idx.msk $0xffff, v26;
	v24 =	vor.u32 v0, v25;
	v25 =	vadd.s32 s31, v3  }
0x3da: {  	v26 =	vld.idx.msk [tilespmem:v27+s20+$0x0], $0xffff;
	v24 =	vand.u32 v2, v24;
	v27 =	vand.u32 $0x1F, v25  }
0x3db: {  	v27 =	vor.u32 v4, v27;
	_ =	sdelay $0x2  }
0x3dc: {  	v25 =	vshll.u32 v25, $0x7  }
0x3dd: {  	[tilespmem:v24+s11+$0x0] =	vst.idx.msk $0xffff, v26;
	v24 =	vor.u32 v3, v25;
	v25 =	vadd.s32 s31, v6  }
0x3de: {  	v26 =	vld.idx.msk [tilespmem:v27+s20+$0x0], $0xffff;
	v24 =	vand.u32 v5, v24;
	v27 =	vand.u32 $0x1F, v25  }
0x3df: {  	v27 =	vor.u32 v7, v27;
	_ =	sdelay $0x2  }
0x3e0: {  	v25 =	vshll.u32 v25, $0x7  }
0x3e1: {  	[tilespmem:v24+s11+$0x0] =	vst.idx.msk $0xffff, v26;
	v24 =	vor.u32 v6, v25;
	v25 =	vadd.s32 s31, v9  }
0x3e2: {  	v26 =	vld.idx.msk [tilespmem:v27+s20+$0x0], $0xffff;
	v24 =	vand.u32 v8, v24;
	v27 =	vand.u32 $0x1F, v25  }
0x3e3: {  	v27 =	vor.u32 v10, v27;
	_ =	sdelay $0x2  }
0x3e4: {  	v25 =	vshll.u32 v25, $0x7  }
0x3e5: {  	[tilespmem:v24+s11+$0x0] =	vst.idx.msk $0xffff, v26;
	v24 =	vor.u32 v9, v25;
	v25 =	vadd.s32 s31, v12  }
0x3e6: {  	v26 =	vld.idx.msk [tilespmem:v27+s20+$0x0], $0xffff;
	v24 =	vand.u32 v11, v24;
	v27 =	vand.u32 $0x1F, v25  }
0x3e7: {  	v27 =	vor.u32 v13, v27;
	_ =	sdelay $0x2  }
0x3e8: {  	v25 =	vshll.u32 v25, $0x7  }
0x3e9: {  	[tilespmem:v24+s11+$0x0] =	vst.idx.msk $0xffff, v26;
	v24 =	vor.u32 v12, v25;
	v25 =	vadd.s32 s31, v15  }
0x3ea: {  	v26 =	vld.idx.msk [tilespmem:v27+s20+$0x0], $0xffff;
	v24 =	vand.u32 v14, v24;
	v27 =	vand.u32 $0x1F, v25  }
0x3eb: {  	v27 =	vor.u32 v16, v27;
	_ =	sdelay $0x2  }
0x3ec: {  	v25 =	vshll.u32 v25, $0x7  }
0x3ed: {  	[tilespmem:v24+s11+$0x0] =	vst.idx.msk $0xffff, v26;
	v24 =	vor.u32 v15, v25;
	v25 =	vadd.s32 s31, v18  }
0x3ee: {  	v26 =	vld.idx.msk [tilespmem:v27+s20+$0x0], $0xffff;
	v24 =	vand.u32 v17, v24;
	v27 =	vand.u32 $0x1F, v25  }
0x3ef: {  	v27 =	vor.u32 v19, v27;
	_ =	sdelay $0x2  }
0x3f0: {  	v25 =	vshll.u32 v25, $0x7  }
0x3f1: {  	[tilespmem:v24+s11+$0x0] =	vst.idx.msk $0xffff, v26;
	v24 =	vor.u32 v18, v25;
	v25 =	vadd.s32 s31, v21  }
0x3f2: {  	v26 =	vld.idx.msk [tilespmem:v27+s20+$0x0], $0xffff;
	v24 =	vand.u32 v20, v24;
	v27 =	vand.u32 $0x1F, v25  }
0x3f3: {  	v27 =	vor.u32 v22, v27;
	_ =	sdelay $0x3  }
0x3f4: {  	s17 =	simm.s32 $0x2;
	[tilespmem:v24+s11+$0x0] =	vst.idx.msk $0xffff, v26;
	v26 =	vshll.u32 v25, $0x7  }
0x3f5: {  	s30 =	sor.u32 $0x3, s30;
	s19 =	simm.s32 $0x4;
	v24 =	vadd.s32 s17, v0;
	v25 =	vld.idx.msk [tilespmem:v27+s20+$0x0], $0xffff;
	v26 =	vor.u32 v21, v26  }
.LBB2_21:
0x3f6: {  	p0 =	sne.s32 s19, $0x1E;
	v27 =	vand.u32 $0x1F, v24;
	v26 =	vand.u32 v23, v26  }
0x3f7: {  	v27 =	vor.u32 v1, v27;
	_ =	sdelay $0x3  }
0x3f8: {  	v24 =	vshll.u32 v24, $0x7;
	[tilespmem:v26+s11+$0x0] =	vst.idx.msk $0xffff, v25  }
0x3f9: {  	v24 =	vor.u32 v0, v24;
	v26 =	vadd.s32 s17, v3;
	v25 =	vld.idx.msk [tilespmem:v27+s20+$0x0], $0xffff  }
0x3fa: {  	v24 =	vand.u32 v2, v24;
	v27 =	vand.u32 $0x1F, v26  }
0x3fb: {  	v27 =	vor.u32 v4, v27;
	_ =	sdelay $0x3  }
0x3fc: {  	[tilespmem:v24+s11+$0x0] =	vst.idx.msk $0xffff, v25;
	v24 =	vshll.u32 v26, $0x7  }
0x3fd: {  	v26 =	vadd.s32 s17, v6;
	v25 =	vld.idx.msk [tilespmem:v27+s20+$0x0], $0xffff;
	v24 =	vor.u32 v3, v24  }
0x3fe: {  	v27 =	vand.u32 $0x1F, v26;
	v24 =	vand.u32 v5, v24  }
0x3ff: {  	v27 =	vor.u32 v7, v27;
	_ =	sdelay $0x3  }
0x400: {  	[tilespmem:v24+s11+$0x0] =	vst.idx.msk $0xffff, v25;
	v24 =	vshll.u32 v26, $0x7  }
0x401: {  	v26 =	vadd.s32 s17, v9;
	v25 =	vld.idx.msk [tilespmem:v27+s20+$0x0], $0xffff;
	v24 =	vor.u32 v6, v24  }
0x402: {  	v27 =	vand.u32 $0x1F, v26;
	v24 =	vand.u32 v8, v24  }
0x403: {  	v27 =	vor.u32 v10, v27;
	_ =	sdelay $0x3  }
0x404: {  	[tilespmem:v24+s11+$0x0] =	vst.idx.msk $0xffff, v25;
	v24 =	vshll.u32 v26, $0x7  }
0x405: {  	v26 =	vadd.s32 s17, v12;
	v25 =	vld.idx.msk [tilespmem:v27+s20+$0x0], $0xffff;
	v24 =	vor.u32 v9, v24  }
0x406: {  	v27 =	vand.u32 $0x1F, v26;
	v24 =	vand.u32 v11, v24  }
0x407: {  	v27 =	vor.u32 v13, v27;
	_ =	sdelay $0x3  }
0x408: {  	[tilespmem:v24+s11+$0x0] =	vst.idx.msk $0xffff, v25;
	v24 =	vshll.u32 v26, $0x7  }
0x409: {  	v26 =	vadd.s32 s17, v15;
	v25 =	vld.idx.msk [tilespmem:v27+s20+$0x0], $0xffff;
	v24 =	vor.u32 v12, v24  }
0x40a: {  	v27 =	vand.u32 $0x1F, v26;
	v24 =	vand.u32 v14, v24  }
0x40b: {  	v27 =	vor.u32 v16, v27;
	_ =	sdelay $0x3  }
0x40c: {  	[tilespmem:v24+s11+$0x0] =	vst.idx.msk $0xffff, v25;
	v24 =	vshll.u32 v26, $0x7  }
0x40d: {  	v26 =	vadd.s32 s17, v18;
	v25 =	vld.idx.msk [tilespmem:v27+s20+$0x0], $0xffff;
	v24 =	vor.u32 v15, v24  }
0x40e: {  	v27 =	vand.u32 $0x1F, v26;
	v24 =	vand.u32 v17, v24  }
0x40f: {  	v27 =	vor.u32 v19, v27;
	_ =	sdelay $0x3  }
0x410: {  	[tilespmem:v24+s11+$0x0] =	vst.idx.msk $0xffff, v25;
	v24 =	vshll.u32 v26, $0x7  }
0x411: {  	v26 =	vadd.s32 s17, v21;
	v25 =	vld.idx.msk [tilespmem:v27+s20+$0x0], $0xffff;
	v24 =	vor.u32 v18, v24  }
0x412: {  	v27 =	vand.u32 $0x1F, v26;
	v24 =	vand.u32 v20, v24  }
0x413: {  	v27 =	vor.u32 v22, v27;
	_ =	sdelay $0x3  }
0x414: {  	s5 =	sadd.s32 $0x1, s17;
	s17 =	smov.u32 s19;
	[tilespmem:v24+s11+$0x0] =	vst.idx.msk $0xffff, v25;
	v24 =	vshll.u32 v26, $0x7  }
0x415: {  	v26 =	vadd.s32 s5, v0;
	v25 =	vld.idx.msk [tilespmem:v27+s20+$0x0], $0xffff;
	v24 =	vor.u32 v21, v24  }
0x416: {  	v27 =	vand.u32 $0x1F, v26;
	v24 =	vand.u32 v23, v24  }
0x417: {  	v27 =	vor.u32 v1, v27;
	_ =	sdelay $0x3  }
0x418: {  	[tilespmem:v24+s11+$0x0] =	vst.idx.msk $0xffff, v25;
	v24 =	vshll.u32 v26, $0x7  }
0x419: {  	v26 =	vadd.s32 s5, v3;
	v25 =	vld.idx.msk [tilespmem:v27+s20+$0x0], $0xffff;
	v24 =	vor.u32 v0, v24  }
0x41a: {  	v27 =	vand.u32 $0x1F, v26;
	v24 =	vand.u32 v2, v24  }
0x41b: {  	v27 =	vor.u32 v4, v27;
	_ =	sdelay $0x3  }
0x41c: {  	[tilespmem:v24+s11+$0x0] =	vst.idx.msk $0xffff, v25;
	v24 =	vshll.u32 v26, $0x7  }
0x41d: {  	v26 =	vadd.s32 s5, v6;
	v25 =	vld.idx.msk [tilespmem:v27+s20+$0x0], $0xffff;
	v24 =	vor.u32 v3, v24  }
0x41e: {  	v27 =	vand.u32 $0x1F, v26;
	v24 =	vand.u32 v5, v24  }
0x41f: {  	v27 =	vor.u32 v7, v27;
	_ =	sdelay $0x3  }
0x420: {  	[tilespmem:v24+s11+$0x0] =	vst.idx.msk $0xffff, v25;
	v24 =	vshll.u32 v26, $0x7  }
0x421: {  	v26 =	vadd.s32 s5, v9;
	v25 =	vld.idx.msk [tilespmem:v27+s20+$0x0], $0xffff;
	v24 =	vor.u32 v6, v24  }
0x422: {  	v27 =	vand.u32 $0x1F, v26;
	v24 =	vand.u32 v8, v24  }
0x423: {  	v27 =	vor.u32 v10, v27;
	_ =	sdelay $0x3  }
0x424: {  	[tilespmem:v24+s11+$0x0] =	vst.idx.msk $0xffff, v25;
	v24 =	vshll.u32 v26, $0x7  }
0x425: {  	v26 =	vadd.s32 s5, v12;
	v25 =	vld.idx.msk [tilespmem:v27+s20+$0x0], $0xffff;
	v24 =	vor.u32 v9, v24  }
0x426: {  	v27 =	vand.u32 $0x1F, v26;
	v24 =	vand.u32 v11, v24  }
0x427: {  	v27 =	vor.u32 v13, v27;
	_ =	sdelay $0x3  }
0x428: {  	[tilespmem:v24+s11+$0x0] =	vst.idx.msk $0xffff, v25;
	v24 =	vshll.u32 v26, $0x7  }
0x429: {  	v26 =	vadd.s32 s5, v15;
	v25 =	vld.idx.msk [tilespmem:v27+s20+$0x0], $0xffff;
	v24 =	vor.u32 v12, v24  }
0x42a: {  	v27 =	vand.u32 $0x1F, v26;
	v24 =	vand.u32 v14, v24  }
0x42b: {  	v27 =	vor.u32 v16, v27;
	_ =	sdelay $0x3  }
0x42c: {  	[tilespmem:v24+s11+$0x0] =	vst.idx.msk $0xffff, v25;
	v24 =	vshll.u32 v26, $0x7  }
0x42d: {  	v26 =	vadd.s32 s5, v18;
	v25 =	vld.idx.msk [tilespmem:v27+s20+$0x0], $0xffff;
	v24 =	vor.u32 v15, v24  }
0x42e: {  	v27 =	vand.u32 $0x1F, v26;
	v24 =	vand.u32 v17, v24  }
0x42f: {  	v27 =	vor.u32 v19, v27;
	_ =	sdelay $0x3  }
0x430: {  	[tilespmem:v24+s11+$0x0] =	vst.idx.msk $0xffff, v25;
	v24 =	vshll.u32 v26, $0x7  }
0x431: {  	v26 =	vadd.s32 s5, v21;
	v25 =	vld.idx.msk [tilespmem:v27+s20+$0x0], $0xffff;
	v24 =	vor.u32 v18, v24  }
0x432: {  	v27 =	vand.u32 $0x1F, v26;
	v24 =	vand.u32 v20, v24  }
0x433: {  	v27 =	vor.u32 v22, v27  }
.Ltmp14:
0x434: {  	(pc) =	sbr.rel @p0 .LBB2_21-.Ltmp14, $3  }
0x435: {  	_ =	sdelay $0x1  }
0x436: {  	v26 =	vshll.u32 v26, $0x7;
	[tilespmem:v24+s11+$0x0] =	vst.idx.msk $0xffff, v25  }
0x437: {  	s19 =	sadd.s32 $0x2, s19;
	v26 =	vor.u32 v21, v26;
	v24 =	vadd.s32 s17, v0;
	v25 =	vld.idx.msk [tilespmem:v27+s20+$0x0], $0xffff  }
0x438: {  	v27 =	vand.u32 $0x1F, v24;
	v26 =	vand.u32 v23, v26  }
0x439: {  	v27 =	vor.u32 v1, v27;
	_ =	sdelay $0x2  }
0x43a: {  	v46 =	vshll.u32 v24, $0x7  }
0x43b: {  	v47 =	vadd.s32 s17, v3;
	v24 =	vor.u32 v0, v46;
	[tilespmem:v26+s11+$0x0] =	vst.idx.msk $0xffff, v25  }
0x43c: {  	v48 =	vand.u32 $0x1F, v47;
	v24 =	vand.u32 v2, v24;
	v26 =	vld.idx.msk [tilespmem:v27+s20+$0x0], $0xffff  }
0x43d: {  	v27 =	vor.u32 v4, v48;
	_ =	sdelay $0x2  }
0x43e: {  	v25 =	vshll.u32 v47, $0x7  }
0x43f: {  	v50 =	vadd.s32 s17, v6;
	v49 =	vor.u32 v3, v25;
	[tilespmem:v24+s11+$0x0] =	vst.idx.msk $0xffff, v26  }
0x440: {  	v51 =	vand.u32 $0x1F, v50;
	v24 =	vand.u32 v5, v49;
	v26 =	vld.idx.msk [tilespmem:v27+s20+$0x0], $0xffff  }
0x441: {  	v27 =	vor.u32 v7, v51;
	_ =	sdelay $0x2  }
0x442: {  	v25 =	vshll.u32 v50, $0x7  }
0x443: {  	v53 =	vadd.s32 s17, v9;
	v52 =	vor.u32 v6, v25;
	[tilespmem:v24+s11+$0x0] =	vst.idx.msk $0xffff, v26  }
0x444: {  	v54 =	vand.u32 $0x1F, v53;
	v24 =	vand.u32 v8, v52;
	v26 =	vld.idx.msk [tilespmem:v27+s20+$0x0], $0xffff  }
0x445: {  	v27 =	vor.u32 v10, v54;
	_ =	sdelay $0x2  }
0x446: {  	v25 =	vshll.u32 v53, $0x7  }
0x447: {  	v56 =	vadd.s32 s17, v12;
	v55 =	vor.u32 v9, v25;
	[tilespmem:v24+s11+$0x0] =	vst.idx.msk $0xffff, v26  }
0x448: {  	v57 =	vand.u32 $0x1F, v56;
	v24 =	vand.u32 v11, v55;
	v26 =	vld.idx.msk [tilespmem:v27+s20+$0x0], $0xffff  }
0x449: {  	v27 =	vor.u32 v13, v57;
	_ =	sdelay $0x2  }
0x44a: {  	v25 =	vshll.u32 v56, $0x7  }
0x44b: {  	v59 =	vadd.s32 s17, v15;
	v58 =	vor.u32 v12, v25;
	[tilespmem:v24+s11+$0x0] =	vst.idx.msk $0xffff, v26  }
0x44c: {  	v60 =	vand.u32 $0x1F, v59;
	v24 =	vand.u32 v14, v58;
	v26 =	vld.idx.msk [tilespmem:v27+s20+$0x0], $0xffff  }
0x44d: {  	v27 =	vor.u32 v16, v60;
	_ =	sdelay $0x2  }
0x44e: {  	v25 =	vshll.u32 v59, $0x7  }
0x44f: {  	v62 =	vadd.s32 s17, v18;
	v61 =	vor.u32 v15, v25;
	[tilespmem:v24+s11+$0x0] =	vst.idx.msk $0xffff, v26  }
0x450: {  	v63 =	vand.u32 $0x1F, v62;
	v24 =	vand.u32 v17, v61;
	v26 =	vld.idx.msk [tilespmem:v27+s20+$0x0], $0xffff  }
0x451: {  	v27 =	vor.u32 v19, v63;
	_ =	sdelay $0x2  }
0x452: {  	v25 =	vshll.u32 v62, $0x7  }
0x453: {  	v31 =	vadd.s32 s17, v21;
	v30 =	vor.u32 v18, v25;
	[tilespmem:v24+s11+$0x0] =	vst.idx.msk $0xffff, v26  }
0x454: {  	v32 =	vand.u32 $0x1F, v31;
	v24 =	vand.u32 v20, v30;
	v26 =	vld.idx.msk [tilespmem:v27+s20+$0x0], $0xffff  }
0x455: {  	v27 =	vor.u32 v22, v32;
	_ =	sdelay $0x2  }
0x456: {  	s5 =	sadd.s32 $0x1, s17;
	v25 =	vshll.u32 v31, $0x7  }
0x457: {  	v34 =	vadd.s32 s5, v0;
	v33 =	vor.u32 v21, v25;
	[tilespmem:v24+s11+$0x0] =	vst.idx.msk $0xffff, v26  }
0x458: {  	v35 =	vand.u32 $0x1F, v34;
	v24 =	vand.u32 v23, v33;
	v26 =	vld.idx.msk [tilespmem:v27+s20+$0x0], $0xffff  }
0x459: {  	v27 =	vor.u32 v1, v35;
	_ =	sdelay $0x2  }
0x45a: {  	v25 =	vshll.u32 v34, $0x7  }
0x45b: {  	v37 =	vadd.s32 s5, v3;
	v36 =	vor.u32 v0, v25;
	[tilespmem:v24+s11+$0x0] =	vst.idx.msk $0xffff, v26  }
0x45c: {  	v38 =	vand.u32 $0x1F, v37;
	v24 =	vand.u32 v2, v36;
	v26 =	vld.idx.msk [tilespmem:v27+s20+$0x0], $0xffff  }
0x45d: {  	v27 =	vor.u32 v4, v38;
	_ =	sdelay $0x2  }
0x45e: {  	v25 =	vshll.u32 v37, $0x7  }
0x45f: {  	v40 =	vadd.s32 s5, v6;
	v39 =	vor.u32 v3, v25;
	[tilespmem:v24+s11+$0x0] =	vst.idx.msk $0xffff, v26  }
0x460: {  	v41 =	vand.u32 $0x1F, v40;
	v24 =	vand.u32 v5, v39;
	v26 =	vld.idx.msk [tilespmem:v27+s20+$0x0], $0xffff  }
0x461: {  	v27 =	vor.u32 v7, v41;
	_ =	sdelay $0x2  }
0x462: {  	v25 =	vshll.u32 v40, $0x7  }
0x463: {  	v43 =	vadd.s32 s5, v9;
	v42 =	vor.u32 v6, v25;
	[tilespmem:v24+s11+$0x0] =	vst.idx.msk $0xffff, v26  }
0x464: {  	v44 =	vand.u32 $0x1F, v43;
	v24 =	vand.u32 v8, v42;
	v26 =	vld.idx.msk [tilespmem:v27+s20+$0x0], $0xffff  }
0x465: {  	v27 =	vor.u32 v10, v44;
	_ =	sdelay $0x2  }
0x466: {  	v25 =	vshll.u32 v43, $0x7  }
0x467: {  	v46 =	vadd.s32 s5, v12;
	v45 =	vor.u32 v9, v25;
	[tilespmem:v24+s11+$0x0] =	vst.idx.msk $0xffff, v26  }
0x468: {  	v47 =	vand.u32 $0x1F, v46;
	v24 =	vand.u32 v11, v45;
	v26 =	vld.idx.msk [tilespmem:v27+s20+$0x0], $0xffff  }
0x469: {  	v27 =	vor.u32 v13, v47;
	_ =	sdelay $0x2  }
0x46a: {  	v25 =	vshll.u32 v46, $0x7  }
0x46b: {  	v49 =	vadd.s32 s5, v15;
	v48 =	vor.u32 v12, v25;
	[tilespmem:v24+s11+$0x0] =	vst.idx.msk $0xffff, v26  }
0x46c: {  	v50 =	vand.u32 $0x1F, v49;
	v24 =	vand.u32 v14, v48;
	v26 =	vld.idx.msk [tilespmem:v27+s20+$0x0], $0xffff  }
0x46d: {  	v27 =	vor.u32 v16, v50;
	_ =	sdelay $0x2  }
0x46e: {  	v25 =	vshll.u32 v49, $0x7  }
0x46f: {  	v52 =	vadd.s32 s5, v18;
	v51 =	vor.u32 v15, v25;
	[tilespmem:v24+s11+$0x0] =	vst.idx.msk $0xffff, v26  }
0x470: {  	v53 =	vand.u32 $0x1F, v52;
	v24 =	vand.u32 v17, v51;
	v26 =	vld.idx.msk [tilespmem:v27+s20+$0x0], $0xffff  }
0x471: {  	v27 =	vor.u32 v19, v53;
	_ =	sdelay $0x2  }
0x472: {  	v25 =	vshll.u32 v52, $0x7  }
0x473: {  	v54 =	vor.u32 v18, v25;
	v55 =	vadd.s32 s5, v21;
	[tilespmem:v24+s11+$0x0] =	vst.idx.msk $0xffff, v26  }
0x474: {  	v56 =	vand.u32 $0x1F, v55;
	v24 =	vand.u32 v20, v54;
	v26 =	vld.idx.msk [tilespmem:v27+s20+$0x0], $0xffff  }
0x475: {  	v27 =	vor.u32 v22, v56;
	_ =	sdelay $0x2  }
0x476: {  	v25 =	vshll.u32 v55, $0x7  }
0x477: {  	v57 =	vor.u32 v21, v25;
	[tilespmem:v24+s11+$0x0] =	vst.idx.msk $0xffff, v26  }
0x478: {  	v24 =	vand.u32 v23, v57;
	v58 =	vld.idx.msk [tilespmem:v27+s20+$0x0], $0xffff;
	_ =	sdelay $0x3  }
0x479: {  	s31 =	sshll.u32 s30, $0x7  }
0x47a: {  	s5 =	sand.u32 $0x3FFFFF80, s31;
	[tilespmem:v24+s11+$0x0] =	vst.idx.msk $0xffff, v58  }
0x47b: {  	v24 =	vld [tilespmem:s5+$0x0]  }
0x47c: {  	v25 =	vld [tilespmem:s5+$0x10];
	_ =	sdelay $0x1  }
0x47d: {  	v26 =	vld [tilespmem:s5+$0x20];
	_ =	sdelay $0x1  }
0x47e: {  	v59 =	vld [tilespmem:s5+$0x30]  }
0x47f: {  	vm0 =	vgt.s32 v24, v25  }
0x480: {  	v60 =	vld [tilespmem:s5+$0x40];
	v24 =	vsel vm0, v24, v25  }
0x481: {  	vm0 =	vgt.s32 v24, v26  }
0x482: {  	v61 =	vld [tilespmem:s5+$0x50];
	v24 =	vsel vm0, v24, v26  }
0x483: {  	vm0 =	vgt.s32 v24, v59  }
0x484: {  	v62 =	vld [tilespmem:s5+$0x60];
	v24 =	vsel vm0, v24, v59  }
0x485: {  	vm0 =	vgt.s32 v24, v60  }
0x486: {  	v63 =	vld [tilespmem:s5+$0x70];
	v24 =	vsel vm0, v24, v60  }
0x487: {  	vm0 =	vgt.s32 v24, v61  }
0x488: {  	v24 =	vsel vm0, v24, v61  }
0x489: {  	vm0 =	vgt.s32 v24, v62  }
0x48a: {  	v24 =	vsel vm0, v24, v62  }
0x48b: {  	vm0 =	vgt.s32 v24, v63  }
0x48c: {  	v24 =	vsel vm0, v24, v63  }
0x48d: {  	v24 =	vxor.u32 $0x80000000, v24  }
0x48e: {  	(xrf0) =	vmax.scan.msk.u32 $0xffff, v24;
	_ =	sdelay $0x5  }
0x48f: {  	v24, _, _ =	vpop (xrf0)  }
0x490: {  	(v2sf) =	vpush v24, $0xF;
	_ =	sdelay $0xe  }
0x491: {  	s12 =	spop (v2sf)  }
0x492: {  	p0 =	slt.u32 s12, $0x800F4200  }
.Ltmp15:
0x493: {  	_ = 	snop;
	(pc) =	sbr.rel @p0 .LBB2_26-.Ltmp15, $2  }
0x494: {  	_ =	sdelay $0x2  }
0x495: {  	s17 =	simm.s32 $0x0;
	s19 =	simm.s32 $0xDC00;
	s12 =	simm.s32 $0x0  }
.LBB2_23:
0x496: {  	s23 =	sshll.u32 s12, $0x4  }
0x497: {  	s23 =	sadd.s32 s23, s5  }
0x498: {  	v25 =	vld [tilespmem:s23+$0x0];
	_ =	sdelay $0x4  }
0x499: {  	v24 =	vadd.s32 $0xFFF0BE00, v25  }
0x49a: {  	v26 =	vmov s17;
	vm0 =	vgt.s32 v24, $0x0  }
0x49b: {  	v26 =	vand.u32 $0x1F, v26;
	v24 =	vnsel vm0, $0x0, v24  }
0x49c: {  	v26 =	vbroadcast v26, $0x0;
	v24 =	vmin.u32 v24, $0x3F  }
0x49d: {  	v24 =	vshll.u32 v24, $0x5  }
0x49e: {  	v26 =	vor.u32 v24, v26;
	_ =	sdelay $0x1  }
0x49f: {  	s24 =	simm.s32 $0x1  }
0x4a0: {  	v28 =	vmov s24  }
0x4a1: {  	v27 =	vld [tilespmem:s19+$0x0];
	v28 =	vand.u32 $0x1F, v28  }
0x4a2: {  	v28 =	vbroadcast v28, $0x0;
	v26 =	vld.idx.msk [tilespmem:v26+s13+$0x0], $0xffff;
	_ =	sdelay $0x1  }
0x4a3: {  	vm0 =	vgt.s32 v25, $0xF41FF;
	v25 =	vor.u32 v24, v28;
	_ =	sdelay $0x2  }
0x4a4: {  	s31 =	simm.s32 $0x2;
	v27 =	vsel vm0, v26, v27  }
0x4a5: {  	s24 =	simm.s32 $0x3;
	s23 =	smov.u32 s19;
	v26 =	vmov s31;
	[tilespmem:s19+$0x0] =	vst v27  }
.LBB2_24:
0x4a6: {  	p0 =	sne.s32 s24, $0x1F;
	v26 =	vand.u32 $0x1F, v26;
	v27 =	vld.idx.msk [tilespmem:v25+s13+$0x0], $0xffff;
	s23 =	sadd.s32 $0x80, s23  }
0x4a7: {  	v25 =	vbroadcast v26, $0x0;
	v26 =	vld [tilespmem:s23+$0x0];
	_ =	sdelay $0x1  }
.Ltmp16:
0x4a8: {  	v25 =	vor.u32 v24, v25;
	(pc) =	sbr.rel @p0 .LBB2_24-.Ltmp16, $3  }
0x4a9: {  	_ =	sdelay $0x1  }
0x4aa: {  	v27 =	vsel vm0, v27, v26  }
0x4ab: {  	v26 =	vmov s24;
	s24 =	sadd.s32 $0x1, s24;
	[tilespmem:s23+$0x0] =	vst v27  }
0x4ac: {  	_ =	sdelay $0x3  }
0x4ad: {  	v26 =	vand.u32 $0x1F, v26;
	v25 =	vld.idx.msk [tilespmem:v25+s13+$0x0], $0xffff;
	s23 =	sadd.s32 $0x80, s23  }
0x4ae: {  	v26 =	vbroadcast v26, $0x0;
	v27 =	vld [tilespmem:s23+$0x0];
	_ =	sdelay $0x1  }
0x4af: {  	v24 =	vor.u32 v24, v26;
	_ =	sdelay $0x2  }
0x4b0: {  	v25 =	vsel vm0, v25, v27  }
0x4b1: {  	[tilespmem:s23+$0x0] =	vst v25  }
0x4b2: {  	s23 =	sadd.s32 $0x80, s23;
	v24 =	vld.idx.msk [tilespmem:v24+s13+$0x0], $0xffff  }
0x4b3: {  	s12 =	sadd.s32 $0x1, s12;
	v25 =	vld [tilespmem:s23+$0x0]  }
0x4b4: {  	p0 =	sne.s32 s12, $0x8  }
.Ltmp17:
0x4b5: {  	_ = 	snop;
	(pc) =	sbr.rel @p0 .LBB2_23-.Ltmp17, $3  }
0x4b6: {  	_ =	sdelay $0x1  }
0x4b7: {  	v24 =	vsel vm0, v24, v25  }
0x4b8: {  	s19 =	sadd.s32 $0x10, s19;
	[tilespmem:s23+$0x0] =	vst v24  }
.LBB2_26:
0x4b9: {  	s5 =	sadd.s32 s7, s30  }
0x4ba: {  	s12 =	sshll.u32 s5, $0x9;
	s5 =	sshll.u32 s5, $0x7  }
0x4bb: {  	s12 =	sand.u32 $0xFFF0000, s12;
	s5 =	sand.u32 $0x3F80, s5  }
0x4bc: {  	s5 =	sor.u32 s5, s12  }
0x4bd: {  	s12 =	sadd.s32 s2, s5  }
0x4be: {  	[hbm4b:s12+s3] =	stream.linear.scatter [tilespmem:s11], [sflag:$0x8], $0x400, $0x38;
	[tilespmem:$0xEC00] =	vst v63  }
0x4bf: {  	s17 =	simm.s32 $0xE000;
	s23 =	sadd.s32 s5, s8  }
0x4c0: {  	[hbm4b:s23+s3] =	stream.linear.scatter [tilespmem:s17], [sflag:$0x8], $0x400, $0x38;
	[tilespmem:$0xEC00] =	vst v63  }
.Ltmp18:
0x4c1: {  	_ = 	snop;
	(pc) =	sbr.rel @p1 .LBB2_28-.Ltmp18, $4  }
0x4c2: {  	s30 =	simm.s32 $0xE400;
	s24 =	sadd.s32 s5, s9  }
0x4c3: {  	[hbm4b:s24+s3] =	stream.linear.scatter [tilespmem:s30], [sflag:$0x8], $0x400, $0x38;
	[tilespmem:$0xEC00] =	vst v63  }
0x4c4: {  	s31 =	simm.s32 $0xE800;
	s5 =	sadd.s32 s5, s10  }
0x4c5: {  	[hbm4b:s5+s3] =	stream.linear.scatter [tilespmem:s31], [sflag:$0x8], $0x400, $0x38;
	[tilespmem:$0xEC00] =	vst v63  }
.Ltmp19:
0x4c6: {  	(pc) =	sbr.rel .LBB2_2-.Ltmp19, $3  }
0x4c7: {  	_ =	sdelay $0x1  }
0x4c8: {  	s5 =	sadd.s32 $0x380, s29;
	s25 =	sadd.s32 $0x1, s25  }
0x4c9: {  	[tilespmem:s20], [sflag:$0x4] =	stream.indirect.gather [hbm4b:s4+s14], $0x20, s5, s14, $0xb8;
	[tilespmem:$0xEC00] =	vst v63  }
.LBB2_29:
0x4ca: {  	_ =	sfence.sel $0x180000  }
0x4cb: {  	[bflag:$0x0] =	sbarrier.arrive $0xFFFF  }
0x4cc: {  	_ =	strace $0x9000004A  }
0x4cd: {  	s0 =	stileid.u32;
	[bflag:$0x2] =	sbarrier.arrive $0xFFFF  }
0x4ce: {  	p0 =	sne.s32 s0, $0x0;
	s0 =	rddreg [dreg:$0x2]  }
0x4cf: {  	s0 =	sadd.s32 @!p0 $0x100000, s0  }
0x4d0: {  	[sflag:s0] =	ssyncadd.tile.s32 @!p0 $0x1;
	_ =	shalt  }
.Lfunc_end2:
_tile_overlayer_lowered:
.L_overlay_start_2:
0x4d1: {  	(tag) =	ssettag $0x2  }
0x4d2: {  	s0 =	rddreg [dreg:$0x0];
	s2 =	stileid.u32  }
0x4d3: {  	s1 =	rddreg [dreg:$0x1];
	p0 =	sne.s32 s2, $0x0  }
0x4d4: {  	s3 =	rddreg [dreg:$0x2];
	[bflag:$0x3] =	sbarrier.arrive $0xFFFF;
	s2 =	simm.s32 @!p0 $0x1C09  }
0x4d5: {  	[timem:s3], [sflag:s2] =	dma.local @!p0 [hbm:s0], s1  }
0x4d6: {  	s0 =	simm.s32 @!p0 $0x9  }
0x4d7: {  	_ =	swait.ge @!p0 [sflag:s0], s1  }
0x4d8: {  	s1 =	ssub.s32 @!p0 $0x0, s1;
	[sflag:s0] =	ssyncset.done @!p0 $0x0  }
0x4d9: {  	[sflag:s0] =	ssyncadd.s32 @!p0 s1  }
0x4da: {  	[bflag:$0x3] =	sbarrier.arrive $0xFFFF  }
0x4db: {  	_ =	shalt  }

</sc_bundles>
